<compile_context>
chip_gen: v7x
topology: tpu7x:2x2x1
jax: 0.10.2.dev20260603
libtpu: 0.0.44.dev20260713+nightly
codegen_flags: <defaults>
</compile_context>

<pallas_src>
import functools

import jax
import jax.numpy as jnp
from jax import lax
from jax.experimental import pallas as pl
from jax.experimental.pallas import tpu as pltpu
from jax.experimental.pallas import tpu_sc as plsc

F32 = jnp.float32

NC = 2
NS = 16
NW = NC * NS
L = 16

HIDDEN = 128
CH = 40
NUN = 5
SUP = CH * NUN


def _pre_body(h_ref, wa_ref, wb_ref, b1_ref, a_ref, b_ref):
    hb = h_ref[...]
    a_ref[...] = (jnp.dot(hb, wa_ref[...], preferred_element_type=F32)
                  + b1_ref[...])
    b_ref[...] = jnp.dot(hb, wb_ref[...], preferred_element_type=F32)


def _precompute(h, W1a, W1b, b1):
    n = h.shape[0]
    bn = 1000
    return pl.pallas_call(
        _pre_body,
        grid=(n // bn,),
        in_specs=[
            pl.BlockSpec((bn, HIDDEN), lambda i: (i, 0)),
            pl.BlockSpec((HIDDEN, HIDDEN), lambda i: (0, 0)),
            pl.BlockSpec((HIDDEN, HIDDEN), lambda i: (0, 0)),
            pl.BlockSpec((1, HIDDEN), lambda i: (0, 0)),
        ],
        out_specs=[
            pl.BlockSpec((bn, HIDDEN), lambda i: (i, 0)),
            pl.BlockSpec((bn, HIDDEN), lambda i: (i, 0)),
        ],
        out_shape=[jax.ShapeDtypeStruct((n, HIDDEN), F32)] * 2,
    )(h, W1a, W1b, b1)


def _make_gather(n_edges):
    ew = n_edges // NW
    nit = ew // (2 * SUP)
    mesh = plsc.VectorSubcoreMesh(core_axis_name="c", subcore_axis_name="s")

    @functools.partial(
        pl.kernel,
        out_type=[jax.ShapeDtypeStruct((n_edges, HIDDEN), F32)] * 2,
        mesh=mesh,
        scratch_types=[
            pltpu.VMEM((ew,), jnp.int32),
            pltpu.VMEM((ew,), jnp.int32),
            pltpu.VMEM((SUP, HIDDEN), F32),
            pltpu.VMEM((SUP, HIDDEN), F32),
            pltpu.VMEM((SUP, HIDDEN), F32),
            pltpu.VMEM((SUP, HIDDEN), F32),
            pltpu.SemaphoreType.DMA,
            pltpu.SemaphoreType.DMA,
            pltpu.SemaphoreType.DMA,
            pltpu.SemaphoreType.DMA,
        ],
    )
    def gather(a_hbm, b_hbm, row_hbm, col_hbm, g1_hbm, g2_hbm,
               rowv, colv, a1, a2, b1, b2, semga, semgb, semwa, semwb):
        wid = lax.axis_index("s") * NC + lax.axis_index("c")
        base = wid * ew
        pltpu.sync_copy(row_hbm.at[pl.ds(base, ew)], rowv)
        pltpu.sync_copy(col_hbm.at[pl.ds(base, ew)], colv)

        def fire_gathers(soff, d1, d2, sem):
            hs = []
            for u in range(NUN):
                o = soff + u * CH
                hs.append(pltpu.async_copy(
                    a_hbm.at[rowv.at[pl.ds(o, CH)]],
                    d1.at[pl.ds(u * CH, CH)], sem))
                hs.append(pltpu.async_copy(
                    b_hbm.at[colv.at[pl.ds(o, CH)]],
                    d2.at[pl.ds(u * CH, CH)], sem))
            return hs

        def fire_writes(soff, s1, s2, sem):
            pltpu.async_copy(s1, g1_hbm.at[pl.ds(base + soff, SUP)], sem)
            pltpu.async_copy(s2, g2_hbm.at[pl.ds(base + soff, SUP)], sem)

        def drain_writes(s1, sem):
            for _ in range(2):
                pltpu.make_async_copy(
                    s1, g1_hbm.at[pl.ds(base, SUP)], sem).wait()

        pltpu.async_copy(a_hbm.at[pl.ds(0, SUP)], b1, semwb)
        pltpu.async_copy(a_hbm.at[pl.ds(0, SUP)], b2, semwb)

        def body(k, carry):
            s0 = 2 * k * SUP
            s1 = s0 + SUP
            ga = fire_gathers(s0, a1, a2, semga)
            drain_writes(b1, semwb)
            gb = fire_gathers(s1, b1, b2, semgb)
            for h in ga:
                h.wait()
            fire_writes(s0, a1, a2, semwa)
            for h in gb:
                h.wait()
            fire_writes(s1, b1, b2, semwb)
            drain_writes(a1, semwa)
            return carry

        lax.fori_loop(0, nit, body, 0)
        drain_writes(b1, semwb)

    return gather


def _mlp_body(g1_ref, g2_ref, attr_ref, cd_ref, w1c_ref, b2_ref, w2_ref,
              w3_ref, out_ref):
    pre = g1_ref[...] + g2_ref[...] + attr_ref[...] * w1c_ref[...]
    x1 = jax.nn.silu(pre)
    y = jnp.dot(x1, w2_ref[...], preferred_element_type=F32) + b2_ref[...]
    x2 = jax.nn.silu(y)
    w = jnp.dot(x2, w3_ref[...], preferred_element_type=F32)
    out_ref[...] = jnp.transpose(cd_ref[...] * w)


def _mlp(g1, g2, edge_attr, coord_diff, w1c, b2, W2, W3):
    e = g1.shape[0]
    be = 2560
    return pl.pallas_call(
        _mlp_body,
        grid=(e // be,),
        in_specs=[
            pl.BlockSpec((be, HIDDEN), lambda i: (i, 0)),
            pl.BlockSpec((be, HIDDEN), lambda i: (i, 0)),
            pl.BlockSpec((be, 1), lambda i: (i, 0)),
            pl.BlockSpec((be, 3), lambda i: (i, 0)),
            pl.BlockSpec((1, HIDDEN), lambda i: (0, 0)),
            pl.BlockSpec((1, HIDDEN), lambda i: (0, 0)),
            pl.BlockSpec((HIDDEN, HIDDEN), lambda i: (0, 0)),
            pl.BlockSpec((HIDDEN, 1), lambda i: (0, 0)),
        ],
        out_specs=pl.BlockSpec((3, be), lambda i: (0, i)),
        out_shape=jax.ShapeDtypeStruct((3, e), F32),
    )(g1, g2, edge_attr, coord_diff, w1c, b2, W2, W3)


def _make_scatter(n_edges, n_nodes):
    ew = n_edges // NW
    ngr = ew // L
    nps = ((n_nodes + NS - 1) // NS + 127) // 128 * 128
    npad = nps * NS
    mesh = plsc.VectorSubcoreMesh(core_axis_name="c", subcore_axis_name="s")

    @functools.partial(
        pl.kernel,
        out_type=[jax.ShapeDtypeStruct((npad,), F32)] * 6,
        mesh=mesh,
        scratch_types=[
            pltpu.VMEM((ew,), jnp.int32),
            pltpu.VMEM((ew,), F32),
            pltpu.VMEM((ew,), F32),
            pltpu.VMEM((ew,), F32),
            pltpu.VMEM((npad,), F32),
            pltpu.VMEM((npad,), F32),
            pltpu.VMEM((npad,), F32),
            pltpu.VMEM_SHARED((NS, npad), F32),
            pltpu.VMEM_SHARED((NS, npad), F32),
            pltpu.VMEM_SHARED((NS, npad), F32),
            pltpu.VMEM((nps,), F32),
            pltpu.VMEM((nps,), F32),
            pltpu.VMEM((nps,), F32),
            pltpu.VMEM((nps,), F32),
        ],
        compiler_params=pltpu.CompilerParams(needs_layout_passes=False),
    )
    def scatter(tx_hbm, ty_hbm, tz_hbm, row_hbm,
                px0, py0, pz0, px1, py1, pz1,
                ridx, rbx, rby, rbz, aggx, aggy, aggz,
                shx, shy, shz, accx, accy, accz, tmp):
        cid = lax.axis_index("c")
        sid = lax.axis_index("s")
        wid = sid * NC + cid
        base = wid * ew

        zero = jnp.zeros((L,), F32)

        def zrow(i, c):
            o = i * L
            aggx[pl.ds(o, L)] = zero
            aggy[pl.ds(o, L)] = zero
            aggz[pl.ds(o, L)] = zero
            return c

        lax.fori_loop(0, npad // L, zrow, 0)

        pltpu.sync_copy(row_hbm.at[pl.ds(base, ew)], ridx)
        pltpu.sync_copy(tx_hbm.at[pl.ds(base, ew)], rbx)
        pltpu.sync_copy(ty_hbm.at[pl.ds(base, ew)], rby)
        pltpu.sync_copy(tz_hbm.at[pl.ds(base, ew)], rbz)

        def body(g, carry):
            o = g * L
            idx16 = ridx[pl.ds(o, L)]
            plsc.addupdate_scatter(aggx, [idx16], rbx[pl.ds(o, L)])
            plsc.addupdate_scatter(aggy, [idx16], rby[pl.ds(o, L)])
            plsc.addupdate_scatter(aggz, [idx16], rbz[pl.ds(o, L)])
            return carry

        lax.fori_loop(0, ngr, body, 0)

        pltpu.sync_copy(aggx, shx.at[sid])
        pltpu.sync_copy(aggy, shy.at[sid])
        pltpu.sync_copy(aggz, shz.at[sid])
        plsc.subcore_barrier()

        stripe = sid * nps

        def reduce_one(sh, acc):
            pltpu.sync_copy(sh.at[0].at[pl.ds(stripe, nps)], acc)
            for t in range(1, NS):
                pltpu.sync_copy(sh.at[t].at[pl.ds(stripe, nps)], tmp)

                def addv(i, c):
                    o = i * L
                    acc[pl.ds(o, L)] = acc[pl.ds(o, L)] + tmp[pl.ds(o, L)]
                    return c

                lax.fori_loop(0, nps // L, addv, 0)

        reduce_one(shx, accx)
        reduce_one(shy, accy)
        reduce_one(shz, accz)

        @pl.when(cid == 0)
        def _():
            pltpu.sync_copy(accx, px0.at[pl.ds(stripe, nps)])
            pltpu.sync_copy(accy, py0.at[pl.ds(stripe, nps)])
            pltpu.sync_copy(accz, pz0.at[pl.ds(stripe, nps)])

        @pl.when(cid == 1)
        def _():
            pltpu.sync_copy(accx, px1.at[pl.ds(stripe, nps)])
            pltpu.sync_copy(accy, py1.at[pl.ds(stripe, nps)])
            pltpu.sync_copy(accz, pz1.at[pl.ds(stripe, nps)])

    return scatter


def _combine_body(coord_ref, px0_ref, py0_ref, pz0_ref,
                  px1_ref, py1_ref, pz1_ref, out_ref):
    n = coord_ref.shape[0]
    ax = px0_ref[pl.ds(0, n)] + px1_ref[pl.ds(0, n)]
    ay = py0_ref[pl.ds(0, n)] + py1_ref[pl.ds(0, n)]
    az = pz0_ref[pl.ds(0, n)] + pz1_ref[pl.ds(0, n)]
    agg = jnp.transpose(jnp.stack([ax, ay, az]))
    out_ref[...] = coord_ref[...] + agg * F32(0.01)


def _combine(coord, parts):
    n = coord.shape[0]
    npad = parts[0].shape[0]
    return pl.pallas_call(
        _combine_body,
        grid=(1,),
        in_specs=[pl.BlockSpec((n, 3), lambda i: (0, 0))]
        + [pl.BlockSpec((npad,), lambda i: (0,))] * 6,
        out_specs=pl.BlockSpec((n, 3), lambda i: (0, 0)),
        out_shape=jax.ShapeDtypeStruct((n, 3), F32),
    )(coord, *parts)


def kernel(h, coord, edge_index, coord_diff, coord_cross, edge_attr,
           W1, b1, W2, b2, W3):
    del coord_cross
    row = edge_index[0].astype(jnp.int32)
    col = edge_index[1].astype(jnp.int32)
    W1a = W1[:HIDDEN]
    W1b = W1[HIDDEN:2 * HIDDEN]
    w1c = W1[2 * HIDDEN:2 * HIDDEN + 1]
    b1r = b1.reshape(1, HIDDEN)
    b2r = b2.reshape(1, HIDDEN)

    a_tab, b_tab = _precompute(h, W1a, W1b, b1r)

    e = row.shape[0]
    g1, g2 = _make_gather(e)(a_tab, b_tab, row, col)
    t_t = _mlp(g1, g2, edge_attr, coord_diff, w1c, b2r, W2, W3)
    parts = _make_scatter(e, coord.shape[0])(t_t[0], t_t[1], t_t[2], row)
    return _combine(coord, parts)

# --- scband reference (transcript-rebuilt; emitter-appended) ---
"""Pipeline reference for scband-equivariant-update-34084860461594 (READ-ONLY COPY).

The authoritative reference and input builder live on the scoring server;
editing this copy changes nothing except your own understanding.
"""

import jax, jax.numpy as jnp
import numpy as np

N_NODES = 10000
N_EDGES = 320000
HIDDEN = 128
EDGES_IN_D = 1
NORM_FACTOR = 100.0


def setup_inputs(seed: int = 0) -> dict:
    key = jax.random.key(seed)
    ks = jax.random.split(key, 12)
    h = jax.random.normal(ks[0], (N_NODES, HIDDEN), dtype=jnp.float32)
    coord = jax.random.normal(ks[1], (N_NODES, 3), dtype=jnp.float32)
    edge_index = jax.random.randint(ks[2], (2, N_EDGES), 0, N_NODES, dtype=jnp.int64)
    coord_diff = jax.random.normal(ks[3], (N_EDGES, 3), dtype=jnp.float32)
    coord_cross = jax.random.normal(ks[4], (N_EDGES, 3), dtype=jnp.float32)
    edge_attr = jax.random.normal(ks[5], (N_EDGES, EDGES_IN_D), dtype=jnp.float32)
    in_dim = HIDDEN * 2 + EDGES_IN_D
    W1 = jax.random.normal(ks[6], (in_dim, HIDDEN), dtype=jnp.float32) * (1.0 / np.sqrt(in_dim))
    b1 = jnp.zeros((HIDDEN,), dtype=jnp.float32)
    W2 = jax.random.normal(ks[7], (HIDDEN, HIDDEN), dtype=jnp.float32) * (1.0 / np.sqrt(HIDDEN))
    b2 = jnp.zeros((HIDDEN,), dtype=jnp.float32)
    # final layer: xavier_uniform with gain=0.001, no bias
    limit = 0.001 * np.sqrt(6.0 / (HIDDEN + 1))
    W3 = jax.random.uniform(ks[8], (HIDDEN, 1), dtype=jnp.float32, minval=-limit, maxval=limit)
    return {"h": h, "coord": coord, "edge_index": edge_index, "coord_diff": coord_diff,
            "coord_cross": coord_cross, "edge_attr": edge_attr,
            "W1": W1, "b1": b1, "W2": W2, "b2": b2, "W3": W3}


def reference(h, coord, edge_index, coord_diff, coord_cross, edge_attr, W1, b1, W2, b2, W3):
    row = edge_index[0]
    col = edge_index[1]
    # input_tensor = cat([h[row], h[col], edge_attr])
    inp = jnp.concatenate([jnp.take(h, row, axis=0), jnp.take(h, col, axis=0), edge_attr], axis=1)
    x = jax.nn.silu(inp @ W1 + b1)
    x = jax.nn.silu(x @ W2 + b2)
    coord_weights = x @ W3  # [E, 1]
    # tanh=False path
    trans = coord_diff * coord_weights
    # reflection_equiv=True: no cross-product term; coord_cross unused
    # unsorted_segment_sum with aggregation 'sum' and normalization_factor
    agg = jax.ops.segment_sum(trans, row, num_segments=coord.shape[0]) / NORM_FACTOR
    return coord + agg

if __name__ == "__main__":
    import jax
    _d = setup_inputs()
    print(jax.jit(kernel)(*tuple(_d.values())))

</pallas_src>

<mosaic_0001>
#map = affine_map<(d0, d1) -> (0, 0)>
#map1 = affine_map<(d0, d1) -> (0)>
module attributes {stable_mosaic.version = 14 : i64} {
  func.func @gather(%arg0: i32, %arg1: i32, %arg2: memref<10000x128xf32, #tpu.memory_space<hbm>>, %arg3: memref<10000x128xf32, #tpu.memory_space<hbm>>, %arg4: memref<320000xi32, #tpu.memory_space<hbm>>, %arg5: memref<320000xi32, #tpu.memory_space<hbm>>, %arg6: memref<320000x128xf32, #tpu.memory_space<hbm>>, %arg7: memref<320000x128xf32, #tpu.memory_space<hbm>>, %arg8: memref<10000xi32, #tpu.memory_space<vmem>>, %arg9: memref<10000xi32, #tpu.memory_space<vmem>>, %arg10: memref<200x128xf32, #tpu.memory_space<vmem>>, %arg11: memref<200x128xf32, #tpu.memory_space<vmem>>, %arg12: memref<200x128xf32, #tpu.memory_space<vmem>>, %arg13: memref<200x128xf32, #tpu.memory_space<vmem>>, %arg14: memref<!tpu.dma_semaphore, #tpu.memory_space<semaphore_mem>>, %arg15: memref<!tpu.dma_semaphore, #tpu.memory_space<semaphore_mem>>, %arg16: memref<!tpu.dma_semaphore, #tpu.memory_space<semaphore_mem>>, %arg17: memref<!tpu.dma_semaphore, #tpu.memory_space<semaphore_mem>>) attributes {dimension_semantics = [#tpu.dimension_semantics<core_parallel>, #tpu.dimension_semantics<subcore_parallel>], iteration_bounds = array<i64: 2, 16>, scalar_prefetch = 0 : i64, scratch_operands = 10 : i64, tpu.core_type = #tpu.core_type<sc_vector_subcore>, window_params = [{transform_indices = #map}, {transform_indices = #map}, {transform_indices = #map1}, {transform_indices = #map1}, {transform_indices = #map}, {transform_indices = #map}]} {
    %mul3A = arith.constant 2 : i32
    %mul3A_0 = arith.muli %arg1, %mul3A : i32
    %add3A = arith.addi %mul3A_0, %arg0 : i32
    %mul3A_1 = arith.constant 10000 : i32
    %mul3A_2 = arith.muli %add3A, %mul3A_1 : i32
    "tpu.region"() ({
      %run_scoped3A = tpu.sem_alloc : memref<!tpu.dma_semaphore, #tpu.memory_space<semaphore_mem>>
      %dma_start3A_26 = tpu.memref_slice %arg4[%mul3A_2] : memref<320000xi32, #tpu.memory_space<hbm>> -> memref<10000xi32, #tpu.memory_space<hbm>>
      %dma_start3A_27 = tpu.memref_slice %arg4[%mul3A_2] : memref<320000xi32, #tpu.memory_space<hbm>> -> memref<10000xi32, #tpu.memory_space<hbm>>
      tpu.enqueue_dma source(%dma_start3A_27 : memref<10000xi32, #tpu.memory_space<hbm>>) target(%arg8 : memref<10000xi32, #tpu.memory_space<vmem>>) target_semaphore(%run_scoped3A : memref<!tpu.dma_semaphore, #tpu.memory_space<semaphore_mem>>)
      %dma_wait3A_28 = tpu.memref_slice %arg4[%mul3A_2] : memref<320000xi32, #tpu.memory_space<hbm>> -> memref<10000xi32, #tpu.memory_space<hbm>>
      %dma_wait3A_29 = tpu.memref_slice %arg4[%mul3A_2] : memref<320000xi32, #tpu.memory_space<hbm>> -> memref<10000xi32, #tpu.memory_space<hbm>>
      tpu.wait_dma2 semaphore(%run_scoped3A : memref<!tpu.dma_semaphore, #tpu.memory_space<semaphore_mem>>) src(%dma_wait3A_29 : memref<10000xi32, #tpu.memory_space<hbm>>) dst(%arg8 : memref<10000xi32, #tpu.memory_space<vmem>>)
      tpu.yield
    }) : () -> ()
    "tpu.region"() ({
      %run_scoped3A = tpu.sem_alloc : memref<!tpu.dma_semaphore, #tpu.memory_space<semaphore_mem>>
      %dma_start3A_26 = tpu.memref_slice %arg5[%mul3A_2] : memref<320000xi32, #tpu.memory_space<hbm>> -> memref<10000xi32, #tpu.memory_space<hbm>>
      %dma_start3A_27 = tpu.memref_slice %arg5[%mul3A_2] : memref<320000xi32, #tpu.memory_space<hbm>> -> memref<10000xi32, #tpu.memory_space<hbm>>
      tpu.enqueue_dma source(%dma_start3A_27 : memref<10000xi32, #tpu.memory_space<hbm>>) target(%arg9 : memref<10000xi32, #tpu.memory_space<vmem>>) target_semaphore(%run_scoped3A : memref<!tpu.dma_semaphore, #tpu.memory_space<semaphore_mem>>)
      %dma_wait3A_28 = tpu.memref_slice %arg5[%mul3A_2] : memref<320000xi32, #tpu.memory_space<hbm>> -> memref<10000xi32, #tpu.memory_space<hbm>>
      %dma_wait3A_29 = tpu.memref_slice %arg5[%mul3A_2] : memref<320000xi32, #tpu.memory_space<hbm>> -> memref<10000xi32, #tpu.memory_space<hbm>>
      tpu.wait_dma2 semaphore(%run_scoped3A : memref<!tpu.dma_semaphore, #tpu.memory_space<semaphore_mem>>) src(%dma_wait3A_29 : memref<10000xi32, #tpu.memory_space<hbm>>) dst(%arg9 : memref<10000xi32, #tpu.memory_space<vmem>>)
      tpu.yield
    }) : () -> ()
    %dma_start3A = arith.constant 0 : i32
    %dma_start3A_3 = arith.constant 0 : i32
    %dma_start3A_4 = tpu.memref_slice %arg2[%dma_start3A, %dma_start3A_3] : memref<10000x128xf32, #tpu.memory_space<hbm>> -> memref<200x128xf32, #tpu.memory_space<hbm>>
    %dma_start3A_5 = arith.constant 0 : i32
    %dma_start3A_6 = arith.constant 0 : i32
    %dma_start3A_7 = tpu.memref_slice %arg2[%dma_start3A_5, %dma_start3A_6] : memref<10000x128xf32, #tpu.memory_space<hbm>> -> memref<200x128xf32, #tpu.memory_space<hbm>>
    tpu.enqueue_dma source(%dma_start3A_7 : memref<200x128xf32, #tpu.memory_space<hbm>>) target(%arg12 : memref<200x128xf32, #tpu.memory_space<vmem>>) target_semaphore(%arg17 : memref<!tpu.dma_semaphore, #tpu.memory_space<semaphore_mem>>)
    %dma_start3A_8 = arith.constant 0 : i32
    %dma_start3A_9 = arith.constant 0 : i32
    %dma_start3A_10 = tpu.memref_slice %arg2[%dma_start3A_8, %dma_start3A_9] : memref<10000x128xf32, #tpu.memory_space<hbm>> -> memref<200x128xf32, #tpu.memory_space<hbm>>
    %dma_start3A_11 = arith.constant 0 : i32
    %dma_start3A_12 = arith.constant 0 : i32
    %dma_start3A_13 = tpu.memref_slice %arg2[%dma_start3A_11, %dma_start3A_12] : memref<10000x128xf32, #tpu.memory_space<hbm>> -> memref<200x128xf32, #tpu.memory_space<hbm>>
    tpu.enqueue_dma source(%dma_start3A_13 : memref<200x128xf32, #tpu.memory_space<hbm>>) target(%arg13 : memref<200x128xf32, #tpu.memory_space<vmem>>) target_semaphore(%arg17 : memref<!tpu.dma_semaphore, #tpu.memory_space<semaphore_mem>>)
    %scan3A = arith.constant 0 : i32
    %scan3A_14 = arith.constant 0 : i32
    %scan3A_15 = arith.constant 25 : i32
    %scan3A_16 = arith.addi %scan3A_14, %scan3A_15 : i32
    %scan3A_17 = arith.constant 1 : i32
    scf.for %scan3A_26 = %scan3A_14 to %scan3A_16 step %scan3A_17  : i32 {
      %mul3A_27 = arith.constant 2 : i32
      %mul3A_28 = arith.muli %mul3A_27, %scan3A_26 : i32
      %mul3A_29 = arith.constant 200 : i32
      %mul3A_30 = arith.muli %mul3A_28, %mul3A_29 : i32
      %add3A_31 = arith.constant 200 : i32
      %add3A_32 = arith.addi %mul3A_30, %add3A_31 : i32
      %add3A_33 = arith.constant 0 : i32
      %add3A_34 = arith.addi %mul3A_30, %add3A_33 : i32
      %dma_start3A_35 = arith.constant 0 : i32
      %dma_start3A_36 = arith.constant 0 : i32
      %dma_start3A_37 = tpu.memref_slice %arg10[%dma_start3A_35, %dma_start3A_36] : memref<200x128xf32, #tpu.memory_space<vmem>> -> memref<40x128xf32, #tpu.memory_space<vmem>>
      %dma_start3A_38 = tpu.memref_slice %arg8[%add3A_34] : memref<10000xi32, #tpu.memory_space<vmem>> -> memref<40xi32, #tpu.memory_space<vmem>>
      %dma_start3A_39 = arith.constant 0 : i32
      %dma_start3A_40 = arith.constant 0 : i32
      %dma_start3A_41 = tpu.memref_slice %arg2[%dma_start3A_39, %dma_start3A_40] : memref<10000x128xf32, #tpu.memory_space<hbm>> -> memref<10000x128xf32, #tpu.memory_space<hbm>>
      tpu.enqueue_indirect_dma source(%dma_start3A_41 : memref<10000x128xf32, #tpu.memory_space<hbm>>) target(%dma_start3A_37 : memref<40x128xf32, #tpu.memory_space<vmem>>) offsets(%dma_start3A_38 : memref<40xi32, #tpu.memory_space<vmem>>) semaphore(%arg14 : memref<!tpu.dma_semaphore, #tpu.memory_space<semaphore_mem>>)
      %dma_start3A_42 = arith.constant 0 : i32
      %dma_start3A_43 = arith.constant 0 : i32
      %dma_start3A_44 = tpu.memref_slice %arg11[%dma_start3A_42, %dma_start3A_43] : memref<200x128xf32, #tpu.memory_space<vmem>> -> memref<40x128xf32, #tpu.memory_space<vmem>>
      %dma_start3A_45 = tpu.memref_slice %arg9[%add3A_34] : memref<10000xi32, #tpu.memory_space<vmem>> -> memref<40xi32, #tpu.memory_space<vmem>>
      %dma_start3A_46 = arith.constant 0 : i32
      %dma_start3A_47 = arith.constant 0 : i32
      %dma_start3A_48 = tpu.memref_slice %arg3[%dma_start3A_46, %dma_start3A_47] : memref<10000x128xf32, #tpu.memory_space<hbm>> -> memref<10000x128xf32, #tpu.memory_space<hbm>>
      tpu.enqueue_indirect_dma source(%dma_start3A_48 : memref<10000x128xf32, #tpu.memory_space<hbm>>) target(%dma_start3A_44 : memref<40x128xf32, #tpu.memory_space<vmem>>) offsets(%dma_start3A_45 : memref<40xi32, #tpu.memory_space<vmem>>) semaphore(%arg14 : memref<!tpu.dma_semaphore, #tpu.memory_space<semaphore_mem>>)
      %add3A_49 = arith.constant 40 : i32
      %add3A_50 = arith.addi %mul3A_30, %add3A_49 : i32
      %dma_start3A_51 = arith.constant 40 : i32
      %dma_start3A_52 = arith.constant 0 : i32
      %dma_start3A_53 = tpu.memref_slice %arg10[%dma_start3A_51, %dma_start3A_52] : memref<200x128xf32, #tpu.memory_space<vmem>> -> memref<40x128xf32, #tpu.memory_space<vmem>>
      %dma_start3A_54 = tpu.memref_slice %arg8[%add3A_50] : memref<10000xi32, #tpu.memory_space<vmem>> -> memref<40xi32, #tpu.memory_space<vmem>>
      %dma_start3A_55 = arith.constant 0 : i32
      %dma_start3A_56 = arith.constant 0 : i32
      %dma_start3A_57 = tpu.memref_slice %arg2[%dma_start3A_55, %dma_start3A_56] : memref<10000x128xf32, #tpu.memory_space<hbm>> -> memref<10000x128xf32, #tpu.memory_space<hbm>>
      tpu.enqueue_indirect_dma source(%dma_start3A_57 : memref<10000x128xf32, #tpu.memory_space<hbm>>) target(%dma_start3A_53 : memref<40x128xf32, #tpu.memory_space<vmem>>) offsets(%dma_start3A_54 : memref<40xi32, #tpu.memory_space<vmem>>) semaphore(%arg14 : memref<!tpu.dma_semaphore, #tpu.memory_space<semaphore_mem>>)
      %dma_start3A_58 = arith.constant 40 : i32
      %dma_start3A_59 = arith.constant 0 : i32
      %dma_start3A_60 = tpu.memref_slice %arg11[%dma_start3A_58, %dma_start3A_59] : memref<200x128xf32, #tpu.memory_space<vmem>> -> memref<40x128xf32, #tpu.memory_space<vmem>>
      %dma_start3A_61 = tpu.memref_slice %arg9[%add3A_50] : memref<10000xi32, #tpu.memory_space<vmem>> -> memref<40xi32, #tpu.memory_space<vmem>>
      %dma_start3A_62 = arith.constant 0 : i32
      %dma_start3A_63 = arith.constant 0 : i32
      %dma_start3A_64 = tpu.memref_slice %arg3[%dma_start3A_62, %dma_start3A_63] : memref<10000x128xf32, #tpu.memory_space<hbm>> -> memref<10000x128xf32, #tpu.memory_space<hbm>>
      tpu.enqueue_indirect_dma source(%dma_start3A_64 : memref<10000x128xf32, #tpu.memory_space<hbm>>) target(%dma_start3A_60 : memref<40x128xf32, #tpu.memory_space<vmem>>) offsets(%dma_start3A_61 : memref<40xi32, #tpu.memory_space<vmem>>) semaphore(%arg14 : memref<!tpu.dma_semaphore, #tpu.memory_space<semaphore_mem>>)
      %add3A_65 = arith.constant 80 : i32
      %add3A_66 = arith.addi %mul3A_30, %add3A_65 : i32
      %dma_start3A_67 = arith.constant 80 : i32
      %dma_start3A_68 = arith.constant 0 : i32
      %dma_start3A_69 = tpu.memref_slice %arg10[%dma_start3A_67, %dma_start3A_68] : memref<200x128xf32, #tpu.memory_space<vmem>> -> memref<40x128xf32, #tpu.memory_space<vmem>>
      %dma_start3A_70 = tpu.memref_slice %arg8[%add3A_66] : memref<10000xi32, #tpu.memory_space<vmem>> -> memref<40xi32, #tpu.memory_space<vmem>>
      %dma_start3A_71 = arith.constant 0 : i32
      %dma_start3A_72 = arith.constant 0 : i32
      %dma_start3A_73 = tpu.memref_slice %arg2[%dma_start3A_71, %dma_start3A_72] : memref<10000x128xf32, #tpu.memory_space<hbm>> -> memref<10000x128xf32, #tpu.memory_space<hbm>>
      tpu.enqueue_indirect_dma source(%dma_start3A_73 : memref<10000x128xf32, #tpu.memory_space<hbm>>) target(%dma_start3A_69 : memref<40x128xf32, #tpu.memory_space<vmem>>) offsets(%dma_start3A_70 : memref<40xi32, #tpu.memory_space<vmem>>) semaphore(%arg14 : memref<!tpu.dma_semaphore, #tpu.memory_space<semaphore_mem>>)
      %dma_start3A_74 = arith.constant 80 : i32
      %dma_start3A_75 = arith.constant 0 : i32
      %dma_start3A_76 = tpu.memref_slice %arg11[%dma_start3A_74, %dma_start3A_75] : memref<200x128xf32, #tpu.memory_space<vmem>> -> memref<40x128xf32, #tpu.memory_space<vmem>>
      %dma_start3A_77 = tpu.memref_slice %arg9[%add3A_66] : memref<10000xi32, #tpu.memory_space<vmem>> -> memref<40xi32, #tpu.memory_space<vmem>>
      %dma_start3A_78 = arith.constant 0 : i32
      %dma_start3A_79 = arith.constant 0 : i32
      %dma_start3A_80 = tpu.memref_slice %arg3[%dma_start3A_78, %dma_start3A_79] : memref<10000x128xf32, #tpu.memory_space<hbm>> -> memref<10000x128xf32, #tpu.memory_space<hbm>>
      tpu.enqueue_indirect_dma source(%dma_start3A_80 : memref<10000x128xf32, #tpu.memory_space<hbm>>) target(%dma_start3A_76 : memref<40x128xf32, #tpu.memory_space<vmem>>) offsets(%dma_start3A_77 : memref<40xi32, #tpu.memory_space<vmem>>) semaphore(%arg14 : memref<!tpu.dma_semaphore, #tpu.memory_space<semaphore_mem>>)
      %add3A_81 = arith.constant 120 : i32
      %add3A_82 = arith.addi %mul3A_30, %add3A_81 : i32
      %dma_start3A_83 = arith.constant 120 : i32
      %dma_start3A_84 = arith.constant 0 : i32
      %dma_start3A_85 = tpu.memref_slice %arg10[%dma_start3A_83, %dma_start3A_84] : memref<200x128xf32, #tpu.memory_space<vmem>> -> memref<40x128xf32, #tpu.memory_space<vmem>>
      %dma_start3A_86 = tpu.memref_slice %arg8[%add3A_82] : memref<10000xi32, #tpu.memory_space<vmem>> -> memref<40xi32, #tpu.memory_space<vmem>>
      %dma_start3A_87 = arith.constant 0 : i32
      %dma_start3A_88 = arith.constant 0 : i32
      %dma_start3A_89 = tpu.memref_slice %arg2[%dma_start3A_87, %dma_start3A_88] : memref<10000x128xf32, #tpu.memory_space<hbm>> -> memref<10000x128xf32, #tpu.memory_space<hbm>>
      tpu.enqueue_indirect_dma source(%dma_start3A_89 : memref<10000x128xf32, #tpu.memory_space<hbm>>) target(%dma_start3A_85 : memref<40x128xf32, #tpu.memory_space<vmem>>) offsets(%dma_start3A_86 : memref<40xi32, #tpu.memory_space<vmem>>) semaphore(%arg14 : memref<!tpu.dma_semaphore, #tpu.memory_space<semaphore_mem>>)
      %dma_start3A_90 = arith.constant 120 : i32
      %dma_start3A_91 = arith.constant 0 : i32
      %dma_start3A_92 = tpu.memref_slice %arg11[%dma_start3A_90, %dma_start3A_91] : memref<200x128xf32, #tpu.memory_space<vmem>> -> memref<40x128xf32, #tpu.memory_space<vmem>>
      %dma_start3A_93 = tpu.memref_slice %arg9[%add3A_82] : memref<10000xi32, #tpu.memory_space<vmem>> -> memref<40xi32, #tpu.memory_space<vmem>>
      %dma_start3A_94 = arith.constant 0 : i32
      %dma_start3A_95 = arith.constant 0 : i32
      %dma_start3A_96 = tpu.memref_slice %arg3[%dma_start3A_94, %dma_start3A_95] : memref<10000x128xf32, #tpu.memory_space<hbm>> -> memref<10000x128xf32, #tpu.memory_space<hbm>>
      tpu.enqueue_indirect_dma source(%dma_start3A_96 : memref<10000x128xf32, #tpu.memory_space<hbm>>) target(%dma_start3A_92 : memref<40x128xf32, #tpu.memory_space<vmem>>) offsets(%dma_start3A_93 : memref<40xi32, #tpu.memory_space<vmem>>) semaphore(%arg14 : memref<!tpu.dma_semaphore, #tpu.memory_space<semaphore_mem>>)
      %add3A_97 = arith.constant 160 : i32
      %add3A_98 = arith.addi %mul3A_30, %add3A_97 : i32
      %dma_start3A_99 = arith.constant 160 : i32
      %dma_start3A_100 = arith.constant 0 : i32
      %dma_start3A_101 = tpu.memref_slice %arg10[%dma_start3A_99, %dma_start3A_100] : memref<200x128xf32, #tpu.memory_space<vmem>> -> memref<40x128xf32, #tpu.memory_space<vmem>>
      %dma_start3A_102 = tpu.memref_slice %arg8[%add3A_98] : memref<10000xi32, #tpu.memory_space<vmem>> -> memref<40xi32, #tpu.memory_space<vmem>>
      %dma_start3A_103 = arith.constant 0 : i32
      %dma_start3A_104 = arith.constant 0 : i32
      %dma_start3A_105 = tpu.memref_slice %arg2[%dma_start3A_103, %dma_start3A_104] : memref<10000x128xf32, #tpu.memory_space<hbm>> -> memref<10000x128xf32, #tpu.memory_space<hbm>>
      tpu.enqueue_indirect_dma source(%dma_start3A_105 : memref<10000x128xf32, #tpu.memory_space<hbm>>) target(%dma_start3A_101 : memref<40x128xf32, #tpu.memory_space<vmem>>) offsets(%dma_start3A_102 : memref<40xi32, #tpu.memory_space<vmem>>) semaphore(%arg14 : memref<!tpu.dma_semaphore, #tpu.memory_space<semaphore_mem>>)
      %dma_start3A_106 = arith.constant 160 : i32
      %dma_start3A_107 = arith.constant 0 : i32
      %dma_start3A_108 = tpu.memref_slice %arg11[%dma_start3A_106, %dma_start3A_107] : memref<200x128xf32, #tpu.memory_space<vmem>> -> memref<40x128xf32, #tpu.memory_space<vmem>>
      %dma_start3A_109 = tpu.memref_slice %arg9[%add3A_98] : memref<10000xi32, #tpu.memory_space<vmem>> -> memref<40xi32, #tpu.memory_space<vmem>>
      %dma_start3A_110 = arith.constant 0 : i32
      %dma_start3A_111 = arith.constant 0 : i32
      %dma_start3A_112 = tpu.memref_slice %arg3[%dma_start3A_110, %dma_start3A_111] : memref<10000x128xf32, #tpu.memory_space<hbm>> -> memref<10000x128xf32, #tpu.memory_space<hbm>>
      tpu.enqueue_indirect_dma source(%dma_start3A_112 : memref<10000x128xf32, #tpu.memory_space<hbm>>) target(%dma_start3A_108 : memref<40x128xf32, #tpu.memory_space<vmem>>) offsets(%dma_start3A_109 : memref<40xi32, #tpu.memory_space<vmem>>) semaphore(%arg14 : memref<!tpu.dma_semaphore, #tpu.memory_space<semaphore_mem>>)
      %dma_wait3A_113 = arith.constant 0 : i32
      %dma_wait3A_114 = tpu.memref_slice %arg6[%mul3A_2, %dma_wait3A_113] : memref<320000x128xf32, #tpu.memory_space<hbm>> -> memref<200x128xf32, #tpu.memory_space<hbm>>
      %dma_wait3A_115 = arith.constant 0 : i32
      %dma_wait3A_116 = tpu.memref_slice %arg6[%mul3A_2, %dma_wait3A_115] : memref<320000x128xf32, #tpu.memory_space<hbm>> -> memref<200x128xf32, #tpu.memory_space<hbm>>
      tpu.wait_dma2 semaphore(%arg17 : memref<!tpu.dma_semaphore, #tpu.memory_space<semaphore_mem>>) src(%arg12 : memref<200x128xf32, #tpu.memory_space<vmem>>) dst(%dma_wait3A_116 : memref<200x128xf32, #tpu.memory_space<hbm>>)
      %dma_wait3A_117 = arith.constant 0 : i32
      %dma_wait3A_118 = tpu.memref_slice %arg6[%mul3A_2, %dma_wait3A_117] : memref<320000x128xf32, #tpu.memory_space<hbm>> -> memref<200x128xf32, #tpu.memory_space<hbm>>
      %dma_wait3A_119 = arith.constant 0 : i32
      %dma_wait3A_120 = tpu.memref_slice %arg6[%mul3A_2, %dma_wait3A_119] : memref<320000x128xf32, #tpu.memory_space<hbm>> -> memref<200x128xf32, #tpu.memory_space<hbm>>
      tpu.wait_dma2 semaphore(%arg17 : memref<!tpu.dma_semaphore, #tpu.memory_space<semaphore_mem>>) src(%arg12 : memref<200x128xf32, #tpu.memory_space<vmem>>) dst(%dma_wait3A_120 : memref<200x128xf32, #tpu.memory_space<hbm>>)
      %add3A_121 = arith.constant 0 : i32
      %add3A_122 = arith.addi %add3A_32, %add3A_121 : i32
      %dma_start3A_123 = arith.constant 0 : i32
      %dma_start3A_124 = arith.constant 0 : i32
      %dma_start3A_125 = tpu.memref_slice %arg12[%dma_start3A_123, %dma_start3A_124] : memref<200x128xf32, #tpu.memory_space<vmem>> -> memref<40x128xf32, #tpu.memory_space<vmem>>
      %dma_start3A_126 = tpu.memref_slice %arg8[%add3A_122] : memref<10000xi32, #tpu.memory_space<vmem>> -> memref<40xi32, #tpu.memory_space<vmem>>
      %dma_start3A_127 = arith.constant 0 : i32
      %dma_start3A_128 = arith.constant 0 : i32
      %dma_start3A_129 = tpu.memref_slice %arg2[%dma_start3A_127, %dma_start3A_128] : memref<10000x128xf32, #tpu.memory_space<hbm>> -> memref<10000x128xf32, #tpu.memory_space<hbm>>
      tpu.enqueue_indirect_dma source(%dma_start3A_129 : memref<10000x128xf32, #tpu.memory_space<hbm>>) target(%dma_start3A_125 : memref<40x128xf32, #tpu.memory_space<vmem>>) offsets(%dma_start3A_126 : memref<40xi32, #tpu.memory_space<vmem>>) semaphore(%arg15 : memref<!tpu.dma_semaphore, #tpu.memory_space<semaphore_mem>>)
      %dma_start3A_130 = arith.constant 0 : i32
      %dma_start3A_131 = arith.constant 0 : i32
      %dma_start3A_132 = tpu.memref_slice %arg13[%dma_start3A_130, %dma_start3A_131] : memref<200x128xf32, #tpu.memory_space<vmem>> -> memref<40x128xf32, #tpu.memory_space<vmem>>
      %dma_start3A_133 = tpu.memref_slice %arg9[%add3A_122] : memref<10000xi32, #tpu.memory_space<vmem>> -> memref<40xi32, #tpu.memory_space<vmem>>
      %dma_start3A_134 = arith.constant 0 : i32
      %dma_start3A_135 = arith.constant 0 : i32
      %dma_start3A_136 = tpu.memref_slice %arg3[%dma_start3A_134, %dma_start3A_135] : memref<10000x128xf32, #tpu.memory_space<hbm>> -> memref<10000x128xf32, #tpu.memory_space<hbm>>
      tpu.enqueue_indirect_dma source(%dma_start3A_136 : memref<10000x128xf32, #tpu.memory_space<hbm>>) target(%dma_start3A_132 : memref<40x128xf32, #tpu.memory_space<vmem>>) offsets(%dma_start3A_133 : memref<40xi32, #tpu.memory_space<vmem>>) semaphore(%arg15 : memref<!tpu.dma_semaphore, #tpu.memory_space<semaphore_mem>>)
      %add3A_137 = arith.constant 40 : i32
      %add3A_138 = arith.addi %add3A_32, %add3A_137 : i32
      %dma_start3A_139 = arith.constant 40 : i32
      %dma_start3A_140 = arith.constant 0 : i32
      %dma_start3A_141 = tpu.memref_slice %arg12[%dma_start3A_139, %dma_start3A_140] : memref<200x128xf32, #tpu.memory_space<vmem>> -> memref<40x128xf32, #tpu.memory_space<vmem>>
      %dma_start3A_142 = tpu.memref_slice %arg8[%add3A_138] : memref<10000xi32, #tpu.memory_space<vmem>> -> memref<40xi32, #tpu.memory_space<vmem>>
      %dma_start3A_143 = arith.constant 0 : i32
      %dma_start3A_144 = arith.constant 0 : i32
      %dma_start3A_145 = tpu.memref_slice %arg2[%dma_start3A_143, %dma_start3A_144] : memref<10000x128xf32, #tpu.memory_space<hbm>> -> memref<10000x128xf32, #tpu.memory_space<hbm>>
      tpu.enqueue_indirect_dma source(%dma_start3A_145 : memref<10000x128xf32, #tpu.memory_space<hbm>>) target(%dma_start3A_141 : memref<40x128xf32, #tpu.memory_space<vmem>>) offsets(%dma_start3A_142 : memref<40xi32, #tpu.memory_space<vmem>>) semaphore(%arg15 : memref<!tpu.dma_semaphore, #tpu.memory_space<semaphore_mem>>)
      %dma_start3A_146 = arith.constant 40 : i32
      %dma_start3A_147 = arith.constant 0 : i32
      %dma_start3A_148 = tpu.memref_slice %arg13[%dma_start3A_146, %dma_start3A_147] : memref<200x128xf32, #tpu.memory_space<vmem>> -> memref<40x128xf32, #tpu.memory_space<vmem>>
      %dma_start3A_149 = tpu.memref_slice %arg9[%add3A_138] : memref<10000xi32, #tpu.memory_space<vmem>> -> memref<40xi32, #tpu.memory_space<vmem>>
      %dma_start3A_150 = arith.constant 0 : i32
      %dma_start3A_151 = arith.constant 0 : i32
      %dma_start3A_152 = tpu.memref_slice %arg3[%dma_start3A_150, %dma_start3A_151] : memref<10000x128xf32, #tpu.memory_space<hbm>> -> memref<10000x128xf32, #tpu.memory_space<hbm>>
      tpu.enqueue_indirect_dma source(%dma_start3A_152 : memref<10000x128xf32, #tpu.memory_space<hbm>>) target(%dma_start3A_148 : memref<40x128xf32, #tpu.memory_space<vmem>>) offsets(%dma_start3A_149 : memref<40xi32, #tpu.memory_space<vmem>>) semaphore(%arg15 : memref<!tpu.dma_semaphore, #tpu.memory_space<semaphore_mem>>)
      %add3A_153 = arith.constant 80 : i32
      %add3A_154 = arith.addi %add3A_32, %add3A_153 : i32
      %dma_start3A_155 = arith.constant 80 : i32
      %dma_start3A_156 = arith.constant 0 : i32
      %dma_start3A_157 = tpu.memref_slice %arg12[%dma_start3A_155, %dma_start3A_156] : memref<200x128xf32, #tpu.memory_space<vmem>> -> memref<40x128xf32, #tpu.memory_space<vmem>>
      %dma_start3A_158 = tpu.memref_slice %arg8[%add3A_154] : memref<10000xi32, #tpu.memory_space<vmem>> -> memref<40xi32, #tpu.memory_space<vmem>>
      %dma_start3A_159 = arith.constant 0 : i32
      %dma_start3A_160 = arith.constant 0 : i32
      %dma_start3A_161 = tpu.memref_slice %arg2[%dma_start3A_159, %dma_start3A_160] : memref<10000x128xf32, #tpu.memory_space<hbm>> -> memref<10000x128xf32, #tpu.memory_space<hbm>>
      tpu.enqueue_indirect_dma source(%dma_start3A_161 : memref<10000x128xf32, #tpu.memory_space<hbm>>) target(%dma_start3A_157 : memref<40x128xf32, #tpu.memory_space<vmem>>) offsets(%dma_start3A_158 : memref<40xi32, #tpu.memory_space<vmem>>) semaphore(%arg15 : memref<!tpu.dma_semaphore, #tpu.memory_space<semaphore_mem>>)
      %dma_start3A_162 = arith.constant 80 : i32
      %dma_start3A_163 = arith.constant 0 : i32
      %dma_start3A_164 = tpu.memref_slice %arg13[%dma_start3A_162, %dma_start3A_163] : memref<200x128xf32, #tpu.memory_space<vmem>> -> memref<40x128xf32, #tpu.memory_space<vmem>>
      %dma_start3A_165 = tpu.memref_slice %arg9[%add3A_154] : memref<10000xi32, #tpu.memory_space<vmem>> -> memref<40xi32, #tpu.memory_space<vmem>>
      %dma_start3A_166 = arith.constant 0 : i32
      %dma_start3A_167 = arith.constant 0 : i32
      %dma_start3A_168 = tpu.memref_slice %arg3[%dma_start3A_166, %dma_start3A_167] : memref<10000x128xf32, #tpu.memory_space<hbm>> -> memref<10000x128xf32, #tpu.memory_space<hbm>>
      tpu.enqueue_indirect_dma source(%dma_start3A_168 : memref<10000x128xf32, #tpu.memory_space<hbm>>) target(%dma_start3A_164 : memref<40x128xf32, #tpu.memory_space<vmem>>) offsets(%dma_start3A_165 : memref<40xi32, #tpu.memory_space<vmem>>) semaphore(%arg15 : memref<!tpu.dma_semaphore, #tpu.memory_space<semaphore_mem>>)
      %add3A_169 = arith.constant 120 : i32
      %add3A_170 = arith.addi %add3A_32, %add3A_169 : i32
      %dma_start3A_171 = arith.constant 120 : i32
      %dma_start3A_172 = arith.constant 0 : i32
      %dma_start3A_173 = tpu.memref_slice %arg12[%dma_start3A_171, %dma_start3A_172] : memref<200x128xf32, #tpu.memory_space<vmem>> -> memref<40x128xf32, #tpu.memory_space<vmem>>
      %dma_start3A_174 = tpu.memref_slice %arg8[%add3A_170] : memref<10000xi32, #tpu.memory_space<vmem>> -> memref<40xi32, #tpu.memory_space<vmem>>
      %dma_start3A_175 = arith.constant 0 : i32
      %dma_start3A_176 = arith.constant 0 : i32
      %dma_start3A_177 = tpu.memref_slice %arg2[%dma_start3A_175, %dma_start3A_176] : memref<10000x128xf32, #tpu.memory_space<hbm>> -> memref<10000x128xf32, #tpu.memory_space<hbm>>
      tpu.enqueue_indirect_dma source(%dma_start3A_177 : memref<10000x128xf32, #tpu.memory_space<hbm>>) target(%dma_start3A_173 : memref<40x128xf32, #tpu.memory_space<vmem>>) offsets(%dma_start3A_174 : memref<40xi32, #tpu.memory_space<vmem>>) semaphore(%arg15 : memref<!tpu.dma_semaphore, #tpu.memory_space<semaphore_mem>>)
      %dma_start3A_178 = arith.constant 120 : i32
      %dma_start3A_179 = arith.constant 0 : i32
      %dma_start3A_180 = tpu.memref_slice %arg13[%dma_start3A_178, %dma_start3A_179] : memref<200x128xf32, #tpu.memory_space<vmem>> -> memref<40x128xf32, #tpu.memory_space<vmem>>
      %dma_start3A_181 = tpu.memref_slice %arg9[%add3A_170] : memref<10000xi32, #tpu.memory_space<vmem>> -> memref<40xi32, #tpu.memory_space<vmem>>
      %dma_start3A_182 = arith.constant 0 : i32
      %dma_start3A_183 = arith.constant 0 : i32
      %dma_start3A_184 = tpu.memref_slice %arg3[%dma_start3A_182, %dma_start3A_183] : memref<10000x128xf32, #tpu.memory_space<hbm>> -> memref<10000x128xf32, #tpu.memory_space<hbm>>
      tpu.enqueue_indirect_dma source(%dma_start3A_184 : memref<10000x128xf32, #tpu.memory_space<hbm>>) target(%dma_start3A_180 : memref<40x128xf32, #tpu.memory_space<vmem>>) offsets(%dma_start3A_181 : memref<40xi32, #tpu.memory_space<vmem>>) semaphore(%arg15 : memref<!tpu.dma_semaphore, #tpu.memory_space<semaphore_mem>>)
      %add3A_185 = arith.constant 160 : i32
      %add3A_186 = arith.addi %add3A_32, %add3A_185 : i32
      %dma_start3A_187 = arith.constant 160 : i32
      %dma_start3A_188 = arith.constant 0 : i32
      %dma_start3A_189 = tpu.memref_slice %arg12[%dma_start3A_187, %dma_start3A_188] : memref<200x128xf32, #tpu.memory_space<vmem>> -> memref<40x128xf32, #tpu.memory_space<vmem>>
      %dma_start3A_190 = tpu.memref_slice %arg8[%add3A_186] : memref<10000xi32, #tpu.memory_space<vmem>> -> memref<40xi32, #tpu.memory_space<vmem>>
      %dma_start3A_191 = arith.constant 0 : i32
      %dma_start3A_192 = arith.constant 0 : i32
      %dma_start3A_193 = tpu.memref_slice %arg2[%dma_start3A_191, %dma_start3A_192] : memref<10000x128xf32, #tpu.memory_space<hbm>> -> memref<10000x128xf32, #tpu.memory_space<hbm>>
      tpu.enqueue_indirect_dma source(%dma_start3A_193 : memref<10000x128xf32, #tpu.memory_space<hbm>>) target(%dma_start3A_189 : memref<40x128xf32, #tpu.memory_space<vmem>>) offsets(%dma_start3A_190 : memref<40xi32, #tpu.memory_space<vmem>>) semaphore(%arg15 : memref<!tpu.dma_semaphore, #tpu.memory_space<semaphore_mem>>)
      %dma_start3A_194 = arith.constant 160 : i32
      %dma_start3A_195 = arith.constant 0 : i32
      %dma_start3A_196 = tpu.memref_slice %arg13[%dma_start3A_194, %dma_start3A_195] : memref<200x128xf32, #tpu.memory_space<vmem>> -> memref<40x128xf32, #tpu.memory_space<vmem>>
      %dma_start3A_197 = tpu.memref_slice %arg9[%add3A_186] : memref<10000xi32, #tpu.memory_space<vmem>> -> memref<40xi32, #tpu.memory_space<vmem>>
      %dma_start3A_198 = arith.constant 0 : i32
      %dma_start3A_199 = arith.constant 0 : i32
      %dma_start3A_200 = tpu.memref_slice %arg3[%dma_start3A_198, %dma_start3A_199] : memref<10000x128xf32, #tpu.memory_space<hbm>> -> memref<10000x128xf32, #tpu.memory_space<hbm>>
      tpu.enqueue_indirect_dma source(%dma_start3A_200 : memref<10000x128xf32, #tpu.memory_space<hbm>>) target(%dma_start3A_196 : memref<40x128xf32, #tpu.memory_space<vmem>>) offsets(%dma_start3A_197 : memref<40xi32, #tpu.memory_space<vmem>>) semaphore(%arg15 : memref<!tpu.dma_semaphore, #tpu.memory_space<semaphore_mem>>)
      %dma_wait3A_201 = arith.constant 0 : i32
      %dma_wait3A_202 = arith.constant 0 : i32
      %dma_wait3A_203 = tpu.memref_slice %arg10[%dma_wait3A_201, %dma_wait3A_202] : memref<200x128xf32, #tpu.memory_space<vmem>> -> memref<40x128xf32, #tpu.memory_space<vmem>>
      %dma_wait3A_204 = tpu.memref_slice %arg8[%add3A_34] : memref<10000xi32, #tpu.memory_space<vmem>> -> memref<40xi32, #tpu.memory_space<vmem>>
      %dma_wait3A_205 = arith.constant 0 : i32
      %dma_wait3A_206 = arith.constant 0 : i32
      %dma_wait3A_207 = tpu.memref_slice %arg2[%dma_wait3A_205, %dma_wait3A_206] : memref<10000x128xf32, #tpu.memory_space<hbm>> -> memref<10000x128xf32, #tpu.memory_space<hbm>>
      tpu.wait_indirect_dma semaphore(%arg14 : memref<!tpu.dma_semaphore, #tpu.memory_space<semaphore_mem>>) src(%dma_wait3A_207 : memref<10000x128xf32, #tpu.memory_space<hbm>>) dst(%dma_wait3A_203 : memref<40x128xf32, #tpu.memory_space<vmem>>)
      %dma_wait3A_208 = arith.constant 0 : i32
      %dma_wait3A_209 = arith.constant 0 : i32
      %dma_wait3A_210 = tpu.memref_slice %arg11[%dma_wait3A_208, %dma_wait3A_209] : memref<200x128xf32, #tpu.memory_space<vmem>> -> memref<40x128xf32, #tpu.memory_space<vmem>>
      %dma_wait3A_211 = tpu.memref_slice %arg9[%add3A_34] : memref<10000xi32, #tpu.memory_space<vmem>> -> memref<40xi32, #tpu.memory_space<vmem>>
      %dma_wait3A_212 = arith.constant 0 : i32
      %dma_wait3A_213 = arith.constant 0 : i32
      %dma_wait3A_214 = tpu.memref_slice %arg3[%dma_wait3A_212, %dma_wait3A_213] : memref<10000x128xf32, #tpu.memory_space<hbm>> -> memref<10000x128xf32, #tpu.memory_space<hbm>>
      tpu.wait_indirect_dma semaphore(%arg14 : memref<!tpu.dma_semaphore, #tpu.memory_space<semaphore_mem>>) src(%dma_wait3A_214 : memref<10000x128xf32, #tpu.memory_space<hbm>>) dst(%dma_wait3A_210 : memref<40x128xf32, #tpu.memory_space<vmem>>)
      %dma_wait3A_215 = arith.constant 40 : i32
      %dma_wait3A_216 = arith.constant 0 : i32
      %dma_wait3A_217 = tpu.memref_slice %arg10[%dma_wait3A_215, %dma_wait3A_216] : memref<200x128xf32, #tpu.memory_space<vmem>> -> memref<40x128xf32, #tpu.memory_space<vmem>>
      %dma_wait3A_218 = tpu.memref_slice %arg8[%add3A_50] : memref<10000xi32, #tpu.memory_space<vmem>> -> memref<40xi32, #tpu.memory_space<vmem>>
      %dma_wait3A_219 = arith.constant 0 : i32
      %dma_wait3A_220 = arith.constant 0 : i32
      %dma_wait3A_221 = tpu.memref_slice %arg2[%dma_wait3A_219, %dma_wait3A_220] : memref<10000x128xf32, #tpu.memory_space<hbm>> -> memref<10000x128xf32, #tpu.memory_space<hbm>>
      tpu.wait_indirect_dma semaphore(%arg14 : memref<!tpu.dma_semaphore, #tpu.memory_space<semaphore_mem>>) src(%dma_wait3A_221 : memref<10000x128xf32, #tpu.memory_space<hbm>>) dst(%dma_wait3A_217 : memref<40x128xf32, #tpu.memory_space<vmem>>)
      %dma_wait3A_222 = arith.constant 40 : i32
      %dma_wait3A_223 = arith.constant 0 : i32
      %dma_wait3A_224 = tpu.memref_slice %arg11[%dma_wait3A_222, %dma_wait3A_223] : memref<200x128xf32, #tpu.memory_space<vmem>> -> memref<40x128xf32, #tpu.memory_space<vmem>>
      %dma_wait3A_225 = tpu.memref_slice %arg9[%add3A_50] : memref<10000xi32, #tpu.memory_space<vmem>> -> memref<40xi32, #tpu.memory_space<vmem>>
      %dma_wait3A_226 = arith.constant 0 : i32
      %dma_wait3A_227 = arith.constant 0 : i32
      %dma_wait3A_228 = tpu.memref_slice %arg3[%dma_wait3A_226, %dma_wait3A_227] : memref<10000x128xf32, #tpu.memory_space<hbm>> -> memref<10000x128xf32, #tpu.memory_space<hbm>>
      tpu.wait_indirect_dma semaphore(%arg14 : memref<!tpu.dma_semaphore, #tpu.memory_space<semaphore_mem>>) src(%dma_wait3A_228 : memref<10000x128xf32, #tpu.memory_space<hbm>>) dst(%dma_wait3A_224 : memref<40x128xf32, #tpu.memory_space<vmem>>)
      %dma_wait3A_229 = arith.constant 80 : i32
      %dma_wait3A_230 = arith.constant 0 : i32
      %dma_wait3A_231 = tpu.memref_slice %arg10[%dma_wait3A_229, %dma_wait3A_230] : memref<200x128xf32, #tpu.memory_space<vmem>> -> memref<40x128xf32, #tpu.memory_space<vmem>>
      %dma_wait3A_232 = tpu.memref_slice %arg8[%add3A_66] : memref<10000xi32, #tpu.memory_space<vmem>> -> memref<40xi32, #tpu.memory_space<vmem>>
      %dma_wait3A_233 = arith.constant 0 : i32
      %dma_wait3A_234 = arith.constant 0 : i32
      %dma_wait3A_235 = tpu.memref_slice %arg2[%dma_wait3A_233, %dma_wait3A_234] : memref<10000x128xf32, #tpu.memory_space<hbm>> -> memref<10000x128xf32, #tpu.memory_space<hbm>>
      tpu.wait_indirect_dma semaphore(%arg14 : memref<!tpu.dma_semaphore, #tpu.memory_space<semaphore_mem>>) src(%dma_wait3A_235 : memref<10000x128xf32, #tpu.memory_space<hbm>>) dst(%dma_wait3A_231 : memref<40x128xf32, #tpu.memory_space<vmem>>)
      %dma_wait3A_236 = arith.constant 80 : i32
      %dma_wait3A_237 = arith.constant 0 : i32
      %dma_wait3A_238 = tpu.memref_slice %arg11[%dma_wait3A_236, %dma_wait3A_237] : memref<200x128xf32, #tpu.memory_space<vmem>> -> memref<40x128xf32, #tpu.memory_space<vmem>>
      %dma_wait3A_239 = tpu.memref_slice %arg9[%add3A_66] : memref<10000xi32, #tpu.memory_space<vmem>> -> memref<40xi32, #tpu.memory_space<vmem>>
      %dma_wait3A_240 = arith.constant 0 : i32
      %dma_wait3A_241 = arith.constant 0 : i32
      %dma_wait3A_242 = tpu.memref_slice %arg3[%dma_wait3A_240, %dma_wait3A_241] : memref<10000x128xf32, #tpu.memory_space<hbm>> -> memref<10000x128xf32, #tpu.memory_space<hbm>>
      tpu.wait_indirect_dma semaphore(%arg14 : memref<!tpu.dma_semaphore, #tpu.memory_space<semaphore_mem>>) src(%dma_wait3A_242 : memref<10000x128xf32, #tpu.memory_space<hbm>>) dst(%dma_wait3A_238 : memref<40x128xf32, #tpu.memory_space<vmem>>)
      %dma_wait3A_243 = arith.constant 120 : i32
      %dma_wait3A_244 = arith.constant 0 : i32
      %dma_wait3A_245 = tpu.memref_slice %arg10[%dma_wait3A_243, %dma_wait3A_244] : memref<200x128xf32, #tpu.memory_space<vmem>> -> memref<40x128xf32, #tpu.memory_space<vmem>>
      %dma_wait3A_246 = tpu.memref_slice %arg8[%add3A_82] : memref<10000xi32, #tpu.memory_space<vmem>> -> memref<40xi32, #tpu.memory_space<vmem>>
      %dma_wait3A_247 = arith.constant 0 : i32
      %dma_wait3A_248 = arith.constant 0 : i32
      %dma_wait3A_249 = tpu.memref_slice %arg2[%dma_wait3A_247, %dma_wait3A_248] : memref<10000x128xf32, #tpu.memory_space<hbm>> -> memref<10000x128xf32, #tpu.memory_space<hbm>>
      tpu.wait_indirect_dma semaphore(%arg14 : memref<!tpu.dma_semaphore, #tpu.memory_space<semaphore_mem>>) src(%dma_wait3A_249 : memref<10000x128xf32, #tpu.memory_space<hbm>>) dst(%dma_wait3A_245 : memref<40x128xf32, #tpu.memory_space<vmem>>)
      %dma_wait3A_250 = arith.constant 120 : i32
      %dma_wait3A_251 = arith.constant 0 : i32
      %dma_wait3A_252 = tpu.memref_slice %arg11[%dma_wait3A_250, %dma_wait3A_251] : memref<200x128xf32, #tpu.memory_space<vmem>> -> memref<40x128xf32, #tpu.memory_space<vmem>>
      %dma_wait3A_253 = tpu.memref_slice %arg9[%add3A_82] : memref<10000xi32, #tpu.memory_space<vmem>> -> memref<40xi32, #tpu.memory_space<vmem>>
      %dma_wait3A_254 = arith.constant 0 : i32
      %dma_wait3A_255 = arith.constant 0 : i32
      %dma_wait3A_256 = tpu.memref_slice %arg3[%dma_wait3A_254, %dma_wait3A_255] : memref<10000x128xf32, #tpu.memory_space<hbm>> -> memref<10000x128xf32, #tpu.memory_space<hbm>>
      tpu.wait_indirect_dma semaphore(%arg14 : memref<!tpu.dma_semaphore, #tpu.memory_space<semaphore_mem>>) src(%dma_wait3A_256 : memref<10000x128xf32, #tpu.memory_space<hbm>>) dst(%dma_wait3A_252 : memref<40x128xf32, #tpu.memory_space<vmem>>)
      %dma_wait3A_257 = arith.constant 160 : i32
      %dma_wait3A_258 = arith.constant 0 : i32
      %dma_wait3A_259 = tpu.memref_slice %arg10[%dma_wait3A_257, %dma_wait3A_258] : memref<200x128xf32, #tpu.memory_space<vmem>> -> memref<40x128xf32, #tpu.memory_space<vmem>>
      %dma_wait3A_260 = tpu.memref_slice %arg8[%add3A_98] : memref<10000xi32, #tpu.memory_space<vmem>> -> memref<40xi32, #tpu.memory_space<vmem>>
      %dma_wait3A_261 = arith.constant 0 : i32
      %dma_wait3A_262 = arith.constant 0 : i32
      %dma_wait3A_263 = tpu.memref_slice %arg2[%dma_wait3A_261, %dma_wait3A_262] : memref<10000x128xf32, #tpu.memory_space<hbm>> -> memref<10000x128xf32, #tpu.memory_space<hbm>>
      tpu.wait_indirect_dma semaphore(%arg14 : memref<!tpu.dma_semaphore, #tpu.memory_space<semaphore_mem>>) src(%dma_wait3A_263 : memref<10000x128xf32, #tpu.memory_space<hbm>>) dst(%dma_wait3A_259 : memref<40x128xf32, #tpu.memory_space<vmem>>)
      %dma_wait3A_264 = arith.constant 160 : i32
      %dma_wait3A_265 = arith.constant 0 : i32
      %dma_wait3A_266 = tpu.memref_slice %arg11[%dma_wait3A_264, %dma_wait3A_265] : memref<200x128xf32, #tpu.memory_space<vmem>> -> memref<40x128xf32, #tpu.memory_space<vmem>>
      %dma_wait3A_267 = tpu.memref_slice %arg9[%add3A_98] : memref<10000xi32, #tpu.memory_space<vmem>> -> memref<40xi32, #tpu.memory_space<vmem>>
      %dma_wait3A_268 = arith.constant 0 : i32
      %dma_wait3A_269 = arith.constant 0 : i32
      %dma_wait3A_270 = tpu.memref_slice %arg3[%dma_wait3A_268, %dma_wait3A_269] : memref<10000x128xf32, #tpu.memory_space<hbm>> -> memref<10000x128xf32, #tpu.memory_space<hbm>>
      tpu.wait_indirect_dma semaphore(%arg14 : memref<!tpu.dma_semaphore, #tpu.memory_space<semaphore_mem>>) src(%dma_wait3A_270 : memref<10000x128xf32, #tpu.memory_space<hbm>>) dst(%dma_wait3A_266 : memref<40x128xf32, #tpu.memory_space<vmem>>)
      %add3A_271 = arith.addi %mul3A_2, %mul3A_30 : i32
      %dma_start3A_272 = arith.constant 0 : i32
      %dma_start3A_273 = tpu.memref_slice %arg6[%add3A_271, %dma_start3A_272] : memref<320000x128xf32, #tpu.memory_space<hbm>> -> memref<200x128xf32, #tpu.memory_space<hbm>>
      %dma_start3A_274 = arith.constant 0 : i32
      %dma_start3A_275 = tpu.memref_slice %arg6[%add3A_271, %dma_start3A_274] : memref<320000x128xf32, #tpu.memory_space<hbm>> -> memref<200x128xf32, #tpu.memory_space<hbm>>
      tpu.enqueue_dma source(%arg10 : memref<200x128xf32, #tpu.memory_space<vmem>>) target(%dma_start3A_275 : memref<200x128xf32, #tpu.memory_space<hbm>>) target_semaphore(%arg16 : memref<!tpu.dma_semaphore, #tpu.memory_space<semaphore_mem>>)
      %add3A_276 = arith.addi %mul3A_2, %mul3A_30 : i32
      %dma_start3A_277 = arith.constant 0 : i32
      %dma_start3A_278 = tpu.memref_slice %arg7[%add3A_276, %dma_start3A_277] : memref<320000x128xf32, #tpu.memory_space<hbm>> -> memref<200x128xf32, #tpu.memory_space<hbm>>
      %dma_start3A_279 = arith.constant 0 : i32
      %dma_start3A_280 = tpu.memref_slice %arg7[%add3A_276, %dma_start3A_279] : memref<320000x128xf32, #tpu.memory_space<hbm>> -> memref<200x128xf32, #tpu.memory_space<hbm>>
      tpu.enqueue_dma source(%arg11 : memref<200x128xf32, #tpu.memory_space<vmem>>) target(%dma_start3A_280 : memref<200x128xf32, #tpu.memory_space<hbm>>) target_semaphore(%arg16 : memref<!tpu.dma_semaphore, #tpu.memory_space<semaphore_mem>>)
      %dma_wait3A_281 = arith.constant 0 : i32
      %dma_wait3A_282 = arith.constant 0 : i32
      %dma_wait3A_283 = tpu.memref_slice %arg12[%dma_wait3A_281, %dma_wait3A_282] : memref<200x128xf32, #tpu.memory_space<vmem>> -> memref<40x128xf32, #tpu.memory_space<vmem>>
      %dma_wait3A_284 = tpu.memref_slice %arg8[%add3A_122] : memref<10000xi32, #tpu.memory_space<vmem>> -> memref<40xi32, #tpu.memory_space<vmem>>
      %dma_wait3A_285 = arith.constant 0 : i32
      %dma_wait3A_286 = arith.constant 0 : i32
      %dma_wait3A_287 = tpu.memref_slice %arg2[%dma_wait3A_285, %dma_wait3A_286] : memref<10000x128xf32, #tpu.memory_space<hbm>> -> memref<10000x128xf32, #tpu.memory_space<hbm>>
      tpu.wait_indirect_dma semaphore(%arg15 : memref<!tpu.dma_semaphore, #tpu.memory_space<semaphore_mem>>) src(%dma_wait3A_287 : memref<10000x128xf32, #tpu.memory_space<hbm>>) dst(%dma_wait3A_283 : memref<40x128xf32, #tpu.memory_space<vmem>>)
      %dma_wait3A_288 = arith.constant 0 : i32
      %dma_wait3A_289 = arith.constant 0 : i32
      %dma_wait3A_290 = tpu.memref_slice %arg13[%dma_wait3A_288, %dma_wait3A_289] : memref<200x128xf32, #tpu.memory_space<vmem>> -> memref<40x128xf32, #tpu.memory_space<vmem>>
      %dma_wait3A_291 = tpu.memref_slice %arg9[%add3A_122] : memref<10000xi32, #tpu.memory_space<vmem>> -> memref<40xi32, #tpu.memory_space<vmem>>
      %dma_wait3A_292 = arith.constant 0 : i32
      %dma_wait3A_293 = arith.constant 0 : i32
      %dma_wait3A_294 = tpu.memref_slice %arg3[%dma_wait3A_292, %dma_wait3A_293] : memref<10000x128xf32, #tpu.memory_space<hbm>> -> memref<10000x128xf32, #tpu.memory_space<hbm>>
      tpu.wait_indirect_dma semaphore(%arg15 : memref<!tpu.dma_semaphore, #tpu.memory_space<semaphore_mem>>) src(%dma_wait3A_294 : memref<10000x128xf32, #tpu.memory_space<hbm>>) dst(%dma_wait3A_290 : memref<40x128xf32, #tpu.memory_space<vmem>>)
      %dma_wait3A_295 = arith.constant 40 : i32
      %dma_wait3A_296 = arith.constant 0 : i32
      %dma_wait3A_297 = tpu.memref_slice %arg12[%dma_wait3A_295, %dma_wait3A_296] : memref<200x128xf32, #tpu.memory_space<vmem>> -> memref<40x128xf32, #tpu.memory_space<vmem>>
      %dma_wait3A_298 = tpu.memref_slice %arg8[%add3A_138] : memref<10000xi32, #tpu.memory_space<vmem>> -> memref<40xi32, #tpu.memory_space<vmem>>
      %dma_wait3A_299 = arith.constant 0 : i32
      %dma_wait3A_300 = arith.constant 0 : i32
      %dma_wait3A_301 = tpu.memref_slice %arg2[%dma_wait3A_299, %dma_wait3A_300] : memref<10000x128xf32, #tpu.memory_space<hbm>> -> memref<10000x128xf32, #tpu.memory_space<hbm>>
      tpu.wait_indirect_dma semaphore(%arg15 : memref<!tpu.dma_semaphore, #tpu.memory_space<semaphore_mem>>) src(%dma_wait3A_301 : memref<10000x128xf32, #tpu.memory_space<hbm>>) dst(%dma_wait3A_297 : memref<40x128xf32, #tpu.memory_space<vmem>>)
      %dma_wait3A_302 = arith.constant 40 : i32
      %dma_wait3A_303 = arith.constant 0 : i32
      %dma_wait3A_304 = tpu.memref_slice %arg13[%dma_wait3A_302, %dma_wait3A_303] : memref<200x128xf32, #tpu.memory_space<vmem>> -> memref<40x128xf32, #tpu.memory_space<vmem>>
      %dma_wait3A_305 = tpu.memref_slice %arg9[%add3A_138] : memref<10000xi32, #tpu.memory_space<vmem>> -> memref<40xi32, #tpu.memory_space<vmem>>
      %dma_wait3A_306 = arith.constant 0 : i32
      %dma_wait3A_307 = arith.constant 0 : i32
      %dma_wait3A_308 = tpu.memref_slice %arg3[%dma_wait3A_306, %dma_wait3A_307] : memref<10000x128xf32, #tpu.memory_space<hbm>> -> memref<10000x128xf32, #tpu.memory_space<hbm>>
      tpu.wait_indirect_dma semaphore(%arg15 : memref<!tpu.dma_semaphore, #tpu.memory_space<semaphore_mem>>) src(%dma_wait3A_308 : memref<10000x128xf32, #tpu.memory_space<hbm>>) dst(%dma_wait3A_304 : memref<40x128xf32, #tpu.memory_space<vmem>>)
      %dma_wait3A_309 = arith.constant 80 : i32
      %dma_wait3A_310 = arith.constant 0 : i32
      %dma_wait3A_311 = tpu.memref_slice %arg12[%dma_wait3A_309, %dma_wait3A_310] : memref<200x128xf32, #tpu.memory_space<vmem>> -> memref<40x128xf32, #tpu.memory_space<vmem>>
      %dma_wait3A_312 = tpu.memref_slice %arg8[%add3A_154] : memref<10000xi32, #tpu.memory_space<vmem>> -> memref<40xi32, #tpu.memory_space<vmem>>
      %dma_wait3A_313 = arith.constant 0 : i32
      %dma_wait3A_314 = arith.constant 0 : i32
      %dma_wait3A_315 = tpu.memref_slice %arg2[%dma_wait3A_313, %dma_wait3A_314] : memref<10000x128xf32, #tpu.memory_space<hbm>> -> memref<10000x128xf32, #tpu.memory_space<hbm>>
      tpu.wait_indirect_dma semaphore(%arg15 : memref<!tpu.dma_semaphore, #tpu.memory_space<semaphore_mem>>) src(%dma_wait3A_315 : memref<10000x128xf32, #tpu.memory_space<hbm>>) dst(%dma_wait3A_311 : memref<40x128xf32, #tpu.memory_space<vmem>>)
      %dma_wait3A_316 = arith.constant 80 : i32
      %dma_wait3A_317 = arith.constant 0 : i32
      %dma_wait3A_318 = tpu.memref_slice %arg13[%dma_wait3A_316, %dma_wait3A_317] : memref<200x128xf32, #tpu.memory_space<vmem>> -> memref<40x128xf32, #tpu.memory_space<vmem>>
      %dma_wait3A_319 = tpu.memref_slice %arg9[%add3A_154] : memref<10000xi32, #tpu.memory_space<vmem>> -> memref<40xi32, #tpu.memory_space<vmem>>
      %dma_wait3A_320 = arith.constant 0 : i32
      %dma_wait3A_321 = arith.constant 0 : i32
      %dma_wait3A_322 = tpu.memref_slice %arg3[%dma_wait3A_320, %dma_wait3A_321] : memref<10000x128xf32, #tpu.memory_space<hbm>> -> memref<10000x128xf32, #tpu.memory_space<hbm>>
      tpu.wait_indirect_dma semaphore(%arg15 : memref<!tpu.dma_semaphore, #tpu.memory_space<semaphore_mem>>) src(%dma_wait3A_322 : memref<10000x128xf32, #tpu.memory_space<hbm>>) dst(%dma_wait3A_318 : memref<40x128xf32, #tpu.memory_space<vmem>>)
      %dma_wait3A_323 = arith.constant 120 : i32
      %dma_wait3A_324 = arith.constant 0 : i32
      %dma_wait3A_325 = tpu.memref_slice %arg12[%dma_wait3A_323, %dma_wait3A_324] : memref<200x128xf32, #tpu.memory_space<vmem>> -> memref<40x128xf32, #tpu.memory_space<vmem>>
      %dma_wait3A_326 = tpu.memref_slice %arg8[%add3A_170] : memref<10000xi32, #tpu.memory_space<vmem>> -> memref<40xi32, #tpu.memory_space<vmem>>
      %dma_wait3A_327 = arith.constant 0 : i32
      %dma_wait3A_328 = arith.constant 0 : i32
      %dma_wait3A_329 = tpu.memref_slice %arg2[%dma_wait3A_327, %dma_wait3A_328] : memref<10000x128xf32, #tpu.memory_space<hbm>> -> memref<10000x128xf32, #tpu.memory_space<hbm>>
      tpu.wait_indirect_dma semaphore(%arg15 : memref<!tpu.dma_semaphore, #tpu.memory_space<semaphore_mem>>) src(%dma_wait3A_329 : memref<10000x128xf32, #tpu.memory_space<hbm>>) dst(%dma_wait3A_325 : memref<40x128xf32, #tpu.memory_space<vmem>>)
      %dma_wait3A_330 = arith.constant 120 : i32
      %dma_wait3A_331 = arith.constant 0 : i32
      %dma_wait3A_332 = tpu.memref_slice %arg13[%dma_wait3A_330, %dma_wait3A_331] : memref<200x128xf32, #tpu.memory_space<vmem>> -> memref<40x128xf32, #tpu.memory_space<vmem>>
      %dma_wait3A_333 = tpu.memref_slice %arg9[%add3A_170] : memref<10000xi32, #tpu.memory_space<vmem>> -> memref<40xi32, #tpu.memory_space<vmem>>
      %dma_wait3A_334 = arith.constant 0 : i32
      %dma_wait3A_335 = arith.constant 0 : i32
      %dma_wait3A_336 = tpu.memref_slice %arg3[%dma_wait3A_334, %dma_wait3A_335] : memref<10000x128xf32, #tpu.memory_space<hbm>> -> memref<10000x128xf32, #tpu.memory_space<hbm>>
      tpu.wait_indirect_dma semaphore(%arg15 : memref<!tpu.dma_semaphore, #tpu.memory_space<semaphore_mem>>) src(%dma_wait3A_336 : memref<10000x128xf32, #tpu.memory_space<hbm>>) dst(%dma_wait3A_332 : memref<40x128xf32, #tpu.memory_space<vmem>>)
      %dma_wait3A_337 = arith.constant 160 : i32
      %dma_wait3A_338 = arith.constant 0 : i32
      %dma_wait3A_339 = tpu.memref_slice %arg12[%dma_wait3A_337, %dma_wait3A_338] : memref<200x128xf32, #tpu.memory_space<vmem>> -> memref<40x128xf32, #tpu.memory_space<vmem>>
      %dma_wait3A_340 = tpu.memref_slice %arg8[%add3A_186] : memref<10000xi32, #tpu.memory_space<vmem>> -> memref<40xi32, #tpu.memory_space<vmem>>
      %dma_wait3A_341 = arith.constant 0 : i32
      %dma_wait3A_342 = arith.constant 0 : i32
      %dma_wait3A_343 = tpu.memref_slice %arg2[%dma_wait3A_341, %dma_wait3A_342] : memref<10000x128xf32, #tpu.memory_space<hbm>> -> memref<10000x128xf32, #tpu.memory_space<hbm>>
      tpu.wait_indirect_dma semaphore(%arg15 : memref<!tpu.dma_semaphore, #tpu.memory_space<semaphore_mem>>) src(%dma_wait3A_343 : memref<10000x128xf32, #tpu.memory_space<hbm>>) dst(%dma_wait3A_339 : memref<40x128xf32, #tpu.memory_space<vmem>>)
      %dma_wait3A_344 = arith.constant 160 : i32
      %dma_wait3A_345 = arith.constant 0 : i32
      %dma_wait3A_346 = tpu.memref_slice %arg13[%dma_wait3A_344, %dma_wait3A_345] : memref<200x128xf32, #tpu.memory_space<vmem>> -> memref<40x128xf32, #tpu.memory_space<vmem>>
      %dma_wait3A_347 = tpu.memref_slice %arg9[%add3A_186] : memref<10000xi32, #tpu.memory_space<vmem>> -> memref<40xi32, #tpu.memory_space<vmem>>
      %dma_wait3A_348 = arith.constant 0 : i32
      %dma_wait3A_349 = arith.constant 0 : i32
      %dma_wait3A_350 = tpu.memref_slice %arg3[%dma_wait3A_348, %dma_wait3A_349] : memref<10000x128xf32, #tpu.memory_space<hbm>> -> memref<10000x128xf32, #tpu.memory_space<hbm>>
      tpu.wait_indirect_dma semaphore(%arg15 : memref<!tpu.dma_semaphore, #tpu.memory_space<semaphore_mem>>) src(%dma_wait3A_350 : memref<10000x128xf32, #tpu.memory_space<hbm>>) dst(%dma_wait3A_346 : memref<40x128xf32, #tpu.memory_space<vmem>>)
      %add3A_351 = arith.addi %mul3A_2, %add3A_32 : i32
      %dma_start3A_352 = arith.constant 0 : i32
      %dma_start3A_353 = tpu.memref_slice %arg6[%add3A_351, %dma_start3A_352] : memref<320000x128xf32, #tpu.memory_space<hbm>> -> memref<200x128xf32, #tpu.memory_space<hbm>>
      %dma_start3A_354 = arith.constant 0 : i32
      %dma_start3A_355 = tpu.memref_slice %arg6[%add3A_351, %dma_start3A_354] : memref<320000x128xf32, #tpu.memory_space<hbm>> -> memref<200x128xf32, #tpu.memory_space<hbm>>
      tpu.enqueue_dma source(%arg12 : memref<200x128xf32, #tpu.memory_space<vmem>>) target(%dma_start3A_355 : memref<200x128xf32, #tpu.memory_space<hbm>>) target_semaphore(%arg17 : memref<!tpu.dma_semaphore, #tpu.memory_space<semaphore_mem>>)
      %add3A_356 = arith.addi %mul3A_2, %add3A_32 : i32
      %dma_start3A_357 = arith.constant 0 : i32
      %dma_start3A_358 = tpu.memref_slice %arg7[%add3A_356, %dma_start3A_357] : memref<320000x128xf32, #tpu.memory_space<hbm>> -> memref<200x128xf32, #tpu.memory_space<hbm>>
      %dma_start3A_359 = arith.constant 0 : i32
      %dma_start3A_360 = tpu.memref_slice %arg7[%add3A_356, %dma_start3A_359] : memref<320000x128xf32, #tpu.memory_space<hbm>> -> memref<200x128xf32, #tpu.memory_space<hbm>>
      tpu.enqueue_dma source(%arg13 : memref<200x128xf32, #tpu.memory_space<vmem>>) target(%dma_start3A_360 : memref<200x128xf32, #tpu.memory_space<hbm>>) target_semaphore(%arg17 : memref<!tpu.dma_semaphore, #tpu.memory_space<semaphore_mem>>)
      %dma_wait3A_361 = arith.constant 0 : i32
      %dma_wait3A_362 = tpu.memref_slice %arg6[%mul3A_2, %dma_wait3A_361] : memref<320000x128xf32, #tpu.memory_space<hbm>> -> memref<200x128xf32, #tpu.memory_space<hbm>>
      %dma_wait3A_363 = arith.constant 0 : i32
      %dma_wait3A_364 = tpu.memref_slice %arg6[%mul3A_2, %dma_wait3A_363] : memref<320000x128xf32, #tpu.memory_space<hbm>> -> memref<200x128xf32, #tpu.memory_space<hbm>>
      tpu.wait_dma2 semaphore(%arg16 : memref<!tpu.dma_semaphore, #tpu.memory_space<semaphore_mem>>) src(%arg10 : memref<200x128xf32, #tpu.memory_space<vmem>>) dst(%dma_wait3A_364 : memref<200x128xf32, #tpu.memory_space<hbm>>)
      %dma_wait3A_365 = arith.constant 0 : i32
      %dma_wait3A_366 = tpu.memref_slice %arg6[%mul3A_2, %dma_wait3A_365] : memref<320000x128xf32, #tpu.memory_space<hbm>> -> memref<200x128xf32, #tpu.memory_space<hbm>>
      %dma_wait3A_367 = arith.constant 0 : i32
      %dma_wait3A_368 = tpu.memref_slice %arg6[%mul3A_2, %dma_wait3A_367] : memref<320000x128xf32, #tpu.memory_space<hbm>> -> memref<200x128xf32, #tpu.memory_space<hbm>>
      tpu.wait_dma2 semaphore(%arg16 : memref<!tpu.dma_semaphore, #tpu.memory_space<semaphore_mem>>) src(%arg10 : memref<200x128xf32, #tpu.memory_space<vmem>>) dst(%dma_wait3A_368 : memref<200x128xf32, #tpu.memory_space<hbm>>)
    }
    %scan3A_18 = arith.constant 25 : i32
    %dma_wait3A = arith.constant 0 : i32
    %dma_wait3A_19 = tpu.memref_slice %arg6[%mul3A_2, %dma_wait3A] : memref<320000x128xf32, #tpu.memory_space<hbm>> -> memref<200x128xf32, #tpu.memory_space<hbm>>
    %dma_wait3A_20 = arith.constant 0 : i32
    %dma_wait3A_21 = tpu.memref_slice %arg6[%mul3A_2, %dma_wait3A_20] : memref<320000x128xf32, #tpu.memory_space<hbm>> -> memref<200x128xf32, #tpu.memory_space<hbm>>
    tpu.wait_dma2 semaphore(%arg17 : memref<!tpu.dma_semaphore, #tpu.memory_space<semaphore_mem>>) src(%arg12 : memref<200x128xf32, #tpu.memory_space<vmem>>) dst(%dma_wait3A_21 : memref<200x128xf32, #tpu.memory_space<hbm>>)
    %dma_wait3A_22 = arith.constant 0 : i32
    %dma_wait3A_23 = tpu.memref_slice %arg6[%mul3A_2, %dma_wait3A_22] : memref<320000x128xf32, #tpu.memory_space<hbm>> -> memref<200x128xf32, #tpu.memory_space<hbm>>
    %dma_wait3A_24 = arith.constant 0 : i32
    %dma_wait3A_25 = tpu.memref_slice %arg6[%mul3A_2, %dma_wait3A_24] : memref<320000x128xf32, #tpu.memory_space<hbm>> -> memref<200x128xf32, #tpu.memory_space<hbm>>
    tpu.wait_dma2 semaphore(%arg17 : memref<!tpu.dma_semaphore, #tpu.memory_space<semaphore_mem>>) src(%arg12 : memref<200x128xf32, #tpu.memory_space<vmem>>) dst(%dma_wait3A_25 : memref<200x128xf32, #tpu.memory_space<hbm>>)
    return
  }
}

#map = affine_map<(d0, d1) -> (0)>
module attributes {stable_mosaic.version = 14 : i64} {
  func.func @scatter(%arg0: i32, %arg1: i32, %arg2: memref<320000xf32, #tpu.memory_space<hbm>>, %arg3: memref<320000xf32, #tpu.memory_space<hbm>>, %arg4: memref<320000xf32, #tpu.memory_space<hbm>>, %arg5: memref<320000xi32, #tpu.memory_space<hbm>>, %arg6: memref<10240xf32, #tpu.memory_space<hbm>>, %arg7: memref<10240xf32, #tpu.memory_space<hbm>>, %arg8: memref<10240xf32, #tpu.memory_space<hbm>>, %arg9: memref<10240xf32, #tpu.memory_space<hbm>>, %arg10: memref<10240xf32, #tpu.memory_space<hbm>>, %arg11: memref<10240xf32, #tpu.memory_space<hbm>>, %arg12: memref<10000xi32, #tpu.memory_space<vmem>>, %arg13: memref<10000xf32, #tpu.memory_space<vmem>>, %arg14: memref<10000xf32, #tpu.memory_space<vmem>>, %arg15: memref<10000xf32, #tpu.memory_space<vmem>>, %arg16: memref<10240xf32, #tpu.memory_space<vmem>>, %arg17: memref<10240xf32, #tpu.memory_space<vmem>>, %arg18: memref<10240xf32, #tpu.memory_space<vmem>>, %arg19: memref<16x10240xf32, #tpu.memory_space<vmem_shared>>, %arg20: memref<16x10240xf32, #tpu.memory_space<vmem_shared>>, %arg21: memref<16x10240xf32, #tpu.memory_space<vmem_shared>>, %arg22: memref<640xf32, #tpu.memory_space<vmem>>, %arg23: memref<640xf32, #tpu.memory_space<vmem>>, %arg24: memref<640xf32, #tpu.memory_space<vmem>>, %arg25: memref<640xf32, #tpu.memory_space<vmem>>) attributes {dimension_semantics = [#tpu.dimension_semantics<core_parallel>, #tpu.dimension_semantics<subcore_parallel>], iteration_bounds = array<i64: 2, 16>, scalar_prefetch = 0 : i64, scratch_operands = 14 : i64, tpu.core_type = #tpu.core_type<sc_vector_subcore>, window_params = [{transform_indices = #map}, {transform_indices = #map}, {transform_indices = #map}, {transform_indices = #map}, {transform_indices = #map}, {transform_indices = #map}, {transform_indices = #map}, {transform_indices = #map}, {transform_indices = #map}, {transform_indices = #map}]} {
    %mul3A = arith.constant 2 : i32
    %mul3A_0 = arith.muli %arg1, %mul3A : i32
    %add3A = arith.addi %mul3A_0, %arg0 : i32
    %mul3A_1 = arith.constant 10000 : i32
    %mul3A_2 = arith.muli %add3A, %mul3A_1 : i32
    %broadcast_in_dim3A = arith.constant 0.000000e+00 : f32
    %broadcast_in_dim3A_3 = vector.broadcast %broadcast_in_dim3A : f32 to vector<16xf32>
    %scan3A = arith.constant 0 : i32
    %scan3A_4 = arith.constant 0 : i32
    %scan3A_5 = arith.constant 640 : i32
    %scan3A_6 = arith.addi %scan3A_4, %scan3A_5 : i32
    %scan3A_7 = arith.constant 1 : i32
    scf.for %scan3A_341 = %scan3A_4 to %scan3A_6 step %scan3A_7  : i32 {
      %mul3A_342 = arith.constant 16 : i32
      %mul3A_343 = arith.muli %scan3A_341, %mul3A_342 : i32
      %swap3A = arith.index_cast %mul3A_343 : i32 to index
      %swap3A_344 = tpu.vector_load %arg16[%swap3A] {strides = array<i32>} : memref<10240xf32, #tpu.memory_space<vmem>>, vector<16xf32>,
      tpu.vector_store %arg16[%swap3A], %broadcast_in_dim3A_3 {strides = array<i32>} : memref<10240xf32, #tpu.memory_space<vmem>>, vector<16xf32>,
      %swap3A_345 = arith.index_cast %mul3A_343 : i32 to index
      %swap3A_346 = tpu.vector_load %arg17[%swap3A_345] {strides = array<i32>} : memref<10240xf32, #tpu.memory_space<vmem>>, vector<16xf32>,
      tpu.vector_store %arg17[%swap3A_345], %broadcast_in_dim3A_3 {strides = array<i32>} : memref<10240xf32, #tpu.memory_space<vmem>>, vector<16xf32>,
      %swap3A_347 = arith.index_cast %mul3A_343 : i32 to index
      %swap3A_348 = tpu.vector_load %arg18[%swap3A_347] {strides = array<i32>} : memref<10240xf32, #tpu.memory_space<vmem>>, vector<16xf32>,
      tpu.vector_store %arg18[%swap3A_347], %broadcast_in_dim3A_3 {strides = array<i32>} : memref<10240xf32, #tpu.memory_space<vmem>>, vector<16xf32>,
    }
    %scan3A_8 = arith.constant 640 : i32
    "tpu.region"() ({
      %run_scoped3A_341 = tpu.sem_alloc : memref<!tpu.dma_semaphore, #tpu.memory_space<semaphore_mem>>
      %dma_start3A = tpu.memref_slice %arg5[%mul3A_2] : memref<320000xi32, #tpu.memory_space<hbm>> -> memref<10000xi32, #tpu.memory_space<hbm>>
      %dma_start3A_342 = tpu.memref_slice %arg5[%mul3A_2] : memref<320000xi32, #tpu.memory_space<hbm>> -> memref<10000xi32, #tpu.memory_space<hbm>>
      tpu.enqueue_dma source(%dma_start3A_342 : memref<10000xi32, #tpu.memory_space<hbm>>) target(%arg12 : memref<10000xi32, #tpu.memory_space<vmem>>) target_semaphore(%run_scoped3A_341 : memref<!tpu.dma_semaphore, #tpu.memory_space<semaphore_mem>>)
      %dma_wait3A = tpu.memref_slice %arg5[%mul3A_2] : memref<320000xi32, #tpu.memory_space<hbm>> -> memref<10000xi32, #tpu.memory_space<hbm>>
      %dma_wait3A_343 = tpu.memref_slice %arg5[%mul3A_2] : memref<320000xi32, #tpu.memory_space<hbm>> -> memref<10000xi32, #tpu.memory_space<hbm>>
      tpu.wait_dma2 semaphore(%run_scoped3A_341 : memref<!tpu.dma_semaphore, #tpu.memory_space<semaphore_mem>>) src(%dma_wait3A_343 : memref<10000xi32, #tpu.memory_space<hbm>>) dst(%arg12 : memref<10000xi32, #tpu.memory_space<vmem>>)
      tpu.yield
    }) : () -> ()
    "tpu.region"() ({
      %run_scoped3A_341 = tpu.sem_alloc : memref<!tpu.dma_semaphore, #tpu.memory_space<semaphore_mem>>
      %dma_start3A = tpu.memref_slice %arg2[%mul3A_2] : memref<320000xf32, #tpu.memory_space<hbm>> -> memref<10000xf32, #tpu.memory_space<hbm>>
      %dma_start3A_342 = tpu.memref_slice %arg2[%mul3A_2] : memref<320000xf32, #tpu.memory_space<hbm>> -> memref<10000xf32, #tpu.memory_space<hbm>>
      tpu.enqueue_dma source(%dma_start3A_342 : memref<10000xf32, #tpu.memory_space<hbm>>) target(%arg13 : memref<10000xf32, #tpu.memory_space<vmem>>) target_semaphore(%run_scoped3A_341 : memref<!tpu.dma_semaphore, #tpu.memory_space<semaphore_mem>>)
      %dma_wait3A = tpu.memref_slice %arg2[%mul3A_2] : memref<320000xf32, #tpu.memory_space<hbm>> -> memref<10000xf32, #tpu.memory_space<hbm>>
      %dma_wait3A_343 = tpu.memref_slice %arg2[%mul3A_2] : memref<320000xf32, #tpu.memory_space<hbm>> -> memref<10000xf32, #tpu.memory_space<hbm>>
      tpu.wait_dma2 semaphore(%run_scoped3A_341 : memref<!tpu.dma_semaphore, #tpu.memory_space<semaphore_mem>>) src(%dma_wait3A_343 : memref<10000xf32, #tpu.memory_space<hbm>>) dst(%arg13 : memref<10000xf32, #tpu.memory_space<vmem>>)
      tpu.yield
    }) : () -> ()
    "tpu.region"() ({
      %run_scoped3A_341 = tpu.sem_alloc : memref<!tpu.dma_semaphore, #tpu.memory_space<semaphore_mem>>
      %dma_start3A = tpu.memref_slice %arg3[%mul3A_2] : memref<320000xf32, #tpu.memory_space<hbm>> -> memref<10000xf32, #tpu.memory_space<hbm>>
      %dma_start3A_342 = tpu.memref_slice %arg3[%mul3A_2] : memref<320000xf32, #tpu.memory_space<hbm>> -> memref<10000xf32, #tpu.memory_space<hbm>>
      tpu.enqueue_dma source(%dma_start3A_342 : memref<10000xf32, #tpu.memory_space<hbm>>) target(%arg14 : memref<10000xf32, #tpu.memory_space<vmem>>) target_semaphore(%run_scoped3A_341 : memref<!tpu.dma_semaphore, #tpu.memory_space<semaphore_mem>>)
      %dma_wait3A = tpu.memref_slice %arg3[%mul3A_2] : memref<320000xf32, #tpu.memory_space<hbm>> -> memref<10000xf32, #tpu.memory_space<hbm>>
      %dma_wait3A_343 = tpu.memref_slice %arg3[%mul3A_2] : memref<320000xf32, #tpu.memory_space<hbm>> -> memref<10000xf32, #tpu.memory_space<hbm>>
      tpu.wait_dma2 semaphore(%run_scoped3A_341 : memref<!tpu.dma_semaphore, #tpu.memory_space<semaphore_mem>>) src(%dma_wait3A_343 : memref<10000xf32, #tpu.memory_space<hbm>>) dst(%arg14 : memref<10000xf32, #tpu.memory_space<vmem>>)
      tpu.yield
    }) : () -> ()
    "tpu.region"() ({
      %run_scoped3A_341 = tpu.sem_alloc : memref<!tpu.dma_semaphore, #tpu.memory_space<semaphore_mem>>
      %dma_start3A = tpu.memref_slice %arg4[%mul3A_2] : memref<320000xf32, #tpu.memory_space<hbm>> -> memref<10000xf32, #tpu.memory_space<hbm>>
      %dma_start3A_342 = tpu.memref_slice %arg4[%mul3A_2] : memref<320000xf32, #tpu.memory_space<hbm>> -> memref<10000xf32, #tpu.memory_space<hbm>>
      tpu.enqueue_dma source(%dma_start3A_342 : memref<10000xf32, #tpu.memory_space<hbm>>) target(%arg15 : memref<10000xf32, #tpu.memory_space<vmem>>) target_semaphore(%run_scoped3A_341 : memref<!tpu.dma_semaphore, #tpu.memory_space<semaphore_mem>>)
      %dma_wait3A = tpu.memref_slice %arg4[%mul3A_2] : memref<320000xf32, #tpu.memory_space<hbm>> -> memref<10000xf32, #tpu.memory_space<hbm>>
      %dma_wait3A_343 = tpu.memref_slice %arg4[%mul3A_2] : memref<320000xf32, #tpu.memory_space<hbm>> -> memref<10000xf32, #tpu.memory_space<hbm>>
      tpu.wait_dma2 semaphore(%run_scoped3A_341 : memref<!tpu.dma_semaphore, #tpu.memory_space<semaphore_mem>>) src(%dma_wait3A_343 : memref<10000xf32, #tpu.memory_space<hbm>>) dst(%arg15 : memref<10000xf32, #tpu.memory_space<vmem>>)
      tpu.yield
    }) : () -> ()
    %scan3A_9 = arith.constant 0 : i32
    %scan3A_10 = arith.constant 0 : i32
    %scan3A_11 = arith.constant 625 : i32
    %scan3A_12 = arith.addi %scan3A_10, %scan3A_11 : i32
    %scan3A_13 = arith.constant 1 : i32
    scf.for %scan3A_341 = %scan3A_10 to %scan3A_12 step %scan3A_13  : i32 {
      %mul3A_342 = arith.constant 16 : i32
      %mul3A_343 = arith.muli %scan3A_341, %mul3A_342 : i32
      %get3A = arith.index_cast %mul3A_343 : i32 to index
      %get3A_344 = tpu.vector_load %arg12[%get3A] {strides = array<i32>} : memref<10000xi32, #tpu.memory_space<vmem>>, vector<16xi32>,
      %get3A_345 = arith.index_cast %mul3A_343 : i32 to index
      %get3A_346 = tpu.vector_load %arg13[%get3A_345] {strides = array<i32>} : memref<10000xf32, #tpu.memory_space<vmem>>, vector<16xf32>,
      tpu.vector_store_idx %arg16[%get3A_344], %get3A_346 {add = true} : memref<10240xf32, #tpu.memory_space<vmem>>[vector<16xi32>], vector<16xf32>,
      %get3A_347 = arith.index_cast %mul3A_343 : i32 to index
      %get3A_348 = tpu.vector_load %arg14[%get3A_347] {strides = array<i32>} : memref<10000xf32, #tpu.memory_space<vmem>>, vector<16xf32>,
      tpu.vector_store_idx %arg17[%get3A_344], %get3A_348 {add = true} : memref<10240xf32, #tpu.memory_space<vmem>>[vector<16xi32>], vector<16xf32>,
      %get3A_349 = arith.index_cast %mul3A_343 : i32 to index
      %get3A_350 = tpu.vector_load %arg15[%get3A_349] {strides = array<i32>} : memref<10000xf32, #tpu.memory_space<vmem>>, vector<16xf32>,
      tpu.vector_store_idx %arg18[%get3A_344], %get3A_350 {add = true} : memref<10240xf32, #tpu.memory_space<vmem>>[vector<16xi32>], vector<16xf32>,
    }
    %scan3A_14 = arith.constant 625 : i32
    "tpu.region"() ({
      %run_scoped3A_341 = tpu.sem_alloc : memref<!tpu.dma_semaphore, #tpu.memory_space<semaphore_mem>>
      %dma_start3A = arith.constant 0 : i32
      %dma_start3A_342 = tpu.memref_slice %arg19[%arg1, %dma_start3A] : memref<16x10240xf32, #tpu.memory_space<vmem_shared>> -> memref<1x10240xf32, #tpu.memory_space<vmem_shared>>
      %dma_start3A_343 = tpu.memref_squeeze %dma_start3A_342 : memref<1x10240xf32, #tpu.memory_space<vmem_shared>> -> memref<10240xf32, #tpu.memory_space<vmem_shared>>
      %dma_start3A_344 = arith.constant 0 : i32
      %dma_start3A_345 = tpu.memref_slice %arg19[%arg1, %dma_start3A_344] : memref<16x10240xf32, #tpu.memory_space<vmem_shared>> -> memref<1x10240xf32, #tpu.memory_space<vmem_shared>>
      %dma_start3A_346 = tpu.memref_squeeze %dma_start3A_345 : memref<1x10240xf32, #tpu.memory_space<vmem_shared>> -> memref<10240xf32, #tpu.memory_space<vmem_shared>>
      tpu.enqueue_dma source(%arg16 : memref<10240xf32, #tpu.memory_space<vmem>>) target(%dma_start3A_346 : memref<10240xf32, #tpu.memory_space<vmem_shared>>) target_semaphore(%run_scoped3A_341 : memref<!tpu.dma_semaphore, #tpu.memory_space<semaphore_mem>>)
      %dma_wait3A = arith.constant 0 : i32
      %dma_wait3A_347 = tpu.memref_slice %arg19[%arg1, %dma_wait3A] : memref<16x10240xf32, #tpu.memory_space<vmem_shared>> -> memref<1x10240xf32, #tpu.memory_space<vmem_shared>>
      %dma_wait3A_348 = tpu.memref_squeeze %dma_wait3A_347 : memref<1x10240xf32, #tpu.memory_space<vmem_shared>> -> memref<10240xf32, #tpu.memory_space<vmem_shared>>
      %dma_wait3A_349 = arith.constant 0 : i32
      %dma_wait3A_350 = tpu.memref_slice %arg19[%arg1, %dma_wait3A_349] : memref<16x10240xf32, #tpu.memory_space<vmem_shared>> -> memref<1x10240xf32, #tpu.memory_space<vmem_shared>>
      %dma_wait3A_351 = tpu.memref_squeeze %dma_wait3A_350 : memref<1x10240xf32, #tpu.memory_space<vmem_shared>> -> memref<10240xf32, #tpu.memory_space<vmem_shared>>
      tpu.wait_dma2 semaphore(%run_scoped3A_341 : memref<!tpu.dma_semaphore, #tpu.memory_space<semaphore_mem>>) src(%arg16 : memref<10240xf32, #tpu.memory_space<vmem>>) dst(%dma_wait3A_351 : memref<10240xf32, #tpu.memory_space<vmem_shared>>)
      tpu.yield
    }) : () -> ()
    "tpu.region"() ({
      %run_scoped3A_341 = tpu.sem_alloc : memref<!tpu.dma_semaphore, #tpu.memory_space<semaphore_mem>>
      %dma_start3A = arith.constant 0 : i32
      %dma_start3A_342 = tpu.memref_slice %arg20[%arg1, %dma_start3A] : memref<16x10240xf32, #tpu.memory_space<vmem_shared>> -> memref<1x10240xf32, #tpu.memory_space<vmem_shared>>
      %dma_start3A_343 = tpu.memref_squeeze %dma_start3A_342 : memref<1x10240xf32, #tpu.memory_space<vmem_shared>> -> memref<10240xf32, #tpu.memory_space<vmem_shared>>
      %dma_start3A_344 = arith.constant 0 : i32
      %dma_start3A_345 = tpu.memref_slice %arg20[%arg1, %dma_start3A_344] : memref<16x10240xf32, #tpu.memory_space<vmem_shared>> -> memref<1x10240xf32, #tpu.memory_space<vmem_shared>>
      %dma_start3A_346 = tpu.memref_squeeze %dma_start3A_345 : memref<1x10240xf32, #tpu.memory_space<vmem_shared>> -> memref<10240xf32, #tpu.memory_space<vmem_shared>>
      tpu.enqueue_dma source(%arg17 : memref<10240xf32, #tpu.memory_space<vmem>>) target(%dma_start3A_346 : memref<10240xf32, #tpu.memory_space<vmem_shared>>) target_semaphore(%run_scoped3A_341 : memref<!tpu.dma_semaphore, #tpu.memory_space<semaphore_mem>>)
      %dma_wait3A = arith.constant 0 : i32
      %dma_wait3A_347 = tpu.memref_slice %arg20[%arg1, %dma_wait3A] : memref<16x10240xf32, #tpu.memory_space<vmem_shared>> -> memref<1x10240xf32, #tpu.memory_space<vmem_shared>>
      %dma_wait3A_348 = tpu.memref_squeeze %dma_wait3A_347 : memref<1x10240xf32, #tpu.memory_space<vmem_shared>> -> memref<10240xf32, #tpu.memory_space<vmem_shared>>
      %dma_wait3A_349 = arith.constant 0 : i32
      %dma_wait3A_350 = tpu.memref_slice %arg20[%arg1, %dma_wait3A_349] : memref<16x10240xf32, #tpu.memory_space<vmem_shared>> -> memref<1x10240xf32, #tpu.memory_space<vmem_shared>>
      %dma_wait3A_351 = tpu.memref_squeeze %dma_wait3A_350 : memref<1x10240xf32, #tpu.memory_space<vmem_shared>> -> memref<10240xf32, #tpu.memory_space<vmem_shared>>
      tpu.wait_dma2 semaphore(%run_scoped3A_341 : memref<!tpu.dma_semaphore, #tpu.memory_space<semaphore_mem>>) src(%arg17 : memref<10240xf32, #tpu.memory_space<vmem>>) dst(%dma_wait3A_351 : memref<10240xf32, #tpu.memory_space<vmem_shared>>)
      tpu.yield
    }) : () -> ()
    "tpu.region"() ({
      %run_scoped3A_341 = tpu.sem_alloc : memref<!tpu.dma_semaphore, #tpu.memory_space<semaphore_mem>>
      %dma_start3A = arith.constant 0 : i32
      %dma_start3A_342 = tpu.memref_slice %arg21[%arg1, %dma_start3A] : memref<16x10240xf32, #tpu.memory_space<vmem_shared>> -> memref<1x10240xf32, #tpu.memory_space<vmem_shared>>
      %dma_start3A_343 = tpu.memref_squeeze %dma_start3A_342 : memref<1x10240xf32, #tpu.memory_space<vmem_shared>> -> memref<10240xf32, #tpu.memory_space<vmem_shared>>
      %dma_start3A_344 = arith.constant 0 : i32
      %dma_start3A_345 = tpu.memref_slice %arg21[%arg1, %dma_start3A_344] : memref<16x10240xf32, #tpu.memory_space<vmem_shared>> -> memref<1x10240xf32, #tpu.memory_space<vmem_shared>>
      %dma_start3A_346 = tpu.memref_squeeze %dma_start3A_345 : memref<1x10240xf32, #tpu.memory_space<vmem_shared>> -> memref<10240xf32, #tpu.memory_space<vmem_shared>>
      tpu.enqueue_dma source(%arg18 : memref<10240xf32, #tpu.memory_space<vmem>>) target(%dma_start3A_346 : memref<10240xf32, #tpu.memory_space<vmem_shared>>) target_semaphore(%run_scoped3A_341 : memref<!tpu.dma_semaphore, #tpu.memory_space<semaphore_mem>>)
      %dma_wait3A = arith.constant 0 : i32
      %dma_wait3A_347 = tpu.memref_slice %arg21[%arg1, %dma_wait3A] : memref<16x10240xf32, #tpu.memory_space<vmem_shared>> -> memref<1x10240xf32, #tpu.memory_space<vmem_shared>>
      %dma_wait3A_348 = tpu.memref_squeeze %dma_wait3A_347 : memref<1x10240xf32, #tpu.memory_space<vmem_shared>> -> memref<10240xf32, #tpu.memory_space<vmem_shared>>
      %dma_wait3A_349 = arith.constant 0 : i32
      %dma_wait3A_350 = tpu.memref_slice %arg21[%arg1, %dma_wait3A_349] : memref<16x10240xf32, #tpu.memory_space<vmem_shared>> -> memref<1x10240xf32, #tpu.memory_space<vmem_shared>>
      %dma_wait3A_351 = tpu.memref_squeeze %dma_wait3A_350 : memref<1x10240xf32, #tpu.memory_space<vmem_shared>> -> memref<10240xf32, #tpu.memory_space<vmem_shared>>
      tpu.wait_dma2 semaphore(%run_scoped3A_341 : memref<!tpu.dma_semaphore, #tpu.memory_space<semaphore_mem>>) src(%arg18 : memref<10240xf32, #tpu.memory_space<vmem>>) dst(%dma_wait3A_351 : memref<10240xf32, #tpu.memory_space<vmem_shared>>)
      tpu.yield
    }) : () -> ()
    %barrier3A = arith.constant 0 : index
    tpu.barrier barrier_id(%barrier3A)
    %mul3A_15 = arith.constant 640 : i32
    %mul3A_16 = arith.muli %arg1, %mul3A_15 : i32
    %run_scoped3A = arith.constant 0 : i32
    "tpu.region"() ({
      %run_scoped3A_341 = tpu.sem_alloc : memref<!tpu.dma_semaphore, #tpu.memory_space<semaphore_mem>>
      %dma_start3A = arith.constant 0 : i32
      %dma_start3A_342 = tpu.memref_slice %arg19[%run_scoped3A, %dma_start3A] : memref<16x10240xf32, #tpu.memory_space<vmem_shared>> -> memref<1x10240xf32, #tpu.memory_space<vmem_shared>>
      %dma_start3A_343 = tpu.memref_squeeze %dma_start3A_342 : memref<1x10240xf32, #tpu.memory_space<vmem_shared>> -> memref<10240xf32, #tpu.memory_space<vmem_shared>>
      %dma_start3A_344 = tpu.memref_slice %dma_start3A_343[%mul3A_16] : memref<10240xf32, #tpu.memory_space<vmem_shared>> -> memref<640xf32, #tpu.memory_space<vmem_shared>>
      %dma_start3A_345 = arith.constant 0 : i32
      %dma_start3A_346 = tpu.memref_slice %arg19[%run_scoped3A, %dma_start3A_345] : memref<16x10240xf32, #tpu.memory_space<vmem_shared>> -> memref<1x10240xf32, #tpu.memory_space<vmem_shared>>
      %dma_start3A_347 = tpu.memref_squeeze %dma_start3A_346 : memref<1x10240xf32, #tpu.memory_space<vmem_shared>> -> memref<10240xf32, #tpu.memory_space<vmem_shared>>
      %dma_start3A_348 = tpu.memref_slice %dma_start3A_347[%mul3A_16] : memref<10240xf32, #tpu.memory_space<vmem_shared>> -> memref<640xf32, #tpu.memory_space<vmem_shared>>
      tpu.enqueue_dma source(%dma_start3A_348 : memref<640xf32, #tpu.memory_space<vmem_shared>>) target(%arg22 : memref<640xf32, #tpu.memory_space<vmem>>) target_semaphore(%run_scoped3A_341 : memref<!tpu.dma_semaphore, #tpu.memory_space<semaphore_mem>>)
      %dma_wait3A = arith.constant 0 : i32
      %dma_wait3A_349 = tpu.memref_slice %arg19[%run_scoped3A, %dma_wait3A] : memref<16x10240xf32, #tpu.memory_space<vmem_shared>> -> memref<1x10240xf32, #tpu.memory_space<vmem_shared>>
      %dma_wait3A_350 = tpu.memref_squeeze %dma_wait3A_349 : memref<1x10240xf32, #tpu.memory_space<vmem_shared>> -> memref<10240xf32, #tpu.memory_space<vmem_shared>>
      %dma_wait3A_351 = tpu.memref_slice %dma_wait3A_350[%mul3A_16] : memref<10240xf32, #tpu.memory_space<vmem_shared>> -> memref<640xf32, #tpu.memory_space<vmem_shared>>
      %dma_wait3A_352 = arith.constant 0 : i32
      %dma_wait3A_353 = tpu.memref_slice %arg19[%run_scoped3A, %dma_wait3A_352] : memref<16x10240xf32, #tpu.memory_space<vmem_shared>> -> memref<1x10240xf32, #tpu.memory_space<vmem_shared>>
      %dma_wait3A_354 = tpu.memref_squeeze %dma_wait3A_353 : memref<1x10240xf32, #tpu.memory_space<vmem_shared>> -> memref<10240xf32, #tpu.memory_space<vmem_shared>>
      %dma_wait3A_355 = tpu.memref_slice %dma_wait3A_354[%mul3A_16] : memref<10240xf32, #tpu.memory_space<vmem_shared>> -> memref<640xf32, #tpu.memory_space<vmem_shared>>
      tpu.wait_dma2 semaphore(%run_scoped3A_341 : memref<!tpu.dma_semaphore, #tpu.memory_space<semaphore_mem>>) src(%dma_wait3A_355 : memref<640xf32, #tpu.memory_space<vmem_shared>>) dst(%arg22 : memref<640xf32, #tpu.memory_space<vmem>>)
      tpu.yield
    }) : () -> ()
    %run_scoped3A_17 = arith.constant 1 : i32
    "tpu.region"() ({
      %run_scoped3A_341 = tpu.sem_alloc : memref<!tpu.dma_semaphore, #tpu.memory_space<semaphore_mem>>
      %dma_start3A = arith.constant 0 : i32
      %dma_start3A_342 = tpu.memref_slice %arg19[%run_scoped3A_17, %dma_start3A] : memref<16x10240xf32, #tpu.memory_space<vmem_shared>> -> memref<1x10240xf32, #tpu.memory_space<vmem_shared>>
      %dma_start3A_343 = tpu.memref_squeeze %dma_start3A_342 : memref<1x10240xf32, #tpu.memory_space<vmem_shared>> -> memref<10240xf32, #tpu.memory_space<vmem_shared>>
      %dma_start3A_344 = tpu.memref_slice %dma_start3A_343[%mul3A_16] : memref<10240xf32, #tpu.memory_space<vmem_shared>> -> memref<640xf32, #tpu.memory_space<vmem_shared>>
      %dma_start3A_345 = arith.constant 0 : i32
      %dma_start3A_346 = tpu.memref_slice %arg19[%run_scoped3A_17, %dma_start3A_345] : memref<16x10240xf32, #tpu.memory_space<vmem_shared>> -> memref<1x10240xf32, #tpu.memory_space<vmem_shared>>
      %dma_start3A_347 = tpu.memref_squeeze %dma_start3A_346 : memref<1x10240xf32, #tpu.memory_space<vmem_shared>> -> memref<10240xf32, #tpu.memory_space<vmem_shared>>
      %dma_start3A_348 = tpu.memref_slice %dma_start3A_347[%mul3A_16] : memref<10240xf32, #tpu.memory_space<vmem_shared>> -> memref<640xf32, #tpu.memory_space<vmem_shared>>
      tpu.enqueue_dma source(%dma_start3A_348 : memref<640xf32, #tpu.memory_space<vmem_shared>>) target(%arg25 : memref<640xf32, #tpu.memory_space<vmem>>) target_semaphore(%run_scoped3A_341 : memref<!tpu.dma_semaphore, #tpu.memory_space<semaphore_mem>>)
      %dma_wait3A = arith.constant 0 : i32
      %dma_wait3A_349 = tpu.memref_slice %arg19[%run_scoped3A_17, %dma_wait3A] : memref<16x10240xf32, #tpu.memory_space<vmem_shared>> -> memref<1x10240xf32, #tpu.memory_space<vmem_shared>>
      %dma_wait3A_350 = tpu.memref_squeeze %dma_wait3A_349 : memref<1x10240xf32, #tpu.memory_space<vmem_shared>> -> memref<10240xf32, #tpu.memory_space<vmem_shared>>
      %dma_wait3A_351 = tpu.memref_slice %dma_wait3A_350[%mul3A_16] : memref<10240xf32, #tpu.memory_space<vmem_shared>> -> memref<640xf32, #tpu.memory_space<vmem_shared>>
      %dma_wait3A_352 = arith.constant 0 : i32
      %dma_wait3A_353 = tpu.memref_slice %arg19[%run_scoped3A_17, %dma_wait3A_352] : memref<16x10240xf32, #tpu.memory_space<vmem_shared>> -> memref<1x10240xf32, #tpu.memory_space<vmem_shared>>
      %dma_wait3A_354 = tpu.memref_squeeze %dma_wait3A_353 : memref<1x10240xf32, #tpu.memory_space<vmem_shared>> -> memref<10240xf32, #tpu.memory_space<vmem_shared>>
      %dma_wait3A_355 = tpu.memref_slice %dma_wait3A_354[%mul3A_16] : memref<10240xf32, #tpu.memory_space<vmem_shared>> -> memref<640xf32, #tpu.memory_space<vmem_shared>>
      tpu.wait_dma2 semaphore(%run_scoped3A_341 : memref<!tpu.dma_semaphore, #tpu.memory_space<semaphore_mem>>) src(%dma_wait3A_355 : memref<640xf32, #tpu.memory_space<vmem_shared>>) dst(%arg25 : memref<640xf32, #tpu.memory_space<vmem>>)
      tpu.yield
    }) : () -> ()
    %scan3A_18 = arith.constant 0 : i32
    %scan3A_19 = arith.constant 0 : i32
    %scan3A_20 = arith.constant 40 : i32
    %scan3A_21 = arith.addi %scan3A_19, %scan3A_20 : i32
    %scan3A_22 = arith.constant 1 : i32
    scf.for %scan3A_341 = %scan3A_19 to %scan3A_21 step %scan3A_22  : i32 {
      %mul3A_342 = arith.constant 16 : i32
      %mul3A_343 = arith.muli %scan3A_341, %mul3A_342 : i32
      %get3A = arith.index_cast %mul3A_343 : i32 to index
      %get3A_344 = tpu.vector_load %arg22[%get3A] {strides = array<i32>} : memref<640xf32, #tpu.memory_space<vmem>>, vector<16xf32>,
      %get3A_345 = arith.index_cast %mul3A_343 : i32 to index
      %get3A_346 = tpu.vector_load %arg25[%get3A_345] {strides = array<i32>} : memref<640xf32, #tpu.memory_space<vmem>>, vector<16xf32>,
      %add3A_347 = arith.addf %get3A_344, %get3A_346 : vector<16xf32>
      %swap3A = arith.index_cast %mul3A_343 : i32 to index
      %swap3A_348 = tpu.vector_load %arg22[%swap3A] {strides = array<i32>} : memref<640xf32, #tpu.memory_space<vmem>>, vector<16xf32>,
      tpu.vector_store %arg22[%swap3A], %add3A_347 {strides = array<i32>} : memref<640xf32, #tpu.memory_space<vmem>>, vector<16xf32>,
    }
    %scan3A_23 = arith.constant 40 : i32
    %run_scoped3A_24 = arith.constant 2 : i32
    "tpu.region"() ({
      %run_scoped3A_341 = tpu.sem_alloc : memref<!tpu.dma_semaphore, #tpu.memory_space<semaphore_mem>>
      %dma_start3A = arith.constant 0 : i32
      %dma_start3A_342 = tpu.memref_slice %arg19[%run_scoped3A_24, %dma_start3A] : memref<16x10240xf32, #tpu.memory_space<vmem_shared>> -> memref<1x10240xf32, #tpu.memory_space<vmem_shared>>
      %dma_start3A_343 = tpu.memref_squeeze %dma_start3A_342 : memref<1x10240xf32, #tpu.memory_space<vmem_shared>> -> memref<10240xf32, #tpu.memory_space<vmem_shared>>
      %dma_start3A_344 = tpu.memref_slice %dma_start3A_343[%mul3A_16] : memref<10240xf32, #tpu.memory_space<vmem_shared>> -> memref<640xf32, #tpu.memory_space<vmem_shared>>
      %dma_start3A_345 = arith.constant 0 : i32
      %dma_start3A_346 = tpu.memref_slice %arg19[%run_scoped3A_24, %dma_start3A_345] : memref<16x10240xf32, #tpu.memory_space<vmem_shared>> -> memref<1x10240xf32, #tpu.memory_space<vmem_shared>>
      %dma_start3A_347 = tpu.memref_squeeze %dma_start3A_346 : memref<1x10240xf32, #tpu.memory_space<vmem_shared>> -> memref<10240xf32, #tpu.memory_space<vmem_shared>>
      %dma_start3A_348 = tpu.memref_slice %dma_start3A_347[%mul3A_16] : memref<10240xf32, #tpu.memory_space<vmem_shared>> -> memref<640xf32, #tpu.memory_space<vmem_shared>>
      tpu.enqueue_dma source(%dma_start3A_348 : memref<640xf32, #tpu.memory_space<vmem_shared>>) target(%arg25 : memref<640xf32, #tpu.memory_space<vmem>>) target_semaphore(%run_scoped3A_341 : memref<!tpu.dma_semaphore, #tpu.memory_space<semaphore_mem>>)
      %dma_wait3A = arith.constant 0 : i32
      %dma_wait3A_349 = tpu.memref_slice %arg19[%run_scoped3A_24, %dma_wait3A] : memref<16x10240xf32, #tpu.memory_space<vmem_shared>> -> memref<1x10240xf32, #tpu.memory_space<vmem_shared>>
      %dma_wait3A_350 = tpu.memref_squeeze %dma_wait3A_349 : memref<1x10240xf32, #tpu.memory_space<vmem_shared>> -> memref<10240xf32, #tpu.memory_space<vmem_shared>>
      %dma_wait3A_351 = tpu.memref_slice %dma_wait3A_350[%mul3A_16] : memref<10240xf32, #tpu.memory_space<vmem_shared>> -> memref<640xf32, #tpu.memory_space<vmem_shared>>
      %dma_wait3A_352 = arith.constant 0 : i32
      %dma_wait3A_353 = tpu.memref_slice %arg19[%run_scoped3A_24, %dma_wait3A_352] : memref<16x10240xf32, #tpu.memory_space<vmem_shared>> -> memref<1x10240xf32, #tpu.memory_space<vmem_shared>>
      %dma_wait3A_354 = tpu.memref_squeeze %dma_wait3A_353 : memref<1x10240xf32, #tpu.memory_space<vmem_shared>> -> memref<10240xf32, #tpu.memory_space<vmem_shared>>
      %dma_wait3A_355 = tpu.memref_slice %dma_wait3A_354[%mul3A_16] : memref<10240xf32, #tpu.memory_space<vmem_shared>> -> memref<640xf32, #tpu.memory_space<vmem_shared>>
      tpu.wait_dma2 semaphore(%run_scoped3A_341 : memref<!tpu.dma_semaphore, #tpu.memory_space<semaphore_mem>>) src(%dma_wait3A_355 : memref<640xf32, #tpu.memory_space<vmem_shared>>) dst(%arg25 : memref<640xf32, #tpu.memory_space<vmem>>)
      tpu.yield
    }) : () -> ()
    %scan3A_25 = arith.constant 0 : i32
    %scan3A_26 = arith.constant 0 : i32
    %scan3A_27 = arith.constant 40 : i32
    %scan3A_28 = arith.addi %scan3A_26, %scan3A_27 : i32
    %scan3A_29 = arith.constant 1 : i32
    scf.for %scan3A_341 = %scan3A_26 to %scan3A_28 step %scan3A_29  : i32 {
      %mul3A_342 = arith.constant 16 : i32
      %mul3A_343 = arith.muli %scan3A_341, %mul3A_342 : i32
      %get3A = arith.index_cast %mul3A_343 : i32 to index
      %get3A_344 = tpu.vector_load %arg22[%get3A] {strides = array<i32>} : memref<640xf32, #tpu.memory_space<vmem>>, vector<16xf32>,
      %get3A_345 = arith.index_cast %mul3A_343 : i32 to index
      %get3A_346 = tpu.vector_load %arg25[%get3A_345] {strides = array<i32>} : memref<640xf32, #tpu.memory_space<vmem>>, vector<16xf32>,
      %add3A_347 = arith.addf %get3A_344, %get3A_346 : vector<16xf32>
      %swap3A = arith.index_cast %mul3A_343 : i32 to index
      %swap3A_348 = tpu.vector_load %arg22[%swap3A] {strides = array<i32>} : memref<640xf32, #tpu.memory_space<vmem>>, vector<16xf32>,
      tpu.vector_store %arg22[%swap3A], %add3A_347 {strides = array<i32>} : memref<640xf32, #tpu.memory_space<vmem>>, vector<16xf32>,
    }
    %scan3A_30 = arith.constant 40 : i32
    %run_scoped3A_31 = arith.constant 3 : i32
    "tpu.region"() ({
      %run_scoped3A_341 = tpu.sem_alloc : memref<!tpu.dma_semaphore, #tpu.memory_space<semaphore_mem>>
      %dma_start3A = arith.constant 0 : i32
      %dma_start3A_342 = tpu.memref_slice %arg19[%run_scoped3A_31, %dma_start3A] : memref<16x10240xf32, #tpu.memory_space<vmem_shared>> -> memref<1x10240xf32, #tpu.memory_space<vmem_shared>>
      %dma_start3A_343 = tpu.memref_squeeze %dma_start3A_342 : memref<1x10240xf32, #tpu.memory_space<vmem_shared>> -> memref<10240xf32, #tpu.memory_space<vmem_shared>>
      %dma_start3A_344 = tpu.memref_slice %dma_start3A_343[%mul3A_16] : memref<10240xf32, #tpu.memory_space<vmem_shared>> -> memref<640xf32, #tpu.memory_space<vmem_shared>>
      %dma_start3A_345 = arith.constant 0 : i32
      %dma_start3A_346 = tpu.memref_slice %arg19[%run_scoped3A_31, %dma_start3A_345] : memref<16x10240xf32, #tpu.memory_space<vmem_shared>> -> memref<1x10240xf32, #tpu.memory_space<vmem_shared>>
      %dma_start3A_347 = tpu.memref_squeeze %dma_start3A_346 : memref<1x10240xf32, #tpu.memory_space<vmem_shared>> -> memref<10240xf32, #tpu.memory_space<vmem_shared>>
      %dma_start3A_348 = tpu.memref_slice %dma_start3A_347[%mul3A_16] : memref<10240xf32, #tpu.memory_space<vmem_shared>> -> memref<640xf32, #tpu.memory_space<vmem_shared>>
      tpu.enqueue_dma source(%dma_start3A_348 : memref<640xf32, #tpu.memory_space<vmem_shared>>) target(%arg25 : memref<640xf32, #tpu.memory_space<vmem>>) target_semaphore(%run_scoped3A_341 : memref<!tpu.dma_semaphore, #tpu.memory_space<semaphore_mem>>)
      %dma_wait3A = arith.constant 0 : i32
      %dma_wait3A_349 = tpu.memref_slice %arg19[%run_scoped3A_31, %dma_wait3A] : memref<16x10240xf32, #tpu.memory_space<vmem_shared>> -> memref<1x10240xf32, #tpu.memory_space<vmem_shared>>
      %dma_wait3A_350 = tpu.memref_squeeze %dma_wait3A_349 : memref<1x10240xf32, #tpu.memory_space<vmem_shared>> -> memref<10240xf32, #tpu.memory_space<vmem_shared>>
      %dma_wait3A_351 = tpu.memref_slice %dma_wait3A_350[%mul3A_16] : memref<10240xf32, #tpu.memory_space<vmem_shared>> -> memref<640xf32, #tpu.memory_space<vmem_shared>>
      %dma_wait3A_352 = arith.constant 0 : i32
      %dma_wait3A_353 = tpu.memref_slice %arg19[%run_scoped3A_31, %dma_wait3A_352] : memref<16x10240xf32, #tpu.memory_space<vmem_shared>> -> memref<1x10240xf32, #tpu.memory_space<vmem_shared>>
      %dma_wait3A_354 = tpu.memref_squeeze %dma_wait3A_353 : memref<1x10240xf32, #tpu.memory_space<vmem_shared>> -> memref<10240xf32, #tpu.memory_space<vmem_shared>>
      %dma_wait3A_355 = tpu.memref_slice %dma_wait3A_354[%mul3A_16] : memref<10240xf32, #tpu.memory_space<vmem_shared>> -> memref<640xf32, #tpu.memory_space<vmem_shared>>
      tpu.wait_dma2 semaphore(%run_scoped3A_341 : memref<!tpu.dma_semaphore, #tpu.memory_space<semaphore_mem>>) src(%dma_wait3A_355 : memref<640xf32, #tpu.memory_space<vmem_shared>>) dst(%arg25 : memref<640xf32, #tpu.memory_space<vmem>>)
      tpu.yield
    }) : () -> ()
    %scan3A_32 = arith.constant 0 : i32
    %scan3A_33 = arith.constant 0 : i32
    %scan3A_34 = arith.constant 40 : i32
    %scan3A_35 = arith.addi %scan3A_33, %scan3A_34 : i32
    %scan3A_36 = arith.constant 1 : i32
    scf.for %scan3A_341 = %scan3A_33 to %scan3A_35 step %scan3A_36  : i32 {
      %mul3A_342 = arith.constant 16 : i32
      %mul3A_343 = arith.muli %scan3A_341, %mul3A_342 : i32
      %get3A = arith.index_cast %mul3A_343 : i32 to index
      %get3A_344 = tpu.vector_load %arg22[%get3A] {strides = array<i32>} : memref<640xf32, #tpu.memory_space<vmem>>, vector<16xf32>,
      %get3A_345 = arith.index_cast %mul3A_343 : i32 to index
      %get3A_346 = tpu.vector_load %arg25[%get3A_345] {strides = array<i32>} : memref<640xf32, #tpu.memory_space<vmem>>, vector<16xf32>,
      %add3A_347 = arith.addf %get3A_344, %get3A_346 : vector<16xf32>
      %swap3A = arith.index_cast %mul3A_343 : i32 to index
      %swap3A_348 = tpu.vector_load %arg22[%swap3A] {strides = array<i32>} : memref<640xf32, #tpu.memory_space<vmem>>, vector<16xf32>,
      tpu.vector_store %arg22[%swap3A], %add3A_347 {strides = array<i32>} : memref<640xf32, #tpu.memory_space<vmem>>, vector<16xf32>,
    }
    %scan3A_37 = arith.constant 40 : i32
    %run_scoped3A_38 = arith.constant 4 : i32
    "tpu.region"() ({
      %run_scoped3A_341 = tpu.sem_alloc : memref<!tpu.dma_semaphore, #tpu.memory_space<semaphore_mem>>
      %dma_start3A = arith.constant 0 : i32
      %dma_start3A_342 = tpu.memref_slice %arg19[%run_scoped3A_38, %dma_start3A] : memref<16x10240xf32, #tpu.memory_space<vmem_shared>> -> memref<1x10240xf32, #tpu.memory_space<vmem_shared>>
      %dma_start3A_343 = tpu.memref_squeeze %dma_start3A_342 : memref<1x10240xf32, #tpu.memory_space<vmem_shared>> -> memref<10240xf32, #tpu.memory_space<vmem_shared>>
      %dma_start3A_344 = tpu.memref_slice %dma_start3A_343[%mul3A_16] : memref<10240xf32, #tpu.memory_space<vmem_shared>> -> memref<640xf32, #tpu.memory_space<vmem_shared>>
      %dma_start3A_345 = arith.constant 0 : i32
      %dma_start3A_346 = tpu.memref_slice %arg19[%run_scoped3A_38, %dma_start3A_345] : memref<16x10240xf32, #tpu.memory_space<vmem_shared>> -> memref<1x10240xf32, #tpu.memory_space<vmem_shared>>
      %dma_start3A_347 = tpu.memref_squeeze %dma_start3A_346 : memref<1x10240xf32, #tpu.memory_space<vmem_shared>> -> memref<10240xf32, #tpu.memory_space<vmem_shared>>
      %dma_start3A_348 = tpu.memref_slice %dma_start3A_347[%mul3A_16] : memref<10240xf32, #tpu.memory_space<vmem_shared>> -> memref<640xf32, #tpu.memory_space<vmem_shared>>
      tpu.enqueue_dma source(%dma_start3A_348 : memref<640xf32, #tpu.memory_space<vmem_shared>>) target(%arg25 : memref<640xf32, #tpu.memory_space<vmem>>) target_semaphore(%run_scoped3A_341 : memref<!tpu.dma_semaphore, #tpu.memory_space<semaphore_mem>>)
      %dma_wait3A = arith.constant 0 : i32
      %dma_wait3A_349 = tpu.memref_slice %arg19[%run_scoped3A_38, %dma_wait3A] : memref<16x10240xf32, #tpu.memory_space<vmem_shared>> -> memref<1x10240xf32, #tpu.memory_space<vmem_shared>>
      %dma_wait3A_350 = tpu.memref_squeeze %dma_wait3A_349 : memref<1x10240xf32, #tpu.memory_space<vmem_shared>> -> memref<10240xf32, #tpu.memory_space<vmem_shared>>
      %dma_wait3A_351 = tpu.memref_slice %dma_wait3A_350[%mul3A_16] : memref<10240xf32, #tpu.memory_space<vmem_shared>> -> memref<640xf32, #tpu.memory_space<vmem_shared>>
      %dma_wait3A_352 = arith.constant 0 : i32
      %dma_wait3A_353 = tpu.memref_slice %arg19[%run_scoped3A_38, %dma_wait3A_352] : memref<16x10240xf32, #tpu.memory_space<vmem_shared>> -> memref<1x10240xf32, #tpu.memory_space<vmem_shared>>
      %dma_wait3A_354 = tpu.memref_squeeze %dma_wait3A_353 : memref<1x10240xf32, #tpu.memory_space<vmem_shared>> -> memref<10240xf32, #tpu.memory_space<vmem_shared>>
      %dma_wait3A_355 = tpu.memref_slice %dma_wait3A_354[%mul3A_16] : memref<10240xf32, #tpu.memory_space<vmem_shared>> -> memref<640xf32, #tpu.memory_space<vmem_shared>>
      tpu.wait_dma2 semaphore(%run_scoped3A_341 : memref<!tpu.dma_semaphore, #tpu.memory_space<semaphore_mem>>) src(%dma_wait3A_355 : memref<640xf32, #tpu.memory_space<vmem_shared>>) dst(%arg25 : memref<640xf32, #tpu.memory_space<vmem>>)
      tpu.yield
    }) : () -> ()
    %scan3A_39 = arith.constant 0 : i32
    %scan3A_40 = arith.constant 0 : i32
    %scan3A_41 = arith.constant 40 : i32
    %scan3A_42 = arith.addi %scan3A_40, %scan3A_41 : i32
    %scan3A_43 = arith.constant 1 : i32
    scf.for %scan3A_341 = %scan3A_40 to %scan3A_42 step %scan3A_43  : i32 {
      %mul3A_342 = arith.constant 16 : i32
      %mul3A_343 = arith.muli %scan3A_341, %mul3A_342 : i32
      %get3A = arith.index_cast %mul3A_343 : i32 to index
      %get3A_344 = tpu.vector_load %arg22[%get3A] {strides = array<i32>} : memref<640xf32, #tpu.memory_space<vmem>>, vector<16xf32>,
      %get3A_345 = arith.index_cast %mul3A_343 : i32 to index
      %get3A_346 = tpu.vector_load %arg25[%get3A_345] {strides = array<i32>} : memref<640xf32, #tpu.memory_space<vmem>>, vector<16xf32>,
      %add3A_347 = arith.addf %get3A_344, %get3A_346 : vector<16xf32>
      %swap3A = arith.index_cast %mul3A_343 : i32 to index
      %swap3A_348 = tpu.vector_load %arg22[%swap3A] {strides = array<i32>} : memref<640xf32, #tpu.memory_space<vmem>>, vector<16xf32>,
      tpu.vector_store %arg22[%swap3A], %add3A_347 {strides = array<i32>} : memref<640xf32, #tpu.memory_space<vmem>>, vector<16xf32>,
    }
    %scan3A_44 = arith.constant 40 : i32
    %run_scoped3A_45 = arith.constant 5 : i32
    "tpu.region"() ({
      %run_scoped3A_341 = tpu.sem_alloc : memref<!tpu.dma_semaphore, #tpu.memory_space<semaphore_mem>>
      %dma_start3A = arith.constant 0 : i32
      %dma_start3A_342 = tpu.memref_slice %arg19[%run_scoped3A_45, %dma_start3A] : memref<16x10240xf32, #tpu.memory_space<vmem_shared>> -> memref<1x10240xf32, #tpu.memory_space<vmem_shared>>
      %dma_start3A_343 = tpu.memref_squeeze %dma_start3A_342 : memref<1x10240xf32, #tpu.memory_space<vmem_shared>> -> memref<10240xf32, #tpu.memory_space<vmem_shared>>
      %dma_start3A_344 = tpu.memref_slice %dma_start3A_343[%mul3A_16] : memref<10240xf32, #tpu.memory_space<vmem_shared>> -> memref<640xf32, #tpu.memory_space<vmem_shared>>
      %dma_start3A_345 = arith.constant 0 : i32
      %dma_start3A_346 = tpu.memref_slice %arg19[%run_scoped3A_45, %dma_start3A_345] : memref<16x10240xf32, #tpu.memory_space<vmem_shared>> -> memref<1x10240xf32, #tpu.memory_space<vmem_shared>>
      %dma_start3A_347 = tpu.memref_squeeze %dma_start3A_346 : memref<1x10240xf32, #tpu.memory_space<vmem_shared>> -> memref<10240xf32, #tpu.memory_space<vmem_shared>>
      %dma_start3A_348 = tpu.memref_slice %dma_start3A_347[%mul3A_16] : memref<10240xf32, #tpu.memory_space<vmem_shared>> -> memref<640xf32, #tpu.memory_space<vmem_shared>>
      tpu.enqueue_dma source(%dma_start3A_348 : memref<640xf32, #tpu.memory_space<vmem_shared>>) target(%arg25 : memref<640xf32, #tpu.memory_space<vmem>>) target_semaphore(%run_scoped3A_341 : memref<!tpu.dma_semaphore, #tpu.memory_space<semaphore_mem>>)
      %dma_wait3A = arith.constant 0 : i32
      %dma_wait3A_349 = tpu.memref_slice %arg19[%run_scoped3A_45, %dma_wait3A] : memref<16x10240xf32, #tpu.memory_space<vmem_shared>> -> memref<1x10240xf32, #tpu.memory_space<vmem_shared>>
      %dma_wait3A_350 = tpu.memref_squeeze %dma_wait3A_349 : memref<1x10240xf32, #tpu.memory_space<vmem_shared>> -> memref<10240xf32, #tpu.memory_space<vmem_shared>>
      %dma_wait3A_351 = tpu.memref_slice %dma_wait3A_350[%mul3A_16] : memref<10240xf32, #tpu.memory_space<vmem_shared>> -> memref<640xf32, #tpu.memory_space<vmem_shared>>
      %dma_wait3A_352 = arith.constant 0 : i32
      %dma_wait3A_353 = tpu.memref_slice %arg19[%run_scoped3A_45, %dma_wait3A_352] : memref<16x10240xf32, #tpu.memory_space<vmem_shared>> -> memref<1x10240xf32, #tpu.memory_space<vmem_shared>>
      %dma_wait3A_354 = tpu.memref_squeeze %dma_wait3A_353 : memref<1x10240xf32, #tpu.memory_space<vmem_shared>> -> memref<10240xf32, #tpu.memory_space<vmem_shared>>
      %dma_wait3A_355 = tpu.memref_slice %dma_wait3A_354[%mul3A_16] : memref<10240xf32, #tpu.memory_space<vmem_shared>> -> memref<640xf32, #tpu.memory_space<vmem_shared>>
      tpu.wait_dma2 semaphore(%run_scoped3A_341 : memref<!tpu.dma_semaphore, #tpu.memory_space<semaphore_mem>>) src(%dma_wait3A_355 : memref<640xf32, #tpu.memory_space<vmem_shared>>) dst(%arg25 : memref<640xf32, #tpu.memory_space<vmem>>)
      tpu.yield
    }) : () -> ()
    %scan3A_46 = arith.constant 0 : i32
    %scan3A_47 = arith.constant 0 : i32
    %scan3A_48 = arith.constant 40 : i32
    %scan3A_49 = arith.addi %scan3A_47, %scan3A_48 : i32
    %scan3A_50 = arith.constant 1 : i32
    scf.for %scan3A_341 = %scan3A_47 to %scan3A_49 step %scan3A_50  : i32 {
      %mul3A_342 = arith.constant 16 : i32
      %mul3A_343 = arith.muli %scan3A_341, %mul3A_342 : i32
      %get3A = arith.index_cast %mul3A_343 : i32 to index
      %get3A_344 = tpu.vector_load %arg22[%get3A] {strides = array<i32>} : memref<640xf32, #tpu.memory_space<vmem>>, vector<16xf32>,
      %get3A_345 = arith.index_cast %mul3A_343 : i32 to index
      %get3A_346 = tpu.vector_load %arg25[%get3A_345] {strides = array<i32>} : memref<640xf32, #tpu.memory_space<vmem>>, vector<16xf32>,
      %add3A_347 = arith.addf %get3A_344, %get3A_346 : vector<16xf32>
      %swap3A = arith.index_cast %mul3A_343 : i32 to index
      %swap3A_348 = tpu.vector_load %arg22[%swap3A] {strides = array<i32>} : memref<640xf32, #tpu.memory_space<vmem>>, vector<16xf32>,
      tpu.vector_store %arg22[%swap3A], %add3A_347 {strides = array<i32>} : memref<640xf32, #tpu.memory_space<vmem>>, vector<16xf32>,
    }
    %scan3A_51 = arith.constant 40 : i32
    %run_scoped3A_52 = arith.constant 6 : i32
    "tpu.region"() ({
      %run_scoped3A_341 = tpu.sem_alloc : memref<!tpu.dma_semaphore, #tpu.memory_space<semaphore_mem>>
      %dma_start3A = arith.constant 0 : i32
      %dma_start3A_342 = tpu.memref_slice %arg19[%run_scoped3A_52, %dma_start3A] : memref<16x10240xf32, #tpu.memory_space<vmem_shared>> -> memref<1x10240xf32, #tpu.memory_space<vmem_shared>>
      %dma_start3A_343 = tpu.memref_squeeze %dma_start3A_342 : memref<1x10240xf32, #tpu.memory_space<vmem_shared>> -> memref<10240xf32, #tpu.memory_space<vmem_shared>>
      %dma_start3A_344 = tpu.memref_slice %dma_start3A_343[%mul3A_16] : memref<10240xf32, #tpu.memory_space<vmem_shared>> -> memref<640xf32, #tpu.memory_space<vmem_shared>>
      %dma_start3A_345 = arith.constant 0 : i32
      %dma_start3A_346 = tpu.memref_slice %arg19[%run_scoped3A_52, %dma_start3A_345] : memref<16x10240xf32, #tpu.memory_space<vmem_shared>> -> memref<1x10240xf32, #tpu.memory_space<vmem_shared>>
      %dma_start3A_347 = tpu.memref_squeeze %dma_start3A_346 : memref<1x10240xf32, #tpu.memory_space<vmem_shared>> -> memref<10240xf32, #tpu.memory_space<vmem_shared>>
      %dma_start3A_348 = tpu.memref_slice %dma_start3A_347[%mul3A_16] : memref<10240xf32, #tpu.memory_space<vmem_shared>> -> memref<640xf32, #tpu.memory_space<vmem_shared>>
      tpu.enqueue_dma source(%dma_start3A_348 : memref<640xf32, #tpu.memory_space<vmem_shared>>) target(%arg25 : memref<640xf32, #tpu.memory_space<vmem>>) target_semaphore(%run_scoped3A_341 : memref<!tpu.dma_semaphore, #tpu.memory_space<semaphore_mem>>)
      %dma_wait3A = arith.constant 0 : i32
      %dma_wait3A_349 = tpu.memref_slice %arg19[%run_scoped3A_52, %dma_wait3A] : memref<16x10240xf32, #tpu.memory_space<vmem_shared>> -> memref<1x10240xf32, #tpu.memory_space<vmem_shared>>
      %dma_wait3A_350 = tpu.memref_squeeze %dma_wait3A_349 : memref<1x10240xf32, #tpu.memory_space<vmem_shared>> -> memref<10240xf32, #tpu.memory_space<vmem_shared>>
      %dma_wait3A_351 = tpu.memref_slice %dma_wait3A_350[%mul3A_16] : memref<10240xf32, #tpu.memory_space<vmem_shared>> -> memref<640xf32, #tpu.memory_space<vmem_shared>>
      %dma_wait3A_352 = arith.constant 0 : i32
      %dma_wait3A_353 = tpu.memref_slice %arg19[%run_scoped3A_52, %dma_wait3A_352] : memref<16x10240xf32, #tpu.memory_space<vmem_shared>> -> memref<1x10240xf32, #tpu.memory_space<vmem_shared>>
      %dma_wait3A_354 = tpu.memref_squeeze %dma_wait3A_353 : memref<1x10240xf32, #tpu.memory_space<vmem_shared>> -> memref<10240xf32, #tpu.memory_space<vmem_shared>>
      %dma_wait3A_355 = tpu.memref_slice %dma_wait3A_354[%mul3A_16] : memref<10240xf32, #tpu.memory_space<vmem_shared>> -> memref<640xf32, #tpu.memory_space<vmem_shared>>
      tpu.wait_dma2 semaphore(%run_scoped3A_341 : memref<!tpu.dma_semaphore, #tpu.memory_space<semaphore_mem>>) src(%dma_wait3A_355 : memref<640xf32, #tpu.memory_space<vmem_shared>>) dst(%arg25 : memref<640xf32, #tpu.memory_space<vmem>>)
      tpu.yield
    }) : () -> ()
    %scan3A_53 = arith.constant 0 : i32
    %scan3A_54 = arith.constant 0 : i32
    %scan3A_55 = arith.constant 40 : i32
    %scan3A_56 = arith.addi %scan3A_54, %scan3A_55 : i32
    %scan3A_57 = arith.constant 1 : i32
    scf.for %scan3A_341 = %scan3A_54 to %scan3A_56 step %scan3A_57  : i32 {
      %mul3A_342 = arith.constant 16 : i32
      %mul3A_343 = arith.muli %scan3A_341, %mul3A_342 : i32
      %get3A = arith.index_cast %mul3A_343 : i32 to index
      %get3A_344 = tpu.vector_load %arg22[%get3A] {strides = array<i32>} : memref<640xf32, #tpu.memory_space<vmem>>, vector<16xf32>,
      %get3A_345 = arith.index_cast %mul3A_343 : i32 to index
      %get3A_346 = tpu.vector_load %arg25[%get3A_345] {strides = array<i32>} : memref<640xf32, #tpu.memory_space<vmem>>, vector<16xf32>,
      %add3A_347 = arith.addf %get3A_344, %get3A_346 : vector<16xf32>
      %swap3A = arith.index_cast %mul3A_343 : i32 to index
      %swap3A_348 = tpu.vector_load %arg22[%swap3A] {strides = array<i32>} : memref<640xf32, #tpu.memory_space<vmem>>, vector<16xf32>,
      tpu.vector_store %arg22[%swap3A], %add3A_347 {strides = array<i32>} : memref<640xf32, #tpu.memory_space<vmem>>, vector<16xf32>,
    }
    %scan3A_58 = arith.constant 40 : i32
    %run_scoped3A_59 = arith.constant 7 : i32
    "tpu.region"() ({
      %run_scoped3A_341 = tpu.sem_alloc : memref<!tpu.dma_semaphore, #tpu.memory_space<semaphore_mem>>
      %dma_start3A = arith.constant 0 : i32
      %dma_start3A_342 = tpu.memref_slice %arg19[%run_scoped3A_59, %dma_start3A] : memref<16x10240xf32, #tpu.memory_space<vmem_shared>> -> memref<1x10240xf32, #tpu.memory_space<vmem_shared>>
      %dma_start3A_343 = tpu.memref_squeeze %dma_start3A_342 : memref<1x10240xf32, #tpu.memory_space<vmem_shared>> -> memref<10240xf32, #tpu.memory_space<vmem_shared>>
      %dma_start3A_344 = tpu.memref_slice %dma_start3A_343[%mul3A_16] : memref<10240xf32, #tpu.memory_space<vmem_shared>> -> memref<640xf32, #tpu.memory_space<vmem_shared>>
      %dma_start3A_345 = arith.constant 0 : i32
      %dma_start3A_346 = tpu.memref_slice %arg19[%run_scoped3A_59, %dma_start3A_345] : memref<16x10240xf32, #tpu.memory_space<vmem_shared>> -> memref<1x10240xf32, #tpu.memory_space<vmem_shared>>
      %dma_start3A_347 = tpu.memref_squeeze %dma_start3A_346 : memref<1x10240xf32, #tpu.memory_space<vmem_shared>> -> memref<10240xf32, #tpu.memory_space<vmem_shared>>
      %dma_start3A_348 = tpu.memref_slice %dma_start3A_347[%mul3A_16] : memref<10240xf32, #tpu.memory_space<vmem_shared>> -> memref<640xf32, #tpu.memory_space<vmem_shared>>
      tpu.enqueue_dma source(%dma_start3A_348 : memref<640xf32, #tpu.memory_space<vmem_shared>>) target(%arg25 : memref<640xf32, #tpu.memory_space<vmem>>) target_semaphore(%run_scoped3A_341 : memref<!tpu.dma_semaphore, #tpu.memory_space<semaphore_mem>>)
      %dma_wait3A = arith.constant 0 : i32
      %dma_wait3A_349 = tpu.memref_slice %arg19[%run_scoped3A_59, %dma_wait3A] : memref<16x10240xf32, #tpu.memory_space<vmem_shared>> -> memref<1x10240xf32, #tpu.memory_space<vmem_shared>>
      %dma_wait3A_350 = tpu.memref_squeeze %dma_wait3A_349 : memref<1x10240xf32, #tpu.memory_space<vmem_shared>> -> memref<10240xf32, #tpu.memory_space<vmem_shared>>
      %dma_wait3A_351 = tpu.memref_slice %dma_wait3A_350[%mul3A_16] : memref<10240xf32, #tpu.memory_space<vmem_shared>> -> memref<640xf32, #tpu.memory_space<vmem_shared>>
      %dma_wait3A_352 = arith.constant 0 : i32
      %dma_wait3A_353 = tpu.memref_slice %arg19[%run_scoped3A_59, %dma_wait3A_352] : memref<16x10240xf32, #tpu.memory_space<vmem_shared>> -> memref<1x10240xf32, #tpu.memory_space<vmem_shared>>
      %dma_wait3A_354 = tpu.memref_squeeze %dma_wait3A_353 : memref<1x10240xf32, #tpu.memory_space<vmem_shared>> -> memref<10240xf32, #tpu.memory_space<vmem_shared>>
      %dma_wait3A_355 = tpu.memref_slice %dma_wait3A_354[%mul3A_16] : memref<10240xf32, #tpu.memory_space<vmem_shared>> -> memref<640xf32, #tpu.memory_space<vmem_shared>>
      tpu.wait_dma2 semaphore(%run_scoped3A_341 : memref<!tpu.dma_semaphore, #tpu.memory_space<semaphore_mem>>) src(%dma_wait3A_355 : memref<640xf32, #tpu.memory_space<vmem_shared>>) dst(%arg25 : memref<640xf32, #tpu.memory_space<vmem>>)
      tpu.yield
    }) : () -> ()
    %scan3A_60 = arith.constant 0 : i32
    %scan3A_61 = arith.constant 0 : i32
    %scan3A_62 = arith.constant 40 : i32
    %scan3A_63 = arith.addi %scan3A_61, %scan3A_62 : i32
    %scan3A_64 = arith.constant 1 : i32
    scf.for %scan3A_341 = %scan3A_61 to %scan3A_63 step %scan3A_64  : i32 {
      %mul3A_342 = arith.constant 16 : i32
      %mul3A_343 = arith.muli %scan3A_341, %mul3A_342 : i32
      %get3A = arith.index_cast %mul3A_343 : i32 to index
      %get3A_344 = tpu.vector_load %arg22[%get3A] {strides = array<i32>} : memref<640xf32, #tpu.memory_space<vmem>>, vector<16xf32>,
      %get3A_345 = arith.index_cast %mul3A_343 : i32 to index
      %get3A_346 = tpu.vector_load %arg25[%get3A_345] {strides = array<i32>} : memref<640xf32, #tpu.memory_space<vmem>>, vector<16xf32>,
      %add3A_347 = arith.addf %get3A_344, %get3A_346 : vector<16xf32>
      %swap3A = arith.index_cast %mul3A_343 : i32 to index
      %swap3A_348 = tpu.vector_load %arg22[%swap3A] {strides = array<i32>} : memref<640xf32, #tpu.memory_space<vmem>>, vector<16xf32>,
      tpu.vector_store %arg22[%swap3A], %add3A_347 {strides = array<i32>} : memref<640xf32, #tpu.memory_space<vmem>>, vector<16xf32>,
    }
    %scan3A_65 = arith.constant 40 : i32
    %run_scoped3A_66 = arith.constant 8 : i32
    "tpu.region"() ({
      %run_scoped3A_341 = tpu.sem_alloc : memref<!tpu.dma_semaphore, #tpu.memory_space<semaphore_mem>>
      %dma_start3A = arith.constant 0 : i32
      %dma_start3A_342 = tpu.memref_slice %arg19[%run_scoped3A_66, %dma_start3A] : memref<16x10240xf32, #tpu.memory_space<vmem_shared>> -> memref<1x10240xf32, #tpu.memory_space<vmem_shared>>
      %dma_start3A_343 = tpu.memref_squeeze %dma_start3A_342 : memref<1x10240xf32, #tpu.memory_space<vmem_shared>> -> memref<10240xf32, #tpu.memory_space<vmem_shared>>
      %dma_start3A_344 = tpu.memref_slice %dma_start3A_343[%mul3A_16] : memref<10240xf32, #tpu.memory_space<vmem_shared>> -> memref<640xf32, #tpu.memory_space<vmem_shared>>
      %dma_start3A_345 = arith.constant 0 : i32
      %dma_start3A_346 = tpu.memref_slice %arg19[%run_scoped3A_66, %dma_start3A_345] : memref<16x10240xf32, #tpu.memory_space<vmem_shared>> -> memref<1x10240xf32, #tpu.memory_space<vmem_shared>>
      %dma_start3A_347 = tpu.memref_squeeze %dma_start3A_346 : memref<1x10240xf32, #tpu.memory_space<vmem_shared>> -> memref<10240xf32, #tpu.memory_space<vmem_shared>>
      %dma_start3A_348 = tpu.memref_slice %dma_start3A_347[%mul3A_16] : memref<10240xf32, #tpu.memory_space<vmem_shared>> -> memref<640xf32, #tpu.memory_space<vmem_shared>>
      tpu.enqueue_dma source(%dma_start3A_348 : memref<640xf32, #tpu.memory_space<vmem_shared>>) target(%arg25 : memref<640xf32, #tpu.memory_space<vmem>>) target_semaphore(%run_scoped3A_341 : memref<!tpu.dma_semaphore, #tpu.memory_space<semaphore_mem>>)
      %dma_wait3A = arith.constant 0 : i32
      %dma_wait3A_349 = tpu.memref_slice %arg19[%run_scoped3A_66, %dma_wait3A] : memref<16x10240xf32, #tpu.memory_space<vmem_shared>> -> memref<1x10240xf32, #tpu.memory_space<vmem_shared>>
      %dma_wait3A_350 = tpu.memref_squeeze %dma_wait3A_349 : memref<1x10240xf32, #tpu.memory_space<vmem_shared>> -> memref<10240xf32, #tpu.memory_space<vmem_shared>>
      %dma_wait3A_351 = tpu.memref_slice %dma_wait3A_350[%mul3A_16] : memref<10240xf32, #tpu.memory_space<vmem_shared>> -> memref<640xf32, #tpu.memory_space<vmem_shared>>
      %dma_wait3A_352 = arith.constant 0 : i32
      %dma_wait3A_353 = tpu.memref_slice %arg19[%run_scoped3A_66, %dma_wait3A_352] : memref<16x10240xf32, #tpu.memory_space<vmem_shared>> -> memref<1x10240xf32, #tpu.memory_space<vmem_shared>>
      %dma_wait3A_354 = tpu.memref_squeeze %dma_wait3A_353 : memref<1x10240xf32, #tpu.memory_space<vmem_shared>> -> memref<10240xf32, #tpu.memory_space<vmem_shared>>
      %dma_wait3A_355 = tpu.memref_slice %dma_wait3A_354[%mul3A_16] : memref<10240xf32, #tpu.memory_space<vmem_shared>> -> memref<640xf32, #tpu.memory_space<vmem_shared>>
      tpu.wait_dma2 semaphore(%run_scoped3A_341 : memref<!tpu.dma_semaphore, #tpu.memory_space<semaphore_mem>>) src(%dma_wait3A_355 : memref<640xf32, #tpu.memory_space<vmem_shared>>) dst(%arg25 : memref<640xf32, #tpu.memory_space<vmem>>)
      tpu.yield
    }) : () -> ()
    %scan3A_67 = arith.constant 0 : i32
    %scan3A_68 = arith.constant 0 : i32
    %scan3A_69 = arith.constant 40 : i32
    %scan3A_70 = arith.addi %scan3A_68, %scan3A_69 : i32
    %scan3A_71 = arith.constant 1 : i32
    scf.for %scan3A_341 = %scan3A_68 to %scan3A_70 step %scan3A_71  : i32 {
      %mul3A_342 = arith.constant 16 : i32
      %mul3A_343 = arith.muli %scan3A_341, %mul3A_342 : i32
      %get3A = arith.index_cast %mul3A_343 : i32 to index
      %get3A_344 = tpu.vector_load %arg22[%get3A] {strides = array<i32>} : memref<640xf32, #tpu.memory_space<vmem>>, vector<16xf32>,
      %get3A_345 = arith.index_cast %mul3A_343 : i32 to index
      %get3A_346 = tpu.vector_load %arg25[%get3A_345] {strides = array<i32>} : memref<640xf32, #tpu.memory_space<vmem>>, vector<16xf32>,
      %add3A_347 = arith.addf %get3A_344, %get3A_346 : vector<16xf32>
      %swap3A = arith.index_cast %mul3A_343 : i32 to index
      %swap3A_348 = tpu.vector_load %arg22[%swap3A] {strides = array<i32>} : memref<640xf32, #tpu.memory_space<vmem>>, vector<16xf32>,
      tpu.vector_store %arg22[%swap3A], %add3A_347 {strides = array<i32>} : memref<640xf32, #tpu.memory_space<vmem>>, vector<16xf32>,
    }
    %scan3A_72 = arith.constant 40 : i32
    %run_scoped3A_73 = arith.constant 9 : i32
    "tpu.region"() ({
      %run_scoped3A_341 = tpu.sem_alloc : memref<!tpu.dma_semaphore, #tpu.memory_space<semaphore_mem>>
      %dma_start3A = arith.constant 0 : i32
      %dma_start3A_342 = tpu.memref_slice %arg19[%run_scoped3A_73, %dma_start3A] : memref<16x10240xf32, #tpu.memory_space<vmem_shared>> -> memref<1x10240xf32, #tpu.memory_space<vmem_shared>>
      %dma_start3A_343 = tpu.memref_squeeze %dma_start3A_342 : memref<1x10240xf32, #tpu.memory_space<vmem_shared>> -> memref<10240xf32, #tpu.memory_space<vmem_shared>>
      %dma_start3A_344 = tpu.memref_slice %dma_start3A_343[%mul3A_16] : memref<10240xf32, #tpu.memory_space<vmem_shared>> -> memref<640xf32, #tpu.memory_space<vmem_shared>>
      %dma_start3A_345 = arith.constant 0 : i32
      %dma_start3A_346 = tpu.memref_slice %arg19[%run_scoped3A_73, %dma_start3A_345] : memref<16x10240xf32, #tpu.memory_space<vmem_shared>> -> memref<1x10240xf32, #tpu.memory_space<vmem_shared>>
      %dma_start3A_347 = tpu.memref_squeeze %dma_start3A_346 : memref<1x10240xf32, #tpu.memory_space<vmem_shared>> -> memref<10240xf32, #tpu.memory_space<vmem_shared>>
      %dma_start3A_348 = tpu.memref_slice %dma_start3A_347[%mul3A_16] : memref<10240xf32, #tpu.memory_space<vmem_shared>> -> memref<640xf32, #tpu.memory_space<vmem_shared>>
      tpu.enqueue_dma source(%dma_start3A_348 : memref<640xf32, #tpu.memory_space<vmem_shared>>) target(%arg25 : memref<640xf32, #tpu.memory_space<vmem>>) target_semaphore(%run_scoped3A_341 : memref<!tpu.dma_semaphore, #tpu.memory_space<semaphore_mem>>)
      %dma_wait3A = arith.constant 0 : i32
      %dma_wait3A_349 = tpu.memref_slice %arg19[%run_scoped3A_73, %dma_wait3A] : memref<16x10240xf32, #tpu.memory_space<vmem_shared>> -> memref<1x10240xf32, #tpu.memory_space<vmem_shared>>
      %dma_wait3A_350 = tpu.memref_squeeze %dma_wait3A_349 : memref<1x10240xf32, #tpu.memory_space<vmem_shared>> -> memref<10240xf32, #tpu.memory_space<vmem_shared>>
      %dma_wait3A_351 = tpu.memref_slice %dma_wait3A_350[%mul3A_16] : memref<10240xf32, #tpu.memory_space<vmem_shared>> -> memref<640xf32, #tpu.memory_space<vmem_shared>>
      %dma_wait3A_352 = arith.constant 0 : i32
      %dma_wait3A_353 = tpu.memref_slice %arg19[%run_scoped3A_73, %dma_wait3A_352] : memref<16x10240xf32, #tpu.memory_space<vmem_shared>> -> memref<1x10240xf32, #tpu.memory_space<vmem_shared>>
      %dma_wait3A_354 = tpu.memref_squeeze %dma_wait3A_353 : memref<1x10240xf32, #tpu.memory_space<vmem_shared>> -> memref<10240xf32, #tpu.memory_space<vmem_shared>>
      %dma_wait3A_355 = tpu.memref_slice %dma_wait3A_354[%mul3A_16] : memref<10240xf32, #tpu.memory_space<vmem_shared>> -> memref<640xf32, #tpu.memory_space<vmem_shared>>
      tpu.wait_dma2 semaphore(%run_scoped3A_341 : memref<!tpu.dma_semaphore, #tpu.memory_space<semaphore_mem>>) src(%dma_wait3A_355 : memref<640xf32, #tpu.memory_space<vmem_shared>>) dst(%arg25 : memref<640xf32, #tpu.memory_space<vmem>>)
      tpu.yield
    }) : () -> ()
    %scan3A_74 = arith.constant 0 : i32
    %scan3A_75 = arith.constant 0 : i32
    %scan3A_76 = arith.constant 40 : i32
    %scan3A_77 = arith.addi %scan3A_75, %scan3A_76 : i32
    %scan3A_78 = arith.constant 1 : i32
    scf.for %scan3A_341 = %scan3A_75 to %scan3A_77 step %scan3A_78  : i32 {
      %mul3A_342 = arith.constant 16 : i32
      %mul3A_343 = arith.muli %scan3A_341, %mul3A_342 : i32
      %get3A = arith.index_cast %mul3A_343 : i32 to index
      %get3A_344 = tpu.vector_load %arg22[%get3A] {strides = array<i32>} : memref<640xf32, #tpu.memory_space<vmem>>, vector<16xf32>,
      %get3A_345 = arith.index_cast %mul3A_343 : i32 to index
      %get3A_346 = tpu.vector_load %arg25[%get3A_345] {strides = array<i32>} : memref<640xf32, #tpu.memory_space<vmem>>, vector<16xf32>,
      %add3A_347 = arith.addf %get3A_344, %get3A_346 : vector<16xf32>
      %swap3A = arith.index_cast %mul3A_343 : i32 to index
      %swap3A_348 = tpu.vector_load %arg22[%swap3A] {strides = array<i32>} : memref<640xf32, #tpu.memory_space<vmem>>, vector<16xf32>,
      tpu.vector_store %arg22[%swap3A], %add3A_347 {strides = array<i32>} : memref<640xf32, #tpu.memory_space<vmem>>, vector<16xf32>,
    }
    %scan3A_79 = arith.constant 40 : i32
    %run_scoped3A_80 = arith.constant 10 : i32
    "tpu.region"() ({
      %run_scoped3A_341 = tpu.sem_alloc : memref<!tpu.dma_semaphore, #tpu.memory_space<semaphore_mem>>
      %dma_start3A = arith.constant 0 : i32
      %dma_start3A_342 = tpu.memref_slice %arg19[%run_scoped3A_80, %dma_start3A] : memref<16x10240xf32, #tpu.memory_space<vmem_shared>> -> memref<1x10240xf32, #tpu.memory_space<vmem_shared>>
      %dma_start3A_343 = tpu.memref_squeeze %dma_start3A_342 : memref<1x10240xf32, #tpu.memory_space<vmem_shared>> -> memref<10240xf32, #tpu.memory_space<vmem_shared>>
      %dma_start3A_344 = tpu.memref_slice %dma_start3A_343[%mul3A_16] : memref<10240xf32, #tpu.memory_space<vmem_shared>> -> memref<640xf32, #tpu.memory_space<vmem_shared>>
      %dma_start3A_345 = arith.constant 0 : i32
      %dma_start3A_346 = tpu.memref_slice %arg19[%run_scoped3A_80, %dma_start3A_345] : memref<16x10240xf32, #tpu.memory_space<vmem_shared>> -> memref<1x10240xf32, #tpu.memory_space<vmem_shared>>
      %dma_start3A_347 = tpu.memref_squeeze %dma_start3A_346 : memref<1x10240xf32, #tpu.memory_space<vmem_shared>> -> memref<10240xf32, #tpu.memory_space<vmem_shared>>
      %dma_start3A_348 = tpu.memref_slice %dma_start3A_347[%mul3A_16] : memref<10240xf32, #tpu.memory_space<vmem_shared>> -> memref<640xf32, #tpu.memory_space<vmem_shared>>
      tpu.enqueue_dma source(%dma_start3A_348 : memref<640xf32, #tpu.memory_space<vmem_shared>>) target(%arg25 : memref<640xf32, #tpu.memory_space<vmem>>) target_semaphore(%run_scoped3A_341 : memref<!tpu.dma_semaphore, #tpu.memory_space<semaphore_mem>>)
      %dma_wait3A = arith.constant 0 : i32
      %dma_wait3A_349 = tpu.memref_slice %arg19[%run_scoped3A_80, %dma_wait3A] : memref<16x10240xf32, #tpu.memory_space<vmem_shared>> -> memref<1x10240xf32, #tpu.memory_space<vmem_shared>>
      %dma_wait3A_350 = tpu.memref_squeeze %dma_wait3A_349 : memref<1x10240xf32, #tpu.memory_space<vmem_shared>> -> memref<10240xf32, #tpu.memory_space<vmem_shared>>
      %dma_wait3A_351 = tpu.memref_slice %dma_wait3A_350[%mul3A_16] : memref<10240xf32, #tpu.memory_space<vmem_shared>> -> memref<640xf32, #tpu.memory_space<vmem_shared>>
      %dma_wait3A_352 = arith.constant 0 : i32
      %dma_wait3A_353 = tpu.memref_slice %arg19[%run_scoped3A_80, %dma_wait3A_352] : memref<16x10240xf32, #tpu.memory_space<vmem_shared>> -> memref<1x10240xf32, #tpu.memory_space<vmem_shared>>
      %dma_wait3A_354 = tpu.memref_squeeze %dma_wait3A_353 : memref<1x10240xf32, #tpu.memory_space<vmem_shared>> -> memref<10240xf32, #tpu.memory_space<vmem_shared>>
      %dma_wait3A_355 = tpu.memref_slice %dma_wait3A_354[%mul3A_16] : memref<10240xf32, #tpu.memory_space<vmem_shared>> -> memref<640xf32, #tpu.memory_space<vmem_shared>>
      tpu.wait_dma2 semaphore(%run_scoped3A_341 : memref<!tpu.dma_semaphore, #tpu.memory_space<semaphore_mem>>) src(%dma_wait3A_355 : memref<640xf32, #tpu.memory_space<vmem_shared>>) dst(%arg25 : memref<640xf32, #tpu.memory_space<vmem>>)
      tpu.yield
    }) : () -> ()
    %scan3A_81 = arith.constant 0 : i32
    %scan3A_82 = arith.constant 0 : i32
    %scan3A_83 = arith.constant 40 : i32
    %scan3A_84 = arith.addi %scan3A_82, %scan3A_83 : i32
    %scan3A_85 = arith.constant 1 : i32
    scf.for %scan3A_341 = %scan3A_82 to %scan3A_84 step %scan3A_85  : i32 {
      %mul3A_342 = arith.constant 16 : i32
      %mul3A_343 = arith.muli %scan3A_341, %mul3A_342 : i32
      %get3A = arith.index_cast %mul3A_343 : i32 to index
      %get3A_344 = tpu.vector_load %arg22[%get3A] {strides = array<i32>} : memref<640xf32, #tpu.memory_space<vmem>>, vector<16xf32>,
      %get3A_345 = arith.index_cast %mul3A_343 : i32 to index
      %get3A_346 = tpu.vector_load %arg25[%get3A_345] {strides = array<i32>} : memref<640xf32, #tpu.memory_space<vmem>>, vector<16xf32>,
      %add3A_347 = arith.addf %get3A_344, %get3A_346 : vector<16xf32>
      %swap3A = arith.index_cast %mul3A_343 : i32 to index
      %swap3A_348 = tpu.vector_load %arg22[%swap3A] {strides = array<i32>} : memref<640xf32, #tpu.memory_space<vmem>>, vector<16xf32>,
      tpu.vector_store %arg22[%swap3A], %add3A_347 {strides = array<i32>} : memref<640xf32, #tpu.memory_space<vmem>>, vector<16xf32>,
    }
    %scan3A_86 = arith.constant 40 : i32
    %run_scoped3A_87 = arith.constant 11 : i32
    "tpu.region"() ({
      %run_scoped3A_341 = tpu.sem_alloc : memref<!tpu.dma_semaphore, #tpu.memory_space<semaphore_mem>>
      %dma_start3A = arith.constant 0 : i32
      %dma_start3A_342 = tpu.memref_slice %arg19[%run_scoped3A_87, %dma_start3A] : memref<16x10240xf32, #tpu.memory_space<vmem_shared>> -> memref<1x10240xf32, #tpu.memory_space<vmem_shared>>
      %dma_start3A_343 = tpu.memref_squeeze %dma_start3A_342 : memref<1x10240xf32, #tpu.memory_space<vmem_shared>> -> memref<10240xf32, #tpu.memory_space<vmem_shared>>
      %dma_start3A_344 = tpu.memref_slice %dma_start3A_343[%mul3A_16] : memref<10240xf32, #tpu.memory_space<vmem_shared>> -> memref<640xf32, #tpu.memory_space<vmem_shared>>
      %dma_start3A_345 = arith.constant 0 : i32
      %dma_start3A_346 = tpu.memref_slice %arg19[%run_scoped3A_87, %dma_start3A_345] : memref<16x10240xf32, #tpu.memory_space<vmem_shared>> -> memref<1x10240xf32, #tpu.memory_space<vmem_shared>>
      %dma_start3A_347 = tpu.memref_squeeze %dma_start3A_346 : memref<1x10240xf32, #tpu.memory_space<vmem_shared>> -> memref<10240xf32, #tpu.memory_space<vmem_shared>>
      %dma_start3A_348 = tpu.memref_slice %dma_start3A_347[%mul3A_16] : memref<10240xf32, #tpu.memory_space<vmem_shared>> -> memref<640xf32, #tpu.memory_space<vmem_shared>>
      tpu.enqueue_dma source(%dma_start3A_348 : memref<640xf32, #tpu.memory_space<vmem_shared>>) target(%arg25 : memref<640xf32, #tpu.memory_space<vmem>>) target_semaphore(%run_scoped3A_341 : memref<!tpu.dma_semaphore, #tpu.memory_space<semaphore_mem>>)
      %dma_wait3A = arith.constant 0 : i32
      %dma_wait3A_349 = tpu.memref_slice %arg19[%run_scoped3A_87, %dma_wait3A] : memref<16x10240xf32, #tpu.memory_space<vmem_shared>> -> memref<1x10240xf32, #tpu.memory_space<vmem_shared>>
      %dma_wait3A_350 = tpu.memref_squeeze %dma_wait3A_349 : memref<1x10240xf32, #tpu.memory_space<vmem_shared>> -> memref<10240xf32, #tpu.memory_space<vmem_shared>>
      %dma_wait3A_351 = tpu.memref_slice %dma_wait3A_350[%mul3A_16] : memref<10240xf32, #tpu.memory_space<vmem_shared>> -> memref<640xf32, #tpu.memory_space<vmem_shared>>
      %dma_wait3A_352 = arith.constant 0 : i32
      %dma_wait3A_353 = tpu.memref_slice %arg19[%run_scoped3A_87, %dma_wait3A_352] : memref<16x10240xf32, #tpu.memory_space<vmem_shared>> -> memref<1x10240xf32, #tpu.memory_space<vmem_shared>>
      %dma_wait3A_354 = tpu.memref_squeeze %dma_wait3A_353 : memref<1x10240xf32, #tpu.memory_space<vmem_shared>> -> memref<10240xf32, #tpu.memory_space<vmem_shared>>
      %dma_wait3A_355 = tpu.memref_slice %dma_wait3A_354[%mul3A_16] : memref<10240xf32, #tpu.memory_space<vmem_shared>> -> memref<640xf32, #tpu.memory_space<vmem_shared>>
      tpu.wait_dma2 semaphore(%run_scoped3A_341 : memref<!tpu.dma_semaphore, #tpu.memory_space<semaphore_mem>>) src(%dma_wait3A_355 : memref<640xf32, #tpu.memory_space<vmem_shared>>) dst(%arg25 : memref<640xf32, #tpu.memory_space<vmem>>)
      tpu.yield
    }) : () -> ()
    %scan3A_88 = arith.constant 0 : i32
    %scan3A_89 = arith.constant 0 : i32
    %scan3A_90 = arith.constant 40 : i32
    %scan3A_91 = arith.addi %scan3A_89, %scan3A_90 : i32
    %scan3A_92 = arith.constant 1 : i32
    scf.for %scan3A_341 = %scan3A_89 to %scan3A_91 step %scan3A_92  : i32 {
      %mul3A_342 = arith.constant 16 : i32
      %mul3A_343 = arith.muli %scan3A_341, %mul3A_342 : i32
      %get3A = arith.index_cast %mul3A_343 : i32 to index
      %get3A_344 = tpu.vector_load %arg22[%get3A] {strides = array<i32>} : memref<640xf32, #tpu.memory_space<vmem>>, vector<16xf32>,
      %get3A_345 = arith.index_cast %mul3A_343 : i32 to index
      %get3A_346 = tpu.vector_load %arg25[%get3A_345] {strides = array<i32>} : memref<640xf32, #tpu.memory_space<vmem>>, vector<16xf32>,
      %add3A_347 = arith.addf %get3A_344, %get3A_346 : vector<16xf32>
      %swap3A = arith.index_cast %mul3A_343 : i32 to index
      %swap3A_348 = tpu.vector_load %arg22[%swap3A] {strides = array<i32>} : memref<640xf32, #tpu.memory_space<vmem>>, vector<16xf32>,
      tpu.vector_store %arg22[%swap3A], %add3A_347 {strides = array<i32>} : memref<640xf32, #tpu.memory_space<vmem>>, vector<16xf32>,
    }
    %scan3A_93 = arith.constant 40 : i32
    %run_scoped3A_94 = arith.constant 12 : i32
    "tpu.region"() ({
      %run_scoped3A_341 = tpu.sem_alloc : memref<!tpu.dma_semaphore, #tpu.memory_space<semaphore_mem>>
      %dma_start3A = arith.constant 0 : i32
      %dma_start3A_342 = tpu.memref_slice %arg19[%run_scoped3A_94, %dma_start3A] : memref<16x10240xf32, #tpu.memory_space<vmem_shared>> -> memref<1x10240xf32, #tpu.memory_space<vmem_shared>>
      %dma_start3A_343 = tpu.memref_squeeze %dma_start3A_342 : memref<1x10240xf32, #tpu.memory_space<vmem_shared>> -> memref<10240xf32, #tpu.memory_space<vmem_shared>>
      %dma_start3A_344 = tpu.memref_slice %dma_start3A_343[%mul3A_16] : memref<10240xf32, #tpu.memory_space<vmem_shared>> -> memref<640xf32, #tpu.memory_space<vmem_shared>>
      %dma_start3A_345 = arith.constant 0 : i32
      %dma_start3A_346 = tpu.memref_slice %arg19[%run_scoped3A_94, %dma_start3A_345] : memref<16x10240xf32, #tpu.memory_space<vmem_shared>> -> memref<1x10240xf32, #tpu.memory_space<vmem_shared>>
      %dma_start3A_347 = tpu.memref_squeeze %dma_start3A_346 : memref<1x10240xf32, #tpu.memory_space<vmem_shared>> -> memref<10240xf32, #tpu.memory_space<vmem_shared>>
      %dma_start3A_348 = tpu.memref_slice %dma_start3A_347[%mul3A_16] : memref<10240xf32, #tpu.memory_space<vmem_shared>> -> memref<640xf32, #tpu.memory_space<vmem_shared>>
      tpu.enqueue_dma source(%dma_start3A_348 : memref<640xf32, #tpu.memory_space<vmem_shared>>) target(%arg25 : memref<640xf32, #tpu.memory_space<vmem>>) target_semaphore(%run_scoped3A_341 : memref<!tpu.dma_semaphore, #tpu.memory_space<semaphore_mem>>)
      %dma_wait3A = arith.constant 0 : i32
      %dma_wait3A_349 = tpu.memref_slice %arg19[%run_scoped3A_94, %dma_wait3A] : memref<16x10240xf32, #tpu.memory_space<vmem_shared>> -> memref<1x10240xf32, #tpu.memory_space<vmem_shared>>
      %dma_wait3A_350 = tpu.memref_squeeze %dma_wait3A_349 : memref<1x10240xf32, #tpu.memory_space<vmem_shared>> -> memref<10240xf32, #tpu.memory_space<vmem_shared>>
      %dma_wait3A_351 = tpu.memref_slice %dma_wait3A_350[%mul3A_16] : memref<10240xf32, #tpu.memory_space<vmem_shared>> -> memref<640xf32, #tpu.memory_space<vmem_shared>>
      %dma_wait3A_352 = arith.constant 0 : i32
      %dma_wait3A_353 = tpu.memref_slice %arg19[%run_scoped3A_94, %dma_wait3A_352] : memref<16x10240xf32, #tpu.memory_space<vmem_shared>> -> memref<1x10240xf32, #tpu.memory_space<vmem_shared>>
      %dma_wait3A_354 = tpu.memref_squeeze %dma_wait3A_353 : memref<1x10240xf32, #tpu.memory_space<vmem_shared>> -> memref<10240xf32, #tpu.memory_space<vmem_shared>>
      %dma_wait3A_355 = tpu.memref_slice %dma_wait3A_354[%mul3A_16] : memref<10240xf32, #tpu.memory_space<vmem_shared>> -> memref<640xf32, #tpu.memory_space<vmem_shared>>
      tpu.wait_dma2 semaphore(%run_scoped3A_341 : memref<!tpu.dma_semaphore, #tpu.memory_space<semaphore_mem>>) src(%dma_wait3A_355 : memref<640xf32, #tpu.memory_space<vmem_shared>>) dst(%arg25 : memref<640xf32, #tpu.memory_space<vmem>>)
      tpu.yield
    }) : () -> ()
    %scan3A_95 = arith.constant 0 : i32
    %scan3A_96 = arith.constant 0 : i32
    %scan3A_97 = arith.constant 40 : i32
    %scan3A_98 = arith.addi %scan3A_96, %scan3A_97 : i32
    %scan3A_99 = arith.constant 1 : i32
    scf.for %scan3A_341 = %scan3A_96 to %scan3A_98 step %scan3A_99  : i32 {
      %mul3A_342 = arith.constant 16 : i32
      %mul3A_343 = arith.muli %scan3A_341, %mul3A_342 : i32
      %get3A = arith.index_cast %mul3A_343 : i32 to index
      %get3A_344 = tpu.vector_load %arg22[%get3A] {strides = array<i32>} : memref<640xf32, #tpu.memory_space<vmem>>, vector<16xf32>,
      %get3A_345 = arith.index_cast %mul3A_343 : i32 to index
      %get3A_346 = tpu.vector_load %arg25[%get3A_345] {strides = array<i32>} : memref<640xf32, #tpu.memory_space<vmem>>, vector<16xf32>,
      %add3A_347 = arith.addf %get3A_344, %get3A_346 : vector<16xf32>
      %swap3A = arith.index_cast %mul3A_343 : i32 to index
      %swap3A_348 = tpu.vector_load %arg22[%swap3A] {strides = array<i32>} : memref<640xf32, #tpu.memory_space<vmem>>, vector<16xf32>,
      tpu.vector_store %arg22[%swap3A], %add3A_347 {strides = array<i32>} : memref<640xf32, #tpu.memory_space<vmem>>, vector<16xf32>,
    }
    %scan3A_100 = arith.constant 40 : i32
    %run_scoped3A_101 = arith.constant 13 : i32
    "tpu.region"() ({
      %run_scoped3A_341 = tpu.sem_alloc : memref<!tpu.dma_semaphore, #tpu.memory_space<semaphore_mem>>
      %dma_start3A = arith.constant 0 : i32
      %dma_start3A_342 = tpu.memref_slice %arg19[%run_scoped3A_101, %dma_start3A] : memref<16x10240xf32, #tpu.memory_space<vmem_shared>> -> memref<1x10240xf32, #tpu.memory_space<vmem_shared>>
      %dma_start3A_343 = tpu.memref_squeeze %dma_start3A_342 : memref<1x10240xf32, #tpu.memory_space<vmem_shared>> -> memref<10240xf32, #tpu.memory_space<vmem_shared>>
      %dma_start3A_344 = tpu.memref_slice %dma_start3A_343[%mul3A_16] : memref<10240xf32, #tpu.memory_space<vmem_shared>> -> memref<640xf32, #tpu.memory_space<vmem_shared>>
      %dma_start3A_345 = arith.constant 0 : i32
      %dma_start3A_346 = tpu.memref_slice %arg19[%run_scoped3A_101, %dma_start3A_345] : memref<16x10240xf32, #tpu.memory_space<vmem_shared>> -> memref<1x10240xf32, #tpu.memory_space<vmem_shared>>
      %dma_start3A_347 = tpu.memref_squeeze %dma_start3A_346 : memref<1x10240xf32, #tpu.memory_space<vmem_shared>> -> memref<10240xf32, #tpu.memory_space<vmem_shared>>
      %dma_start3A_348 = tpu.memref_slice %dma_start3A_347[%mul3A_16] : memref<10240xf32, #tpu.memory_space<vmem_shared>> -> memref<640xf32, #tpu.memory_space<vmem_shared>>
      tpu.enqueue_dma source(%dma_start3A_348 : memref<640xf32, #tpu.memory_space<vmem_shared>>) target(%arg25 : memref<640xf32, #tpu.memory_space<vmem>>) target_semaphore(%run_scoped3A_341 : memref<!tpu.dma_semaphore, #tpu.memory_space<semaphore_mem>>)
      %dma_wait3A = arith.constant 0 : i32
      %dma_wait3A_349 = tpu.memref_slice %arg19[%run_scoped3A_101, %dma_wait3A] : memref<16x10240xf32, #tpu.memory_space<vmem_shared>> -> memref<1x10240xf32, #tpu.memory_space<vmem_shared>>
      %dma_wait3A_350 = tpu.memref_squeeze %dma_wait3A_349 : memref<1x10240xf32, #tpu.memory_space<vmem_shared>> -> memref<10240xf32, #tpu.memory_space<vmem_shared>>
      %dma_wait3A_351 = tpu.memref_slice %dma_wait3A_350[%mul3A_16] : memref<10240xf32, #tpu.memory_space<vmem_shared>> -> memref<640xf32, #tpu.memory_space<vmem_shared>>
      %dma_wait3A_352 = arith.constant 0 : i32
      %dma_wait3A_353 = tpu.memref_slice %arg19[%run_scoped3A_101, %dma_wait3A_352] : memref<16x10240xf32, #tpu.memory_space<vmem_shared>> -> memref<1x10240xf32, #tpu.memory_space<vmem_shared>>
      %dma_wait3A_354 = tpu.memref_squeeze %dma_wait3A_353 : memref<1x10240xf32, #tpu.memory_space<vmem_shared>> -> memref<10240xf32, #tpu.memory_space<vmem_shared>>
      %dma_wait3A_355 = tpu.memref_slice %dma_wait3A_354[%mul3A_16] : memref<10240xf32, #tpu.memory_space<vmem_shared>> -> memref<640xf32, #tpu.memory_space<vmem_shared>>
      tpu.wait_dma2 semaphore(%run_scoped3A_341 : memref<!tpu.dma_semaphore, #tpu.memory_space<semaphore_mem>>) src(%dma_wait3A_355 : memref<640xf32, #tpu.memory_space<vmem_shared>>) dst(%arg25 : memref<640xf32, #tpu.memory_space<vmem>>)
      tpu.yield
    }) : () -> ()
    %scan3A_102 = arith.constant 0 : i32
    %scan3A_103 = arith.constant 0 : i32
    %scan3A_104 = arith.constant 40 : i32
    %scan3A_105 = arith.addi %scan3A_103, %scan3A_104 : i32
    %scan3A_106 = arith.constant 1 : i32
    scf.for %scan3A_341 = %scan3A_103 to %scan3A_105 step %scan3A_106  : i32 {
      %mul3A_342 = arith.constant 16 : i32
      %mul3A_343 = arith.muli %scan3A_341, %mul3A_342 : i32
      %get3A = arith.index_cast %mul3A_343 : i32 to index
      %get3A_344 = tpu.vector_load %arg22[%get3A] {strides = array<i32>} : memref<640xf32, #tpu.memory_space<vmem>>, vector<16xf32>,
      %get3A_345 = arith.index_cast %mul3A_343 : i32 to index
      %get3A_346 = tpu.vector_load %arg25[%get3A_345] {strides = array<i32>} : memref<640xf32, #tpu.memory_space<vmem>>, vector<16xf32>,
      %add3A_347 = arith.addf %get3A_344, %get3A_346 : vector<16xf32>
      %swap3A = arith.index_cast %mul3A_343 : i32 to index
      %swap3A_348 = tpu.vector_load %arg22[%swap3A] {strides = array<i32>} : memref<640xf32, #tpu.memory_space<vmem>>, vector<16xf32>,
      tpu.vector_store %arg22[%swap3A], %add3A_347 {strides = array<i32>} : memref<640xf32, #tpu.memory_space<vmem>>, vector<16xf32>,
    }
    %scan3A_107 = arith.constant 40 : i32
    %run_scoped3A_108 = arith.constant 14 : i32
    "tpu.region"() ({
      %run_scoped3A_341 = tpu.sem_alloc : memref<!tpu.dma_semaphore, #tpu.memory_space<semaphore_mem>>
      %dma_start3A = arith.constant 0 : i32
      %dma_start3A_342 = tpu.memref_slice %arg19[%run_scoped3A_108, %dma_start3A] : memref<16x10240xf32, #tpu.memory_space<vmem_shared>> -> memref<1x10240xf32, #tpu.memory_space<vmem_shared>>
      %dma_start3A_343 = tpu.memref_squeeze %dma_start3A_342 : memref<1x10240xf32, #tpu.memory_space<vmem_shared>> -> memref<10240xf32, #tpu.memory_space<vmem_shared>>
      %dma_start3A_344 = tpu.memref_slice %dma_start3A_343[%mul3A_16] : memref<10240xf32, #tpu.memory_space<vmem_shared>> -> memref<640xf32, #tpu.memory_space<vmem_shared>>
      %dma_start3A_345 = arith.constant 0 : i32
      %dma_start3A_346 = tpu.memref_slice %arg19[%run_scoped3A_108, %dma_start3A_345] : memref<16x10240xf32, #tpu.memory_space<vmem_shared>> -> memref<1x10240xf32, #tpu.memory_space<vmem_shared>>
      %dma_start3A_347 = tpu.memref_squeeze %dma_start3A_346 : memref<1x10240xf32, #tpu.memory_space<vmem_shared>> -> memref<10240xf32, #tpu.memory_space<vmem_shared>>
      %dma_start3A_348 = tpu.memref_slice %dma_start3A_347[%mul3A_16] : memref<10240xf32, #tpu.memory_space<vmem_shared>> -> memref<640xf32, #tpu.memory_space<vmem_shared>>
      tpu.enqueue_dma source(%dma_start3A_348 : memref<640xf32, #tpu.memory_space<vmem_shared>>) target(%arg25 : memref<640xf32, #tpu.memory_space<vmem>>) target_semaphore(%run_scoped3A_341 : memref<!tpu.dma_semaphore, #tpu.memory_space<semaphore_mem>>)
      %dma_wait3A = arith.constant 0 : i32
      %dma_wait3A_349 = tpu.memref_slice %arg19[%run_scoped3A_108, %dma_wait3A] : memref<16x10240xf32, #tpu.memory_space<vmem_shared>> -> memref<1x10240xf32, #tpu.memory_space<vmem_shared>>
      %dma_wait3A_350 = tpu.memref_squeeze %dma_wait3A_349 : memref<1x10240xf32, #tpu.memory_space<vmem_shared>> -> memref<10240xf32, #tpu.memory_space<vmem_shared>>
      %dma_wait3A_351 = tpu.memref_slice %dma_wait3A_350[%mul3A_16] : memref<10240xf32, #tpu.memory_space<vmem_shared>> -> memref<640xf32, #tpu.memory_space<vmem_shared>>
      %dma_wait3A_352 = arith.constant 0 : i32
      %dma_wait3A_353 = tpu.memref_slice %arg19[%run_scoped3A_108, %dma_wait3A_352] : memref<16x10240xf32, #tpu.memory_space<vmem_shared>> -> memref<1x10240xf32, #tpu.memory_space<vmem_shared>>
      %dma_wait3A_354 = tpu.memref_squeeze %dma_wait3A_353 : memref<1x10240xf32, #tpu.memory_space<vmem_shared>> -> memref<10240xf32, #tpu.memory_space<vmem_shared>>
      %dma_wait3A_355 = tpu.memref_slice %dma_wait3A_354[%mul3A_16] : memref<10240xf32, #tpu.memory_space<vmem_shared>> -> memref<640xf32, #tpu.memory_space<vmem_shared>>
      tpu.wait_dma2 semaphore(%run_scoped3A_341 : memref<!tpu.dma_semaphore, #tpu.memory_space<semaphore_mem>>) src(%dma_wait3A_355 : memref<640xf32, #tpu.memory_space<vmem_shared>>) dst(%arg25 : memref<640xf32, #tpu.memory_space<vmem>>)
      tpu.yield
    }) : () -> ()
    %scan3A_109 = arith.constant 0 : i32
    %scan3A_110 = arith.constant 0 : i32
    %scan3A_111 = arith.constant 40 : i32
    %scan3A_112 = arith.addi %scan3A_110, %scan3A_111 : i32
    %scan3A_113 = arith.constant 1 : i32
    scf.for %scan3A_341 = %scan3A_110 to %scan3A_112 step %scan3A_113  : i32 {
      %mul3A_342 = arith.constant 16 : i32
      %mul3A_343 = arith.muli %scan3A_341, %mul3A_342 : i32
      %get3A = arith.index_cast %mul3A_343 : i32 to index
      %get3A_344 = tpu.vector_load %arg22[%get3A] {strides = array<i32>} : memref<640xf32, #tpu.memory_space<vmem>>, vector<16xf32>,
      %get3A_345 = arith.index_cast %mul3A_343 : i32 to index
      %get3A_346 = tpu.vector_load %arg25[%get3A_345] {strides = array<i32>} : memref<640xf32, #tpu.memory_space<vmem>>, vector<16xf32>,
      %add3A_347 = arith.addf %get3A_344, %get3A_346 : vector<16xf32>
      %swap3A = arith.index_cast %mul3A_343 : i32 to index
      %swap3A_348 = tpu.vector_load %arg22[%swap3A] {strides = array<i32>} : memref<640xf32, #tpu.memory_space<vmem>>, vector<16xf32>,
      tpu.vector_store %arg22[%swap3A], %add3A_347 {strides = array<i32>} : memref<640xf32, #tpu.memory_space<vmem>>, vector<16xf32>,
    }
    %scan3A_114 = arith.constant 40 : i32
    %run_scoped3A_115 = arith.constant 15 : i32
    "tpu.region"() ({
      %run_scoped3A_341 = tpu.sem_alloc : memref<!tpu.dma_semaphore, #tpu.memory_space<semaphore_mem>>
      %dma_start3A = arith.constant 0 : i32
      %dma_start3A_342 = tpu.memref_slice %arg19[%run_scoped3A_115, %dma_start3A] : memref<16x10240xf32, #tpu.memory_space<vmem_shared>> -> memref<1x10240xf32, #tpu.memory_space<vmem_shared>>
      %dma_start3A_343 = tpu.memref_squeeze %dma_start3A_342 : memref<1x10240xf32, #tpu.memory_space<vmem_shared>> -> memref<10240xf32, #tpu.memory_space<vmem_shared>>
      %dma_start3A_344 = tpu.memref_slice %dma_start3A_343[%mul3A_16] : memref<10240xf32, #tpu.memory_space<vmem_shared>> -> memref<640xf32, #tpu.memory_space<vmem_shared>>
      %dma_start3A_345 = arith.constant 0 : i32
      %dma_start3A_346 = tpu.memref_slice %arg19[%run_scoped3A_115, %dma_start3A_345] : memref<16x10240xf32, #tpu.memory_space<vmem_shared>> -> memref<1x10240xf32, #tpu.memory_space<vmem_shared>>
      %dma_start3A_347 = tpu.memref_squeeze %dma_start3A_346 : memref<1x10240xf32, #tpu.memory_space<vmem_shared>> -> memref<10240xf32, #tpu.memory_space<vmem_shared>>
      %dma_start3A_348 = tpu.memref_slice %dma_start3A_347[%mul3A_16] : memref<10240xf32, #tpu.memory_space<vmem_shared>> -> memref<640xf32, #tpu.memory_space<vmem_shared>>
      tpu.enqueue_dma source(%dma_start3A_348 : memref<640xf32, #tpu.memory_space<vmem_shared>>) target(%arg25 : memref<640xf32, #tpu.memory_space<vmem>>) target_semaphore(%run_scoped3A_341 : memref<!tpu.dma_semaphore, #tpu.memory_space<semaphore_mem>>)
      %dma_wait3A = arith.constant 0 : i32
      %dma_wait3A_349 = tpu.memref_slice %arg19[%run_scoped3A_115, %dma_wait3A] : memref<16x10240xf32, #tpu.memory_space<vmem_shared>> -> memref<1x10240xf32, #tpu.memory_space<vmem_shared>>
      %dma_wait3A_350 = tpu.memref_squeeze %dma_wait3A_349 : memref<1x10240xf32, #tpu.memory_space<vmem_shared>> -> memref<10240xf32, #tpu.memory_space<vmem_shared>>
      %dma_wait3A_351 = tpu.memref_slice %dma_wait3A_350[%mul3A_16] : memref<10240xf32, #tpu.memory_space<vmem_shared>> -> memref<640xf32, #tpu.memory_space<vmem_shared>>
      %dma_wait3A_352 = arith.constant 0 : i32
      %dma_wait3A_353 = tpu.memref_slice %arg19[%run_scoped3A_115, %dma_wait3A_352] : memref<16x10240xf32, #tpu.memory_space<vmem_shared>> -> memref<1x10240xf32, #tpu.memory_space<vmem_shared>>
      %dma_wait3A_354 = tpu.memref_squeeze %dma_wait3A_353 : memref<1x10240xf32, #tpu.memory_space<vmem_shared>> -> memref<10240xf32, #tpu.memory_space<vmem_shared>>
      %dma_wait3A_355 = tpu.memref_slice %dma_wait3A_354[%mul3A_16] : memref<10240xf32, #tpu.memory_space<vmem_shared>> -> memref<640xf32, #tpu.memory_space<vmem_shared>>
      tpu.wait_dma2 semaphore(%run_scoped3A_341 : memref<!tpu.dma_semaphore, #tpu.memory_space<semaphore_mem>>) src(%dma_wait3A_355 : memref<640xf32, #tpu.memory_space<vmem_shared>>) dst(%arg25 : memref<640xf32, #tpu.memory_space<vmem>>)
      tpu.yield
    }) : () -> ()
    %scan3A_116 = arith.constant 0 : i32
    %scan3A_117 = arith.constant 0 : i32
    %scan3A_118 = arith.constant 40 : i32
    %scan3A_119 = arith.addi %scan3A_117, %scan3A_118 : i32
    %scan3A_120 = arith.constant 1 : i32
    scf.for %scan3A_341 = %scan3A_117 to %scan3A_119 step %scan3A_120  : i32 {
      %mul3A_342 = arith.constant 16 : i32
      %mul3A_343 = arith.muli %scan3A_341, %mul3A_342 : i32
      %get3A = arith.index_cast %mul3A_343 : i32 to index
      %get3A_344 = tpu.vector_load %arg22[%get3A] {strides = array<i32>} : memref<640xf32, #tpu.memory_space<vmem>>, vector<16xf32>,
      %get3A_345 = arith.index_cast %mul3A_343 : i32 to index
      %get3A_346 = tpu.vector_load %arg25[%get3A_345] {strides = array<i32>} : memref<640xf32, #tpu.memory_space<vmem>>, vector<16xf32>,
      %add3A_347 = arith.addf %get3A_344, %get3A_346 : vector<16xf32>
      %swap3A = arith.index_cast %mul3A_343 : i32 to index
      %swap3A_348 = tpu.vector_load %arg22[%swap3A] {strides = array<i32>} : memref<640xf32, #tpu.memory_space<vmem>>, vector<16xf32>,
      tpu.vector_store %arg22[%swap3A], %add3A_347 {strides = array<i32>} : memref<640xf32, #tpu.memory_space<vmem>>, vector<16xf32>,
    }
    %scan3A_121 = arith.constant 40 : i32
    %run_scoped3A_122 = arith.constant 0 : i32
    "tpu.region"() ({
      %run_scoped3A_341 = tpu.sem_alloc : memref<!tpu.dma_semaphore, #tpu.memory_space<semaphore_mem>>
      %dma_start3A = arith.constant 0 : i32
      %dma_start3A_342 = tpu.memref_slice %arg20[%run_scoped3A_122, %dma_start3A] : memref<16x10240xf32, #tpu.memory_space<vmem_shared>> -> memref<1x10240xf32, #tpu.memory_space<vmem_shared>>
      %dma_start3A_343 = tpu.memref_squeeze %dma_start3A_342 : memref<1x10240xf32, #tpu.memory_space<vmem_shared>> -> memref<10240xf32, #tpu.memory_space<vmem_shared>>
      %dma_start3A_344 = tpu.memref_slice %dma_start3A_343[%mul3A_16] : memref<10240xf32, #tpu.memory_space<vmem_shared>> -> memref<640xf32, #tpu.memory_space<vmem_shared>>
      %dma_start3A_345 = arith.constant 0 : i32
      %dma_start3A_346 = tpu.memref_slice %arg20[%run_scoped3A_122, %dma_start3A_345] : memref<16x10240xf32, #tpu.memory_space<vmem_shared>> -> memref<1x10240xf32, #tpu.memory_space<vmem_shared>>
      %dma_start3A_347 = tpu.memref_squeeze %dma_start3A_346 : memref<1x10240xf32, #tpu.memory_space<vmem_shared>> -> memref<10240xf32, #tpu.memory_space<vmem_shared>>
      %dma_start3A_348 = tpu.memref_slice %dma_start3A_347[%mul3A_16] : memref<10240xf32, #tpu.memory_space<vmem_shared>> -> memref<640xf32, #tpu.memory_space<vmem_shared>>
      tpu.enqueue_dma source(%dma_start3A_348 : memref<640xf32, #tpu.memory_space<vmem_shared>>) target(%arg23 : memref<640xf32, #tpu.memory_space<vmem>>) target_semaphore(%run_scoped3A_341 : memref<!tpu.dma_semaphore, #tpu.memory_space<semaphore_mem>>)
      %dma_wait3A = arith.constant 0 : i32
      %dma_wait3A_349 = tpu.memref_slice %arg20[%run_scoped3A_122, %dma_wait3A] : memref<16x10240xf32, #tpu.memory_space<vmem_shared>> -> memref<1x10240xf32, #tpu.memory_space<vmem_shared>>
      %dma_wait3A_350 = tpu.memref_squeeze %dma_wait3A_349 : memref<1x10240xf32, #tpu.memory_space<vmem_shared>> -> memref<10240xf32, #tpu.memory_space<vmem_shared>>
      %dma_wait3A_351 = tpu.memref_slice %dma_wait3A_350[%mul3A_16] : memref<10240xf32, #tpu.memory_space<vmem_shared>> -> memref<640xf32, #tpu.memory_space<vmem_shared>>
      %dma_wait3A_352 = arith.constant 0 : i32
      %dma_wait3A_353 = tpu.memref_slice %arg20[%run_scoped3A_122, %dma_wait3A_352] : memref<16x10240xf32, #tpu.memory_space<vmem_shared>> -> memref<1x10240xf32, #tpu.memory_space<vmem_shared>>
      %dma_wait3A_354 = tpu.memref_squeeze %dma_wait3A_353 : memref<1x10240xf32, #tpu.memory_space<vmem_shared>> -> memref<10240xf32, #tpu.memory_space<vmem_shared>>
      %dma_wait3A_355 = tpu.memref_slice %dma_wait3A_354[%mul3A_16] : memref<10240xf32, #tpu.memory_space<vmem_shared>> -> memref<640xf32, #tpu.memory_space<vmem_shared>>
      tpu.wait_dma2 semaphore(%run_scoped3A_341 : memref<!tpu.dma_semaphore, #tpu.memory_space<semaphore_mem>>) src(%dma_wait3A_355 : memref<640xf32, #tpu.memory_space<vmem_shared>>) dst(%arg23 : memref<640xf32, #tpu.memory_space<vmem>>)
      tpu.yield
    }) : () -> ()
    %run_scoped3A_123 = arith.constant 1 : i32
    "tpu.region"() ({
      %run_scoped3A_341 = tpu.sem_alloc : memref<!tpu.dma_semaphore, #tpu.memory_space<semaphore_mem>>
      %dma_start3A = arith.constant 0 : i32
      %dma_start3A_342 = tpu.memref_slice %arg20[%run_scoped3A_123, %dma_start3A] : memref<16x10240xf32, #tpu.memory_space<vmem_shared>> -> memref<1x10240xf32, #tpu.memory_space<vmem_shared>>
      %dma_start3A_343 = tpu.memref_squeeze %dma_start3A_342 : memref<1x10240xf32, #tpu.memory_space<vmem_shared>> -> memref<10240xf32, #tpu.memory_space<vmem_shared>>
      %dma_start3A_344 = tpu.memref_slice %dma_start3A_343[%mul3A_16] : memref<10240xf32, #tpu.memory_space<vmem_shared>> -> memref<640xf32, #tpu.memory_space<vmem_shared>>
      %dma_start3A_345 = arith.constant 0 : i32
      %dma_start3A_346 = tpu.memref_slice %arg20[%run_scoped3A_123, %dma_start3A_345] : memref<16x10240xf32, #tpu.memory_space<vmem_shared>> -> memref<1x10240xf32, #tpu.memory_space<vmem_shared>>
      %dma_start3A_347 = tpu.memref_squeeze %dma_start3A_346 : memref<1x10240xf32, #tpu.memory_space<vmem_shared>> -> memref<10240xf32, #tpu.memory_space<vmem_shared>>
      %dma_start3A_348 = tpu.memref_slice %dma_start3A_347[%mul3A_16] : memref<10240xf32, #tpu.memory_space<vmem_shared>> -> memref<640xf32, #tpu.memory_space<vmem_shared>>
      tpu.enqueue_dma source(%dma_start3A_348 : memref<640xf32, #tpu.memory_space<vmem_shared>>) target(%arg25 : memref<640xf32, #tpu.memory_space<vmem>>) target_semaphore(%run_scoped3A_341 : memref<!tpu.dma_semaphore, #tpu.memory_space<semaphore_mem>>)
      %dma_wait3A = arith.constant 0 : i32
      %dma_wait3A_349 = tpu.memref_slice %arg20[%run_scoped3A_123, %dma_wait3A] : memref<16x10240xf32, #tpu.memory_space<vmem_shared>> -> memref<1x10240xf32, #tpu.memory_space<vmem_shared>>
      %dma_wait3A_350 = tpu.memref_squeeze %dma_wait3A_349 : memref<1x10240xf32, #tpu.memory_space<vmem_shared>> -> memref<10240xf32, #tpu.memory_space<vmem_shared>>
      %dma_wait3A_351 = tpu.memref_slice %dma_wait3A_350[%mul3A_16] : memref<10240xf32, #tpu.memory_space<vmem_shared>> -> memref<640xf32, #tpu.memory_space<vmem_shared>>
      %dma_wait3A_352 = arith.constant 0 : i32
      %dma_wait3A_353 = tpu.memref_slice %arg20[%run_scoped3A_123, %dma_wait3A_352] : memref<16x10240xf32, #tpu.memory_space<vmem_shared>> -> memref<1x10240xf32, #tpu.memory_space<vmem_shared>>
      %dma_wait3A_354 = tpu.memref_squeeze %dma_wait3A_353 : memref<1x10240xf32, #tpu.memory_space<vmem_shared>> -> memref<10240xf32, #tpu.memory_space<vmem_shared>>
      %dma_wait3A_355 = tpu.memref_slice %dma_wait3A_354[%mul3A_16] : memref<10240xf32, #tpu.memory_space<vmem_shared>> -> memref<640xf32, #tpu.memory_space<vmem_shared>>
      tpu.wait_dma2 semaphore(%run_scoped3A_341 : memref<!tpu.dma_semaphore, #tpu.memory_space<semaphore_mem>>) src(%dma_wait3A_355 : memref<640xf32, #tpu.memory_space<vmem_shared>>) dst(%arg25 : memref<640xf32, #tpu.memory_space<vmem>>)
      tpu.yield
    }) : () -> ()
    %scan3A_124 = arith.constant 0 : i32
    %scan3A_125 = arith.constant 0 : i32
    %scan3A_126 = arith.constant 40 : i32
    %scan3A_127 = arith.addi %scan3A_125, %scan3A_126 : i32
    %scan3A_128 = arith.constant 1 : i32
    scf.for %scan3A_341 = %scan3A_125 to %scan3A_127 step %scan3A_128  : i32 {
      %mul3A_342 = arith.constant 16 : i32
      %mul3A_343 = arith.muli %scan3A_341, %mul3A_342 : i32
      %get3A = arith.index_cast %mul3A_343 : i32 to index
      %get3A_344 = tpu.vector_load %arg23[%get3A] {strides = array<i32>} : memref<640xf32, #tpu.memory_space<vmem>>, vector<16xf32>,
      %get3A_345 = arith.index_cast %mul3A_343 : i32 to index
      %get3A_346 = tpu.vector_load %arg25[%get3A_345] {strides = array<i32>} : memref<640xf32, #tpu.memory_space<vmem>>, vector<16xf32>,
      %add3A_347 = arith.addf %get3A_344, %get3A_346 : vector<16xf32>
      %swap3A = arith.index_cast %mul3A_343 : i32 to index
      %swap3A_348 = tpu.vector_load %arg23[%swap3A] {strides = array<i32>} : memref<640xf32, #tpu.memory_space<vmem>>, vector<16xf32>,
      tpu.vector_store %arg23[%swap3A], %add3A_347 {strides = array<i32>} : memref<640xf32, #tpu.memory_space<vmem>>, vector<16xf32>,
    }
    %scan3A_129 = arith.constant 40 : i32
    %run_scoped3A_130 = arith.constant 2 : i32
    "tpu.region"() ({
      %run_scoped3A_341 = tpu.sem_alloc : memref<!tpu.dma_semaphore, #tpu.memory_space<semaphore_mem>>
      %dma_start3A = arith.constant 0 : i32
      %dma_start3A_342 = tpu.memref_slice %arg20[%run_scoped3A_130, %dma_start3A] : memref<16x10240xf32, #tpu.memory_space<vmem_shared>> -> memref<1x10240xf32, #tpu.memory_space<vmem_shared>>
      %dma_start3A_343 = tpu.memref_squeeze %dma_start3A_342 : memref<1x10240xf32, #tpu.memory_space<vmem_shared>> -> memref<10240xf32, #tpu.memory_space<vmem_shared>>
      %dma_start3A_344 = tpu.memref_slice %dma_start3A_343[%mul3A_16] : memref<10240xf32, #tpu.memory_space<vmem_shared>> -> memref<640xf32, #tpu.memory_space<vmem_shared>>
      %dma_start3A_345 = arith.constant 0 : i32
      %dma_start3A_346 = tpu.memref_slice %arg20[%run_scoped3A_130, %dma_start3A_345] : memref<16x10240xf32, #tpu.memory_space<vmem_shared>> -> memref<1x10240xf32, #tpu.memory_space<vmem_shared>>
      %dma_start3A_347 = tpu.memref_squeeze %dma_start3A_346 : memref<1x10240xf32, #tpu.memory_space<vmem_shared>> -> memref<10240xf32, #tpu.memory_space<vmem_shared>>
      %dma_start3A_348 = tpu.memref_slice %dma_start3A_347[%mul3A_16] : memref<10240xf32, #tpu.memory_space<vmem_shared>> -> memref<640xf32, #tpu.memory_space<vmem_shared>>
      tpu.enqueue_dma source(%dma_start3A_348 : memref<640xf32, #tpu.memory_space<vmem_shared>>) target(%arg25 : memref<640xf32, #tpu.memory_space<vmem>>) target_semaphore(%run_scoped3A_341 : memref<!tpu.dma_semaphore, #tpu.memory_space<semaphore_mem>>)
      %dma_wait3A = arith.constant 0 : i32
      %dma_wait3A_349 = tpu.memref_slice %arg20[%run_scoped3A_130, %dma_wait3A] : memref<16x10240xf32, #tpu.memory_space<vmem_shared>> -> memref<1x10240xf32, #tpu.memory_space<vmem_shared>>
      %dma_wait3A_350 = tpu.memref_squeeze %dma_wait3A_349 : memref<1x10240xf32, #tpu.memory_space<vmem_shared>> -> memref<10240xf32, #tpu.memory_space<vmem_shared>>
      %dma_wait3A_351 = tpu.memref_slice %dma_wait3A_350[%mul3A_16] : memref<10240xf32, #tpu.memory_space<vmem_shared>> -> memref<640xf32, #tpu.memory_space<vmem_shared>>
      %dma_wait3A_352 = arith.constant 0 : i32
      %dma_wait3A_353 = tpu.memref_slice %arg20[%run_scoped3A_130, %dma_wait3A_352] : memref<16x10240xf32, #tpu.memory_space<vmem_shared>> -> memref<1x10240xf32, #tpu.memory_space<vmem_shared>>
      %dma_wait3A_354 = tpu.memref_squeeze %dma_wait3A_353 : memref<1x10240xf32, #tpu.memory_space<vmem_shared>> -> memref<10240xf32, #tpu.memory_space<vmem_shared>>
      %dma_wait3A_355 = tpu.memref_slice %dma_wait3A_354[%mul3A_16] : memref<10240xf32, #tpu.memory_space<vmem_shared>> -> memref<640xf32, #tpu.memory_space<vmem_shared>>
      tpu.wait_dma2 semaphore(%run_scoped3A_341 : memref<!tpu.dma_semaphore, #tpu.memory_space<semaphore_mem>>) src(%dma_wait3A_355 : memref<640xf32, #tpu.memory_space<vmem_shared>>) dst(%arg25 : memref<640xf32, #tpu.memory_space<vmem>>)
      tpu.yield
    }) : () -> ()
    %scan3A_131 = arith.constant 0 : i32
    %scan3A_132 = arith.constant 0 : i32
    %scan3A_133 = arith.constant 40 : i32
    %scan3A_134 = arith.addi %scan3A_132, %scan3A_133 : i32
    %scan3A_135 = arith.constant 1 : i32
    scf.for %scan3A_341 = %scan3A_132 to %scan3A_134 step %scan3A_135  : i32 {
      %mul3A_342 = arith.constant 16 : i32
      %mul3A_343 = arith.muli %scan3A_341, %mul3A_342 : i32
      %get3A = arith.index_cast %mul3A_343 : i32 to index
      %get3A_344 = tpu.vector_load %arg23[%get3A] {strides = array<i32>} : memref<640xf32, #tpu.memory_space<vmem>>, vector<16xf32>,
      %get3A_345 = arith.index_cast %mul3A_343 : i32 to index
      %get3A_346 = tpu.vector_load %arg25[%get3A_345] {strides = array<i32>} : memref<640xf32, #tpu.memory_space<vmem>>, vector<16xf32>,
      %add3A_347 = arith.addf %get3A_344, %get3A_346 : vector<16xf32>
      %swap3A = arith.index_cast %mul3A_343 : i32 to index
      %swap3A_348 = tpu.vector_load %arg23[%swap3A] {strides = array<i32>} : memref<640xf32, #tpu.memory_space<vmem>>, vector<16xf32>,
      tpu.vector_store %arg23[%swap3A], %add3A_347 {strides = array<i32>} : memref<640xf32, #tpu.memory_space<vmem>>, vector<16xf32>,
    }
    %scan3A_136 = arith.constant 40 : i32
    %run_scoped3A_137 = arith.constant 3 : i32
    "tpu.region"() ({
      %run_scoped3A_341 = tpu.sem_alloc : memref<!tpu.dma_semaphore, #tpu.memory_space<semaphore_mem>>
      %dma_start3A = arith.constant 0 : i32
      %dma_start3A_342 = tpu.memref_slice %arg20[%run_scoped3A_137, %dma_start3A] : memref<16x10240xf32, #tpu.memory_space<vmem_shared>> -> memref<1x10240xf32, #tpu.memory_space<vmem_shared>>
      %dma_start3A_343 = tpu.memref_squeeze %dma_start3A_342 : memref<1x10240xf32, #tpu.memory_space<vmem_shared>> -> memref<10240xf32, #tpu.memory_space<vmem_shared>>
      %dma_start3A_344 = tpu.memref_slice %dma_start3A_343[%mul3A_16] : memref<10240xf32, #tpu.memory_space<vmem_shared>> -> memref<640xf32, #tpu.memory_space<vmem_shared>>
      %dma_start3A_345 = arith.constant 0 : i32
      %dma_start3A_346 = tpu.memref_slice %arg20[%run_scoped3A_137, %dma_start3A_345] : memref<16x10240xf32, #tpu.memory_space<vmem_shared>> -> memref<1x10240xf32, #tpu.memory_space<vmem_shared>>
      %dma_start3A_347 = tpu.memref_squeeze %dma_start3A_346 : memref<1x10240xf32, #tpu.memory_space<vmem_shared>> -> memref<10240xf32, #tpu.memory_space<vmem_shared>>
      %dma_start3A_348 = tpu.memref_slice %dma_start3A_347[%mul3A_16] : memref<10240xf32, #tpu.memory_space<vmem_shared>> -> memref<640xf32, #tpu.memory_space<vmem_shared>>
      tpu.enqueue_dma source(%dma_start3A_348 : memref<640xf32, #tpu.memory_space<vmem_shared>>) target(%arg25 : memref<640xf32, #tpu.memory_space<vmem>>) target_semaphore(%run_scoped3A_341 : memref<!tpu.dma_semaphore, #tpu.memory_space<semaphore_mem>>)
      %dma_wait3A = arith.constant 0 : i32
      %dma_wait3A_349 = tpu.memref_slice %arg20[%run_scoped3A_137, %dma_wait3A] : memref<16x10240xf32, #tpu.memory_space<vmem_shared>> -> memref<1x10240xf32, #tpu.memory_space<vmem_shared>>
      %dma_wait3A_350 = tpu.memref_squeeze %dma_wait3A_349 : memref<1x10240xf32, #tpu.memory_space<vmem_shared>> -> memref<10240xf32, #tpu.memory_space<vmem_shared>>
      %dma_wait3A_351 = tpu.memref_slice %dma_wait3A_350[%mul3A_16] : memref<10240xf32, #tpu.memory_space<vmem_shared>> -> memref<640xf32, #tpu.memory_space<vmem_shared>>
      %dma_wait3A_352 = arith.constant 0 : i32
      %dma_wait3A_353 = tpu.memref_slice %arg20[%run_scoped3A_137, %dma_wait3A_352] : memref<16x10240xf32, #tpu.memory_space<vmem_shared>> -> memref<1x10240xf32, #tpu.memory_space<vmem_shared>>
      %dma_wait3A_354 = tpu.memref_squeeze %dma_wait3A_353 : memref<1x10240xf32, #tpu.memory_space<vmem_shared>> -> memref<10240xf32, #tpu.memory_space<vmem_shared>>
      %dma_wait3A_355 = tpu.memref_slice %dma_wait3A_354[%mul3A_16] : memref<10240xf32, #tpu.memory_space<vmem_shared>> -> memref<640xf32, #tpu.memory_space<vmem_shared>>
      tpu.wait_dma2 semaphore(%run_scoped3A_341 : memref<!tpu.dma_semaphore, #tpu.memory_space<semaphore_mem>>) src(%dma_wait3A_355 : memref<640xf32, #tpu.memory_space<vmem_shared>>) dst(%arg25 : memref<640xf32, #tpu.memory_space<vmem>>)
      tpu.yield
    }) : () -> ()
    %scan3A_138 = arith.constant 0 : i32
    %scan3A_139 = arith.constant 0 : i32
    %scan3A_140 = arith.constant 40 : i32
    %scan3A_141 = arith.addi %scan3A_139, %scan3A_140 : i32
    %scan3A_142 = arith.constant 1 : i32
    scf.for %scan3A_341 = %scan3A_139 to %scan3A_141 step %scan3A_142  : i32 {
      %mul3A_342 = arith.constant 16 : i32
      %mul3A_343 = arith.muli %scan3A_341, %mul3A_342 : i32
      %get3A = arith.index_cast %mul3A_343 : i32 to index
      %get3A_344 = tpu.vector_load %arg23[%get3A] {strides = array<i32>} : memref<640xf32, #tpu.memory_space<vmem>>, vector<16xf32>,
      %get3A_345 = arith.index_cast %mul3A_343 : i32 to index
      %get3A_346 = tpu.vector_load %arg25[%get3A_345] {strides = array<i32>} : memref<640xf32, #tpu.memory_space<vmem>>, vector<16xf32>,
      %add3A_347 = arith.addf %get3A_344, %get3A_346 : vector<16xf32>
      %swap3A = arith.index_cast %mul3A_343 : i32 to index
      %swap3A_348 = tpu.vector_load %arg23[%swap3A] {strides = array<i32>} : memref<640xf32, #tpu.memory_space<vmem>>, vector<16xf32>,
      tpu.vector_store %arg23[%swap3A], %add3A_347 {strides = array<i32>} : memref<640xf32, #tpu.memory_space<vmem>>, vector<16xf32>,
    }
    %scan3A_143 = arith.constant 40 : i32
    %run_scoped3A_144 = arith.constant 4 : i32
    "tpu.region"() ({
      %run_scoped3A_341 = tpu.sem_alloc : memref<!tpu.dma_semaphore, #tpu.memory_space<semaphore_mem>>
      %dma_start3A = arith.constant 0 : i32
      %dma_start3A_342 = tpu.memref_slice %arg20[%run_scoped3A_144, %dma_start3A] : memref<16x10240xf32, #tpu.memory_space<vmem_shared>> -> memref<1x10240xf32, #tpu.memory_space<vmem_shared>>
      %dma_start3A_343 = tpu.memref_squeeze %dma_start3A_342 : memref<1x10240xf32, #tpu.memory_space<vmem_shared>> -> memref<10240xf32, #tpu.memory_space<vmem_shared>>
      %dma_start3A_344 = tpu.memref_slice %dma_start3A_343[%mul3A_16] : memref<10240xf32, #tpu.memory_space<vmem_shared>> -> memref<640xf32, #tpu.memory_space<vmem_shared>>
      %dma_start3A_345 = arith.constant 0 : i32
      %dma_start3A_346 = tpu.memref_slice %arg20[%run_scoped3A_144, %dma_start3A_345] : memref<16x10240xf32, #tpu.memory_space<vmem_shared>> -> memref<1x10240xf32, #tpu.memory_space<vmem_shared>>
      %dma_start3A_347 = tpu.memref_squeeze %dma_start3A_346 : memref<1x10240xf32, #tpu.memory_space<vmem_shared>> -> memref<10240xf32, #tpu.memory_space<vmem_shared>>
      %dma_start3A_348 = tpu.memref_slice %dma_start3A_347[%mul3A_16] : memref<10240xf32, #tpu.memory_space<vmem_shared>> -> memref<640xf32, #tpu.memory_space<vmem_shared>>
      tpu.enqueue_dma source(%dma_start3A_348 : memref<640xf32, #tpu.memory_space<vmem_shared>>) target(%arg25 : memref<640xf32, #tpu.memory_space<vmem>>) target_semaphore(%run_scoped3A_341 : memref<!tpu.dma_semaphore, #tpu.memory_space<semaphore_mem>>)
      %dma_wait3A = arith.constant 0 : i32
      %dma_wait3A_349 = tpu.memref_slice %arg20[%run_scoped3A_144, %dma_wait3A] : memref<16x10240xf32, #tpu.memory_space<vmem_shared>> -> memref<1x10240xf32, #tpu.memory_space<vmem_shared>>
      %dma_wait3A_350 = tpu.memref_squeeze %dma_wait3A_349 : memref<1x10240xf32, #tpu.memory_space<vmem_shared>> -> memref<10240xf32, #tpu.memory_space<vmem_shared>>
      %dma_wait3A_351 = tpu.memref_slice %dma_wait3A_350[%mul3A_16] : memref<10240xf32, #tpu.memory_space<vmem_shared>> -> memref<640xf32, #tpu.memory_space<vmem_shared>>
      %dma_wait3A_352 = arith.constant 0 : i32
      %dma_wait3A_353 = tpu.memref_slice %arg20[%run_scoped3A_144, %dma_wait3A_352] : memref<16x10240xf32, #tpu.memory_space<vmem_shared>> -> memref<1x10240xf32, #tpu.memory_space<vmem_shared>>
      %dma_wait3A_354 = tpu.memref_squeeze %dma_wait3A_353 : memref<1x10240xf32, #tpu.memory_space<vmem_shared>> -> memref<10240xf32, #tpu.memory_space<vmem_shared>>
      %dma_wait3A_355 = tpu.memref_slice %dma_wait3A_354[%mul3A_16] : memref<10240xf32, #tpu.memory_space<vmem_shared>> -> memref<640xf32, #tpu.memory_space<vmem_shared>>
      tpu.wait_dma2 semaphore(%run_scoped3A_341 : memref<!tpu.dma_semaphore, #tpu.memory_space<semaphore_mem>>) src(%dma_wait3A_355 : memref<640xf32, #tpu.memory_space<vmem_shared>>) dst(%arg25 : memref<640xf32, #tpu.memory_space<vmem>>)
      tpu.yield
    }) : () -> ()
    %scan3A_145 = arith.constant 0 : i32
    %scan3A_146 = arith.constant 0 : i32
    %scan3A_147 = arith.constant 40 : i32
    %scan3A_148 = arith.addi %scan3A_146, %scan3A_147 : i32
    %scan3A_149 = arith.constant 1 : i32
    scf.for %scan3A_341 = %scan3A_146 to %scan3A_148 step %scan3A_149  : i32 {
      %mul3A_342 = arith.constant 16 : i32
      %mul3A_343 = arith.muli %scan3A_341, %mul3A_342 : i32
      %get3A = arith.index_cast %mul3A_343 : i32 to index
      %get3A_344 = tpu.vector_load %arg23[%get3A] {strides = array<i32>} : memref<640xf32, #tpu.memory_space<vmem>>, vector<16xf32>,
      %get3A_345 = arith.index_cast %mul3A_343 : i32 to index
      %get3A_346 = tpu.vector_load %arg25[%get3A_345] {strides = array<i32>} : memref<640xf32, #tpu.memory_space<vmem>>, vector<16xf32>,
      %add3A_347 = arith.addf %get3A_344, %get3A_346 : vector<16xf32>
      %swap3A = arith.index_cast %mul3A_343 : i32 to index
      %swap3A_348 = tpu.vector_load %arg23[%swap3A] {strides = array<i32>} : memref<640xf32, #tpu.memory_space<vmem>>, vector<16xf32>,
      tpu.vector_store %arg23[%swap3A], %add3A_347 {strides = array<i32>} : memref<640xf32, #tpu.memory_space<vmem>>, vector<16xf32>,
    }
    %scan3A_150 = arith.constant 40 : i32
    %run_scoped3A_151 = arith.constant 5 : i32
    "tpu.region"() ({
      %run_scoped3A_341 = tpu.sem_alloc : memref<!tpu.dma_semaphore, #tpu.memory_space<semaphore_mem>>
      %dma_start3A = arith.constant 0 : i32
      %dma_start3A_342 = tpu.memref_slice %arg20[%run_scoped3A_151, %dma_start3A] : memref<16x10240xf32, #tpu.memory_space<vmem_shared>> -> memref<1x10240xf32, #tpu.memory_space<vmem_shared>>
      %dma_start3A_343 = tpu.memref_squeeze %dma_start3A_342 : memref<1x10240xf32, #tpu.memory_space<vmem_shared>> -> memref<10240xf32, #tpu.memory_space<vmem_shared>>
      %dma_start3A_344 = tpu.memref_slice %dma_start3A_343[%mul3A_16] : memref<10240xf32, #tpu.memory_space<vmem_shared>> -> memref<640xf32, #tpu.memory_space<vmem_shared>>
      %dma_start3A_345 = arith.constant 0 : i32
      %dma_start3A_346 = tpu.memref_slice %arg20[%run_scoped3A_151, %dma_start3A_345] : memref<16x10240xf32, #tpu.memory_space<vmem_shared>> -> memref<1x10240xf32, #tpu.memory_space<vmem_shared>>
      %dma_start3A_347 = tpu.memref_squeeze %dma_start3A_346 : memref<1x10240xf32, #tpu.memory_space<vmem_shared>> -> memref<10240xf32, #tpu.memory_space<vmem_shared>>
      %dma_start3A_348 = tpu.memref_slice %dma_start3A_347[%mul3A_16] : memref<10240xf32, #tpu.memory_space<vmem_shared>> -> memref<640xf32, #tpu.memory_space<vmem_shared>>
      tpu.enqueue_dma source(%dma_start3A_348 : memref<640xf32, #tpu.memory_space<vmem_shared>>) target(%arg25 : memref<640xf32, #tpu.memory_space<vmem>>) target_semaphore(%run_scoped3A_341 : memref<!tpu.dma_semaphore, #tpu.memory_space<semaphore_mem>>)
      %dma_wait3A = arith.constant 0 : i32
      %dma_wait3A_349 = tpu.memref_slice %arg20[%run_scoped3A_151, %dma_wait3A] : memref<16x10240xf32, #tpu.memory_space<vmem_shared>> -> memref<1x10240xf32, #tpu.memory_space<vmem_shared>>
      %dma_wait3A_350 = tpu.memref_squeeze %dma_wait3A_349 : memref<1x10240xf32, #tpu.memory_space<vmem_shared>> -> memref<10240xf32, #tpu.memory_space<vmem_shared>>
      %dma_wait3A_351 = tpu.memref_slice %dma_wait3A_350[%mul3A_16] : memref<10240xf32, #tpu.memory_space<vmem_shared>> -> memref<640xf32, #tpu.memory_space<vmem_shared>>
      %dma_wait3A_352 = arith.constant 0 : i32
      %dma_wait3A_353 = tpu.memref_slice %arg20[%run_scoped3A_151, %dma_wait3A_352] : memref<16x10240xf32, #tpu.memory_space<vmem_shared>> -> memref<1x10240xf32, #tpu.memory_space<vmem_shared>>
      %dma_wait3A_354 = tpu.memref_squeeze %dma_wait3A_353 : memref<1x10240xf32, #tpu.memory_space<vmem_shared>> -> memref<10240xf32, #tpu.memory_space<vmem_shared>>
      %dma_wait3A_355 = tpu.memref_slice %dma_wait3A_354[%mul3A_16] : memref<10240xf32, #tpu.memory_space<vmem_shared>> -> memref<640xf32, #tpu.memory_space<vmem_shared>>
      tpu.wait_dma2 semaphore(%run_scoped3A_341 : memref<!tpu.dma_semaphore, #tpu.memory_space<semaphore_mem>>) src(%dma_wait3A_355 : memref<640xf32, #tpu.memory_space<vmem_shared>>) dst(%arg25 : memref<640xf32, #tpu.memory_space<vmem>>)
      tpu.yield
    }) : () -> ()
    %scan3A_152 = arith.constant 0 : i32
    %scan3A_153 = arith.constant 0 : i32
    %scan3A_154 = arith.constant 40 : i32
    %scan3A_155 = arith.addi %scan3A_153, %scan3A_154 : i32
    %scan3A_156 = arith.constant 1 : i32
    scf.for %scan3A_341 = %scan3A_153 to %scan3A_155 step %scan3A_156  : i32 {
      %mul3A_342 = arith.constant 16 : i32
      %mul3A_343 = arith.muli %scan3A_341, %mul3A_342 : i32
      %get3A = arith.index_cast %mul3A_343 : i32 to index
      %get3A_344 = tpu.vector_load %arg23[%get3A] {strides = array<i32>} : memref<640xf32, #tpu.memory_space<vmem>>, vector<16xf32>,
      %get3A_345 = arith.index_cast %mul3A_343 : i32 to index
      %get3A_346 = tpu.vector_load %arg25[%get3A_345] {strides = array<i32>} : memref<640xf32, #tpu.memory_space<vmem>>, vector<16xf32>,
      %add3A_347 = arith.addf %get3A_344, %get3A_346 : vector<16xf32>
      %swap3A = arith.index_cast %mul3A_343 : i32 to index
      %swap3A_348 = tpu.vector_load %arg23[%swap3A] {strides = array<i32>} : memref<640xf32, #tpu.memory_space<vmem>>, vector<16xf32>,
      tpu.vector_store %arg23[%swap3A], %add3A_347 {strides = array<i32>} : memref<640xf32, #tpu.memory_space<vmem>>, vector<16xf32>,
    }
    %scan3A_157 = arith.constant 40 : i32
    %run_scoped3A_158 = arith.constant 6 : i32
    "tpu.region"() ({
      %run_scoped3A_341 = tpu.sem_alloc : memref<!tpu.dma_semaphore, #tpu.memory_space<semaphore_mem>>
      %dma_start3A = arith.constant 0 : i32
      %dma_start3A_342 = tpu.memref_slice %arg20[%run_scoped3A_158, %dma_start3A] : memref<16x10240xf32, #tpu.memory_space<vmem_shared>> -> memref<1x10240xf32, #tpu.memory_space<vmem_shared>>
      %dma_start3A_343 = tpu.memref_squeeze %dma_start3A_342 : memref<1x10240xf32, #tpu.memory_space<vmem_shared>> -> memref<10240xf32, #tpu.memory_space<vmem_shared>>
      %dma_start3A_344 = tpu.memref_slice %dma_start3A_343[%mul3A_16] : memref<10240xf32, #tpu.memory_space<vmem_shared>> -> memref<640xf32, #tpu.memory_space<vmem_shared>>
      %dma_start3A_345 = arith.constant 0 : i32
      %dma_start3A_346 = tpu.memref_slice %arg20[%run_scoped3A_158, %dma_start3A_345] : memref<16x10240xf32, #tpu.memory_space<vmem_shared>> -> memref<1x10240xf32, #tpu.memory_space<vmem_shared>>
      %dma_start3A_347 = tpu.memref_squeeze %dma_start3A_346 : memref<1x10240xf32, #tpu.memory_space<vmem_shared>> -> memref<10240xf32, #tpu.memory_space<vmem_shared>>
      %dma_start3A_348 = tpu.memref_slice %dma_start3A_347[%mul3A_16] : memref<10240xf32, #tpu.memory_space<vmem_shared>> -> memref<640xf32, #tpu.memory_space<vmem_shared>>
      tpu.enqueue_dma source(%dma_start3A_348 : memref<640xf32, #tpu.memory_space<vmem_shared>>) target(%arg25 : memref<640xf32, #tpu.memory_space<vmem>>) target_semaphore(%run_scoped3A_341 : memref<!tpu.dma_semaphore, #tpu.memory_space<semaphore_mem>>)
      %dma_wait3A = arith.constant 0 : i32
      %dma_wait3A_349 = tpu.memref_slice %arg20[%run_scoped3A_158, %dma_wait3A] : memref<16x10240xf32, #tpu.memory_space<vmem_shared>> -> memref<1x10240xf32, #tpu.memory_space<vmem_shared>>
      %dma_wait3A_350 = tpu.memref_squeeze %dma_wait3A_349 : memref<1x10240xf32, #tpu.memory_space<vmem_shared>> -> memref<10240xf32, #tpu.memory_space<vmem_shared>>
      %dma_wait3A_351 = tpu.memref_slice %dma_wait3A_350[%mul3A_16] : memref<10240xf32, #tpu.memory_space<vmem_shared>> -> memref<640xf32, #tpu.memory_space<vmem_shared>>
      %dma_wait3A_352 = arith.constant 0 : i32
      %dma_wait3A_353 = tpu.memref_slice %arg20[%run_scoped3A_158, %dma_wait3A_352] : memref<16x10240xf32, #tpu.memory_space<vmem_shared>> -> memref<1x10240xf32, #tpu.memory_space<vmem_shared>>
      %dma_wait3A_354 = tpu.memref_squeeze %dma_wait3A_353 : memref<1x10240xf32, #tpu.memory_space<vmem_shared>> -> memref<10240xf32, #tpu.memory_space<vmem_shared>>
      %dma_wait3A_355 = tpu.memref_slice %dma_wait3A_354[%mul3A_16] : memref<10240xf32, #tpu.memory_space<vmem_shared>> -> memref<640xf32, #tpu.memory_space<vmem_shared>>
      tpu.wait_dma2 semaphore(%run_scoped3A_341 : memref<!tpu.dma_semaphore, #tpu.memory_space<semaphore_mem>>) src(%dma_wait3A_355 : memref<640xf32, #tpu.memory_space<vmem_shared>>) dst(%arg25 : memref<640xf32, #tpu.memory_space<vmem>>)
      tpu.yield
    }) : () -> ()
    %scan3A_159 = arith.constant 0 : i32
    %scan3A_160 = arith.constant 0 : i32
    %scan3A_161 = arith.constant 40 : i32
    %scan3A_162 = arith.addi %scan3A_160, %scan3A_161 : i32
    %scan3A_163 = arith.constant 1 : i32
    scf.for %scan3A_341 = %scan3A_160 to %scan3A_162 step %scan3A_163  : i32 {
      %mul3A_342 = arith.constant 16 : i32
      %mul3A_343 = arith.muli %scan3A_341, %mul3A_342 : i32
      %get3A = arith.index_cast %mul3A_343 : i32 to index
      %get3A_344 = tpu.vector_load %arg23[%get3A] {strides = array<i32>} : memref<640xf32, #tpu.memory_space<vmem>>, vector<16xf32>,
      %get3A_345 = arith.index_cast %mul3A_343 : i32 to index
      %get3A_346 = tpu.vector_load %arg25[%get3A_345] {strides = array<i32>} : memref<640xf32, #tpu.memory_space<vmem>>, vector<16xf32>,
      %add3A_347 = arith.addf %get3A_344, %get3A_346 : vector<16xf32>
      %swap3A = arith.index_cast %mul3A_343 : i32 to index
      %swap3A_348 = tpu.vector_load %arg23[%swap3A] {strides = array<i32>} : memref<640xf32, #tpu.memory_space<vmem>>, vector<16xf32>,
      tpu.vector_store %arg23[%swap3A], %add3A_347 {strides = array<i32>} : memref<640xf32, #tpu.memory_space<vmem>>, vector<16xf32>,
    }
    %scan3A_164 = arith.constant 40 : i32
    %run_scoped3A_165 = arith.constant 7 : i32
    "tpu.region"() ({
      %run_scoped3A_341 = tpu.sem_alloc : memref<!tpu.dma_semaphore, #tpu.memory_space<semaphore_mem>>
      %dma_start3A = arith.constant 0 : i32
      %dma_start3A_342 = tpu.memref_slice %arg20[%run_scoped3A_165, %dma_start3A] : memref<16x10240xf32, #tpu.memory_space<vmem_shared>> -> memref<1x10240xf32, #tpu.memory_space<vmem_shared>>
      %dma_start3A_343 = tpu.memref_squeeze %dma_start3A_342 : memref<1x10240xf32, #tpu.memory_space<vmem_shared>> -> memref<10240xf32, #tpu.memory_space<vmem_shared>>
      %dma_start3A_344 = tpu.memref_slice %dma_start3A_343[%mul3A_16] : memref<10240xf32, #tpu.memory_space<vmem_shared>> -> memref<640xf32, #tpu.memory_space<vmem_shared>>
      %dma_start3A_345 = arith.constant 0 : i32
      %dma_start3A_346 = tpu.memref_slice %arg20[%run_scoped3A_165, %dma_start3A_345] : memref<16x10240xf32, #tpu.memory_space<vmem_shared>> -> memref<1x10240xf32, #tpu.memory_space<vmem_shared>>
      %dma_start3A_347 = tpu.memref_squeeze %dma_start3A_346 : memref<1x10240xf32, #tpu.memory_space<vmem_shared>> -> memref<10240xf32, #tpu.memory_space<vmem_shared>>
      %dma_start3A_348 = tpu.memref_slice %dma_start3A_347[%mul3A_16] : memref<10240xf32, #tpu.memory_space<vmem_shared>> -> memref<640xf32, #tpu.memory_space<vmem_shared>>
      tpu.enqueue_dma source(%dma_start3A_348 : memref<640xf32, #tpu.memory_space<vmem_shared>>) target(%arg25 : memref<640xf32, #tpu.memory_space<vmem>>) target_semaphore(%run_scoped3A_341 : memref<!tpu.dma_semaphore, #tpu.memory_space<semaphore_mem>>)
      %dma_wait3A = arith.constant 0 : i32
      %dma_wait3A_349 = tpu.memref_slice %arg20[%run_scoped3A_165, %dma_wait3A] : memref<16x10240xf32, #tpu.memory_space<vmem_shared>> -> memref<1x10240xf32, #tpu.memory_space<vmem_shared>>
      %dma_wait3A_350 = tpu.memref_squeeze %dma_wait3A_349 : memref<1x10240xf32, #tpu.memory_space<vmem_shared>> -> memref<10240xf32, #tpu.memory_space<vmem_shared>>
      %dma_wait3A_351 = tpu.memref_slice %dma_wait3A_350[%mul3A_16] : memref<10240xf32, #tpu.memory_space<vmem_shared>> -> memref<640xf32, #tpu.memory_space<vmem_shared>>
      %dma_wait3A_352 = arith.constant 0 : i32
      %dma_wait3A_353 = tpu.memref_slice %arg20[%run_scoped3A_165, %dma_wait3A_352] : memref<16x10240xf32, #tpu.memory_space<vmem_shared>> -> memref<1x10240xf32, #tpu.memory_space<vmem_shared>>
      %dma_wait3A_354 = tpu.memref_squeeze %dma_wait3A_353 : memref<1x10240xf32, #tpu.memory_space<vmem_shared>> -> memref<10240xf32, #tpu.memory_space<vmem_shared>>
      %dma_wait3A_355 = tpu.memref_slice %dma_wait3A_354[%mul3A_16] : memref<10240xf32, #tpu.memory_space<vmem_shared>> -> memref<640xf32, #tpu.memory_space<vmem_shared>>
      tpu.wait_dma2 semaphore(%run_scoped3A_341 : memref<!tpu.dma_semaphore, #tpu.memory_space<semaphore_mem>>) src(%dma_wait3A_355 : memref<640xf32, #tpu.memory_space<vmem_shared>>) dst(%arg25 : memref<640xf32, #tpu.memory_space<vmem>>)
      tpu.yield
    }) : () -> ()
    %scan3A_166 = arith.constant 0 : i32
    %scan3A_167 = arith.constant 0 : i32
    %scan3A_168 = arith.constant 40 : i32
    %scan3A_169 = arith.addi %scan3A_167, %scan3A_168 : i32
    %scan3A_170 = arith.constant 1 : i32
    scf.for %scan3A_341 = %scan3A_167 to %scan3A_169 step %scan3A_170  : i32 {
      %mul3A_342 = arith.constant 16 : i32
      %mul3A_343 = arith.muli %scan3A_341, %mul3A_342 : i32
      %get3A = arith.index_cast %mul3A_343 : i32 to index
      %get3A_344 = tpu.vector_load %arg23[%get3A] {strides = array<i32>} : memref<640xf32, #tpu.memory_space<vmem>>, vector<16xf32>,
      %get3A_345 = arith.index_cast %mul3A_343 : i32 to index
      %get3A_346 = tpu.vector_load %arg25[%get3A_345] {strides = array<i32>} : memref<640xf32, #tpu.memory_space<vmem>>, vector<16xf32>,
      %add3A_347 = arith.addf %get3A_344, %get3A_346 : vector<16xf32>
      %swap3A = arith.index_cast %mul3A_343 : i32 to index
      %swap3A_348 = tpu.vector_load %arg23[%swap3A] {strides = array<i32>} : memref<640xf32, #tpu.memory_space<vmem>>, vector<16xf32>,
      tpu.vector_store %arg23[%swap3A], %add3A_347 {strides = array<i32>} : memref<640xf32, #tpu.memory_space<vmem>>, vector<16xf32>,
    }
    %scan3A_171 = arith.constant 40 : i32
    %run_scoped3A_172 = arith.constant 8 : i32
    "tpu.region"() ({
      %run_scoped3A_341 = tpu.sem_alloc : memref<!tpu.dma_semaphore, #tpu.memory_space<semaphore_mem>>
      %dma_start3A = arith.constant 0 : i32
      %dma_start3A_342 = tpu.memref_slice %arg20[%run_scoped3A_172, %dma_start3A] : memref<16x10240xf32, #tpu.memory_space<vmem_shared>> -> memref<1x10240xf32, #tpu.memory_space<vmem_shared>>
      %dma_start3A_343 = tpu.memref_squeeze %dma_start3A_342 : memref<1x10240xf32, #tpu.memory_space<vmem_shared>> -> memref<10240xf32, #tpu.memory_space<vmem_shared>>
      %dma_start3A_344 = tpu.memref_slice %dma_start3A_343[%mul3A_16] : memref<10240xf32, #tpu.memory_space<vmem_shared>> -> memref<640xf32, #tpu.memory_space<vmem_shared>>
      %dma_start3A_345 = arith.constant 0 : i32
      %dma_start3A_346 = tpu.memref_slice %arg20[%run_scoped3A_172, %dma_start3A_345] : memref<16x10240xf32, #tpu.memory_space<vmem_shared>> -> memref<1x10240xf32, #tpu.memory_space<vmem_shared>>
      %dma_start3A_347 = tpu.memref_squeeze %dma_start3A_346 : memref<1x10240xf32, #tpu.memory_space<vmem_shared>> -> memref<10240xf32, #tpu.memory_space<vmem_shared>>
      %dma_start3A_348 = tpu.memref_slice %dma_start3A_347[%mul3A_16] : memref<10240xf32, #tpu.memory_space<vmem_shared>> -> memref<640xf32, #tpu.memory_space<vmem_shared>>
      tpu.enqueue_dma source(%dma_start3A_348 : memref<640xf32, #tpu.memory_space<vmem_shared>>) target(%arg25 : memref<640xf32, #tpu.memory_space<vmem>>) target_semaphore(%run_scoped3A_341 : memref<!tpu.dma_semaphore, #tpu.memory_space<semaphore_mem>>)
      %dma_wait3A = arith.constant 0 : i32
      %dma_wait3A_349 = tpu.memref_slice %arg20[%run_scoped3A_172, %dma_wait3A] : memref<16x10240xf32, #tpu.memory_space<vmem_shared>> -> memref<1x10240xf32, #tpu.memory_space<vmem_shared>>
      %dma_wait3A_350 = tpu.memref_squeeze %dma_wait3A_349 : memref<1x10240xf32, #tpu.memory_space<vmem_shared>> -> memref<10240xf32, #tpu.memory_space<vmem_shared>>
      %dma_wait3A_351 = tpu.memref_slice %dma_wait3A_350[%mul3A_16] : memref<10240xf32, #tpu.memory_space<vmem_shared>> -> memref<640xf32, #tpu.memory_space<vmem_shared>>
      %dma_wait3A_352 = arith.constant 0 : i32
      %dma_wait3A_353 = tpu.memref_slice %arg20[%run_scoped3A_172, %dma_wait3A_352] : memref<16x10240xf32, #tpu.memory_space<vmem_shared>> -> memref<1x10240xf32, #tpu.memory_space<vmem_shared>>
      %dma_wait3A_354 = tpu.memref_squeeze %dma_wait3A_353 : memref<1x10240xf32, #tpu.memory_space<vmem_shared>> -> memref<10240xf32, #tpu.memory_space<vmem_shared>>
      %dma_wait3A_355 = tpu.memref_slice %dma_wait3A_354[%mul3A_16] : memref<10240xf32, #tpu.memory_space<vmem_shared>> -> memref<640xf32, #tpu.memory_space<vmem_shared>>
      tpu.wait_dma2 semaphore(%run_scoped3A_341 : memref<!tpu.dma_semaphore, #tpu.memory_space<semaphore_mem>>) src(%dma_wait3A_355 : memref<640xf32, #tpu.memory_space<vmem_shared>>) dst(%arg25 : memref<640xf32, #tpu.memory_space<vmem>>)
      tpu.yield
    }) : () -> ()
    %scan3A_173 = arith.constant 0 : i32
    %scan3A_174 = arith.constant 0 : i32
    %scan3A_175 = arith.constant 40 : i32
    %scan3A_176 = arith.addi %scan3A_174, %scan3A_175 : i32
    %scan3A_177 = arith.constant 1 : i32
    scf.for %scan3A_341 = %scan3A_174 to %scan3A_176 step %scan3A_177  : i32 {
      %mul3A_342 = arith.constant 16 : i32
      %mul3A_343 = arith.muli %scan3A_341, %mul3A_342 : i32
      %get3A = arith.index_cast %mul3A_343 : i32 to index
      %get3A_344 = tpu.vector_load %arg23[%get3A] {strides = array<i32>} : memref<640xf32, #tpu.memory_space<vmem>>, vector<16xf32>,
      %get3A_345 = arith.index_cast %mul3A_343 : i32 to index
      %get3A_346 = tpu.vector_load %arg25[%get3A_345] {strides = array<i32>} : memref<640xf32, #tpu.memory_space<vmem>>, vector<16xf32>,
      %add3A_347 = arith.addf %get3A_344, %get3A_346 : vector<16xf32>
      %swap3A = arith.index_cast %mul3A_343 : i32 to index
      %swap3A_348 = tpu.vector_load %arg23[%swap3A] {strides = array<i32>} : memref<640xf32, #tpu.memory_space<vmem>>, vector<16xf32>,
      tpu.vector_store %arg23[%swap3A], %add3A_347 {strides = array<i32>} : memref<640xf32, #tpu.memory_space<vmem>>, vector<16xf32>,
    }
    %scan3A_178 = arith.constant 40 : i32
    %run_scoped3A_179 = arith.constant 9 : i32
    "tpu.region"() ({
      %run_scoped3A_341 = tpu.sem_alloc : memref<!tpu.dma_semaphore, #tpu.memory_space<semaphore_mem>>
      %dma_start3A = arith.constant 0 : i32
      %dma_start3A_342 = tpu.memref_slice %arg20[%run_scoped3A_179, %dma_start3A] : memref<16x10240xf32, #tpu.memory_space<vmem_shared>> -> memref<1x10240xf32, #tpu.memory_space<vmem_shared>>
      %dma_start3A_343 = tpu.memref_squeeze %dma_start3A_342 : memref<1x10240xf32, #tpu.memory_space<vmem_shared>> -> memref<10240xf32, #tpu.memory_space<vmem_shared>>
      %dma_start3A_344 = tpu.memref_slice %dma_start3A_343[%mul3A_16] : memref<10240xf32, #tpu.memory_space<vmem_shared>> -> memref<640xf32, #tpu.memory_space<vmem_shared>>
      %dma_start3A_345 = arith.constant 0 : i32
      %dma_start3A_346 = tpu.memref_slice %arg20[%run_scoped3A_179, %dma_start3A_345] : memref<16x10240xf32, #tpu.memory_space<vmem_shared>> -> memref<1x10240xf32, #tpu.memory_space<vmem_shared>>
      %dma_start3A_347 = tpu.memref_squeeze %dma_start3A_346 : memref<1x10240xf32, #tpu.memory_space<vmem_shared>> -> memref<10240xf32, #tpu.memory_space<vmem_shared>>
      %dma_start3A_348 = tpu.memref_slice %dma_start3A_347[%mul3A_16] : memref<10240xf32, #tpu.memory_space<vmem_shared>> -> memref<640xf32, #tpu.memory_space<vmem_shared>>
      tpu.enqueue_dma source(%dma_start3A_348 : memref<640xf32, #tpu.memory_space<vmem_shared>>) target(%arg25 : memref<640xf32, #tpu.memory_space<vmem>>) target_semaphore(%run_scoped3A_341 : memref<!tpu.dma_semaphore, #tpu.memory_space<semaphore_mem>>)
      %dma_wait3A = arith.constant 0 : i32
      %dma_wait3A_349 = tpu.memref_slice %arg20[%run_scoped3A_179, %dma_wait3A] : memref<16x10240xf32, #tpu.memory_space<vmem_shared>> -> memref<1x10240xf32, #tpu.memory_space<vmem_shared>>
      %dma_wait3A_350 = tpu.memref_squeeze %dma_wait3A_349 : memref<1x10240xf32, #tpu.memory_space<vmem_shared>> -> memref<10240xf32, #tpu.memory_space<vmem_shared>>
      %dma_wait3A_351 = tpu.memref_slice %dma_wait3A_350[%mul3A_16] : memref<10240xf32, #tpu.memory_space<vmem_shared>> -> memref<640xf32, #tpu.memory_space<vmem_shared>>
      %dma_wait3A_352 = arith.constant 0 : i32
      %dma_wait3A_353 = tpu.memref_slice %arg20[%run_scoped3A_179, %dma_wait3A_352] : memref<16x10240xf32, #tpu.memory_space<vmem_shared>> -> memref<1x10240xf32, #tpu.memory_space<vmem_shared>>
      %dma_wait3A_354 = tpu.memref_squeeze %dma_wait3A_353 : memref<1x10240xf32, #tpu.memory_space<vmem_shared>> -> memref<10240xf32, #tpu.memory_space<vmem_shared>>
      %dma_wait3A_355 = tpu.memref_slice %dma_wait3A_354[%mul3A_16] : memref<10240xf32, #tpu.memory_space<vmem_shared>> -> memref<640xf32, #tpu.memory_space<vmem_shared>>
      tpu.wait_dma2 semaphore(%run_scoped3A_341 : memref<!tpu.dma_semaphore, #tpu.memory_space<semaphore_mem>>) src(%dma_wait3A_355 : memref<640xf32, #tpu.memory_space<vmem_shared>>) dst(%arg25 : memref<640xf32, #tpu.memory_space<vmem>>)
      tpu.yield
    }) : () -> ()
    %scan3A_180 = arith.constant 0 : i32
    %scan3A_181 = arith.constant 0 : i32
    %scan3A_182 = arith.constant 40 : i32
    %scan3A_183 = arith.addi %scan3A_181, %scan3A_182 : i32
    %scan3A_184 = arith.constant 1 : i32
    scf.for %scan3A_341 = %scan3A_181 to %scan3A_183 step %scan3A_184  : i32 {
      %mul3A_342 = arith.constant 16 : i32
      %mul3A_343 = arith.muli %scan3A_341, %mul3A_342 : i32
      %get3A = arith.index_cast %mul3A_343 : i32 to index
      %get3A_344 = tpu.vector_load %arg23[%get3A] {strides = array<i32>} : memref<640xf32, #tpu.memory_space<vmem>>, vector<16xf32>,
      %get3A_345 = arith.index_cast %mul3A_343 : i32 to index
      %get3A_346 = tpu.vector_load %arg25[%get3A_345] {strides = array<i32>} : memref<640xf32, #tpu.memory_space<vmem>>, vector<16xf32>,
      %add3A_347 = arith.addf %get3A_344, %get3A_346 : vector<16xf32>
      %swap3A = arith.index_cast %mul3A_343 : i32 to index
      %swap3A_348 = tpu.vector_load %arg23[%swap3A] {strides = array<i32>} : memref<640xf32, #tpu.memory_space<vmem>>, vector<16xf32>,
      tpu.vector_store %arg23[%swap3A], %add3A_347 {strides = array<i32>} : memref<640xf32, #tpu.memory_space<vmem>>, vector<16xf32>,
    }
    %scan3A_185 = arith.constant 40 : i32
    %run_scoped3A_186 = arith.constant 10 : i32
    "tpu.region"() ({
      %run_scoped3A_341 = tpu.sem_alloc : memref<!tpu.dma_semaphore, #tpu.memory_space<semaphore_mem>>
      %dma_start3A = arith.constant 0 : i32
      %dma_start3A_342 = tpu.memref_slice %arg20[%run_scoped3A_186, %dma_start3A] : memref<16x10240xf32, #tpu.memory_space<vmem_shared>> -> memref<1x10240xf32, #tpu.memory_space<vmem_shared>>
      %dma_start3A_343 = tpu.memref_squeeze %dma_start3A_342 : memref<1x10240xf32, #tpu.memory_space<vmem_shared>> -> memref<10240xf32, #tpu.memory_space<vmem_shared>>
      %dma_start3A_344 = tpu.memref_slice %dma_start3A_343[%mul3A_16] : memref<10240xf32, #tpu.memory_space<vmem_shared>> -> memref<640xf32, #tpu.memory_space<vmem_shared>>
      %dma_start3A_345 = arith.constant 0 : i32
      %dma_start3A_346 = tpu.memref_slice %arg20[%run_scoped3A_186, %dma_start3A_345] : memref<16x10240xf32, #tpu.memory_space<vmem_shared>> -> memref<1x10240xf32, #tpu.memory_space<vmem_shared>>
      %dma_start3A_347 = tpu.memref_squeeze %dma_start3A_346 : memref<1x10240xf32, #tpu.memory_space<vmem_shared>> -> memref<10240xf32, #tpu.memory_space<vmem_shared>>
      %dma_start3A_348 = tpu.memref_slice %dma_start3A_347[%mul3A_16] : memref<10240xf32, #tpu.memory_space<vmem_shared>> -> memref<640xf32, #tpu.memory_space<vmem_shared>>
      tpu.enqueue_dma source(%dma_start3A_348 : memref<640xf32, #tpu.memory_space<vmem_shared>>) target(%arg25 : memref<640xf32, #tpu.memory_space<vmem>>) target_semaphore(%run_scoped3A_341 : memref<!tpu.dma_semaphore, #tpu.memory_space<semaphore_mem>>)
      %dma_wait3A = arith.constant 0 : i32
      %dma_wait3A_349 = tpu.memref_slice %arg20[%run_scoped3A_186, %dma_wait3A] : memref<16x10240xf32, #tpu.memory_space<vmem_shared>> -> memref<1x10240xf32, #tpu.memory_space<vmem_shared>>
      %dma_wait3A_350 = tpu.memref_squeeze %dma_wait3A_349 : memref<1x10240xf32, #tpu.memory_space<vmem_shared>> -> memref<10240xf32, #tpu.memory_space<vmem_shared>>
      %dma_wait3A_351 = tpu.memref_slice %dma_wait3A_350[%mul3A_16] : memref<10240xf32, #tpu.memory_space<vmem_shared>> -> memref<640xf32, #tpu.memory_space<vmem_shared>>
      %dma_wait3A_352 = arith.constant 0 : i32
      %dma_wait3A_353 = tpu.memref_slice %arg20[%run_scoped3A_186, %dma_wait3A_352] : memref<16x10240xf32, #tpu.memory_space<vmem_shared>> -> memref<1x10240xf32, #tpu.memory_space<vmem_shared>>
      %dma_wait3A_354 = tpu.memref_squeeze %dma_wait3A_353 : memref<1x10240xf32, #tpu.memory_space<vmem_shared>> -> memref<10240xf32, #tpu.memory_space<vmem_shared>>
      %dma_wait3A_355 = tpu.memref_slice %dma_wait3A_354[%mul3A_16] : memref<10240xf32, #tpu.memory_space<vmem_shared>> -> memref<640xf32, #tpu.memory_space<vmem_shared>>
      tpu.wait_dma2 semaphore(%run_scoped3A_341 : memref<!tpu.dma_semaphore, #tpu.memory_space<semaphore_mem>>) src(%dma_wait3A_355 : memref<640xf32, #tpu.memory_space<vmem_shared>>) dst(%arg25 : memref<640xf32, #tpu.memory_space<vmem>>)
      tpu.yield
    }) : () -> ()
    %scan3A_187 = arith.constant 0 : i32
    %scan3A_188 = arith.constant 0 : i32
    %scan3A_189 = arith.constant 40 : i32
    %scan3A_190 = arith.addi %scan3A_188, %scan3A_189 : i32
    %scan3A_191 = arith.constant 1 : i32
    scf.for %scan3A_341 = %scan3A_188 to %scan3A_190 step %scan3A_191  : i32 {
      %mul3A_342 = arith.constant 16 : i32
      %mul3A_343 = arith.muli %scan3A_341, %mul3A_342 : i32
      %get3A = arith.index_cast %mul3A_343 : i32 to index
      %get3A_344 = tpu.vector_load %arg23[%get3A] {strides = array<i32>} : memref<640xf32, #tpu.memory_space<vmem>>, vector<16xf32>,
      %get3A_345 = arith.index_cast %mul3A_343 : i32 to index
      %get3A_346 = tpu.vector_load %arg25[%get3A_345] {strides = array<i32>} : memref<640xf32, #tpu.memory_space<vmem>>, vector<16xf32>,
      %add3A_347 = arith.addf %get3A_344, %get3A_346 : vector<16xf32>
      %swap3A = arith.index_cast %mul3A_343 : i32 to index
      %swap3A_348 = tpu.vector_load %arg23[%swap3A] {strides = array<i32>} : memref<640xf32, #tpu.memory_space<vmem>>, vector<16xf32>,
      tpu.vector_store %arg23[%swap3A], %add3A_347 {strides = array<i32>} : memref<640xf32, #tpu.memory_space<vmem>>, vector<16xf32>,
    }
    %scan3A_192 = arith.constant 40 : i32
    %run_scoped3A_193 = arith.constant 11 : i32
    "tpu.region"() ({
      %run_scoped3A_341 = tpu.sem_alloc : memref<!tpu.dma_semaphore, #tpu.memory_space<semaphore_mem>>
      %dma_start3A = arith.constant 0 : i32
      %dma_start3A_342 = tpu.memref_slice %arg20[%run_scoped3A_193, %dma_start3A] : memref<16x10240xf32, #tpu.memory_space<vmem_shared>> -> memref<1x10240xf32, #tpu.memory_space<vmem_shared>>
      %dma_start3A_343 = tpu.memref_squeeze %dma_start3A_342 : memref<1x10240xf32, #tpu.memory_space<vmem_shared>> -> memref<10240xf32, #tpu.memory_space<vmem_shared>>
      %dma_start3A_344 = tpu.memref_slice %dma_start3A_343[%mul3A_16] : memref<10240xf32, #tpu.memory_space<vmem_shared>> -> memref<640xf32, #tpu.memory_space<vmem_shared>>
      %dma_start3A_345 = arith.constant 0 : i32
      %dma_start3A_346 = tpu.memref_slice %arg20[%run_scoped3A_193, %dma_start3A_345] : memref<16x10240xf32, #tpu.memory_space<vmem_shared>> -> memref<1x10240xf32, #tpu.memory_space<vmem_shared>>
      %dma_start3A_347 = tpu.memref_squeeze %dma_start3A_346 : memref<1x10240xf32, #tpu.memory_space<vmem_shared>> -> memref<10240xf32, #tpu.memory_space<vmem_shared>>
      %dma_start3A_348 = tpu.memref_slice %dma_start3A_347[%mul3A_16] : memref<10240xf32, #tpu.memory_space<vmem_shared>> -> memref<640xf32, #tpu.memory_space<vmem_shared>>
      tpu.enqueue_dma source(%dma_start3A_348 : memref<640xf32, #tpu.memory_space<vmem_shared>>) target(%arg25 : memref<640xf32, #tpu.memory_space<vmem>>) target_semaphore(%run_scoped3A_341 : memref<!tpu.dma_semaphore, #tpu.memory_space<semaphore_mem>>)
      %dma_wait3A = arith.constant 0 : i32
      %dma_wait3A_349 = tpu.memref_slice %arg20[%run_scoped3A_193, %dma_wait3A] : memref<16x10240xf32, #tpu.memory_space<vmem_shared>> -> memref<1x10240xf32, #tpu.memory_space<vmem_shared>>
      %dma_wait3A_350 = tpu.memref_squeeze %dma_wait3A_349 : memref<1x10240xf32, #tpu.memory_space<vmem_shared>> -> memref<10240xf32, #tpu.memory_space<vmem_shared>>
      %dma_wait3A_351 = tpu.memref_slice %dma_wait3A_350[%mul3A_16] : memref<10240xf32, #tpu.memory_space<vmem_shared>> -> memref<640xf32, #tpu.memory_space<vmem_shared>>
      %dma_wait3A_352 = arith.constant 0 : i32
      %dma_wait3A_353 = tpu.memref_slice %arg20[%run_scoped3A_193, %dma_wait3A_352] : memref<16x10240xf32, #tpu.memory_space<vmem_shared>> -> memref<1x10240xf32, #tpu.memory_space<vmem_shared>>
      %dma_wait3A_354 = tpu.memref_squeeze %dma_wait3A_353 : memref<1x10240xf32, #tpu.memory_space<vmem_shared>> -> memref<10240xf32, #tpu.memory_space<vmem_shared>>
      %dma_wait3A_355 = tpu.memref_slice %dma_wait3A_354[%mul3A_16] : memref<10240xf32, #tpu.memory_space<vmem_shared>> -> memref<640xf32, #tpu.memory_space<vmem_shared>>
      tpu.wait_dma2 semaphore(%run_scoped3A_341 : memref<!tpu.dma_semaphore, #tpu.memory_space<semaphore_mem>>) src(%dma_wait3A_355 : memref<640xf32, #tpu.memory_space<vmem_shared>>) dst(%arg25 : memref<640xf32, #tpu.memory_space<vmem>>)
      tpu.yield
    }) : () -> ()
    %scan3A_194 = arith.constant 0 : i32
    %scan3A_195 = arith.constant 0 : i32
    %scan3A_196 = arith.constant 40 : i32
    %scan3A_197 = arith.addi %scan3A_195, %scan3A_196 : i32
    %scan3A_198 = arith.constant 1 : i32
    scf.for %scan3A_341 = %scan3A_195 to %scan3A_197 step %scan3A_198  : i32 {
      %mul3A_342 = arith.constant 16 : i32
      %mul3A_343 = arith.muli %scan3A_341, %mul3A_342 : i32
      %get3A = arith.index_cast %mul3A_343 : i32 to index
      %get3A_344 = tpu.vector_load %arg23[%get3A] {strides = array<i32>} : memref<640xf32, #tpu.memory_space<vmem>>, vector<16xf32>,
      %get3A_345 = arith.index_cast %mul3A_343 : i32 to index
      %get3A_346 = tpu.vector_load %arg25[%get3A_345] {strides = array<i32>} : memref<640xf32, #tpu.memory_space<vmem>>, vector<16xf32>,
      %add3A_347 = arith.addf %get3A_344, %get3A_346 : vector<16xf32>
      %swap3A = arith.index_cast %mul3A_343 : i32 to index
      %swap3A_348 = tpu.vector_load %arg23[%swap3A] {strides = array<i32>} : memref<640xf32, #tpu.memory_space<vmem>>, vector<16xf32>,
      tpu.vector_store %arg23[%swap3A], %add3A_347 {strides = array<i32>} : memref<640xf32, #tpu.memory_space<vmem>>, vector<16xf32>,
    }
    %scan3A_199 = arith.constant 40 : i32
    %run_scoped3A_200 = arith.constant 12 : i32
    "tpu.region"() ({
      %run_scoped3A_341 = tpu.sem_alloc : memref<!tpu.dma_semaphore, #tpu.memory_space<semaphore_mem>>
      %dma_start3A = arith.constant 0 : i32
      %dma_start3A_342 = tpu.memref_slice %arg20[%run_scoped3A_200, %dma_start3A] : memref<16x10240xf32, #tpu.memory_space<vmem_shared>> -> memref<1x10240xf32, #tpu.memory_space<vmem_shared>>
      %dma_start3A_343 = tpu.memref_squeeze %dma_start3A_342 : memref<1x10240xf32, #tpu.memory_space<vmem_shared>> -> memref<10240xf32, #tpu.memory_space<vmem_shared>>
      %dma_start3A_344 = tpu.memref_slice %dma_start3A_343[%mul3A_16] : memref<10240xf32, #tpu.memory_space<vmem_shared>> -> memref<640xf32, #tpu.memory_space<vmem_shared>>
      %dma_start3A_345 = arith.constant 0 : i32
      %dma_start3A_346 = tpu.memref_slice %arg20[%run_scoped3A_200, %dma_start3A_345] : memref<16x10240xf32, #tpu.memory_space<vmem_shared>> -> memref<1x10240xf32, #tpu.memory_space<vmem_shared>>
      %dma_start3A_347 = tpu.memref_squeeze %dma_start3A_346 : memref<1x10240xf32, #tpu.memory_space<vmem_shared>> -> memref<10240xf32, #tpu.memory_space<vmem_shared>>
      %dma_start3A_348 = tpu.memref_slice %dma_start3A_347[%mul3A_16] : memref<10240xf32, #tpu.memory_space<vmem_shared>> -> memref<640xf32, #tpu.memory_space<vmem_shared>>
      tpu.enqueue_dma source(%dma_start3A_348 : memref<640xf32, #tpu.memory_space<vmem_shared>>) target(%arg25 : memref<640xf32, #tpu.memory_space<vmem>>) target_semaphore(%run_scoped3A_341 : memref<!tpu.dma_semaphore, #tpu.memory_space<semaphore_mem>>)
      %dma_wait3A = arith.constant 0 : i32
      %dma_wait3A_349 = tpu.memref_slice %arg20[%run_scoped3A_200, %dma_wait3A] : memref<16x10240xf32, #tpu.memory_space<vmem_shared>> -> memref<1x10240xf32, #tpu.memory_space<vmem_shared>>
      %dma_wait3A_350 = tpu.memref_squeeze %dma_wait3A_349 : memref<1x10240xf32, #tpu.memory_space<vmem_shared>> -> memref<10240xf32, #tpu.memory_space<vmem_shared>>
      %dma_wait3A_351 = tpu.memref_slice %dma_wait3A_350[%mul3A_16] : memref<10240xf32, #tpu.memory_space<vmem_shared>> -> memref<640xf32, #tpu.memory_space<vmem_shared>>
      %dma_wait3A_352 = arith.constant 0 : i32
      %dma_wait3A_353 = tpu.memref_slice %arg20[%run_scoped3A_200, %dma_wait3A_352] : memref<16x10240xf32, #tpu.memory_space<vmem_shared>> -> memref<1x10240xf32, #tpu.memory_space<vmem_shared>>
      %dma_wait3A_354 = tpu.memref_squeeze %dma_wait3A_353 : memref<1x10240xf32, #tpu.memory_space<vmem_shared>> -> memref<10240xf32, #tpu.memory_space<vmem_shared>>
      %dma_wait3A_355 = tpu.memref_slice %dma_wait3A_354[%mul3A_16] : memref<10240xf32, #tpu.memory_space<vmem_shared>> -> memref<640xf32, #tpu.memory_space<vmem_shared>>
      tpu.wait_dma2 semaphore(%run_scoped3A_341 : memref<!tpu.dma_semaphore, #tpu.memory_space<semaphore_mem>>) src(%dma_wait3A_355 : memref<640xf32, #tpu.memory_space<vmem_shared>>) dst(%arg25 : memref<640xf32, #tpu.memory_space<vmem>>)
      tpu.yield
    }) : () -> ()
    %scan3A_201 = arith.constant 0 : i32
    %scan3A_202 = arith.constant 0 : i32
    %scan3A_203 = arith.constant 40 : i32
    %scan3A_204 = arith.addi %scan3A_202, %scan3A_203 : i32
    %scan3A_205 = arith.constant 1 : i32
    scf.for %scan3A_341 = %scan3A_202 to %scan3A_204 step %scan3A_205  : i32 {
      %mul3A_342 = arith.constant 16 : i32
      %mul3A_343 = arith.muli %scan3A_341, %mul3A_342 : i32
      %get3A = arith.index_cast %mul3A_343 : i32 to index
      %get3A_344 = tpu.vector_load %arg23[%get3A] {strides = array<i32>} : memref<640xf32, #tpu.memory_space<vmem>>, vector<16xf32>,
      %get3A_345 = arith.index_cast %mul3A_343 : i32 to index
      %get3A_346 = tpu.vector_load %arg25[%get3A_345] {strides = array<i32>} : memref<640xf32, #tpu.memory_space<vmem>>, vector<16xf32>,
      %add3A_347 = arith.addf %get3A_344, %get3A_346 : vector<16xf32>
      %swap3A = arith.index_cast %mul3A_343 : i32 to index
      %swap3A_348 = tpu.vector_load %arg23[%swap3A] {strides = array<i32>} : memref<640xf32, #tpu.memory_space<vmem>>, vector<16xf32>,
      tpu.vector_store %arg23[%swap3A], %add3A_347 {strides = array<i32>} : memref<640xf32, #tpu.memory_space<vmem>>, vector<16xf32>,
    }
    %scan3A_206 = arith.constant 40 : i32
    %run_scoped3A_207 = arith.constant 13 : i32
    "tpu.region"() ({
      %run_scoped3A_341 = tpu.sem_alloc : memref<!tpu.dma_semaphore, #tpu.memory_space<semaphore_mem>>
      %dma_start3A = arith.constant 0 : i32
      %dma_start3A_342 = tpu.memref_slice %arg20[%run_scoped3A_207, %dma_start3A] : memref<16x10240xf32, #tpu.memory_space<vmem_shared>> -> memref<1x10240xf32, #tpu.memory_space<vmem_shared>>
      %dma_start3A_343 = tpu.memref_squeeze %dma_start3A_342 : memref<1x10240xf32, #tpu.memory_space<vmem_shared>> -> memref<10240xf32, #tpu.memory_space<vmem_shared>>
      %dma_start3A_344 = tpu.memref_slice %dma_start3A_343[%mul3A_16] : memref<10240xf32, #tpu.memory_space<vmem_shared>> -> memref<640xf32, #tpu.memory_space<vmem_shared>>
      %dma_start3A_345 = arith.constant 0 : i32
      %dma_start3A_346 = tpu.memref_slice %arg20[%run_scoped3A_207, %dma_start3A_345] : memref<16x10240xf32, #tpu.memory_space<vmem_shared>> -> memref<1x10240xf32, #tpu.memory_space<vmem_shared>>
      %dma_start3A_347 = tpu.memref_squeeze %dma_start3A_346 : memref<1x10240xf32, #tpu.memory_space<vmem_shared>> -> memref<10240xf32, #tpu.memory_space<vmem_shared>>
      %dma_start3A_348 = tpu.memref_slice %dma_start3A_347[%mul3A_16] : memref<10240xf32, #tpu.memory_space<vmem_shared>> -> memref<640xf32, #tpu.memory_space<vmem_shared>>
      tpu.enqueue_dma source(%dma_start3A_348 : memref<640xf32, #tpu.memory_space<vmem_shared>>) target(%arg25 : memref<640xf32, #tpu.memory_space<vmem>>) target_semaphore(%run_scoped3A_341 : memref<!tpu.dma_semaphore, #tpu.memory_space<semaphore_mem>>)
      %dma_wait3A = arith.constant 0 : i32
      %dma_wait3A_349 = tpu.memref_slice %arg20[%run_scoped3A_207, %dma_wait3A] : memref<16x10240xf32, #tpu.memory_space<vmem_shared>> -> memref<1x10240xf32, #tpu.memory_space<vmem_shared>>
      %dma_wait3A_350 = tpu.memref_squeeze %dma_wait3A_349 : memref<1x10240xf32, #tpu.memory_space<vmem_shared>> -> memref<10240xf32, #tpu.memory_space<vmem_shared>>
      %dma_wait3A_351 = tpu.memref_slice %dma_wait3A_350[%mul3A_16] : memref<10240xf32, #tpu.memory_space<vmem_shared>> -> memref<640xf32, #tpu.memory_space<vmem_shared>>
      %dma_wait3A_352 = arith.constant 0 : i32
      %dma_wait3A_353 = tpu.memref_slice %arg20[%run_scoped3A_207, %dma_wait3A_352] : memref<16x10240xf32, #tpu.memory_space<vmem_shared>> -> memref<1x10240xf32, #tpu.memory_space<vmem_shared>>
      %dma_wait3A_354 = tpu.memref_squeeze %dma_wait3A_353 : memref<1x10240xf32, #tpu.memory_space<vmem_shared>> -> memref<10240xf32, #tpu.memory_space<vmem_shared>>
      %dma_wait3A_355 = tpu.memref_slice %dma_wait3A_354[%mul3A_16] : memref<10240xf32, #tpu.memory_space<vmem_shared>> -> memref<640xf32, #tpu.memory_space<vmem_shared>>
      tpu.wait_dma2 semaphore(%run_scoped3A_341 : memref<!tpu.dma_semaphore, #tpu.memory_space<semaphore_mem>>) src(%dma_wait3A_355 : memref<640xf32, #tpu.memory_space<vmem_shared>>) dst(%arg25 : memref<640xf32, #tpu.memory_space<vmem>>)
      tpu.yield
    }) : () -> ()
    %scan3A_208 = arith.constant 0 : i32
    %scan3A_209 = arith.constant 0 : i32
    %scan3A_210 = arith.constant 40 : i32
    %scan3A_211 = arith.addi %scan3A_209, %scan3A_210 : i32
    %scan3A_212 = arith.constant 1 : i32
    scf.for %scan3A_341 = %scan3A_209 to %scan3A_211 step %scan3A_212  : i32 {
      %mul3A_342 = arith.constant 16 : i32
      %mul3A_343 = arith.muli %scan3A_341, %mul3A_342 : i32
      %get3A = arith.index_cast %mul3A_343 : i32 to index
      %get3A_344 = tpu.vector_load %arg23[%get3A] {strides = array<i32>} : memref<640xf32, #tpu.memory_space<vmem>>, vector<16xf32>,
      %get3A_345 = arith.index_cast %mul3A_343 : i32 to index
      %get3A_346 = tpu.vector_load %arg25[%get3A_345] {strides = array<i32>} : memref<640xf32, #tpu.memory_space<vmem>>, vector<16xf32>,
      %add3A_347 = arith.addf %get3A_344, %get3A_346 : vector<16xf32>
      %swap3A = arith.index_cast %mul3A_343 : i32 to index
      %swap3A_348 = tpu.vector_load %arg23[%swap3A] {strides = array<i32>} : memref<640xf32, #tpu.memory_space<vmem>>, vector<16xf32>,
      tpu.vector_store %arg23[%swap3A], %add3A_347 {strides = array<i32>} : memref<640xf32, #tpu.memory_space<vmem>>, vector<16xf32>,
    }
    %scan3A_213 = arith.constant 40 : i32
    %run_scoped3A_214 = arith.constant 14 : i32
    "tpu.region"() ({
      %run_scoped3A_341 = tpu.sem_alloc : memref<!tpu.dma_semaphore, #tpu.memory_space<semaphore_mem>>
      %dma_start3A = arith.constant 0 : i32
      %dma_start3A_342 = tpu.memref_slice %arg20[%run_scoped3A_214, %dma_start3A] : memref<16x10240xf32, #tpu.memory_space<vmem_shared>> -> memref<1x10240xf32, #tpu.memory_space<vmem_shared>>
      %dma_start3A_343 = tpu.memref_squeeze %dma_start3A_342 : memref<1x10240xf32, #tpu.memory_space<vmem_shared>> -> memref<10240xf32, #tpu.memory_space<vmem_shared>>
      %dma_start3A_344 = tpu.memref_slice %dma_start3A_343[%mul3A_16] : memref<10240xf32, #tpu.memory_space<vmem_shared>> -> memref<640xf32, #tpu.memory_space<vmem_shared>>
      %dma_start3A_345 = arith.constant 0 : i32
      %dma_start3A_346 = tpu.memref_slice %arg20[%run_scoped3A_214, %dma_start3A_345] : memref<16x10240xf32, #tpu.memory_space<vmem_shared>> -> memref<1x10240xf32, #tpu.memory_space<vmem_shared>>
      %dma_start3A_347 = tpu.memref_squeeze %dma_start3A_346 : memref<1x10240xf32, #tpu.memory_space<vmem_shared>> -> memref<10240xf32, #tpu.memory_space<vmem_shared>>
      %dma_start3A_348 = tpu.memref_slice %dma_start3A_347[%mul3A_16] : memref<10240xf32, #tpu.memory_space<vmem_shared>> -> memref<640xf32, #tpu.memory_space<vmem_shared>>
      tpu.enqueue_dma source(%dma_start3A_348 : memref<640xf32, #tpu.memory_space<vmem_shared>>) target(%arg25 : memref<640xf32, #tpu.memory_space<vmem>>) target_semaphore(%run_scoped3A_341 : memref<!tpu.dma_semaphore, #tpu.memory_space<semaphore_mem>>)
      %dma_wait3A = arith.constant 0 : i32
      %dma_wait3A_349 = tpu.memref_slice %arg20[%run_scoped3A_214, %dma_wait3A] : memref<16x10240xf32, #tpu.memory_space<vmem_shared>> -> memref<1x10240xf32, #tpu.memory_space<vmem_shared>>
      %dma_wait3A_350 = tpu.memref_squeeze %dma_wait3A_349 : memref<1x10240xf32, #tpu.memory_space<vmem_shared>> -> memref<10240xf32, #tpu.memory_space<vmem_shared>>
      %dma_wait3A_351 = tpu.memref_slice %dma_wait3A_350[%mul3A_16] : memref<10240xf32, #tpu.memory_space<vmem_shared>> -> memref<640xf32, #tpu.memory_space<vmem_shared>>
      %dma_wait3A_352 = arith.constant 0 : i32
      %dma_wait3A_353 = tpu.memref_slice %arg20[%run_scoped3A_214, %dma_wait3A_352] : memref<16x10240xf32, #tpu.memory_space<vmem_shared>> -> memref<1x10240xf32, #tpu.memory_space<vmem_shared>>
      %dma_wait3A_354 = tpu.memref_squeeze %dma_wait3A_353 : memref<1x10240xf32, #tpu.memory_space<vmem_shared>> -> memref<10240xf32, #tpu.memory_space<vmem_shared>>
      %dma_wait3A_355 = tpu.memref_slice %dma_wait3A_354[%mul3A_16] : memref<10240xf32, #tpu.memory_space<vmem_shared>> -> memref<640xf32, #tpu.memory_space<vmem_shared>>
      tpu.wait_dma2 semaphore(%run_scoped3A_341 : memref<!tpu.dma_semaphore, #tpu.memory_space<semaphore_mem>>) src(%dma_wait3A_355 : memref<640xf32, #tpu.memory_space<vmem_shared>>) dst(%arg25 : memref<640xf32, #tpu.memory_space<vmem>>)
      tpu.yield
    }) : () -> ()
    %scan3A_215 = arith.constant 0 : i32
    %scan3A_216 = arith.constant 0 : i32
    %scan3A_217 = arith.constant 40 : i32
    %scan3A_218 = arith.addi %scan3A_216, %scan3A_217 : i32
    %scan3A_219 = arith.constant 1 : i32
    scf.for %scan3A_341 = %scan3A_216 to %scan3A_218 step %scan3A_219  : i32 {
      %mul3A_342 = arith.constant 16 : i32
      %mul3A_343 = arith.muli %scan3A_341, %mul3A_342 : i32
      %get3A = arith.index_cast %mul3A_343 : i32 to index
      %get3A_344 = tpu.vector_load %arg23[%get3A] {strides = array<i32>} : memref<640xf32, #tpu.memory_space<vmem>>, vector<16xf32>,
      %get3A_345 = arith.index_cast %mul3A_343 : i32 to index
      %get3A_346 = tpu.vector_load %arg25[%get3A_345] {strides = array<i32>} : memref<640xf32, #tpu.memory_space<vmem>>, vector<16xf32>,
      %add3A_347 = arith.addf %get3A_344, %get3A_346 : vector<16xf32>
      %swap3A = arith.index_cast %mul3A_343 : i32 to index
      %swap3A_348 = tpu.vector_load %arg23[%swap3A] {strides = array<i32>} : memref<640xf32, #tpu.memory_space<vmem>>, vector<16xf32>,
      tpu.vector_store %arg23[%swap3A], %add3A_347 {strides = array<i32>} : memref<640xf32, #tpu.memory_space<vmem>>, vector<16xf32>,
    }
    %scan3A_220 = arith.constant 40 : i32
    %run_scoped3A_221 = arith.constant 15 : i32
    "tpu.region"() ({
      %run_scoped3A_341 = tpu.sem_alloc : memref<!tpu.dma_semaphore, #tpu.memory_space<semaphore_mem>>
      %dma_start3A = arith.constant 0 : i32
      %dma_start3A_342 = tpu.memref_slice %arg20[%run_scoped3A_221, %dma_start3A] : memref<16x10240xf32, #tpu.memory_space<vmem_shared>> -> memref<1x10240xf32, #tpu.memory_space<vmem_shared>>
      %dma_start3A_343 = tpu.memref_squeeze %dma_start3A_342 : memref<1x10240xf32, #tpu.memory_space<vmem_shared>> -> memref<10240xf32, #tpu.memory_space<vmem_shared>>
      %dma_start3A_344 = tpu.memref_slice %dma_start3A_343[%mul3A_16] : memref<10240xf32, #tpu.memory_space<vmem_shared>> -> memref<640xf32, #tpu.memory_space<vmem_shared>>
      %dma_start3A_345 = arith.constant 0 : i32
      %dma_start3A_346 = tpu.memref_slice %arg20[%run_scoped3A_221, %dma_start3A_345] : memref<16x10240xf32, #tpu.memory_space<vmem_shared>> -> memref<1x10240xf32, #tpu.memory_space<vmem_shared>>
      %dma_start3A_347 = tpu.memref_squeeze %dma_start3A_346 : memref<1x10240xf32, #tpu.memory_space<vmem_shared>> -> memref<10240xf32, #tpu.memory_space<vmem_shared>>
      %dma_start3A_348 = tpu.memref_slice %dma_start3A_347[%mul3A_16] : memref<10240xf32, #tpu.memory_space<vmem_shared>> -> memref<640xf32, #tpu.memory_space<vmem_shared>>
      tpu.enqueue_dma source(%dma_start3A_348 : memref<640xf32, #tpu.memory_space<vmem_shared>>) target(%arg25 : memref<640xf32, #tpu.memory_space<vmem>>) target_semaphore(%run_scoped3A_341 : memref<!tpu.dma_semaphore, #tpu.memory_space<semaphore_mem>>)
      %dma_wait3A = arith.constant 0 : i32
      %dma_wait3A_349 = tpu.memref_slice %arg20[%run_scoped3A_221, %dma_wait3A] : memref<16x10240xf32, #tpu.memory_space<vmem_shared>> -> memref<1x10240xf32, #tpu.memory_space<vmem_shared>>
      %dma_wait3A_350 = tpu.memref_squeeze %dma_wait3A_349 : memref<1x10240xf32, #tpu.memory_space<vmem_shared>> -> memref<10240xf32, #tpu.memory_space<vmem_shared>>
      %dma_wait3A_351 = tpu.memref_slice %dma_wait3A_350[%mul3A_16] : memref<10240xf32, #tpu.memory_space<vmem_shared>> -> memref<640xf32, #tpu.memory_space<vmem_shared>>
      %dma_wait3A_352 = arith.constant 0 : i32
      %dma_wait3A_353 = tpu.memref_slice %arg20[%run_scoped3A_221, %dma_wait3A_352] : memref<16x10240xf32, #tpu.memory_space<vmem_shared>> -> memref<1x10240xf32, #tpu.memory_space<vmem_shared>>
      %dma_wait3A_354 = tpu.memref_squeeze %dma_wait3A_353 : memref<1x10240xf32, #tpu.memory_space<vmem_shared>> -> memref<10240xf32, #tpu.memory_space<vmem_shared>>
      %dma_wait3A_355 = tpu.memref_slice %dma_wait3A_354[%mul3A_16] : memref<10240xf32, #tpu.memory_space<vmem_shared>> -> memref<640xf32, #tpu.memory_space<vmem_shared>>
      tpu.wait_dma2 semaphore(%run_scoped3A_341 : memref<!tpu.dma_semaphore, #tpu.memory_space<semaphore_mem>>) src(%dma_wait3A_355 : memref<640xf32, #tpu.memory_space<vmem_shared>>) dst(%arg25 : memref<640xf32, #tpu.memory_space<vmem>>)
      tpu.yield
    }) : () -> ()
    %scan3A_222 = arith.constant 0 : i32
    %scan3A_223 = arith.constant 0 : i32
    %scan3A_224 = arith.constant 40 : i32
    %scan3A_225 = arith.addi %scan3A_223, %scan3A_224 : i32
    %scan3A_226 = arith.constant 1 : i32
    scf.for %scan3A_341 = %scan3A_223 to %scan3A_225 step %scan3A_226  : i32 {
      %mul3A_342 = arith.constant 16 : i32
      %mul3A_343 = arith.muli %scan3A_341, %mul3A_342 : i32
      %get3A = arith.index_cast %mul3A_343 : i32 to index
      %get3A_344 = tpu.vector_load %arg23[%get3A] {strides = array<i32>} : memref<640xf32, #tpu.memory_space<vmem>>, vector<16xf32>,
      %get3A_345 = arith.index_cast %mul3A_343 : i32 to index
      %get3A_346 = tpu.vector_load %arg25[%get3A_345] {strides = array<i32>} : memref<640xf32, #tpu.memory_space<vmem>>, vector<16xf32>,
      %add3A_347 = arith.addf %get3A_344, %get3A_346 : vector<16xf32>
      %swap3A = arith.index_cast %mul3A_343 : i32 to index
      %swap3A_348 = tpu.vector_load %arg23[%swap3A] {strides = array<i32>} : memref<640xf32, #tpu.memory_space<vmem>>, vector<16xf32>,
      tpu.vector_store %arg23[%swap3A], %add3A_347 {strides = array<i32>} : memref<640xf32, #tpu.memory_space<vmem>>, vector<16xf32>,
    }
    %scan3A_227 = arith.constant 40 : i32
    %run_scoped3A_228 = arith.constant 0 : i32
    "tpu.region"() ({
      %run_scoped3A_341 = tpu.sem_alloc : memref<!tpu.dma_semaphore, #tpu.memory_space<semaphore_mem>>
      %dma_start3A = arith.constant 0 : i32
      %dma_start3A_342 = tpu.memref_slice %arg21[%run_scoped3A_228, %dma_start3A] : memref<16x10240xf32, #tpu.memory_space<vmem_shared>> -> memref<1x10240xf32, #tpu.memory_space<vmem_shared>>
      %dma_start3A_343 = tpu.memref_squeeze %dma_start3A_342 : memref<1x10240xf32, #tpu.memory_space<vmem_shared>> -> memref<10240xf32, #tpu.memory_space<vmem_shared>>
      %dma_start3A_344 = tpu.memref_slice %dma_start3A_343[%mul3A_16] : memref<10240xf32, #tpu.memory_space<vmem_shared>> -> memref<640xf32, #tpu.memory_space<vmem_shared>>
      %dma_start3A_345 = arith.constant 0 : i32
      %dma_start3A_346 = tpu.memref_slice %arg21[%run_scoped3A_228, %dma_start3A_345] : memref<16x10240xf32, #tpu.memory_space<vmem_shared>> -> memref<1x10240xf32, #tpu.memory_space<vmem_shared>>
      %dma_start3A_347 = tpu.memref_squeeze %dma_start3A_346 : memref<1x10240xf32, #tpu.memory_space<vmem_shared>> -> memref<10240xf32, #tpu.memory_space<vmem_shared>>
      %dma_start3A_348 = tpu.memref_slice %dma_start3A_347[%mul3A_16] : memref<10240xf32, #tpu.memory_space<vmem_shared>> -> memref<640xf32, #tpu.memory_space<vmem_shared>>
      tpu.enqueue_dma source(%dma_start3A_348 : memref<640xf32, #tpu.memory_space<vmem_shared>>) target(%arg24 : memref<640xf32, #tpu.memory_space<vmem>>) target_semaphore(%run_scoped3A_341 : memref<!tpu.dma_semaphore, #tpu.memory_space<semaphore_mem>>)
      %dma_wait3A = arith.constant 0 : i32
      %dma_wait3A_349 = tpu.memref_slice %arg21[%run_scoped3A_228, %dma_wait3A] : memref<16x10240xf32, #tpu.memory_space<vmem_shared>> -> memref<1x10240xf32, #tpu.memory_space<vmem_shared>>
      %dma_wait3A_350 = tpu.memref_squeeze %dma_wait3A_349 : memref<1x10240xf32, #tpu.memory_space<vmem_shared>> -> memref<10240xf32, #tpu.memory_space<vmem_shared>>
      %dma_wait3A_351 = tpu.memref_slice %dma_wait3A_350[%mul3A_16] : memref<10240xf32, #tpu.memory_space<vmem_shared>> -> memref<640xf32, #tpu.memory_space<vmem_shared>>
      %dma_wait3A_352 = arith.constant 0 : i32
      %dma_wait3A_353 = tpu.memref_slice %arg21[%run_scoped3A_228, %dma_wait3A_352] : memref<16x10240xf32, #tpu.memory_space<vmem_shared>> -> memref<1x10240xf32, #tpu.memory_space<vmem_shared>>
      %dma_wait3A_354 = tpu.memref_squeeze %dma_wait3A_353 : memref<1x10240xf32, #tpu.memory_space<vmem_shared>> -> memref<10240xf32, #tpu.memory_space<vmem_shared>>
      %dma_wait3A_355 = tpu.memref_slice %dma_wait3A_354[%mul3A_16] : memref<10240xf32, #tpu.memory_space<vmem_shared>> -> memref<640xf32, #tpu.memory_space<vmem_shared>>
      tpu.wait_dma2 semaphore(%run_scoped3A_341 : memref<!tpu.dma_semaphore, #tpu.memory_space<semaphore_mem>>) src(%dma_wait3A_355 : memref<640xf32, #tpu.memory_space<vmem_shared>>) dst(%arg24 : memref<640xf32, #tpu.memory_space<vmem>>)
      tpu.yield
    }) : () -> ()
    %run_scoped3A_229 = arith.constant 1 : i32
    "tpu.region"() ({
      %run_scoped3A_341 = tpu.sem_alloc : memref<!tpu.dma_semaphore, #tpu.memory_space<semaphore_mem>>
      %dma_start3A = arith.constant 0 : i32
      %dma_start3A_342 = tpu.memref_slice %arg21[%run_scoped3A_229, %dma_start3A] : memref<16x10240xf32, #tpu.memory_space<vmem_shared>> -> memref<1x10240xf32, #tpu.memory_space<vmem_shared>>
      %dma_start3A_343 = tpu.memref_squeeze %dma_start3A_342 : memref<1x10240xf32, #tpu.memory_space<vmem_shared>> -> memref<10240xf32, #tpu.memory_space<vmem_shared>>
      %dma_start3A_344 = tpu.memref_slice %dma_start3A_343[%mul3A_16] : memref<10240xf32, #tpu.memory_space<vmem_shared>> -> memref<640xf32, #tpu.memory_space<vmem_shared>>
      %dma_start3A_345 = arith.constant 0 : i32
      %dma_start3A_346 = tpu.memref_slice %arg21[%run_scoped3A_229, %dma_start3A_345] : memref<16x10240xf32, #tpu.memory_space<vmem_shared>> -> memref<1x10240xf32, #tpu.memory_space<vmem_shared>>
      %dma_start3A_347 = tpu.memref_squeeze %dma_start3A_346 : memref<1x10240xf32, #tpu.memory_space<vmem_shared>> -> memref<10240xf32, #tpu.memory_space<vmem_shared>>
      %dma_start3A_348 = tpu.memref_slice %dma_start3A_347[%mul3A_16] : memref<10240xf32, #tpu.memory_space<vmem_shared>> -> memref<640xf32, #tpu.memory_space<vmem_shared>>
      tpu.enqueue_dma source(%dma_start3A_348 : memref<640xf32, #tpu.memory_space<vmem_shared>>) target(%arg25 : memref<640xf32, #tpu.memory_space<vmem>>) target_semaphore(%run_scoped3A_341 : memref<!tpu.dma_semaphore, #tpu.memory_space<semaphore_mem>>)
      %dma_wait3A = arith.constant 0 : i32
      %dma_wait3A_349 = tpu.memref_slice %arg21[%run_scoped3A_229, %dma_wait3A] : memref<16x10240xf32, #tpu.memory_space<vmem_shared>> -> memref<1x10240xf32, #tpu.memory_space<vmem_shared>>
      %dma_wait3A_350 = tpu.memref_squeeze %dma_wait3A_349 : memref<1x10240xf32, #tpu.memory_space<vmem_shared>> -> memref<10240xf32, #tpu.memory_space<vmem_shared>>
      %dma_wait3A_351 = tpu.memref_slice %dma_wait3A_350[%mul3A_16] : memref<10240xf32, #tpu.memory_space<vmem_shared>> -> memref<640xf32, #tpu.memory_space<vmem_shared>>
      %dma_wait3A_352 = arith.constant 0 : i32
      %dma_wait3A_353 = tpu.memref_slice %arg21[%run_scoped3A_229, %dma_wait3A_352] : memref<16x10240xf32, #tpu.memory_space<vmem_shared>> -> memref<1x10240xf32, #tpu.memory_space<vmem_shared>>
      %dma_wait3A_354 = tpu.memref_squeeze %dma_wait3A_353 : memref<1x10240xf32, #tpu.memory_space<vmem_shared>> -> memref<10240xf32, #tpu.memory_space<vmem_shared>>
      %dma_wait3A_355 = tpu.memref_slice %dma_wait3A_354[%mul3A_16] : memref<10240xf32, #tpu.memory_space<vmem_shared>> -> memref<640xf32, #tpu.memory_space<vmem_shared>>
      tpu.wait_dma2 semaphore(%run_scoped3A_341 : memref<!tpu.dma_semaphore, #tpu.memory_space<semaphore_mem>>) src(%dma_wait3A_355 : memref<640xf32, #tpu.memory_space<vmem_shared>>) dst(%arg25 : memref<640xf32, #tpu.memory_space<vmem>>)
      tpu.yield
    }) : () -> ()
    %scan3A_230 = arith.constant 0 : i32
    %scan3A_231 = arith.constant 0 : i32
    %scan3A_232 = arith.constant 40 : i32
    %scan3A_233 = arith.addi %scan3A_231, %scan3A_232 : i32
    %scan3A_234 = arith.constant 1 : i32
    scf.for %scan3A_341 = %scan3A_231 to %scan3A_233 step %scan3A_234  : i32 {
      %mul3A_342 = arith.constant 16 : i32
      %mul3A_343 = arith.muli %scan3A_341, %mul3A_342 : i32
      %get3A = arith.index_cast %mul3A_343 : i32 to index
      %get3A_344 = tpu.vector_load %arg24[%get3A] {strides = array<i32>} : memref<640xf32, #tpu.memory_space<vmem>>, vector<16xf32>,
      %get3A_345 = arith.index_cast %mul3A_343 : i32 to index
      %get3A_346 = tpu.vector_load %arg25[%get3A_345] {strides = array<i32>} : memref<640xf32, #tpu.memory_space<vmem>>, vector<16xf32>,
      %add3A_347 = arith.addf %get3A_344, %get3A_346 : vector<16xf32>
      %swap3A = arith.index_cast %mul3A_343 : i32 to index
      %swap3A_348 = tpu.vector_load %arg24[%swap3A] {strides = array<i32>} : memref<640xf32, #tpu.memory_space<vmem>>, vector<16xf32>,
      tpu.vector_store %arg24[%swap3A], %add3A_347 {strides = array<i32>} : memref<640xf32, #tpu.memory_space<vmem>>, vector<16xf32>,
    }
    %scan3A_235 = arith.constant 40 : i32
    %run_scoped3A_236 = arith.constant 2 : i32
    "tpu.region"() ({
      %run_scoped3A_341 = tpu.sem_alloc : memref<!tpu.dma_semaphore, #tpu.memory_space<semaphore_mem>>
      %dma_start3A = arith.constant 0 : i32
      %dma_start3A_342 = tpu.memref_slice %arg21[%run_scoped3A_236, %dma_start3A] : memref<16x10240xf32, #tpu.memory_space<vmem_shared>> -> memref<1x10240xf32, #tpu.memory_space<vmem_shared>>
      %dma_start3A_343 = tpu.memref_squeeze %dma_start3A_342 : memref<1x10240xf32, #tpu.memory_space<vmem_shared>> -> memref<10240xf32, #tpu.memory_space<vmem_shared>>
      %dma_start3A_344 = tpu.memref_slice %dma_start3A_343[%mul3A_16] : memref<10240xf32, #tpu.memory_space<vmem_shared>> -> memref<640xf32, #tpu.memory_space<vmem_shared>>
      %dma_start3A_345 = arith.constant 0 : i32
      %dma_start3A_346 = tpu.memref_slice %arg21[%run_scoped3A_236, %dma_start3A_345] : memref<16x10240xf32, #tpu.memory_space<vmem_shared>> -> memref<1x10240xf32, #tpu.memory_space<vmem_shared>>
      %dma_start3A_347 = tpu.memref_squeeze %dma_start3A_346 : memref<1x10240xf32, #tpu.memory_space<vmem_shared>> -> memref<10240xf32, #tpu.memory_space<vmem_shared>>
      %dma_start3A_348 = tpu.memref_slice %dma_start3A_347[%mul3A_16] : memref<10240xf32, #tpu.memory_space<vmem_shared>> -> memref<640xf32, #tpu.memory_space<vmem_shared>>
      tpu.enqueue_dma source(%dma_start3A_348 : memref<640xf32, #tpu.memory_space<vmem_shared>>) target(%arg25 : memref<640xf32, #tpu.memory_space<vmem>>) target_semaphore(%run_scoped3A_341 : memref<!tpu.dma_semaphore, #tpu.memory_space<semaphore_mem>>)
      %dma_wait3A = arith.constant 0 : i32
      %dma_wait3A_349 = tpu.memref_slice %arg21[%run_scoped3A_236, %dma_wait3A] : memref<16x10240xf32, #tpu.memory_space<vmem_shared>> -> memref<1x10240xf32, #tpu.memory_space<vmem_shared>>
      %dma_wait3A_350 = tpu.memref_squeeze %dma_wait3A_349 : memref<1x10240xf32, #tpu.memory_space<vmem_shared>> -> memref<10240xf32, #tpu.memory_space<vmem_shared>>
      %dma_wait3A_351 = tpu.memref_slice %dma_wait3A_350[%mul3A_16] : memref<10240xf32, #tpu.memory_space<vmem_shared>> -> memref<640xf32, #tpu.memory_space<vmem_shared>>
      %dma_wait3A_352 = arith.constant 0 : i32
      %dma_wait3A_353 = tpu.memref_slice %arg21[%run_scoped3A_236, %dma_wait3A_352] : memref<16x10240xf32, #tpu.memory_space<vmem_shared>> -> memref<1x10240xf32, #tpu.memory_space<vmem_shared>>
      %dma_wait3A_354 = tpu.memref_squeeze %dma_wait3A_353 : memref<1x10240xf32, #tpu.memory_space<vmem_shared>> -> memref<10240xf32, #tpu.memory_space<vmem_shared>>
      %dma_wait3A_355 = tpu.memref_slice %dma_wait3A_354[%mul3A_16] : memref<10240xf32, #tpu.memory_space<vmem_shared>> -> memref<640xf32, #tpu.memory_space<vmem_shared>>
      tpu.wait_dma2 semaphore(%run_scoped3A_341 : memref<!tpu.dma_semaphore, #tpu.memory_space<semaphore_mem>>) src(%dma_wait3A_355 : memref<640xf32, #tpu.memory_space<vmem_shared>>) dst(%arg25 : memref<640xf32, #tpu.memory_space<vmem>>)
      tpu.yield
    }) : () -> ()
    %scan3A_237 = arith.constant 0 : i32
    %scan3A_238 = arith.constant 0 : i32
    %scan3A_239 = arith.constant 40 : i32
    %scan3A_240 = arith.addi %scan3A_238, %scan3A_239 : i32
    %scan3A_241 = arith.constant 1 : i32
    scf.for %scan3A_341 = %scan3A_238 to %scan3A_240 step %scan3A_241  : i32 {
      %mul3A_342 = arith.constant 16 : i32
      %mul3A_343 = arith.muli %scan3A_341, %mul3A_342 : i32
      %get3A = arith.index_cast %mul3A_343 : i32 to index
      %get3A_344 = tpu.vector_load %arg24[%get3A] {strides = array<i32>} : memref<640xf32, #tpu.memory_space<vmem>>, vector<16xf32>,
      %get3A_345 = arith.index_cast %mul3A_343 : i32 to index
      %get3A_346 = tpu.vector_load %arg25[%get3A_345] {strides = array<i32>} : memref<640xf32, #tpu.memory_space<vmem>>, vector<16xf32>,
      %add3A_347 = arith.addf %get3A_344, %get3A_346 : vector<16xf32>
      %swap3A = arith.index_cast %mul3A_343 : i32 to index
      %swap3A_348 = tpu.vector_load %arg24[%swap3A] {strides = array<i32>} : memref<640xf32, #tpu.memory_space<vmem>>, vector<16xf32>,
      tpu.vector_store %arg24[%swap3A], %add3A_347 {strides = array<i32>} : memref<640xf32, #tpu.memory_space<vmem>>, vector<16xf32>,
    }
    %scan3A_242 = arith.constant 40 : i32
    %run_scoped3A_243 = arith.constant 3 : i32
    "tpu.region"() ({
      %run_scoped3A_341 = tpu.sem_alloc : memref<!tpu.dma_semaphore, #tpu.memory_space<semaphore_mem>>
      %dma_start3A = arith.constant 0 : i32
      %dma_start3A_342 = tpu.memref_slice %arg21[%run_scoped3A_243, %dma_start3A] : memref<16x10240xf32, #tpu.memory_space<vmem_shared>> -> memref<1x10240xf32, #tpu.memory_space<vmem_shared>>
      %dma_start3A_343 = tpu.memref_squeeze %dma_start3A_342 : memref<1x10240xf32, #tpu.memory_space<vmem_shared>> -> memref<10240xf32, #tpu.memory_space<vmem_shared>>
      %dma_start3A_344 = tpu.memref_slice %dma_start3A_343[%mul3A_16] : memref<10240xf32, #tpu.memory_space<vmem_shared>> -> memref<640xf32, #tpu.memory_space<vmem_shared>>
      %dma_start3A_345 = arith.constant 0 : i32
      %dma_start3A_346 = tpu.memref_slice %arg21[%run_scoped3A_243, %dma_start3A_345] : memref<16x10240xf32, #tpu.memory_space<vmem_shared>> -> memref<1x10240xf32, #tpu.memory_space<vmem_shared>>
      %dma_start3A_347 = tpu.memref_squeeze %dma_start3A_346 : memref<1x10240xf32, #tpu.memory_space<vmem_shared>> -> memref<10240xf32, #tpu.memory_space<vmem_shared>>
      %dma_start3A_348 = tpu.memref_slice %dma_start3A_347[%mul3A_16] : memref<10240xf32, #tpu.memory_space<vmem_shared>> -> memref<640xf32, #tpu.memory_space<vmem_shared>>
      tpu.enqueue_dma source(%dma_start3A_348 : memref<640xf32, #tpu.memory_space<vmem_shared>>) target(%arg25 : memref<640xf32, #tpu.memory_space<vmem>>) target_semaphore(%run_scoped3A_341 : memref<!tpu.dma_semaphore, #tpu.memory_space<semaphore_mem>>)
      %dma_wait3A = arith.constant 0 : i32
      %dma_wait3A_349 = tpu.memref_slice %arg21[%run_scoped3A_243, %dma_wait3A] : memref<16x10240xf32, #tpu.memory_space<vmem_shared>> -> memref<1x10240xf32, #tpu.memory_space<vmem_shared>>
      %dma_wait3A_350 = tpu.memref_squeeze %dma_wait3A_349 : memref<1x10240xf32, #tpu.memory_space<vmem_shared>> -> memref<10240xf32, #tpu.memory_space<vmem_shared>>
      %dma_wait3A_351 = tpu.memref_slice %dma_wait3A_350[%mul3A_16] : memref<10240xf32, #tpu.memory_space<vmem_shared>> -> memref<640xf32, #tpu.memory_space<vmem_shared>>
      %dma_wait3A_352 = arith.constant 0 : i32
      %dma_wait3A_353 = tpu.memref_slice %arg21[%run_scoped3A_243, %dma_wait3A_352] : memref<16x10240xf32, #tpu.memory_space<vmem_shared>> -> memref<1x10240xf32, #tpu.memory_space<vmem_shared>>
      %dma_wait3A_354 = tpu.memref_squeeze %dma_wait3A_353 : memref<1x10240xf32, #tpu.memory_space<vmem_shared>> -> memref<10240xf32, #tpu.memory_space<vmem_shared>>
      %dma_wait3A_355 = tpu.memref_slice %dma_wait3A_354[%mul3A_16] : memref<10240xf32, #tpu.memory_space<vmem_shared>> -> memref<640xf32, #tpu.memory_space<vmem_shared>>
      tpu.wait_dma2 semaphore(%run_scoped3A_341 : memref<!tpu.dma_semaphore, #tpu.memory_space<semaphore_mem>>) src(%dma_wait3A_355 : memref<640xf32, #tpu.memory_space<vmem_shared>>) dst(%arg25 : memref<640xf32, #tpu.memory_space<vmem>>)
      tpu.yield
    }) : () -> ()
    %scan3A_244 = arith.constant 0 : i32
    %scan3A_245 = arith.constant 0 : i32
    %scan3A_246 = arith.constant 40 : i32
    %scan3A_247 = arith.addi %scan3A_245, %scan3A_246 : i32
    %scan3A_248 = arith.constant 1 : i32
    scf.for %scan3A_341 = %scan3A_245 to %scan3A_247 step %scan3A_248  : i32 {
      %mul3A_342 = arith.constant 16 : i32
      %mul3A_343 = arith.muli %scan3A_341, %mul3A_342 : i32
      %get3A = arith.index_cast %mul3A_343 : i32 to index
      %get3A_344 = tpu.vector_load %arg24[%get3A] {strides = array<i32>} : memref<640xf32, #tpu.memory_space<vmem>>, vector<16xf32>,
      %get3A_345 = arith.index_cast %mul3A_343 : i32 to index
      %get3A_346 = tpu.vector_load %arg25[%get3A_345] {strides = array<i32>} : memref<640xf32, #tpu.memory_space<vmem>>, vector<16xf32>,
      %add3A_347 = arith.addf %get3A_344, %get3A_346 : vector<16xf32>
      %swap3A = arith.index_cast %mul3A_343 : i32 to index
      %swap3A_348 = tpu.vector_load %arg24[%swap3A] {strides = array<i32>} : memref<640xf32, #tpu.memory_space<vmem>>, vector<16xf32>,
      tpu.vector_store %arg24[%swap3A], %add3A_347 {strides = array<i32>} : memref<640xf32, #tpu.memory_space<vmem>>, vector<16xf32>,
    }
    %scan3A_249 = arith.constant 40 : i32
    %run_scoped3A_250 = arith.constant 4 : i32
    "tpu.region"() ({
      %run_scoped3A_341 = tpu.sem_alloc : memref<!tpu.dma_semaphore, #tpu.memory_space<semaphore_mem>>
      %dma_start3A = arith.constant 0 : i32
      %dma_start3A_342 = tpu.memref_slice %arg21[%run_scoped3A_250, %dma_start3A] : memref<16x10240xf32, #tpu.memory_space<vmem_shared>> -> memref<1x10240xf32, #tpu.memory_space<vmem_shared>>
      %dma_start3A_343 = tpu.memref_squeeze %dma_start3A_342 : memref<1x10240xf32, #tpu.memory_space<vmem_shared>> -> memref<10240xf32, #tpu.memory_space<vmem_shared>>
      %dma_start3A_344 = tpu.memref_slice %dma_start3A_343[%mul3A_16] : memref<10240xf32, #tpu.memory_space<vmem_shared>> -> memref<640xf32, #tpu.memory_space<vmem_shared>>
      %dma_start3A_345 = arith.constant 0 : i32
      %dma_start3A_346 = tpu.memref_slice %arg21[%run_scoped3A_250, %dma_start3A_345] : memref<16x10240xf32, #tpu.memory_space<vmem_shared>> -> memref<1x10240xf32, #tpu.memory_space<vmem_shared>>
      %dma_start3A_347 = tpu.memref_squeeze %dma_start3A_346 : memref<1x10240xf32, #tpu.memory_space<vmem_shared>> -> memref<10240xf32, #tpu.memory_space<vmem_shared>>
      %dma_start3A_348 = tpu.memref_slice %dma_start3A_347[%mul3A_16] : memref<10240xf32, #tpu.memory_space<vmem_shared>> -> memref<640xf32, #tpu.memory_space<vmem_shared>>
      tpu.enqueue_dma source(%dma_start3A_348 : memref<640xf32, #tpu.memory_space<vmem_shared>>) target(%arg25 : memref<640xf32, #tpu.memory_space<vmem>>) target_semaphore(%run_scoped3A_341 : memref<!tpu.dma_semaphore, #tpu.memory_space<semaphore_mem>>)
      %dma_wait3A = arith.constant 0 : i32
      %dma_wait3A_349 = tpu.memref_slice %arg21[%run_scoped3A_250, %dma_wait3A] : memref<16x10240xf32, #tpu.memory_space<vmem_shared>> -> memref<1x10240xf32, #tpu.memory_space<vmem_shared>>
      %dma_wait3A_350 = tpu.memref_squeeze %dma_wait3A_349 : memref<1x10240xf32, #tpu.memory_space<vmem_shared>> -> memref<10240xf32, #tpu.memory_space<vmem_shared>>
      %dma_wait3A_351 = tpu.memref_slice %dma_wait3A_350[%mul3A_16] : memref<10240xf32, #tpu.memory_space<vmem_shared>> -> memref<640xf32, #tpu.memory_space<vmem_shared>>
      %dma_wait3A_352 = arith.constant 0 : i32
      %dma_wait3A_353 = tpu.memref_slice %arg21[%run_scoped3A_250, %dma_wait3A_352] : memref<16x10240xf32, #tpu.memory_space<vmem_shared>> -> memref<1x10240xf32, #tpu.memory_space<vmem_shared>>
      %dma_wait3A_354 = tpu.memref_squeeze %dma_wait3A_353 : memref<1x10240xf32, #tpu.memory_space<vmem_shared>> -> memref<10240xf32, #tpu.memory_space<vmem_shared>>
      %dma_wait3A_355 = tpu.memref_slice %dma_wait3A_354[%mul3A_16] : memref<10240xf32, #tpu.memory_space<vmem_shared>> -> memref<640xf32, #tpu.memory_space<vmem_shared>>
      tpu.wait_dma2 semaphore(%run_scoped3A_341 : memref<!tpu.dma_semaphore, #tpu.memory_space<semaphore_mem>>) src(%dma_wait3A_355 : memref<640xf32, #tpu.memory_space<vmem_shared>>) dst(%arg25 : memref<640xf32, #tpu.memory_space<vmem>>)
      tpu.yield
    }) : () -> ()
    %scan3A_251 = arith.constant 0 : i32
    %scan3A_252 = arith.constant 0 : i32
    %scan3A_253 = arith.constant 40 : i32
    %scan3A_254 = arith.addi %scan3A_252, %scan3A_253 : i32
    %scan3A_255 = arith.constant 1 : i32
    scf.for %scan3A_341 = %scan3A_252 to %scan3A_254 step %scan3A_255  : i32 {
      %mul3A_342 = arith.constant 16 : i32
      %mul3A_343 = arith.muli %scan3A_341, %mul3A_342 : i32
      %get3A = arith.index_cast %mul3A_343 : i32 to index
      %get3A_344 = tpu.vector_load %arg24[%get3A] {strides = array<i32>} : memref<640xf32, #tpu.memory_space<vmem>>, vector<16xf32>,
      %get3A_345 = arith.index_cast %mul3A_343 : i32 to index
      %get3A_346 = tpu.vector_load %arg25[%get3A_345] {strides = array<i32>} : memref<640xf32, #tpu.memory_space<vmem>>, vector<16xf32>,
      %add3A_347 = arith.addf %get3A_344, %get3A_346 : vector<16xf32>
      %swap3A = arith.index_cast %mul3A_343 : i32 to index
      %swap3A_348 = tpu.vector_load %arg24[%swap3A] {strides = array<i32>} : memref<640xf32, #tpu.memory_space<vmem>>, vector<16xf32>,
      tpu.vector_store %arg24[%swap3A], %add3A_347 {strides = array<i32>} : memref<640xf32, #tpu.memory_space<vmem>>, vector<16xf32>,
    }
    %scan3A_256 = arith.constant 40 : i32
    %run_scoped3A_257 = arith.constant 5 : i32
    "tpu.region"() ({
      %run_scoped3A_341 = tpu.sem_alloc : memref<!tpu.dma_semaphore, #tpu.memory_space<semaphore_mem>>
      %dma_start3A = arith.constant 0 : i32
      %dma_start3A_342 = tpu.memref_slice %arg21[%run_scoped3A_257, %dma_start3A] : memref<16x10240xf32, #tpu.memory_space<vmem_shared>> -> memref<1x10240xf32, #tpu.memory_space<vmem_shared>>
      %dma_start3A_343 = tpu.memref_squeeze %dma_start3A_342 : memref<1x10240xf32, #tpu.memory_space<vmem_shared>> -> memref<10240xf32, #tpu.memory_space<vmem_shared>>
      %dma_start3A_344 = tpu.memref_slice %dma_start3A_343[%mul3A_16] : memref<10240xf32, #tpu.memory_space<vmem_shared>> -> memref<640xf32, #tpu.memory_space<vmem_shared>>
      %dma_start3A_345 = arith.constant 0 : i32
      %dma_start3A_346 = tpu.memref_slice %arg21[%run_scoped3A_257, %dma_start3A_345] : memref<16x10240xf32, #tpu.memory_space<vmem_shared>> -> memref<1x10240xf32, #tpu.memory_space<vmem_shared>>
      %dma_start3A_347 = tpu.memref_squeeze %dma_start3A_346 : memref<1x10240xf32, #tpu.memory_space<vmem_shared>> -> memref<10240xf32, #tpu.memory_space<vmem_shared>>
      %dma_start3A_348 = tpu.memref_slice %dma_start3A_347[%mul3A_16] : memref<10240xf32, #tpu.memory_space<vmem_shared>> -> memref<640xf32, #tpu.memory_space<vmem_shared>>
      tpu.enqueue_dma source(%dma_start3A_348 : memref<640xf32, #tpu.memory_space<vmem_shared>>) target(%arg25 : memref<640xf32, #tpu.memory_space<vmem>>) target_semaphore(%run_scoped3A_341 : memref<!tpu.dma_semaphore, #tpu.memory_space<semaphore_mem>>)
      %dma_wait3A = arith.constant 0 : i32
      %dma_wait3A_349 = tpu.memref_slice %arg21[%run_scoped3A_257, %dma_wait3A] : memref<16x10240xf32, #tpu.memory_space<vmem_shared>> -> memref<1x10240xf32, #tpu.memory_space<vmem_shared>>
      %dma_wait3A_350 = tpu.memref_squeeze %dma_wait3A_349 : memref<1x10240xf32, #tpu.memory_space<vmem_shared>> -> memref<10240xf32, #tpu.memory_space<vmem_shared>>
      %dma_wait3A_351 = tpu.memref_slice %dma_wait3A_350[%mul3A_16] : memref<10240xf32, #tpu.memory_space<vmem_shared>> -> memref<640xf32, #tpu.memory_space<vmem_shared>>
      %dma_wait3A_352 = arith.constant 0 : i32
      %dma_wait3A_353 = tpu.memref_slice %arg21[%run_scoped3A_257, %dma_wait3A_352] : memref<16x10240xf32, #tpu.memory_space<vmem_shared>> -> memref<1x10240xf32, #tpu.memory_space<vmem_shared>>
      %dma_wait3A_354 = tpu.memref_squeeze %dma_wait3A_353 : memref<1x10240xf32, #tpu.memory_space<vmem_shared>> -> memref<10240xf32, #tpu.memory_space<vmem_shared>>
      %dma_wait3A_355 = tpu.memref_slice %dma_wait3A_354[%mul3A_16] : memref<10240xf32, #tpu.memory_space<vmem_shared>> -> memref<640xf32, #tpu.memory_space<vmem_shared>>
      tpu.wait_dma2 semaphore(%run_scoped3A_341 : memref<!tpu.dma_semaphore, #tpu.memory_space<semaphore_mem>>) src(%dma_wait3A_355 : memref<640xf32, #tpu.memory_space<vmem_shared>>) dst(%arg25 : memref<640xf32, #tpu.memory_space<vmem>>)
      tpu.yield
    }) : () -> ()
    %scan3A_258 = arith.constant 0 : i32
    %scan3A_259 = arith.constant 0 : i32
    %scan3A_260 = arith.constant 40 : i32
    %scan3A_261 = arith.addi %scan3A_259, %scan3A_260 : i32
    %scan3A_262 = arith.constant 1 : i32
    scf.for %scan3A_341 = %scan3A_259 to %scan3A_261 step %scan3A_262  : i32 {
      %mul3A_342 = arith.constant 16 : i32
      %mul3A_343 = arith.muli %scan3A_341, %mul3A_342 : i32
      %get3A = arith.index_cast %mul3A_343 : i32 to index
      %get3A_344 = tpu.vector_load %arg24[%get3A] {strides = array<i32>} : memref<640xf32, #tpu.memory_space<vmem>>, vector<16xf32>,
      %get3A_345 = arith.index_cast %mul3A_343 : i32 to index
      %get3A_346 = tpu.vector_load %arg25[%get3A_345] {strides = array<i32>} : memref<640xf32, #tpu.memory_space<vmem>>, vector<16xf32>,
      %add3A_347 = arith.addf %get3A_344, %get3A_346 : vector<16xf32>
      %swap3A = arith.index_cast %mul3A_343 : i32 to index
      %swap3A_348 = tpu.vector_load %arg24[%swap3A] {strides = array<i32>} : memref<640xf32, #tpu.memory_space<vmem>>, vector<16xf32>,
      tpu.vector_store %arg24[%swap3A], %add3A_347 {strides = array<i32>} : memref<640xf32, #tpu.memory_space<vmem>>, vector<16xf32>,
    }
    %scan3A_263 = arith.constant 40 : i32
    %run_scoped3A_264 = arith.constant 6 : i32
    "tpu.region"() ({
      %run_scoped3A_341 = tpu.sem_alloc : memref<!tpu.dma_semaphore, #tpu.memory_space<semaphore_mem>>
      %dma_start3A = arith.constant 0 : i32
      %dma_start3A_342 = tpu.memref_slice %arg21[%run_scoped3A_264, %dma_start3A] : memref<16x10240xf32, #tpu.memory_space<vmem_shared>> -> memref<1x10240xf32, #tpu.memory_space<vmem_shared>>
      %dma_start3A_343 = tpu.memref_squeeze %dma_start3A_342 : memref<1x10240xf32, #tpu.memory_space<vmem_shared>> -> memref<10240xf32, #tpu.memory_space<vmem_shared>>
      %dma_start3A_344 = tpu.memref_slice %dma_start3A_343[%mul3A_16] : memref<10240xf32, #tpu.memory_space<vmem_shared>> -> memref<640xf32, #tpu.memory_space<vmem_shared>>
      %dma_start3A_345 = arith.constant 0 : i32
      %dma_start3A_346 = tpu.memref_slice %arg21[%run_scoped3A_264, %dma_start3A_345] : memref<16x10240xf32, #tpu.memory_space<vmem_shared>> -> memref<1x10240xf32, #tpu.memory_space<vmem_shared>>
      %dma_start3A_347 = tpu.memref_squeeze %dma_start3A_346 : memref<1x10240xf32, #tpu.memory_space<vmem_shared>> -> memref<10240xf32, #tpu.memory_space<vmem_shared>>
      %dma_start3A_348 = tpu.memref_slice %dma_start3A_347[%mul3A_16] : memref<10240xf32, #tpu.memory_space<vmem_shared>> -> memref<640xf32, #tpu.memory_space<vmem_shared>>
      tpu.enqueue_dma source(%dma_start3A_348 : memref<640xf32, #tpu.memory_space<vmem_shared>>) target(%arg25 : memref<640xf32, #tpu.memory_space<vmem>>) target_semaphore(%run_scoped3A_341 : memref<!tpu.dma_semaphore, #tpu.memory_space<semaphore_mem>>)
      %dma_wait3A = arith.constant 0 : i32
      %dma_wait3A_349 = tpu.memref_slice %arg21[%run_scoped3A_264, %dma_wait3A] : memref<16x10240xf32, #tpu.memory_space<vmem_shared>> -> memref<1x10240xf32, #tpu.memory_space<vmem_shared>>
      %dma_wait3A_350 = tpu.memref_squeeze %dma_wait3A_349 : memref<1x10240xf32, #tpu.memory_space<vmem_shared>> -> memref<10240xf32, #tpu.memory_space<vmem_shared>>
      %dma_wait3A_351 = tpu.memref_slice %dma_wait3A_350[%mul3A_16] : memref<10240xf32, #tpu.memory_space<vmem_shared>> -> memref<640xf32, #tpu.memory_space<vmem_shared>>
      %dma_wait3A_352 = arith.constant 0 : i32
      %dma_wait3A_353 = tpu.memref_slice %arg21[%run_scoped3A_264, %dma_wait3A_352] : memref<16x10240xf32, #tpu.memory_space<vmem_shared>> -> memref<1x10240xf32, #tpu.memory_space<vmem_shared>>
      %dma_wait3A_354 = tpu.memref_squeeze %dma_wait3A_353 : memref<1x10240xf32, #tpu.memory_space<vmem_shared>> -> memref<10240xf32, #tpu.memory_space<vmem_shared>>
      %dma_wait3A_355 = tpu.memref_slice %dma_wait3A_354[%mul3A_16] : memref<10240xf32, #tpu.memory_space<vmem_shared>> -> memref<640xf32, #tpu.memory_space<vmem_shared>>
      tpu.wait_dma2 semaphore(%run_scoped3A_341 : memref<!tpu.dma_semaphore, #tpu.memory_space<semaphore_mem>>) src(%dma_wait3A_355 : memref<640xf32, #tpu.memory_space<vmem_shared>>) dst(%arg25 : memref<640xf32, #tpu.memory_space<vmem>>)
      tpu.yield
    }) : () -> ()
    %scan3A_265 = arith.constant 0 : i32
    %scan3A_266 = arith.constant 0 : i32
    %scan3A_267 = arith.constant 40 : i32
    %scan3A_268 = arith.addi %scan3A_266, %scan3A_267 : i32
    %scan3A_269 = arith.constant 1 : i32
    scf.for %scan3A_341 = %scan3A_266 to %scan3A_268 step %scan3A_269  : i32 {
      %mul3A_342 = arith.constant 16 : i32
      %mul3A_343 = arith.muli %scan3A_341, %mul3A_342 : i32
      %get3A = arith.index_cast %mul3A_343 : i32 to index
      %get3A_344 = tpu.vector_load %arg24[%get3A] {strides = array<i32>} : memref<640xf32, #tpu.memory_space<vmem>>, vector<16xf32>,
      %get3A_345 = arith.index_cast %mul3A_343 : i32 to index
      %get3A_346 = tpu.vector_load %arg25[%get3A_345] {strides = array<i32>} : memref<640xf32, #tpu.memory_space<vmem>>, vector<16xf32>,
      %add3A_347 = arith.addf %get3A_344, %get3A_346 : vector<16xf32>
      %swap3A = arith.index_cast %mul3A_343 : i32 to index
      %swap3A_348 = tpu.vector_load %arg24[%swap3A] {strides = array<i32>} : memref<640xf32, #tpu.memory_space<vmem>>, vector<16xf32>,
      tpu.vector_store %arg24[%swap3A], %add3A_347 {strides = array<i32>} : memref<640xf32, #tpu.memory_space<vmem>>, vector<16xf32>,
    }
    %scan3A_270 = arith.constant 40 : i32
    %run_scoped3A_271 = arith.constant 7 : i32
    "tpu.region"() ({
      %run_scoped3A_341 = tpu.sem_alloc : memref<!tpu.dma_semaphore, #tpu.memory_space<semaphore_mem>>
      %dma_start3A = arith.constant 0 : i32
      %dma_start3A_342 = tpu.memref_slice %arg21[%run_scoped3A_271, %dma_start3A] : memref<16x10240xf32, #tpu.memory_space<vmem_shared>> -> memref<1x10240xf32, #tpu.memory_space<vmem_shared>>
      %dma_start3A_343 = tpu.memref_squeeze %dma_start3A_342 : memref<1x10240xf32, #tpu.memory_space<vmem_shared>> -> memref<10240xf32, #tpu.memory_space<vmem_shared>>
      %dma_start3A_344 = tpu.memref_slice %dma_start3A_343[%mul3A_16] : memref<10240xf32, #tpu.memory_space<vmem_shared>> -> memref<640xf32, #tpu.memory_space<vmem_shared>>
      %dma_start3A_345 = arith.constant 0 : i32
      %dma_start3A_346 = tpu.memref_slice %arg21[%run_scoped3A_271, %dma_start3A_345] : memref<16x10240xf32, #tpu.memory_space<vmem_shared>> -> memref<1x10240xf32, #tpu.memory_space<vmem_shared>>
      %dma_start3A_347 = tpu.memref_squeeze %dma_start3A_346 : memref<1x10240xf32, #tpu.memory_space<vmem_shared>> -> memref<10240xf32, #tpu.memory_space<vmem_shared>>
      %dma_start3A_348 = tpu.memref_slice %dma_start3A_347[%mul3A_16] : memref<10240xf32, #tpu.memory_space<vmem_shared>> -> memref<640xf32, #tpu.memory_space<vmem_shared>>
      tpu.enqueue_dma source(%dma_start3A_348 : memref<640xf32, #tpu.memory_space<vmem_shared>>) target(%arg25 : memref<640xf32, #tpu.memory_space<vmem>>) target_semaphore(%run_scoped3A_341 : memref<!tpu.dma_semaphore, #tpu.memory_space<semaphore_mem>>)
      %dma_wait3A = arith.constant 0 : i32
      %dma_wait3A_349 = tpu.memref_slice %arg21[%run_scoped3A_271, %dma_wait3A] : memref<16x10240xf32, #tpu.memory_space<vmem_shared>> -> memref<1x10240xf32, #tpu.memory_space<vmem_shared>>
      %dma_wait3A_350 = tpu.memref_squeeze %dma_wait3A_349 : memref<1x10240xf32, #tpu.memory_space<vmem_shared>> -> memref<10240xf32, #tpu.memory_space<vmem_shared>>
      %dma_wait3A_351 = tpu.memref_slice %dma_wait3A_350[%mul3A_16] : memref<10240xf32, #tpu.memory_space<vmem_shared>> -> memref<640xf32, #tpu.memory_space<vmem_shared>>
      %dma_wait3A_352 = arith.constant 0 : i32
      %dma_wait3A_353 = tpu.memref_slice %arg21[%run_scoped3A_271, %dma_wait3A_352] : memref<16x10240xf32, #tpu.memory_space<vmem_shared>> -> memref<1x10240xf32, #tpu.memory_space<vmem_shared>>
      %dma_wait3A_354 = tpu.memref_squeeze %dma_wait3A_353 : memref<1x10240xf32, #tpu.memory_space<vmem_shared>> -> memref<10240xf32, #tpu.memory_space<vmem_shared>>
      %dma_wait3A_355 = tpu.memref_slice %dma_wait3A_354[%mul3A_16] : memref<10240xf32, #tpu.memory_space<vmem_shared>> -> memref<640xf32, #tpu.memory_space<vmem_shared>>
      tpu.wait_dma2 semaphore(%run_scoped3A_341 : memref<!tpu.dma_semaphore, #tpu.memory_space<semaphore_mem>>) src(%dma_wait3A_355 : memref<640xf32, #tpu.memory_space<vmem_shared>>) dst(%arg25 : memref<640xf32, #tpu.memory_space<vmem>>)
      tpu.yield
    }) : () -> ()
    %scan3A_272 = arith.constant 0 : i32
    %scan3A_273 = arith.constant 0 : i32
    %scan3A_274 = arith.constant 40 : i32
    %scan3A_275 = arith.addi %scan3A_273, %scan3A_274 : i32
    %scan3A_276 = arith.constant 1 : i32
    scf.for %scan3A_341 = %scan3A_273 to %scan3A_275 step %scan3A_276  : i32 {
      %mul3A_342 = arith.constant 16 : i32
      %mul3A_343 = arith.muli %scan3A_341, %mul3A_342 : i32
      %get3A = arith.index_cast %mul3A_343 : i32 to index
      %get3A_344 = tpu.vector_load %arg24[%get3A] {strides = array<i32>} : memref<640xf32, #tpu.memory_space<vmem>>, vector<16xf32>,
      %get3A_345 = arith.index_cast %mul3A_343 : i32 to index
      %get3A_346 = tpu.vector_load %arg25[%get3A_345] {strides = array<i32>} : memref<640xf32, #tpu.memory_space<vmem>>, vector<16xf32>,
      %add3A_347 = arith.addf %get3A_344, %get3A_346 : vector<16xf32>
      %swap3A = arith.index_cast %mul3A_343 : i32 to index
      %swap3A_348 = tpu.vector_load %arg24[%swap3A] {strides = array<i32>} : memref<640xf32, #tpu.memory_space<vmem>>, vector<16xf32>,
      tpu.vector_store %arg24[%swap3A], %add3A_347 {strides = array<i32>} : memref<640xf32, #tpu.memory_space<vmem>>, vector<16xf32>,
    }
    %scan3A_277 = arith.constant 40 : i32
    %run_scoped3A_278 = arith.constant 8 : i32
    "tpu.region"() ({
      %run_scoped3A_341 = tpu.sem_alloc : memref<!tpu.dma_semaphore, #tpu.memory_space<semaphore_mem>>
      %dma_start3A = arith.constant 0 : i32
      %dma_start3A_342 = tpu.memref_slice %arg21[%run_scoped3A_278, %dma_start3A] : memref<16x10240xf32, #tpu.memory_space<vmem_shared>> -> memref<1x10240xf32, #tpu.memory_space<vmem_shared>>
      %dma_start3A_343 = tpu.memref_squeeze %dma_start3A_342 : memref<1x10240xf32, #tpu.memory_space<vmem_shared>> -> memref<10240xf32, #tpu.memory_space<vmem_shared>>
      %dma_start3A_344 = tpu.memref_slice %dma_start3A_343[%mul3A_16] : memref<10240xf32, #tpu.memory_space<vmem_shared>> -> memref<640xf32, #tpu.memory_space<vmem_shared>>
      %dma_start3A_345 = arith.constant 0 : i32
      %dma_start3A_346 = tpu.memref_slice %arg21[%run_scoped3A_278, %dma_start3A_345] : memref<16x10240xf32, #tpu.memory_space<vmem_shared>> -> memref<1x10240xf32, #tpu.memory_space<vmem_shared>>
      %dma_start3A_347 = tpu.memref_squeeze %dma_start3A_346 : memref<1x10240xf32, #tpu.memory_space<vmem_shared>> -> memref<10240xf32, #tpu.memory_space<vmem_shared>>
      %dma_start3A_348 = tpu.memref_slice %dma_start3A_347[%mul3A_16] : memref<10240xf32, #tpu.memory_space<vmem_shared>> -> memref<640xf32, #tpu.memory_space<vmem_shared>>
      tpu.enqueue_dma source(%dma_start3A_348 : memref<640xf32, #tpu.memory_space<vmem_shared>>) target(%arg25 : memref<640xf32, #tpu.memory_space<vmem>>) target_semaphore(%run_scoped3A_341 : memref<!tpu.dma_semaphore, #tpu.memory_space<semaphore_mem>>)
      %dma_wait3A = arith.constant 0 : i32
      %dma_wait3A_349 = tpu.memref_slice %arg21[%run_scoped3A_278, %dma_wait3A] : memref<16x10240xf32, #tpu.memory_space<vmem_shared>> -> memref<1x10240xf32, #tpu.memory_space<vmem_shared>>
      %dma_wait3A_350 = tpu.memref_squeeze %dma_wait3A_349 : memref<1x10240xf32, #tpu.memory_space<vmem_shared>> -> memref<10240xf32, #tpu.memory_space<vmem_shared>>
      %dma_wait3A_351 = tpu.memref_slice %dma_wait3A_350[%mul3A_16] : memref<10240xf32, #tpu.memory_space<vmem_shared>> -> memref<640xf32, #tpu.memory_space<vmem_shared>>
      %dma_wait3A_352 = arith.constant 0 : i32
      %dma_wait3A_353 = tpu.memref_slice %arg21[%run_scoped3A_278, %dma_wait3A_352] : memref<16x10240xf32, #tpu.memory_space<vmem_shared>> -> memref<1x10240xf32, #tpu.memory_space<vmem_shared>>
      %dma_wait3A_354 = tpu.memref_squeeze %dma_wait3A_353 : memref<1x10240xf32, #tpu.memory_space<vmem_shared>> -> memref<10240xf32, #tpu.memory_space<vmem_shared>>
      %dma_wait3A_355 = tpu.memref_slice %dma_wait3A_354[%mul3A_16] : memref<10240xf32, #tpu.memory_space<vmem_shared>> -> memref<640xf32, #tpu.memory_space<vmem_shared>>
      tpu.wait_dma2 semaphore(%run_scoped3A_341 : memref<!tpu.dma_semaphore, #tpu.memory_space<semaphore_mem>>) src(%dma_wait3A_355 : memref<640xf32, #tpu.memory_space<vmem_shared>>) dst(%arg25 : memref<640xf32, #tpu.memory_space<vmem>>)
      tpu.yield
    }) : () -> ()
    %scan3A_279 = arith.constant 0 : i32
    %scan3A_280 = arith.constant 0 : i32
    %scan3A_281 = arith.constant 40 : i32
    %scan3A_282 = arith.addi %scan3A_280, %scan3A_281 : i32
    %scan3A_283 = arith.constant 1 : i32
    scf.for %scan3A_341 = %scan3A_280 to %scan3A_282 step %scan3A_283  : i32 {
      %mul3A_342 = arith.constant 16 : i32
      %mul3A_343 = arith.muli %scan3A_341, %mul3A_342 : i32
      %get3A = arith.index_cast %mul3A_343 : i32 to index
      %get3A_344 = tpu.vector_load %arg24[%get3A] {strides = array<i32>} : memref<640xf32, #tpu.memory_space<vmem>>, vector<16xf32>,
      %get3A_345 = arith.index_cast %mul3A_343 : i32 to index
      %get3A_346 = tpu.vector_load %arg25[%get3A_345] {strides = array<i32>} : memref<640xf32, #tpu.memory_space<vmem>>, vector<16xf32>,
      %add3A_347 = arith.addf %get3A_344, %get3A_346 : vector<16xf32>
      %swap3A = arith.index_cast %mul3A_343 : i32 to index
      %swap3A_348 = tpu.vector_load %arg24[%swap3A] {strides = array<i32>} : memref<640xf32, #tpu.memory_space<vmem>>, vector<16xf32>,
      tpu.vector_store %arg24[%swap3A], %add3A_347 {strides = array<i32>} : memref<640xf32, #tpu.memory_space<vmem>>, vector<16xf32>,
    }
    %scan3A_284 = arith.constant 40 : i32
    %run_scoped3A_285 = arith.constant 9 : i32
    "tpu.region"() ({
      %run_scoped3A_341 = tpu.sem_alloc : memref<!tpu.dma_semaphore, #tpu.memory_space<semaphore_mem>>
      %dma_start3A = arith.constant 0 : i32
      %dma_start3A_342 = tpu.memref_slice %arg21[%run_scoped3A_285, %dma_start3A] : memref<16x10240xf32, #tpu.memory_space<vmem_shared>> -> memref<1x10240xf32, #tpu.memory_space<vmem_shared>>
      %dma_start3A_343 = tpu.memref_squeeze %dma_start3A_342 : memref<1x10240xf32, #tpu.memory_space<vmem_shared>> -> memref<10240xf32, #tpu.memory_space<vmem_shared>>
      %dma_start3A_344 = tpu.memref_slice %dma_start3A_343[%mul3A_16] : memref<10240xf32, #tpu.memory_space<vmem_shared>> -> memref<640xf32, #tpu.memory_space<vmem_shared>>
      %dma_start3A_345 = arith.constant 0 : i32
      %dma_start3A_346 = tpu.memref_slice %arg21[%run_scoped3A_285, %dma_start3A_345] : memref<16x10240xf32, #tpu.memory_space<vmem_shared>> -> memref<1x10240xf32, #tpu.memory_space<vmem_shared>>
      %dma_start3A_347 = tpu.memref_squeeze %dma_start3A_346 : memref<1x10240xf32, #tpu.memory_space<vmem_shared>> -> memref<10240xf32, #tpu.memory_space<vmem_shared>>
      %dma_start3A_348 = tpu.memref_slice %dma_start3A_347[%mul3A_16] : memref<10240xf32, #tpu.memory_space<vmem_shared>> -> memref<640xf32, #tpu.memory_space<vmem_shared>>
      tpu.enqueue_dma source(%dma_start3A_348 : memref<640xf32, #tpu.memory_space<vmem_shared>>) target(%arg25 : memref<640xf32, #tpu.memory_space<vmem>>) target_semaphore(%run_scoped3A_341 : memref<!tpu.dma_semaphore, #tpu.memory_space<semaphore_mem>>)
      %dma_wait3A = arith.constant 0 : i32
      %dma_wait3A_349 = tpu.memref_slice %arg21[%run_scoped3A_285, %dma_wait3A] : memref<16x10240xf32, #tpu.memory_space<vmem_shared>> -> memref<1x10240xf32, #tpu.memory_space<vmem_shared>>
      %dma_wait3A_350 = tpu.memref_squeeze %dma_wait3A_349 : memref<1x10240xf32, #tpu.memory_space<vmem_shared>> -> memref<10240xf32, #tpu.memory_space<vmem_shared>>
      %dma_wait3A_351 = tpu.memref_slice %dma_wait3A_350[%mul3A_16] : memref<10240xf32, #tpu.memory_space<vmem_shared>> -> memref<640xf32, #tpu.memory_space<vmem_shared>>
      %dma_wait3A_352 = arith.constant 0 : i32
      %dma_wait3A_353 = tpu.memref_slice %arg21[%run_scoped3A_285, %dma_wait3A_352] : memref<16x10240xf32, #tpu.memory_space<vmem_shared>> -> memref<1x10240xf32, #tpu.memory_space<vmem_shared>>
      %dma_wait3A_354 = tpu.memref_squeeze %dma_wait3A_353 : memref<1x10240xf32, #tpu.memory_space<vmem_shared>> -> memref<10240xf32, #tpu.memory_space<vmem_shared>>
      %dma_wait3A_355 = tpu.memref_slice %dma_wait3A_354[%mul3A_16] : memref<10240xf32, #tpu.memory_space<vmem_shared>> -> memref<640xf32, #tpu.memory_space<vmem_shared>>
      tpu.wait_dma2 semaphore(%run_scoped3A_341 : memref<!tpu.dma_semaphore, #tpu.memory_space<semaphore_mem>>) src(%dma_wait3A_355 : memref<640xf32, #tpu.memory_space<vmem_shared>>) dst(%arg25 : memref<640xf32, #tpu.memory_space<vmem>>)
      tpu.yield
    }) : () -> ()
    %scan3A_286 = arith.constant 0 : i32
    %scan3A_287 = arith.constant 0 : i32
    %scan3A_288 = arith.constant 40 : i32
    %scan3A_289 = arith.addi %scan3A_287, %scan3A_288 : i32
    %scan3A_290 = arith.constant 1 : i32
    scf.for %scan3A_341 = %scan3A_287 to %scan3A_289 step %scan3A_290  : i32 {
      %mul3A_342 = arith.constant 16 : i32
      %mul3A_343 = arith.muli %scan3A_341, %mul3A_342 : i32
      %get3A = arith.index_cast %mul3A_343 : i32 to index
      %get3A_344 = tpu.vector_load %arg24[%get3A] {strides = array<i32>} : memref<640xf32, #tpu.memory_space<vmem>>, vector<16xf32>,
      %get3A_345 = arith.index_cast %mul3A_343 : i32 to index
      %get3A_346 = tpu.vector_load %arg25[%get3A_345] {strides = array<i32>} : memref<640xf32, #tpu.memory_space<vmem>>, vector<16xf32>,
      %add3A_347 = arith.addf %get3A_344, %get3A_346 : vector<16xf32>
      %swap3A = arith.index_cast %mul3A_343 : i32 to index
      %swap3A_348 = tpu.vector_load %arg24[%swap3A] {strides = array<i32>} : memref<640xf32, #tpu.memory_space<vmem>>, vector<16xf32>,
      tpu.vector_store %arg24[%swap3A], %add3A_347 {strides = array<i32>} : memref<640xf32, #tpu.memory_space<vmem>>, vector<16xf32>,
    }
    %scan3A_291 = arith.constant 40 : i32
    %run_scoped3A_292 = arith.constant 10 : i32
    "tpu.region"() ({
      %run_scoped3A_341 = tpu.sem_alloc : memref<!tpu.dma_semaphore, #tpu.memory_space<semaphore_mem>>
      %dma_start3A = arith.constant 0 : i32
      %dma_start3A_342 = tpu.memref_slice %arg21[%run_scoped3A_292, %dma_start3A] : memref<16x10240xf32, #tpu.memory_space<vmem_shared>> -> memref<1x10240xf32, #tpu.memory_space<vmem_shared>>
      %dma_start3A_343 = tpu.memref_squeeze %dma_start3A_342 : memref<1x10240xf32, #tpu.memory_space<vmem_shared>> -> memref<10240xf32, #tpu.memory_space<vmem_shared>>
      %dma_start3A_344 = tpu.memref_slice %dma_start3A_343[%mul3A_16] : memref<10240xf32, #tpu.memory_space<vmem_shared>> -> memref<640xf32, #tpu.memory_space<vmem_shared>>
      %dma_start3A_345 = arith.constant 0 : i32
      %dma_start3A_346 = tpu.memref_slice %arg21[%run_scoped3A_292, %dma_start3A_345] : memref<16x10240xf32, #tpu.memory_space<vmem_shared>> -> memref<1x10240xf32, #tpu.memory_space<vmem_shared>>
      %dma_start3A_347 = tpu.memref_squeeze %dma_start3A_346 : memref<1x10240xf32, #tpu.memory_space<vmem_shared>> -> memref<10240xf32, #tpu.memory_space<vmem_shared>>
      %dma_start3A_348 = tpu.memref_slice %dma_start3A_347[%mul3A_16] : memref<10240xf32, #tpu.memory_space<vmem_shared>> -> memref<640xf32, #tpu.memory_space<vmem_shared>>
      tpu.enqueue_dma source(%dma_start3A_348 : memref<640xf32, #tpu.memory_space<vmem_shared>>) target(%arg25 : memref<640xf32, #tpu.memory_space<vmem>>) target_semaphore(%run_scoped3A_341 : memref<!tpu.dma_semaphore, #tpu.memory_space<semaphore_mem>>)
      %dma_wait3A = arith.constant 0 : i32
      %dma_wait3A_349 = tpu.memref_slice %arg21[%run_scoped3A_292, %dma_wait3A] : memref<16x10240xf32, #tpu.memory_space<vmem_shared>> -> memref<1x10240xf32, #tpu.memory_space<vmem_shared>>
      %dma_wait3A_350 = tpu.memref_squeeze %dma_wait3A_349 : memref<1x10240xf32, #tpu.memory_space<vmem_shared>> -> memref<10240xf32, #tpu.memory_space<vmem_shared>>
      %dma_wait3A_351 = tpu.memref_slice %dma_wait3A_350[%mul3A_16] : memref<10240xf32, #tpu.memory_space<vmem_shared>> -> memref<640xf32, #tpu.memory_space<vmem_shared>>
      %dma_wait3A_352 = arith.constant 0 : i32
      %dma_wait3A_353 = tpu.memref_slice %arg21[%run_scoped3A_292, %dma_wait3A_352] : memref<16x10240xf32, #tpu.memory_space<vmem_shared>> -> memref<1x10240xf32, #tpu.memory_space<vmem_shared>>
      %dma_wait3A_354 = tpu.memref_squeeze %dma_wait3A_353 : memref<1x10240xf32, #tpu.memory_space<vmem_shared>> -> memref<10240xf32, #tpu.memory_space<vmem_shared>>
      %dma_wait3A_355 = tpu.memref_slice %dma_wait3A_354[%mul3A_16] : memref<10240xf32, #tpu.memory_space<vmem_shared>> -> memref<640xf32, #tpu.memory_space<vmem_shared>>
      tpu.wait_dma2 semaphore(%run_scoped3A_341 : memref<!tpu.dma_semaphore, #tpu.memory_space<semaphore_mem>>) src(%dma_wait3A_355 : memref<640xf32, #tpu.memory_space<vmem_shared>>) dst(%arg25 : memref<640xf32, #tpu.memory_space<vmem>>)
      tpu.yield
    }) : () -> ()
    %scan3A_293 = arith.constant 0 : i32
    %scan3A_294 = arith.constant 0 : i32
    %scan3A_295 = arith.constant 40 : i32
    %scan3A_296 = arith.addi %scan3A_294, %scan3A_295 : i32
    %scan3A_297 = arith.constant 1 : i32
    scf.for %scan3A_341 = %scan3A_294 to %scan3A_296 step %scan3A_297  : i32 {
      %mul3A_342 = arith.constant 16 : i32
      %mul3A_343 = arith.muli %scan3A_341, %mul3A_342 : i32
      %get3A = arith.index_cast %mul3A_343 : i32 to index
      %get3A_344 = tpu.vector_load %arg24[%get3A] {strides = array<i32>} : memref<640xf32, #tpu.memory_space<vmem>>, vector<16xf32>,
      %get3A_345 = arith.index_cast %mul3A_343 : i32 to index
      %get3A_346 = tpu.vector_load %arg25[%get3A_345] {strides = array<i32>} : memref<640xf32, #tpu.memory_space<vmem>>, vector<16xf32>,
      %add3A_347 = arith.addf %get3A_344, %get3A_346 : vector<16xf32>
      %swap3A = arith.index_cast %mul3A_343 : i32 to index
      %swap3A_348 = tpu.vector_load %arg24[%swap3A] {strides = array<i32>} : memref<640xf32, #tpu.memory_space<vmem>>, vector<16xf32>,
      tpu.vector_store %arg24[%swap3A], %add3A_347 {strides = array<i32>} : memref<640xf32, #tpu.memory_space<vmem>>, vector<16xf32>,
    }
    %scan3A_298 = arith.constant 40 : i32
    %run_scoped3A_299 = arith.constant 11 : i32
    "tpu.region"() ({
      %run_scoped3A_341 = tpu.sem_alloc : memref<!tpu.dma_semaphore, #tpu.memory_space<semaphore_mem>>
      %dma_start3A = arith.constant 0 : i32
      %dma_start3A_342 = tpu.memref_slice %arg21[%run_scoped3A_299, %dma_start3A] : memref<16x10240xf32, #tpu.memory_space<vmem_shared>> -> memref<1x10240xf32, #tpu.memory_space<vmem_shared>>
      %dma_start3A_343 = tpu.memref_squeeze %dma_start3A_342 : memref<1x10240xf32, #tpu.memory_space<vmem_shared>> -> memref<10240xf32, #tpu.memory_space<vmem_shared>>
      %dma_start3A_344 = tpu.memref_slice %dma_start3A_343[%mul3A_16] : memref<10240xf32, #tpu.memory_space<vmem_shared>> -> memref<640xf32, #tpu.memory_space<vmem_shared>>
      %dma_start3A_345 = arith.constant 0 : i32
      %dma_start3A_346 = tpu.memref_slice %arg21[%run_scoped3A_299, %dma_start3A_345] : memref<16x10240xf32, #tpu.memory_space<vmem_shared>> -> memref<1x10240xf32, #tpu.memory_space<vmem_shared>>
      %dma_start3A_347 = tpu.memref_squeeze %dma_start3A_346 : memref<1x10240xf32, #tpu.memory_space<vmem_shared>> -> memref<10240xf32, #tpu.memory_space<vmem_shared>>
      %dma_start3A_348 = tpu.memref_slice %dma_start3A_347[%mul3A_16] : memref<10240xf32, #tpu.memory_space<vmem_shared>> -> memref<640xf32, #tpu.memory_space<vmem_shared>>
      tpu.enqueue_dma source(%dma_start3A_348 : memref<640xf32, #tpu.memory_space<vmem_shared>>) target(%arg25 : memref<640xf32, #tpu.memory_space<vmem>>) target_semaphore(%run_scoped3A_341 : memref<!tpu.dma_semaphore, #tpu.memory_space<semaphore_mem>>)
      %dma_wait3A = arith.constant 0 : i32
      %dma_wait3A_349 = tpu.memref_slice %arg21[%run_scoped3A_299, %dma_wait3A] : memref<16x10240xf32, #tpu.memory_space<vmem_shared>> -> memref<1x10240xf32, #tpu.memory_space<vmem_shared>>
      %dma_wait3A_350 = tpu.memref_squeeze %dma_wait3A_349 : memref<1x10240xf32, #tpu.memory_space<vmem_shared>> -> memref<10240xf32, #tpu.memory_space<vmem_shared>>
      %dma_wait3A_351 = tpu.memref_slice %dma_wait3A_350[%mul3A_16] : memref<10240xf32, #tpu.memory_space<vmem_shared>> -> memref<640xf32, #tpu.memory_space<vmem_shared>>
      %dma_wait3A_352 = arith.constant 0 : i32
      %dma_wait3A_353 = tpu.memref_slice %arg21[%run_scoped3A_299, %dma_wait3A_352] : memref<16x10240xf32, #tpu.memory_space<vmem_shared>> -> memref<1x10240xf32, #tpu.memory_space<vmem_shared>>
      %dma_wait3A_354 = tpu.memref_squeeze %dma_wait3A_353 : memref<1x10240xf32, #tpu.memory_space<vmem_shared>> -> memref<10240xf32, #tpu.memory_space<vmem_shared>>
      %dma_wait3A_355 = tpu.memref_slice %dma_wait3A_354[%mul3A_16] : memref<10240xf32, #tpu.memory_space<vmem_shared>> -> memref<640xf32, #tpu.memory_space<vmem_shared>>
      tpu.wait_dma2 semaphore(%run_scoped3A_341 : memref<!tpu.dma_semaphore, #tpu.memory_space<semaphore_mem>>) src(%dma_wait3A_355 : memref<640xf32, #tpu.memory_space<vmem_shared>>) dst(%arg25 : memref<640xf32, #tpu.memory_space<vmem>>)
      tpu.yield
    }) : () -> ()
    %scan3A_300 = arith.constant 0 : i32
    %scan3A_301 = arith.constant 0 : i32
    %scan3A_302 = arith.constant 40 : i32
    %scan3A_303 = arith.addi %scan3A_301, %scan3A_302 : i32
    %scan3A_304 = arith.constant 1 : i32
    scf.for %scan3A_341 = %scan3A_301 to %scan3A_303 step %scan3A_304  : i32 {
      %mul3A_342 = arith.constant 16 : i32
      %mul3A_343 = arith.muli %scan3A_341, %mul3A_342 : i32
      %get3A = arith.index_cast %mul3A_343 : i32 to index
      %get3A_344 = tpu.vector_load %arg24[%get3A] {strides = array<i32>} : memref<640xf32, #tpu.memory_space<vmem>>, vector<16xf32>,
      %get3A_345 = arith.index_cast %mul3A_343 : i32 to index
      %get3A_346 = tpu.vector_load %arg25[%get3A_345] {strides = array<i32>} : memref<640xf32, #tpu.memory_space<vmem>>, vector<16xf32>,
      %add3A_347 = arith.addf %get3A_344, %get3A_346 : vector<16xf32>
      %swap3A = arith.index_cast %mul3A_343 : i32 to index
      %swap3A_348 = tpu.vector_load %arg24[%swap3A] {strides = array<i32>} : memref<640xf32, #tpu.memory_space<vmem>>, vector<16xf32>,
      tpu.vector_store %arg24[%swap3A], %add3A_347 {strides = array<i32>} : memref<640xf32, #tpu.memory_space<vmem>>, vector<16xf32>,
    }
    %scan3A_305 = arith.constant 40 : i32
    %run_scoped3A_306 = arith.constant 12 : i32
    "tpu.region"() ({
      %run_scoped3A_341 = tpu.sem_alloc : memref<!tpu.dma_semaphore, #tpu.memory_space<semaphore_mem>>
      %dma_start3A = arith.constant 0 : i32
      %dma_start3A_342 = tpu.memref_slice %arg21[%run_scoped3A_306, %dma_start3A] : memref<16x10240xf32, #tpu.memory_space<vmem_shared>> -> memref<1x10240xf32, #tpu.memory_space<vmem_shared>>
      %dma_start3A_343 = tpu.memref_squeeze %dma_start3A_342 : memref<1x10240xf32, #tpu.memory_space<vmem_shared>> -> memref<10240xf32, #tpu.memory_space<vmem_shared>>
      %dma_start3A_344 = tpu.memref_slice %dma_start3A_343[%mul3A_16] : memref<10240xf32, #tpu.memory_space<vmem_shared>> -> memref<640xf32, #tpu.memory_space<vmem_shared>>
      %dma_start3A_345 = arith.constant 0 : i32
      %dma_start3A_346 = tpu.memref_slice %arg21[%run_scoped3A_306, %dma_start3A_345] : memref<16x10240xf32, #tpu.memory_space<vmem_shared>> -> memref<1x10240xf32, #tpu.memory_space<vmem_shared>>
      %dma_start3A_347 = tpu.memref_squeeze %dma_start3A_346 : memref<1x10240xf32, #tpu.memory_space<vmem_shared>> -> memref<10240xf32, #tpu.memory_space<vmem_shared>>
      %dma_start3A_348 = tpu.memref_slice %dma_start3A_347[%mul3A_16] : memref<10240xf32, #tpu.memory_space<vmem_shared>> -> memref<640xf32, #tpu.memory_space<vmem_shared>>
      tpu.enqueue_dma source(%dma_start3A_348 : memref<640xf32, #tpu.memory_space<vmem_shared>>) target(%arg25 : memref<640xf32, #tpu.memory_space<vmem>>) target_semaphore(%run_scoped3A_341 : memref<!tpu.dma_semaphore, #tpu.memory_space<semaphore_mem>>)
      %dma_wait3A = arith.constant 0 : i32
      %dma_wait3A_349 = tpu.memref_slice %arg21[%run_scoped3A_306, %dma_wait3A] : memref<16x10240xf32, #tpu.memory_space<vmem_shared>> -> memref<1x10240xf32, #tpu.memory_space<vmem_shared>>
      %dma_wait3A_350 = tpu.memref_squeeze %dma_wait3A_349 : memref<1x10240xf32, #tpu.memory_space<vmem_shared>> -> memref<10240xf32, #tpu.memory_space<vmem_shared>>
      %dma_wait3A_351 = tpu.memref_slice %dma_wait3A_350[%mul3A_16] : memref<10240xf32, #tpu.memory_space<vmem_shared>> -> memref<640xf32, #tpu.memory_space<vmem_shared>>
      %dma_wait3A_352 = arith.constant 0 : i32
      %dma_wait3A_353 = tpu.memref_slice %arg21[%run_scoped3A_306, %dma_wait3A_352] : memref<16x10240xf32, #tpu.memory_space<vmem_shared>> -> memref<1x10240xf32, #tpu.memory_space<vmem_shared>>
      %dma_wait3A_354 = tpu.memref_squeeze %dma_wait3A_353 : memref<1x10240xf32, #tpu.memory_space<vmem_shared>> -> memref<10240xf32, #tpu.memory_space<vmem_shared>>
      %dma_wait3A_355 = tpu.memref_slice %dma_wait3A_354[%mul3A_16] : memref<10240xf32, #tpu.memory_space<vmem_shared>> -> memref<640xf32, #tpu.memory_space<vmem_shared>>
      tpu.wait_dma2 semaphore(%run_scoped3A_341 : memref<!tpu.dma_semaphore, #tpu.memory_space<semaphore_mem>>) src(%dma_wait3A_355 : memref<640xf32, #tpu.memory_space<vmem_shared>>) dst(%arg25 : memref<640xf32, #tpu.memory_space<vmem>>)
      tpu.yield
    }) : () -> ()
    %scan3A_307 = arith.constant 0 : i32
    %scan3A_308 = arith.constant 0 : i32
    %scan3A_309 = arith.constant 40 : i32
    %scan3A_310 = arith.addi %scan3A_308, %scan3A_309 : i32
    %scan3A_311 = arith.constant 1 : i32
    scf.for %scan3A_341 = %scan3A_308 to %scan3A_310 step %scan3A_311  : i32 {
      %mul3A_342 = arith.constant 16 : i32
      %mul3A_343 = arith.muli %scan3A_341, %mul3A_342 : i32
      %get3A = arith.index_cast %mul3A_343 : i32 to index
      %get3A_344 = tpu.vector_load %arg24[%get3A] {strides = array<i32>} : memref<640xf32, #tpu.memory_space<vmem>>, vector<16xf32>,
      %get3A_345 = arith.index_cast %mul3A_343 : i32 to index
      %get3A_346 = tpu.vector_load %arg25[%get3A_345] {strides = array<i32>} : memref<640xf32, #tpu.memory_space<vmem>>, vector<16xf32>,
      %add3A_347 = arith.addf %get3A_344, %get3A_346 : vector<16xf32>
      %swap3A = arith.index_cast %mul3A_343 : i32 to index
      %swap3A_348 = tpu.vector_load %arg24[%swap3A] {strides = array<i32>} : memref<640xf32, #tpu.memory_space<vmem>>, vector<16xf32>,
      tpu.vector_store %arg24[%swap3A], %add3A_347 {strides = array<i32>} : memref<640xf32, #tpu.memory_space<vmem>>, vector<16xf32>,
    }
    %scan3A_312 = arith.constant 40 : i32
    %run_scoped3A_313 = arith.constant 13 : i32
    "tpu.region"() ({
      %run_scoped3A_341 = tpu.sem_alloc : memref<!tpu.dma_semaphore, #tpu.memory_space<semaphore_mem>>
      %dma_start3A = arith.constant 0 : i32
      %dma_start3A_342 = tpu.memref_slice %arg21[%run_scoped3A_313, %dma_start3A] : memref<16x10240xf32, #tpu.memory_space<vmem_shared>> -> memref<1x10240xf32, #tpu.memory_space<vmem_shared>>
      %dma_start3A_343 = tpu.memref_squeeze %dma_start3A_342 : memref<1x10240xf32, #tpu.memory_space<vmem_shared>> -> memref<10240xf32, #tpu.memory_space<vmem_shared>>
      %dma_start3A_344 = tpu.memref_slice %dma_start3A_343[%mul3A_16] : memref<10240xf32, #tpu.memory_space<vmem_shared>> -> memref<640xf32, #tpu.memory_space<vmem_shared>>
      %dma_start3A_345 = arith.constant 0 : i32
      %dma_start3A_346 = tpu.memref_slice %arg21[%run_scoped3A_313, %dma_start3A_345] : memref<16x10240xf32, #tpu.memory_space<vmem_shared>> -> memref<1x10240xf32, #tpu.memory_space<vmem_shared>>
      %dma_start3A_347 = tpu.memref_squeeze %dma_start3A_346 : memref<1x10240xf32, #tpu.memory_space<vmem_shared>> -> memref<10240xf32, #tpu.memory_space<vmem_shared>>
      %dma_start3A_348 = tpu.memref_slice %dma_start3A_347[%mul3A_16] : memref<10240xf32, #tpu.memory_space<vmem_shared>> -> memref<640xf32, #tpu.memory_space<vmem_shared>>
      tpu.enqueue_dma source(%dma_start3A_348 : memref<640xf32, #tpu.memory_space<vmem_shared>>) target(%arg25 : memref<640xf32, #tpu.memory_space<vmem>>) target_semaphore(%run_scoped3A_341 : memref<!tpu.dma_semaphore, #tpu.memory_space<semaphore_mem>>)
      %dma_wait3A = arith.constant 0 : i32
      %dma_wait3A_349 = tpu.memref_slice %arg21[%run_scoped3A_313, %dma_wait3A] : memref<16x10240xf32, #tpu.memory_space<vmem_shared>> -> memref<1x10240xf32, #tpu.memory_space<vmem_shared>>
      %dma_wait3A_350 = tpu.memref_squeeze %dma_wait3A_349 : memref<1x10240xf32, #tpu.memory_space<vmem_shared>> -> memref<10240xf32, #tpu.memory_space<vmem_shared>>
      %dma_wait3A_351 = tpu.memref_slice %dma_wait3A_350[%mul3A_16] : memref<10240xf32, #tpu.memory_space<vmem_shared>> -> memref<640xf32, #tpu.memory_space<vmem_shared>>
      %dma_wait3A_352 = arith.constant 0 : i32
      %dma_wait3A_353 = tpu.memref_slice %arg21[%run_scoped3A_313, %dma_wait3A_352] : memref<16x10240xf32, #tpu.memory_space<vmem_shared>> -> memref<1x10240xf32, #tpu.memory_space<vmem_shared>>
      %dma_wait3A_354 = tpu.memref_squeeze %dma_wait3A_353 : memref<1x10240xf32, #tpu.memory_space<vmem_shared>> -> memref<10240xf32, #tpu.memory_space<vmem_shared>>
      %dma_wait3A_355 = tpu.memref_slice %dma_wait3A_354[%mul3A_16] : memref<10240xf32, #tpu.memory_space<vmem_shared>> -> memref<640xf32, #tpu.memory_space<vmem_shared>>
      tpu.wait_dma2 semaphore(%run_scoped3A_341 : memref<!tpu.dma_semaphore, #tpu.memory_space<semaphore_mem>>) src(%dma_wait3A_355 : memref<640xf32, #tpu.memory_space<vmem_shared>>) dst(%arg25 : memref<640xf32, #tpu.memory_space<vmem>>)
      tpu.yield
    }) : () -> ()
    %scan3A_314 = arith.constant 0 : i32
    %scan3A_315 = arith.constant 0 : i32
    %scan3A_316 = arith.constant 40 : i32
    %scan3A_317 = arith.addi %scan3A_315, %scan3A_316 : i32
    %scan3A_318 = arith.constant 1 : i32
    scf.for %scan3A_341 = %scan3A_315 to %scan3A_317 step %scan3A_318  : i32 {
      %mul3A_342 = arith.constant 16 : i32
      %mul3A_343 = arith.muli %scan3A_341, %mul3A_342 : i32
      %get3A = arith.index_cast %mul3A_343 : i32 to index
      %get3A_344 = tpu.vector_load %arg24[%get3A] {strides = array<i32>} : memref<640xf32, #tpu.memory_space<vmem>>, vector<16xf32>,
      %get3A_345 = arith.index_cast %mul3A_343 : i32 to index
      %get3A_346 = tpu.vector_load %arg25[%get3A_345] {strides = array<i32>} : memref<640xf32, #tpu.memory_space<vmem>>, vector<16xf32>,
      %add3A_347 = arith.addf %get3A_344, %get3A_346 : vector<16xf32>
      %swap3A = arith.index_cast %mul3A_343 : i32 to index
      %swap3A_348 = tpu.vector_load %arg24[%swap3A] {strides = array<i32>} : memref<640xf32, #tpu.memory_space<vmem>>, vector<16xf32>,
      tpu.vector_store %arg24[%swap3A], %add3A_347 {strides = array<i32>} : memref<640xf32, #tpu.memory_space<vmem>>, vector<16xf32>,
    }
    %scan3A_319 = arith.constant 40 : i32
    %run_scoped3A_320 = arith.constant 14 : i32
    "tpu.region"() ({
      %run_scoped3A_341 = tpu.sem_alloc : memref<!tpu.dma_semaphore, #tpu.memory_space<semaphore_mem>>
      %dma_start3A = arith.constant 0 : i32
      %dma_start3A_342 = tpu.memref_slice %arg21[%run_scoped3A_320, %dma_start3A] : memref<16x10240xf32, #tpu.memory_space<vmem_shared>> -> memref<1x10240xf32, #tpu.memory_space<vmem_shared>>
      %dma_start3A_343 = tpu.memref_squeeze %dma_start3A_342 : memref<1x10240xf32, #tpu.memory_space<vmem_shared>> -> memref<10240xf32, #tpu.memory_space<vmem_shared>>
      %dma_start3A_344 = tpu.memref_slice %dma_start3A_343[%mul3A_16] : memref<10240xf32, #tpu.memory_space<vmem_shared>> -> memref<640xf32, #tpu.memory_space<vmem_shared>>
      %dma_start3A_345 = arith.constant 0 : i32
      %dma_start3A_346 = tpu.memref_slice %arg21[%run_scoped3A_320, %dma_start3A_345] : memref<16x10240xf32, #tpu.memory_space<vmem_shared>> -> memref<1x10240xf32, #tpu.memory_space<vmem_shared>>
      %dma_start3A_347 = tpu.memref_squeeze %dma_start3A_346 : memref<1x10240xf32, #tpu.memory_space<vmem_shared>> -> memref<10240xf32, #tpu.memory_space<vmem_shared>>
      %dma_start3A_348 = tpu.memref_slice %dma_start3A_347[%mul3A_16] : memref<10240xf32, #tpu.memory_space<vmem_shared>> -> memref<640xf32, #tpu.memory_space<vmem_shared>>
      tpu.enqueue_dma source(%dma_start3A_348 : memref<640xf32, #tpu.memory_space<vmem_shared>>) target(%arg25 : memref<640xf32, #tpu.memory_space<vmem>>) target_semaphore(%run_scoped3A_341 : memref<!tpu.dma_semaphore, #tpu.memory_space<semaphore_mem>>)
      %dma_wait3A = arith.constant 0 : i32
      %dma_wait3A_349 = tpu.memref_slice %arg21[%run_scoped3A_320, %dma_wait3A] : memref<16x10240xf32, #tpu.memory_space<vmem_shared>> -> memref<1x10240xf32, #tpu.memory_space<vmem_shared>>
      %dma_wait3A_350 = tpu.memref_squeeze %dma_wait3A_349 : memref<1x10240xf32, #tpu.memory_space<vmem_shared>> -> memref<10240xf32, #tpu.memory_space<vmem_shared>>
      %dma_wait3A_351 = tpu.memref_slice %dma_wait3A_350[%mul3A_16] : memref<10240xf32, #tpu.memory_space<vmem_shared>> -> memref<640xf32, #tpu.memory_space<vmem_shared>>
      %dma_wait3A_352 = arith.constant 0 : i32
      %dma_wait3A_353 = tpu.memref_slice %arg21[%run_scoped3A_320, %dma_wait3A_352] : memref<16x10240xf32, #tpu.memory_space<vmem_shared>> -> memref<1x10240xf32, #tpu.memory_space<vmem_shared>>
      %dma_wait3A_354 = tpu.memref_squeeze %dma_wait3A_353 : memref<1x10240xf32, #tpu.memory_space<vmem_shared>> -> memref<10240xf32, #tpu.memory_space<vmem_shared>>
      %dma_wait3A_355 = tpu.memref_slice %dma_wait3A_354[%mul3A_16] : memref<10240xf32, #tpu.memory_space<vmem_shared>> -> memref<640xf32, #tpu.memory_space<vmem_shared>>
      tpu.wait_dma2 semaphore(%run_scoped3A_341 : memref<!tpu.dma_semaphore, #tpu.memory_space<semaphore_mem>>) src(%dma_wait3A_355 : memref<640xf32, #tpu.memory_space<vmem_shared>>) dst(%arg25 : memref<640xf32, #tpu.memory_space<vmem>>)
      tpu.yield
    }) : () -> ()
    %scan3A_321 = arith.constant 0 : i32
    %scan3A_322 = arith.constant 0 : i32
    %scan3A_323 = arith.constant 40 : i32
    %scan3A_324 = arith.addi %scan3A_322, %scan3A_323 : i32
    %scan3A_325 = arith.constant 1 : i32
    scf.for %scan3A_341 = %scan3A_322 to %scan3A_324 step %scan3A_325  : i32 {
      %mul3A_342 = arith.constant 16 : i32
      %mul3A_343 = arith.muli %scan3A_341, %mul3A_342 : i32
      %get3A = arith.index_cast %mul3A_343 : i32 to index
      %get3A_344 = tpu.vector_load %arg24[%get3A] {strides = array<i32>} : memref<640xf32, #tpu.memory_space<vmem>>, vector<16xf32>,
      %get3A_345 = arith.index_cast %mul3A_343 : i32 to index
      %get3A_346 = tpu.vector_load %arg25[%get3A_345] {strides = array<i32>} : memref<640xf32, #tpu.memory_space<vmem>>, vector<16xf32>,
      %add3A_347 = arith.addf %get3A_344, %get3A_346 : vector<16xf32>
      %swap3A = arith.index_cast %mul3A_343 : i32 to index
      %swap3A_348 = tpu.vector_load %arg24[%swap3A] {strides = array<i32>} : memref<640xf32, #tpu.memory_space<vmem>>, vector<16xf32>,
      tpu.vector_store %arg24[%swap3A], %add3A_347 {strides = array<i32>} : memref<640xf32, #tpu.memory_space<vmem>>, vector<16xf32>,
    }
    %scan3A_326 = arith.constant 40 : i32
    %run_scoped3A_327 = arith.constant 15 : i32
    "tpu.region"() ({
      %run_scoped3A_341 = tpu.sem_alloc : memref<!tpu.dma_semaphore, #tpu.memory_space<semaphore_mem>>
      %dma_start3A = arith.constant 0 : i32
      %dma_start3A_342 = tpu.memref_slice %arg21[%run_scoped3A_327, %dma_start3A] : memref<16x10240xf32, #tpu.memory_space<vmem_shared>> -> memref<1x10240xf32, #tpu.memory_space<vmem_shared>>
      %dma_start3A_343 = tpu.memref_squeeze %dma_start3A_342 : memref<1x10240xf32, #tpu.memory_space<vmem_shared>> -> memref<10240xf32, #tpu.memory_space<vmem_shared>>
      %dma_start3A_344 = tpu.memref_slice %dma_start3A_343[%mul3A_16] : memref<10240xf32, #tpu.memory_space<vmem_shared>> -> memref<640xf32, #tpu.memory_space<vmem_shared>>
      %dma_start3A_345 = arith.constant 0 : i32
      %dma_start3A_346 = tpu.memref_slice %arg21[%run_scoped3A_327, %dma_start3A_345] : memref<16x10240xf32, #tpu.memory_space<vmem_shared>> -> memref<1x10240xf32, #tpu.memory_space<vmem_shared>>
      %dma_start3A_347 = tpu.memref_squeeze %dma_start3A_346 : memref<1x10240xf32, #tpu.memory_space<vmem_shared>> -> memref<10240xf32, #tpu.memory_space<vmem_shared>>
      %dma_start3A_348 = tpu.memref_slice %dma_start3A_347[%mul3A_16] : memref<10240xf32, #tpu.memory_space<vmem_shared>> -> memref<640xf32, #tpu.memory_space<vmem_shared>>
      tpu.enqueue_dma source(%dma_start3A_348 : memref<640xf32, #tpu.memory_space<vmem_shared>>) target(%arg25 : memref<640xf32, #tpu.memory_space<vmem>>) target_semaphore(%run_scoped3A_341 : memref<!tpu.dma_semaphore, #tpu.memory_space<semaphore_mem>>)
      %dma_wait3A = arith.constant 0 : i32
      %dma_wait3A_349 = tpu.memref_slice %arg21[%run_scoped3A_327, %dma_wait3A] : memref<16x10240xf32, #tpu.memory_space<vmem_shared>> -> memref<1x10240xf32, #tpu.memory_space<vmem_shared>>
      %dma_wait3A_350 = tpu.memref_squeeze %dma_wait3A_349 : memref<1x10240xf32, #tpu.memory_space<vmem_shared>> -> memref<10240xf32, #tpu.memory_space<vmem_shared>>
      %dma_wait3A_351 = tpu.memref_slice %dma_wait3A_350[%mul3A_16] : memref<10240xf32, #tpu.memory_space<vmem_shared>> -> memref<640xf32, #tpu.memory_space<vmem_shared>>
      %dma_wait3A_352 = arith.constant 0 : i32
      %dma_wait3A_353 = tpu.memref_slice %arg21[%run_scoped3A_327, %dma_wait3A_352] : memref<16x10240xf32, #tpu.memory_space<vmem_shared>> -> memref<1x10240xf32, #tpu.memory_space<vmem_shared>>
      %dma_wait3A_354 = tpu.memref_squeeze %dma_wait3A_353 : memref<1x10240xf32, #tpu.memory_space<vmem_shared>> -> memref<10240xf32, #tpu.memory_space<vmem_shared>>
      %dma_wait3A_355 = tpu.memref_slice %dma_wait3A_354[%mul3A_16] : memref<10240xf32, #tpu.memory_space<vmem_shared>> -> memref<640xf32, #tpu.memory_space<vmem_shared>>
      tpu.wait_dma2 semaphore(%run_scoped3A_341 : memref<!tpu.dma_semaphore, #tpu.memory_space<semaphore_mem>>) src(%dma_wait3A_355 : memref<640xf32, #tpu.memory_space<vmem_shared>>) dst(%arg25 : memref<640xf32, #tpu.memory_space<vmem>>)
      tpu.yield
    }) : () -> ()
    %scan3A_328 = arith.constant 0 : i32
    %scan3A_329 = arith.constant 0 : i32
    %scan3A_330 = arith.constant 40 : i32
    %scan3A_331 = arith.addi %scan3A_329, %scan3A_330 : i32
    %scan3A_332 = arith.constant 1 : i32
    scf.for %scan3A_341 = %scan3A_329 to %scan3A_331 step %scan3A_332  : i32 {
      %mul3A_342 = arith.constant 16 : i32
      %mul3A_343 = arith.muli %scan3A_341, %mul3A_342 : i32
      %get3A = arith.index_cast %mul3A_343 : i32 to index
      %get3A_344 = tpu.vector_load %arg24[%get3A] {strides = array<i32>} : memref<640xf32, #tpu.memory_space<vmem>>, vector<16xf32>,
      %get3A_345 = arith.index_cast %mul3A_343 : i32 to index
      %get3A_346 = tpu.vector_load %arg25[%get3A_345] {strides = array<i32>} : memref<640xf32, #tpu.memory_space<vmem>>, vector<16xf32>,
      %add3A_347 = arith.addf %get3A_344, %get3A_346 : vector<16xf32>
      %swap3A = arith.index_cast %mul3A_343 : i32 to index
      %swap3A_348 = tpu.vector_load %arg24[%swap3A] {strides = array<i32>} : memref<640xf32, #tpu.memory_space<vmem>>, vector<16xf32>,
      tpu.vector_store %arg24[%swap3A], %add3A_347 {strides = array<i32>} : memref<640xf32, #tpu.memory_space<vmem>>, vector<16xf32>,
    }
    %scan3A_333 = arith.constant 40 : i32
    %eq3A = arith.constant 0 : i32
    %eq3A_334 = arith.cmpi eq, %arg0, %eq3A : i32
    %convert_element_type3A = arith.extui %eq3A_334 : i1 to i32
    %cond3A = arith.constant 0 : i32
    %cond3A_335 = arith.cmpi ne, %convert_element_type3A, %cond3A : i32
    scf.if %cond3A_335 {
      "tpu.region"() ({
        %run_scoped3A_341 = tpu.sem_alloc : memref<!tpu.dma_semaphore, #tpu.memory_space<semaphore_mem>>
        %dma_start3A = tpu.memref_slice %arg6[%mul3A_16] : memref<10240xf32, #tpu.memory_space<hbm>> -> memref<640xf32, #tpu.memory_space<hbm>>
        %dma_start3A_342 = tpu.memref_slice %arg6[%mul3A_16] : memref<10240xf32, #tpu.memory_space<hbm>> -> memref<640xf32, #tpu.memory_space<hbm>>
        tpu.enqueue_dma source(%arg22 : memref<640xf32, #tpu.memory_space<vmem>>) target(%dma_start3A_342 : memref<640xf32, #tpu.memory_space<hbm>>) target_semaphore(%run_scoped3A_341 : memref<!tpu.dma_semaphore, #tpu.memory_space<semaphore_mem>>)
        %dma_wait3A = tpu.memref_slice %arg6[%mul3A_16] : memref<10240xf32, #tpu.memory_space<hbm>> -> memref<640xf32, #tpu.memory_space<hbm>>
        %dma_wait3A_343 = tpu.memref_slice %arg6[%mul3A_16] : memref<10240xf32, #tpu.memory_space<hbm>> -> memref<640xf32, #tpu.memory_space<hbm>>
        tpu.wait_dma2 semaphore(%run_scoped3A_341 : memref<!tpu.dma_semaphore, #tpu.memory_space<semaphore_mem>>) src(%arg22 : memref<640xf32, #tpu.memory_space<vmem>>) dst(%dma_wait3A_343 : memref<640xf32, #tpu.memory_space<hbm>>)
        tpu.yield
      }) : () -> ()
      "tpu.region"() ({
        %run_scoped3A_341 = tpu.sem_alloc : memref<!tpu.dma_semaphore, #tpu.memory_space<semaphore_mem>>
        %dma_start3A = tpu.memref_slice %arg7[%mul3A_16] : memref<10240xf32, #tpu.memory_space<hbm>> -> memref<640xf32, #tpu.memory_space<hbm>>
        %dma_start3A_342 = tpu.memref_slice %arg7[%mul3A_16] : memref<10240xf32, #tpu.memory_space<hbm>> -> memref<640xf32, #tpu.memory_space<hbm>>
        tpu.enqueue_dma source(%arg23 : memref<640xf32, #tpu.memory_space<vmem>>) target(%dma_start3A_342 : memref<640xf32, #tpu.memory_space<hbm>>) target_semaphore(%run_scoped3A_341 : memref<!tpu.dma_semaphore, #tpu.memory_space<semaphore_mem>>)
        %dma_wait3A = tpu.memref_slice %arg7[%mul3A_16] : memref<10240xf32, #tpu.memory_space<hbm>> -> memref<640xf32, #tpu.memory_space<hbm>>
        %dma_wait3A_343 = tpu.memref_slice %arg7[%mul3A_16] : memref<10240xf32, #tpu.memory_space<hbm>> -> memref<640xf32, #tpu.memory_space<hbm>>
        tpu.wait_dma2 semaphore(%run_scoped3A_341 : memref<!tpu.dma_semaphore, #tpu.memory_space<semaphore_mem>>) src(%arg23 : memref<640xf32, #tpu.memory_space<vmem>>) dst(%dma_wait3A_343 : memref<640xf32, #tpu.memory_space<hbm>>)
        tpu.yield
      }) : () -> ()
      "tpu.region"() ({
        %run_scoped3A_341 = tpu.sem_alloc : memref<!tpu.dma_semaphore, #tpu.memory_space<semaphore_mem>>
        %dma_start3A = tpu.memref_slice %arg8[%mul3A_16] : memref<10240xf32, #tpu.memory_space<hbm>> -> memref<640xf32, #tpu.memory_space<hbm>>
        %dma_start3A_342 = tpu.memref_slice %arg8[%mul3A_16] : memref<10240xf32, #tpu.memory_space<hbm>> -> memref<640xf32, #tpu.memory_space<hbm>>
        tpu.enqueue_dma source(%arg24 : memref<640xf32, #tpu.memory_space<vmem>>) target(%dma_start3A_342 : memref<640xf32, #tpu.memory_space<hbm>>) target_semaphore(%run_scoped3A_341 : memref<!tpu.dma_semaphore, #tpu.memory_space<semaphore_mem>>)
        %dma_wait3A = tpu.memref_slice %arg8[%mul3A_16] : memref<10240xf32, #tpu.memory_space<hbm>> -> memref<640xf32, #tpu.memory_space<hbm>>
        %dma_wait3A_343 = tpu.memref_slice %arg8[%mul3A_16] : memref<10240xf32, #tpu.memory_space<hbm>> -> memref<640xf32, #tpu.memory_space<hbm>>
        tpu.wait_dma2 semaphore(%run_scoped3A_341 : memref<!tpu.dma_semaphore, #tpu.memory_space<semaphore_mem>>) src(%arg24 : memref<640xf32, #tpu.memory_space<vmem>>) dst(%dma_wait3A_343 : memref<640xf32, #tpu.memory_space<hbm>>)
        tpu.yield
      }) : () -> ()
    } else {
    }
    %eq3A_336 = arith.constant 1 : i32
    %eq3A_337 = arith.cmpi eq, %arg0, %eq3A_336 : i32
    %convert_element_type3A_338 = arith.extui %eq3A_337 : i1 to i32
    %cond3A_339 = arith.constant 0 : i32
    %cond3A_340 = arith.cmpi ne, %convert_element_type3A_338, %cond3A_339 : i32
    scf.if %cond3A_340 {
      "tpu.region"() ({
        %run_scoped3A_341 = tpu.sem_alloc : memref<!tpu.dma_semaphore, #tpu.memory_space<semaphore_mem>>
        %dma_start3A = tpu.memref_slice %arg9[%mul3A_16] : memref<10240xf32, #tpu.memory_space<hbm>> -> memref<640xf32, #tpu.memory_space<hbm>>
        %dma_start3A_342 = tpu.memref_slice %arg9[%mul3A_16] : memref<10240xf32, #tpu.memory_space<hbm>> -> memref<640xf32, #tpu.memory_space<hbm>>
        tpu.enqueue_dma source(%arg22 : memref<640xf32, #tpu.memory_space<vmem>>) target(%dma_start3A_342 : memref<640xf32, #tpu.memory_space<hbm>>) target_semaphore(%run_scoped3A_341 : memref<!tpu.dma_semaphore, #tpu.memory_space<semaphore_mem>>)
        %dma_wait3A = tpu.memref_slice %arg9[%mul3A_16] : memref<10240xf32, #tpu.memory_space<hbm>> -> memref<640xf32, #tpu.memory_space<hbm>>
        %dma_wait3A_343 = tpu.memref_slice %arg9[%mul3A_16] : memref<10240xf32, #tpu.memory_space<hbm>> -> memref<640xf32, #tpu.memory_space<hbm>>
        tpu.wait_dma2 semaphore(%run_scoped3A_341 : memref<!tpu.dma_semaphore, #tpu.memory_space<semaphore_mem>>) src(%arg22 : memref<640xf32, #tpu.memory_space<vmem>>) dst(%dma_wait3A_343 : memref<640xf32, #tpu.memory_space<hbm>>)
        tpu.yield
      }) : () -> ()
      "tpu.region"() ({
        %run_scoped3A_341 = tpu.sem_alloc : memref<!tpu.dma_semaphore, #tpu.memory_space<semaphore_mem>>
        %dma_start3A = tpu.memref_slice %arg10[%mul3A_16] : memref<10240xf32, #tpu.memory_space<hbm>> -> memref<640xf32, #tpu.memory_space<hbm>>
        %dma_start3A_342 = tpu.memref_slice %arg10[%mul3A_16] : memref<10240xf32, #tpu.memory_space<hbm>> -> memref<640xf32, #tpu.memory_space<hbm>>
        tpu.enqueue_dma source(%arg23 : memref<640xf32, #tpu.memory_space<vmem>>) target(%dma_start3A_342 : memref<640xf32, #tpu.memory_space<hbm>>) target_semaphore(%run_scoped3A_341 : memref<!tpu.dma_semaphore, #tpu.memory_space<semaphore_mem>>)
        %dma_wait3A = tpu.memref_slice %arg10[%mul3A_16] : memref<10240xf32, #tpu.memory_space<hbm>> -> memref<640xf32, #tpu.memory_space<hbm>>
        %dma_wait3A_343 = tpu.memref_slice %arg10[%mul3A_16] : memref<10240xf32, #tpu.memory_space<hbm>> -> memref<640xf32, #tpu.memory_space<hbm>>
        tpu.wait_dma2 semaphore(%run_scoped3A_341 : memref<!tpu.dma_semaphore, #tpu.memory_space<semaphore_mem>>) src(%arg23 : memref<640xf32, #tpu.memory_space<vmem>>) dst(%dma_wait3A_343 : memref<640xf32, #tpu.memory_space<hbm>>)
        tpu.yield
      }) : () -> ()
      "tpu.region"() ({
        %run_scoped3A_341 = tpu.sem_alloc : memref<!tpu.dma_semaphore, #tpu.memory_space<semaphore_mem>>
        %dma_start3A = tpu.memref_slice %arg11[%mul3A_16] : memref<10240xf32, #tpu.memory_space<hbm>> -> memref<640xf32, #tpu.memory_space<hbm>>
        %dma_start3A_342 = tpu.memref_slice %arg11[%mul3A_16] : memref<10240xf32, #tpu.memory_space<hbm>> -> memref<640xf32, #tpu.memory_space<hbm>>
        tpu.enqueue_dma source(%arg24 : memref<640xf32, #tpu.memory_space<vmem>>) target(%dma_start3A_342 : memref<640xf32, #tpu.memory_space<hbm>>) target_semaphore(%run_scoped3A_341 : memref<!tpu.dma_semaphore, #tpu.memory_space<semaphore_mem>>)
        %dma_wait3A = tpu.memref_slice %arg11[%mul3A_16] : memref<10240xf32, #tpu.memory_space<hbm>> -> memref<640xf32, #tpu.memory_space<hbm>>
        %dma_wait3A_343 = tpu.memref_slice %arg11[%mul3A_16] : memref<10240xf32, #tpu.memory_space<hbm>> -> memref<640xf32, #tpu.memory_space<hbm>>
        tpu.wait_dma2 semaphore(%run_scoped3A_341 : memref<!tpu.dma_semaphore, #tpu.memory_space<semaphore_mem>>) src(%arg24 : memref<640xf32, #tpu.memory_space<vmem>>) dst(%dma_wait3A_343 : memref<640xf32, #tpu.memory_space<hbm>>)
        tpu.yield
      }) : () -> ()
    } else {
    }
    return
  }
}

module attributes {stable_mosaic.version = 14 : i64} {
  func.func @_pre_body(%arg0: i32, %arg1: memref<1000x128xf32, #tpu.memory_space<vmem>>, %arg2: memref<128x128xf32, #tpu.memory_space<vmem>>, %arg3: memref<128x128xf32, #tpu.memory_space<vmem>>, %arg4: memref<1x128xf32, #tpu.memory_space<vmem>>, %arg5: memref<1000x128xf32, #tpu.memory_space<vmem>>, %arg6: memref<1000x128xf32, #tpu.memory_space<vmem>>) attributes {dimension_semantics = [#tpu.dimension_semantics<arbitrary>], iteration_bounds = array<i64: 10>, scalar_prefetch = 0 : i64, scratch_operands = 0 : i64, tpu.core_type = #tpu.core_type<tc>, window_params = [{transform_indices = @transform_0, window_bounds = array<i64: 1000, 128>}, {pipeline_mode = #tpu.pipeline_mode<synchronous>, transform_indices = @transform_1, window_bounds = array<i64: 128, 128>}, {pipeline_mode = #tpu.pipeline_mode<synchronous>, transform_indices = @transform_2, window_bounds = array<i64: 128, 128>}, {pipeline_mode = #tpu.pipeline_mode<synchronous>, transform_indices = @transform_3, window_bounds = array<i64: 1, 128>}, {transform_indices = @transform_4, window_bounds = array<i64: 1000, 128>}, {transform_indices = @transform_5, window_bounds = array<i64: 1000, 128>}]} {
    %get3A = arith.constant 0 : index
    %get3A_0 = arith.constant 0 : index
    %get3A_1 = vector.load %arg1[%get3A, %get3A_0] : memref<1000x128xf32, #tpu.memory_space<vmem>>, vector<1000x128xf32>
    %get3A_2 = arith.constant 0 : index
    %get3A_3 = arith.constant 0 : index
    %get3A_4 = vector.load %arg2[%get3A_2, %get3A_3] : memref<128x128xf32, #tpu.memory_space<vmem>>, vector<128x128xf32>
    %dot_general3A = arith.constant dense<0.000000e+00> : vector<1000x128xf32>
    %dot_general3A_5 = tpu.matmul %get3A_1, %get3A_4, %dot_general3A {dimension_numbers = #tpu.dot_dimension_numbers<[1], [0], [0], [1], [0, 0, 1, 1], [], []>, transpose_lhs_hint = false} : vector<1000x128xf32>, vector<128x128xf32>, vector<1000x128xf32> -> vector<1000x128xf32>
    %get3A_6 = arith.constant 0 : index
    %get3A_7 = arith.constant 0 : index
    %get3A_8 = vector.load %arg4[%get3A_6, %get3A_7] : memref<1x128xf32, #tpu.memory_space<vmem>>, vector<1x128xf32>
    %add3A = vector.broadcast %get3A_8 : vector<1x128xf32> to vector<1000x128xf32>
    %add3A_9 = arith.addf %dot_general3A_5, %add3A : vector<1000x128xf32>
    %swap3A = arith.constant 0 : index
    %swap3A_10 = arith.constant 0 : index
    %swap3A_11 = vector.load %arg5[%swap3A, %swap3A_10] : memref<1000x128xf32, #tpu.memory_space<vmem>>, vector<1000x128xf32>
    tpu.vector_store %arg5[%swap3A, %swap3A_10], %add3A_9 {strides = array<i32>} : memref<1000x128xf32, #tpu.memory_space<vmem>>, vector<1000x128xf32>,
    %get3A_12 = arith.constant 0 : index
    %get3A_13 = arith.constant 0 : index
    %get3A_14 = vector.load %arg3[%get3A_12, %get3A_13] : memref<128x128xf32, #tpu.memory_space<vmem>>, vector<128x128xf32>
    %dot_general3A_15 = arith.constant dense<0.000000e+00> : vector<1000x128xf32>
    %dot_general3A_16 = tpu.matmul %get3A_1, %get3A_14, %dot_general3A_15 {dimension_numbers = #tpu.dot_dimension_numbers<[1], [0], [0], [1], [0, 0, 1, 1], [], []>, transpose_lhs_hint = false} : vector<1000x128xf32>, vector<128x128xf32>, vector<1000x128xf32> -> vector<1000x128xf32>
    %swap3A_17 = arith.constant 0 : index
    %swap3A_18 = arith.constant 0 : index
    %swap3A_19 = vector.load %arg6[%swap3A_17, %swap3A_18] : memref<1000x128xf32, #tpu.memory_space<vmem>>, vector<1000x128xf32>
    tpu.vector_store %arg6[%swap3A_17, %swap3A_18], %dot_general3A_16 {strides = array<i32>} : memref<1000x128xf32, #tpu.memory_space<vmem>>, vector<1000x128xf32>,
    return
  }
  func.func @transform_0(%arg0: i32) -> (i32, i32) {
    %c0_i32 = arith.constant 0 : i32
    %c0_i32_0 = arith.constant 0 : i32
    return %arg0, %c0_i32 : i32, i32
  }
  func.func @transform_1(%arg0: i32) -> (i32, i32) {
    %c0_i32 = arith.constant 0 : i32
    %c0_i32_0 = arith.constant 0 : i32
    %c0_i32_1 = arith.constant 0 : i32
    return %c0_i32, %c0_i32_0 : i32, i32
  }
  func.func @transform_2(%arg0: i32) -> (i32, i32) {
    %c0_i32 = arith.constant 0 : i32
    %c0_i32_0 = arith.constant 0 : i32
    %c0_i32_1 = arith.constant 0 : i32
    return %c0_i32, %c0_i32_0 : i32, i32
  }
  func.func @transform_3(%arg0: i32) -> (i32, i32) {
    %c0_i32 = arith.constant 0 : i32
    %c0_i32_0 = arith.constant 0 : i32
    %c0_i32_1 = arith.constant 0 : i32
    return %c0_i32, %c0_i32_0 : i32, i32
  }
  func.func @transform_4(%arg0: i32) -> (i32, i32) {
    %c0_i32 = arith.constant 0 : i32
    %c0_i32_0 = arith.constant 0 : i32
    return %arg0, %c0_i32 : i32, i32
  }
  func.func @transform_5(%arg0: i32) -> (i32, i32) {
    %c0_i32 = arith.constant 0 : i32
    %c0_i32_0 = arith.constant 0 : i32
    return %arg0, %c0_i32 : i32, i32
  }
}

module attributes {stable_mosaic.version = 14 : i64} {
  func.func @_mlp_body(%arg0: i32, %arg1: memref<2560x128xf32, #tpu.memory_space<vmem>>, %arg2: memref<2560x128xf32, #tpu.memory_space<vmem>>, %arg3: memref<2560x1xf32, #tpu.memory_space<vmem>>, %arg4: memref<2560x3xf32, #tpu.memory_space<vmem>>, %arg5: memref<1x128xf32, #tpu.memory_space<vmem>>, %arg6: memref<1x128xf32, #tpu.memory_space<vmem>>, %arg7: memref<128x128xf32, #tpu.memory_space<vmem>>, %arg8: memref<128x1xf32, #tpu.memory_space<vmem>>, %arg9: memref<3x2560xf32, #tpu.memory_space<vmem>>) attributes {dimension_semantics = [#tpu.dimension_semantics<arbitrary>], iteration_bounds = array<i64: 125>, scalar_prefetch = 0 : i64, scratch_operands = 0 : i64, tpu.core_type = #tpu.core_type<tc>, window_params = [{transform_indices = @transform_0, window_bounds = array<i64: 2560, 128>}, {transform_indices = @transform_1, window_bounds = array<i64: 2560, 128>}, {transform_indices = @transform_2, window_bounds = array<i64: 2560, 1>}, {transform_indices = @transform_3, window_bounds = array<i64: 2560, 3>}, {pipeline_mode = #tpu.pipeline_mode<synchronous>, transform_indices = @transform_4, window_bounds = array<i64: 1, 128>}, {pipeline_mode = #tpu.pipeline_mode<synchronous>, transform_indices = @transform_5, window_bounds = array<i64: 1, 128>}, {pipeline_mode = #tpu.pipeline_mode<synchronous>, transform_indices = @transform_6, window_bounds = array<i64: 128, 128>}, {pipeline_mode = #tpu.pipeline_mode<synchronous>, transform_indices = @transform_7, window_bounds = array<i64: 128, 1>}, {transform_indices = @transform_8, window_bounds = array<i64: 3, 2560>}]} {
    %get3A = arith.constant 0 : index
    %get3A_0 = arith.constant 0 : index
    %get3A_1 = vector.load %arg1[%get3A, %get3A_0] : memref<2560x128xf32, #tpu.memory_space<vmem>>, vector<2560x128xf32>
    %get3A_2 = arith.constant 0 : index
    %get3A_3 = arith.constant 0 : index
    %get3A_4 = vector.load %arg2[%get3A_2, %get3A_3] : memref<2560x128xf32, #tpu.memory_space<vmem>>, vector<2560x128xf32>
    %add3A = arith.addf %get3A_1, %get3A_4 : vector<2560x128xf32>
    %get3A_5 = arith.constant 0 : index
    %get3A_6 = arith.constant 0 : index
    %get3A_7 = vector.load %arg3[%get3A_5, %get3A_6] : memref<2560x1xf32, #tpu.memory_space<vmem>>, vector<2560x1xf32>
    %get3A_8 = arith.constant 0 : index
    %get3A_9 = arith.constant 0 : index
    %get3A_10 = vector.load %arg5[%get3A_8, %get3A_9] : memref<1x128xf32, #tpu.memory_space<vmem>>, vector<1x128xf32>
    %mul3A = vector.broadcast %get3A_7 : vector<2560x1xf32> to vector<2560x128xf32>
    %mul3A_11 = vector.broadcast %get3A_10 : vector<1x128xf32> to vector<2560x128xf32>
    %mul3A_12 = arith.mulf %mul3A, %mul3A_11 : vector<2560x128xf32>
    %add3A_13 = arith.addf %add3A, %mul3A_12 : vector<2560x128xf32>
    %logistic3A = arith.negf %add3A_13 : vector<2560x128xf32>
    %logistic3A_14 = math.exp %logistic3A : vector<2560x128xf32>
    %logistic3A_15 = arith.constant 1.000000e+00 : f32
    %logistic3A_16 = vector.broadcast %logistic3A_15 : f32 to vector<2560x128xf32>
    %logistic3A_17 = arith.addf %logistic3A_16, %logistic3A_14 : vector<2560x128xf32>
    %logistic3A_18 = arith.divf %logistic3A_16, %logistic3A_17 : vector<2560x128xf32>
    %mul3A_19 = arith.mulf %add3A_13, %logistic3A_18 : vector<2560x128xf32>
    %get3A_20 = arith.constant 0 : index
    %get3A_21 = arith.constant 0 : index
    %get3A_22 = vector.load %arg7[%get3A_20, %get3A_21] : memref<128x128xf32, #tpu.memory_space<vmem>>, vector<128x128xf32>
    %dot_general3A = arith.constant dense<0.000000e+00> : vector<2560x128xf32>
    %dot_general3A_23 = tpu.matmul %mul3A_19, %get3A_22, %dot_general3A {dimension_numbers = #tpu.dot_dimension_numbers<[1], [0], [0], [1], [0, 0, 1, 1], [], []>, transpose_lhs_hint = false} : vector<2560x128xf32>, vector<128x128xf32>, vector<2560x128xf32> -> vector<2560x128xf32>
    %get3A_24 = arith.constant 0 : index
    %get3A_25 = arith.constant 0 : index
    %get3A_26 = vector.load %arg6[%get3A_24, %get3A_25] : memref<1x128xf32, #tpu.memory_space<vmem>>, vector<1x128xf32>
    %add3A_27 = vector.broadcast %get3A_26 : vector<1x128xf32> to vector<2560x128xf32>
    %add3A_28 = arith.addf %dot_general3A_23, %add3A_27 : vector<2560x128xf32>
    %logistic3A_29 = arith.negf %add3A_28 : vector<2560x128xf32>
    %logistic3A_30 = math.exp %logistic3A_29 : vector<2560x128xf32>
    %logistic3A_31 = arith.constant 1.000000e+00 : f32
    %logistic3A_32 = vector.broadcast %logistic3A_31 : f32 to vector<2560x128xf32>
    %logistic3A_33 = arith.addf %logistic3A_32, %logistic3A_30 : vector<2560x128xf32>
    %logistic3A_34 = arith.divf %logistic3A_32, %logistic3A_33 : vector<2560x128xf32>
    %mul3A_35 = arith.mulf %add3A_28, %logistic3A_34 : vector<2560x128xf32>
    %get3A_36 = arith.constant 0 : index
    %get3A_37 = arith.constant 0 : index
    %get3A_38 = vector.load %arg8[%get3A_36, %get3A_37] : memref<128x1xf32, #tpu.memory_space<vmem>>, vector<128x1xf32>
    %dot_general3A_39 = arith.constant dense<0.000000e+00> : vector<2560x1xf32>
    %dot_general3A_40 = tpu.matmul %mul3A_35, %get3A_38, %dot_general3A_39 {dimension_numbers = #tpu.dot_dimension_numbers<[1], [0], [0], [1], [0, 0, 1, 1], [], []>, transpose_lhs_hint = false} : vector<2560x128xf32>, vector<128x1xf32>, vector<2560x1xf32> -> vector<2560x1xf32>
    %get3A_41 = arith.constant 0 : index
    %get3A_42 = arith.constant 0 : index
    %get3A_43 = vector.load %arg4[%get3A_41, %get3A_42] : memref<2560x3xf32, #tpu.memory_space<vmem>>, vector<2560x3xf32>
    %mul3A_44 = vector.broadcast %dot_general3A_40 : vector<2560x1xf32> to vector<2560x3xf32>
    %mul3A_45 = arith.mulf %get3A_43, %mul3A_44 : vector<2560x3xf32>
    %transpose3A = tpu.transpose %mul3A_45, [1, 0] : vector<2560x3xf32> -> vector<3x2560xf32>
    %swap3A = arith.constant 0 : index
    %swap3A_46 = arith.constant 0 : index
    %swap3A_47 = vector.load %arg9[%swap3A, %swap3A_46] : memref<3x2560xf32, #tpu.memory_space<vmem>>, vector<3x2560xf32>
    tpu.vector_store %arg9[%swap3A, %swap3A_46], %transpose3A {strides = array<i32>} : memref<3x2560xf32, #tpu.memory_space<vmem>>, vector<3x2560xf32>,
    return
  }
  func.func @transform_0(%arg0: i32) -> (i32, i32) {
    %c0_i32 = arith.constant 0 : i32
    %c0_i32_0 = arith.constant 0 : i32
    return %arg0, %c0_i32 : i32, i32
  }
  func.func @transform_1(%arg0: i32) -> (i32, i32) {
    %c0_i32 = arith.constant 0 : i32
    %c0_i32_0 = arith.constant 0 : i32
    return %arg0, %c0_i32 : i32, i32
  }
  func.func @transform_2(%arg0: i32) -> (i32, i32) {
    %c0_i32 = arith.constant 0 : i32
    %c0_i32_0 = arith.constant 0 : i32
    return %arg0, %c0_i32 : i32, i32
  }
  func.func @transform_3(%arg0: i32) -> (i32, i32) {
    %c0_i32 = arith.constant 0 : i32
    %c0_i32_0 = arith.constant 0 : i32
    return %arg0, %c0_i32 : i32, i32
  }
  func.func @transform_4(%arg0: i32) -> (i32, i32) {
    %c0_i32 = arith.constant 0 : i32
    %c0_i32_0 = arith.constant 0 : i32
    %c0_i32_1 = arith.constant 0 : i32
    return %c0_i32, %c0_i32_0 : i32, i32
  }
  func.func @transform_5(%arg0: i32) -> (i32, i32) {
    %c0_i32 = arith.constant 0 : i32
    %c0_i32_0 = arith.constant 0 : i32
    %c0_i32_1 = arith.constant 0 : i32
    return %c0_i32, %c0_i32_0 : i32, i32
  }
  func.func @transform_6(%arg0: i32) -> (i32, i32) {
    %c0_i32 = arith.constant 0 : i32
    %c0_i32_0 = arith.constant 0 : i32
    %c0_i32_1 = arith.constant 0 : i32
    return %c0_i32, %c0_i32_0 : i32, i32
  }
  func.func @transform_7(%arg0: i32) -> (i32, i32) {
    %c0_i32 = arith.constant 0 : i32
    %c0_i32_0 = arith.constant 0 : i32
    %c0_i32_1 = arith.constant 0 : i32
    return %c0_i32, %c0_i32_0 : i32, i32
  }
  func.func @transform_8(%arg0: i32) -> (i32, i32) {
    %c0_i32 = arith.constant 0 : i32
    %c0_i32_0 = arith.constant 0 : i32
    return %c0_i32, %arg0 : i32, i32
  }
}

module attributes {stable_mosaic.version = 14 : i64} {
  func.func @_combine_body(%arg0: i32, %arg1: memref<10000x3xf32, #tpu.memory_space<vmem>>, %arg2: memref<10240xf32, #tpu.memory_space<vmem>>, %arg3: memref<10240xf32, #tpu.memory_space<vmem>>, %arg4: memref<10240xf32, #tpu.memory_space<vmem>>, %arg5: memref<10240xf32, #tpu.memory_space<vmem>>, %arg6: memref<10240xf32, #tpu.memory_space<vmem>>, %arg7: memref<10240xf32, #tpu.memory_space<vmem>>, %arg8: memref<10000x3xf32, #tpu.memory_space<vmem>>) attributes {dimension_semantics = [#tpu.dimension_semantics<arbitrary>], iteration_bounds = array<i64: 1>, scalar_prefetch = 0 : i64, scratch_operands = 0 : i64, tpu.core_type = #tpu.core_type<tc>, window_params = [{pipeline_mode = #tpu.pipeline_mode<synchronous>, transform_indices = @transform_0, window_bounds = array<i64: 10000, 3>}, {pipeline_mode = #tpu.pipeline_mode<synchronous>, transform_indices = @transform_1, window_bounds = array<i64: 10240>}, {pipeline_mode = #tpu.pipeline_mode<synchronous>, transform_indices = @transform_2, window_bounds = array<i64: 10240>}, {pipeline_mode = #tpu.pipeline_mode<synchronous>, transform_indices = @transform_3, window_bounds = array<i64: 10240>}, {pipeline_mode = #tpu.pipeline_mode<synchronous>, transform_indices = @transform_4, window_bounds = array<i64: 10240>}, {pipeline_mode = #tpu.pipeline_mode<synchronous>, transform_indices = @transform_5, window_bounds = array<i64: 10240>}, {pipeline_mode = #tpu.pipeline_mode<synchronous>, transform_indices = @transform_6, window_bounds = array<i64: 10240>}, {pipeline_mode = #tpu.pipeline_mode<synchronous>, transform_indices = @transform_7, window_bounds = array<i64: 10000, 3>}]} {
    %get3A = arith.constant 0 : index
    %get3A_0 = vector.load %arg2[%get3A] : memref<10240xf32, #tpu.memory_space<vmem>>, vector<10000xf32>
    %get3A_1 = arith.constant 0 : index
    %get3A_2 = vector.load %arg5[%get3A_1] : memref<10240xf32, #tpu.memory_space<vmem>>, vector<10000xf32>
    %add3A = arith.addf %get3A_0, %get3A_2 : vector<10000xf32>
    %get3A_3 = arith.constant 0 : index
    %get3A_4 = vector.load %arg3[%get3A_3] : memref<10240xf32, #tpu.memory_space<vmem>>, vector<10000xf32>
    %get3A_5 = arith.constant 0 : index
    %get3A_6 = vector.load %arg6[%get3A_5] : memref<10240xf32, #tpu.memory_space<vmem>>, vector<10000xf32>
    %add3A_7 = arith.addf %get3A_4, %get3A_6 : vector<10000xf32>
    %get3A_8 = arith.constant 0 : index
    %get3A_9 = vector.load %arg4[%get3A_8] : memref<10240xf32, #tpu.memory_space<vmem>>, vector<10000xf32>
    %get3A_10 = arith.constant 0 : index
    %get3A_11 = vector.load %arg7[%get3A_10] : memref<10240xf32, #tpu.memory_space<vmem>>, vector<10000xf32>
    %add3A_12 = arith.addf %get3A_9, %get3A_11 : vector<10000xf32>
    %stack3A = vector.shape_cast %add3A : vector<10000xf32> to vector<1x10000xf32>
    %stack3A_13 = vector.shape_cast %add3A_7 : vector<10000xf32> to vector<1x10000xf32>
    %stack3A_14 = vector.shape_cast %add3A_12 : vector<10000xf32> to vector<1x10000xf32>
    %stack3A_15 = tpu.concatenate %stack3A, %stack3A_13, %stack3A_14 in 0 : vector<1x10000xf32>, vector<1x10000xf32>, vector<1x10000xf32> -> vector<3x10000xf32>
    %transpose3A = tpu.transpose %stack3A_15, [1, 0] : vector<3x10000xf32> -> vector<10000x3xf32>
    %get3A_16 = arith.constant 0 : index
    %get3A_17 = arith.constant 0 : index
    %get3A_18 = vector.load %arg1[%get3A_16, %get3A_17] : memref<10000x3xf32, #tpu.memory_space<vmem>>, vector<10000x3xf32>
    %mul3A = arith.constant 0.00999999977 : f32
    %mul3A_19 = vector.broadcast %mul3A : f32 to vector<10000x3xf32>
    %mul3A_20 = arith.mulf %transpose3A, %mul3A_19 : vector<10000x3xf32>
    %add3A_21 = arith.addf %get3A_18, %mul3A_20 : vector<10000x3xf32>
    %swap3A = arith.constant 0 : index
    %swap3A_22 = arith.constant 0 : index
    %swap3A_23 = vector.load %arg8[%swap3A, %swap3A_22] : memref<10000x3xf32, #tpu.memory_space<vmem>>, vector<10000x3xf32>
    tpu.vector_store %arg8[%swap3A, %swap3A_22], %add3A_21 {strides = array<i32>} : memref<10000x3xf32, #tpu.memory_space<vmem>>, vector<10000x3xf32>,
    return
  }
  func.func @transform_0(%arg0: i32) -> (i32, i32) {
    %c0_i32 = arith.constant 0 : i32
    %c0_i32_0 = arith.constant 0 : i32
    %c0_i32_1 = arith.constant 0 : i32
    return %c0_i32, %c0_i32_0 : i32, i32
  }
  func.func @transform_1(%arg0: i32) -> i32 {
    %c0_i32 = arith.constant 0 : i32
    %c0_i32_0 = arith.constant 0 : i32
    return %c0_i32 : i32
  }
  func.func @transform_2(%arg0: i32) -> i32 {
    %c0_i32 = arith.constant 0 : i32
    %c0_i32_0 = arith.constant 0 : i32
    return %c0_i32 : i32
  }
  func.func @transform_3(%arg0: i32) -> i32 {
    %c0_i32 = arith.constant 0 : i32
    %c0_i32_0 = arith.constant 0 : i32
    return %c0_i32 : i32
  }
  func.func @transform_4(%arg0: i32) -> i32 {
    %c0_i32 = arith.constant 0 : i32
    %c0_i32_0 = arith.constant 0 : i32
    return %c0_i32 : i32
  }
  func.func @transform_5(%arg0: i32) -> i32 {
    %c0_i32 = arith.constant 0 : i32
    %c0_i32_0 = arith.constant 0 : i32
    return %c0_i32 : i32
  }
  func.func @transform_6(%arg0: i32) -> i32 {
    %c0_i32 = arith.constant 0 : i32
    %c0_i32_0 = arith.constant 0 : i32
    return %c0_i32 : i32
  }
  func.func @transform_7(%arg0: i32) -> (i32, i32) {
    %c0_i32 = arith.constant 0 : i32
    %c0_i32_0 = arith.constant 0 : i32
    %c0_i32_1 = arith.constant 0 : i32
    return %c0_i32, %c0_i32_0 : i32, i32
  }
}

</mosaic_0001>

<sc_bundles>
// kernel: kernel.10.cloned.1.call-start
scs
__scs_entry_jumppad:
0x0: {  	(pc) =	sbr.rel $0x88, $3  }
0x1: {  	(tag) =	ssettag $0x0;
	lr =	simm.s32 $0x1  }
0x2: {  	[smem:$0x3F97] =	sst lr;
	_ =	strace $0xD0000000  }
0x3: {  	_ = 	snop  }
0x4: {  	_ = 	snop  }
0x5: {  	_ = 	snop  }
0x6: {  	_ = 	snop  }
0x7: {  	_ = 	snop  }
__scs_overlays_trampoline_lowered:
0x8: {  	[smem:$0x3FA6] =	sst s0  }
0x9: {  	[smem:$0x3FA7] =	sst s1  }
0xa: {  	[smem:$0x3FA8] =	sst s2  }
0xb: {  	[smem:$0x3FA9] =	sst s3  }
0xc: {  	[smem:$0x3FAA] =	sst s4  }
0xd: {  	[smem:$0x3FAB] =	sst s5  }
0xe: {  	[smem:$0x3FAC] =	sst s6  }
0xf: {  	[smem:$0x3FAD] =	sst s7  }
0x10: {  	[smem:$0x3FAE] =	sst s8  }
0x11: {  	[smem:$0x3FAF] =	sst s9;
	s0 =	simm.s32 @!p0 $0x0  }
0x12: {  	s1 =	sld [smem:$0x3F95];
	s0 =	simm.s32 @p0 $0x1  }
0x13: {  	[smem:$0x3FB0] =	sst s0;
	s0 =	simm.s32 @!p1 $0x0  }
0x14: {  	s2 =	sld [smem:$0x3F94];
	s0 =	simm.s32 @p1 $0x1  }
0x15: {  	[smem:$0x3FB1] =	sst s0;
	s0 =	simm.s32 @!p2 $0x0  }
0x16: {  	s3 =	sld [smem:$0x3FDB];
	s0 =	simm.s32 @p2 $0x1  }
0x17: {  	s4 =	simm.s32 $0x1BF5;
	[smem:$0x3FB3] =	sst s0  }
0x18: {  	s0 =	sld [smem:$0x3F96];
	_ =	swait.ge [sflag:s4], $0x0  }
0x19: {  	s7 =	sld [smem:$0x3F97]  }
0x1a: {  	s8 =	sadd.s32 $0xFFFFE003, lr  }
0x1b: {  	s9 =	sadd.s32 $0xFFFFFEF7, lr;
	s5 =	simm.s32 $0xFFFFFFFF;
	p2 =	slt.u32 s8, $0xFFFFF086  }
0x1c: {  	p1 =	slt.u32 s9, $0xF7A;
	s5 =	simm.s32 @!p2 $0x0  }
0x1d: {  	s5 =	simm.s32 @p1 $0x1;
	p0 =	seq.s32 s7, s2  }
0x1e: {  	s7 =	smul.u32 @!p0 $0xF7A, s2;
	p2 =	seq.s32 @!p0 s5, $0x0  }
0x1f: {  	s9 =	smul.u32 $0xF7A, s1;
	s8 =	simm.s32 @!p0 $0x1BF5;
	p2 =	por !p2, p0  }
0x20: {  	[sflag:s8] =	ssyncset.s32 @!p0 $0xFFFFF086;
	s6 =	sadd.s32 @!p0 s3, s7;
	s7 =	simm.s32 @!p0 $0x108  }
0x21: {  	s3 =	sadd.s32 s3, s9;
	s6 =	sadd.s32 @!p0 $0x88, s6;
	s7 =	simm.s32 @p2 $0x1082  }
0x22: {  	[simem:s7], [sflag:s8] =	dma.local @!p0 [hbm:s6], $0xF7A  }
0x23: {  	s9 =	sor.u32 $0xD0000000, s2;
	s6 =	simm.s32 $0x108;
	_ =	swait.ge @!p0 [sflag:s8], $0x0  }
0x24: {  	s3 =	sadd.s32 $0x88, s3;
	s6 =	simm.s32 @!p1 $0x1082;
	[sflag:s4] =	ssyncset.s32 $0xFFFFF086  }
0x25: {  	[simem:s6], [sflag:s4] =	dma.local [hbm:s3], $0xF7A  }
0x26: {  	[smem:$0x3F97] =	sst s1;
	(tag) =	ssettag s2;
	_ =	strace s9  }
0x27: {  	s1 =	sld [smem:$0x3FA7]  }
0x28: {  	s2 =	sld [smem:$0x3FA8]  }
0x29: {  	s4 =	sld [smem:$0x3FAA]  }
0x2a: {  	p0 =	seq.s32 s5, $0x0;
	s5 =	sld [smem:$0x3FAB]  }
0x2b: {  	s6 =	sld [smem:$0x3FAC]  }
0x2c: {  	s7 =	sld [smem:$0x3FAD]  }
0x2d: {  	s3 =	simm.s32 $0x108;
	s8 =	sld [smem:$0x3FAE]  }
0x2e: {  	s3 =	simm.s32 @!p0 $0x1082;
	s9 =	sld [smem:$0x3FAF]  }
0x2f: {  	lr =	sadd.s32 s0, s3;
	s0 =	sld [smem:$0x3FA6]  }
0x30: {  	s3 =	sld [smem:$0x3FA9]  }
0x31: {  	[smem:$0x3FB2] =	sst s10  }
0x32: {  	s10 =	sld [smem:$0x3FB0];
	_ =	sdelay $0x3  }
0x33: {  	p0 =	seq.s32 s10, $0x1;
	s10 =	sld [smem:$0x3FB2];
	_ =	sdelay $0x3  }
0x34: {  	[smem:$0x3FB2] =	sst s10  }
0x35: {  	s10 =	sld [smem:$0x3FB1];
	_ =	sdelay $0x3  }
0x36: {  	p1 =	seq.s32 s10, $0x1;
	s10 =	sld [smem:$0x3FB2];
	_ =	sdelay $0x3  }
0x37: {  	[smem:$0x3FB2] =	sst s10  }
0x38: {  	s10 =	sld [smem:$0x3FB3]  }
0x39: {  	_ = 	snop;
	(pc) =	sbr.ind lr, $3  }
0x3a: {  	_ = 	snop  }
0x3b: {  	_ = 	snop  }
0x3c: {  	p2 =	seq.s32 s10, $0x1;
	s10 =	sld [smem:$0x3FB2]  }
0x3d: {  	_ =	shalt  }
0x3e: {  	_ =	shalt  }
0x3f: {  	_ =	shalt  }
0x40: {  	_ =	shalt  }
0x41: {  	_ =	shalt  }
0x42: {  	_ =	shalt  }
0x43: {  	_ =	shalt  }
0x44: {  	_ =	shalt  }
0x45: {  	_ =	shalt  }
0x46: {  	_ =	shalt  }
0x47: {  	_ =	shalt  }
0x48: {  	_ =	shalt  }
0x49: {  	_ =	shalt  }
0x4a: {  	_ =	shalt  }
0x4b: {  	_ =	shalt  }
0x4c: {  	_ =	shalt  }
0x4d: {  	_ =	shalt  }
0x4e: {  	_ =	shalt  }
0x4f: {  	_ =	shalt  }
0x50: {  	_ =	shalt  }
0x51: {  	_ =	shalt  }
0x52: {  	_ =	shalt  }
0x53: {  	_ =	shalt  }
0x54: {  	_ =	shalt  }
0x55: {  	_ =	shalt  }
0x56: {  	_ =	shalt  }
0x57: {  	_ =	shalt  }
0x58: {  	_ =	shalt  }
0x59: {  	_ =	shalt  }
0x5a: {  	_ =	shalt  }
0x5b: {  	_ =	shalt  }
0x5c: {  	_ =	shalt  }
0x5d: {  	_ =	shalt  }
0x5e: {  	_ =	shalt  }
0x5f: {  	_ =	shalt  }
0x60: {  	_ =	shalt  }
0x61: {  	_ =	shalt  }
0x62: {  	_ =	shalt  }
0x63: {  	_ =	shalt  }
0x64: {  	_ =	shalt  }
0x65: {  	_ =	shalt  }
0x66: {  	_ =	shalt  }
0x67: {  	_ =	shalt  }
0x68: {  	_ =	shalt  }
0x69: {  	_ =	shalt  }
0x6a: {  	_ =	shalt  }
0x6b: {  	_ =	shalt  }
0x6c: {  	_ =	shalt  }
0x6d: {  	_ =	shalt  }
0x6e: {  	_ =	shalt  }
0x6f: {  	_ =	shalt  }
0x70: {  	_ =	shalt  }
0x71: {  	_ =	shalt  }
0x72: {  	_ =	shalt  }
0x73: {  	_ =	shalt  }
0x74: {  	_ =	shalt  }
0x75: {  	_ =	shalt  }
0x76: {  	_ =	shalt  }
0x77: {  	_ =	shalt  }
0x78: {  	_ =	shalt  }
0x79: {  	_ =	shalt  }
0x7a: {  	_ =	shalt  }
0x7b: {  	_ =	shalt  }
0x7c: {  	_ =	shalt  }
0x7d: {  	_ =	shalt  }
0x7e: {  	_ =	shalt  }
0x7f: {  	_ =	shalt  }
0x80: {  	_ =	shalt  }
0x81: {  	_ =	shalt  }
0x82: {  	_ =	shalt  }
0x83: {  	_ =	shalt  }
0x84: {  	_ =	shalt  }
0x85: {  	_ =	shalt  }
0x86: {  	_ =	shalt  }
0x87: {  	_ =	shalt  }
.Lfunc_end0:
.L_simem_size_0:
called_computation.1_lowered:
.L_overlay_start_0:
0x88: {  	s2 =	sld [smem:$0x3FD9]  }
0x89: {  	s3 =	sld [smem:$0x3FFE];
	_ =	sdelay $0x1  }
0x8a: {  	s1 =	srdreg.scid  }
0x8b: {  	s0 =	sand.u32 $0x1, s1  }
0x8c: {  	s17 =	sshll.u32 s0, $0xA;
	s2 =	sadd.s32 s3, s2  }
0x8d: {  	s2 =	sadd.s32 s2, s17  }
0x8e: {  	[smem:$0x3FBE] =	sst s2  }
0x8f: {  	_ = 	snop  }
0x90: {  	s2 =	sld [smem:$0x3FD0];
	(tm) =	ssettm $0x1  }
0x91: {  	s18 =	sld [smem:$0x3FFB];
	_ =	sdelay $0x3  }
0x92: {  	_ =	strace s18  }
0x93: {  	s3 =	sld [smem:$0x3FFC];
	_ =	sdelay $0x3  }
0x94: {  	_ =	strace s3  }
0x95: {  	s3 =	sld [smem:$0x3FFD];
	_ =	sdelay $0x3  }
0x96: {  	_ =	strace s3  }
0x97: {  	_ =	strace $0x8FFFFFFF  }
0x98: {  	s19 =	sld [smem:$0x3FDB];
	_ =	sdelay $0x1  }
0x99: {  	s4 =	simm.s32 $_scs_section_size  }
0x9a: {  	s5 =	simm.s32 $_size__tile_overlayer_lowered;
	s6 =	simm.s32 $_tile_overlayer_lowered  }
0x9b: {  	s22 =	simm.s32 $0x1BFF;
	s21 =	sshll.u32 s6, $0x1;
	s3 =	sadd.s32 s4, s19  }
0x9c: {  	s7 =	simm.s32 $0x0;
	s20 =	sshll.u32 s5, $0x1;
	s5 =	sadd.s32 s21, s3  }
0x9d: {  	[timem:s7], [sflag:s22] =	dma.local [hbm:s5], s20  }
0x9e: {  	_ =	swait.ge [sflag:s22], s20  }
0x9f: {  	s4 =	ssub.s32 $0x0, s20;
	[sflag:s22] =	ssyncset.done $0x0  }
0xa0: {  	[sflag:s22] =	ssyncadd.s32 s4;
	_ =	sdelay $0x1  }
0xa1: {  	s23 =	simm.s32 $0x1B8B  }
0xa2: {  	_ =	swait.ge [sflag:s23], $0x1  }
0xa3: {  	[sflag:s23] =	ssyncset.done $0x0  }
0xa4: {  	s25 =	simm.s32 $0x1B8E;
	s24 =	sld [smem:$0x3FFE];
	[sflag:s23] =	ssyncadd.s32 $0xFFFFFFFF  }
0xa5: {  	s26 =	simm.s32 $execute0_lowered;
	[smem:$0x3FD2] =	sst s25  }
0xa6: {  	s5 =	sshll.u32 s26, $0x1;
	_ =	strace $0x80000049;
	[dreg:$0x1] =	wrdreg $0xFFFFFFFF  }
0xa7: {  	s28 =	simm.s32 $_size_execute0_lowered;
	s3 =	sadd.s32 s3, s5;
	[dreg:$0x0] =	wrdreg $0x0  }
0xa8: {  	s5 =	sshll.u32 s28, $0x1;
	[dreg:$0x2] =	wrdreg s3  }
0xa9: {  	[dreg:$0x3] =	wrdreg s5  }
0xaa: {  	[dreg:$0x4] =	wrdreg $0xC0  }
0xab: {  	_ =	task [dreg:s7], $0x5FFFF  }
0xac: {  	[dreg:$0x1] =	wrdreg $0xFFFFFFFF  }
0xad: {  	[dreg:$0x0] =	wrdreg $0x60  }
0xae: {  	[dreg:$0x2] =	wrdreg s24  }
0xaf: {  	[dreg:$0x3] =	wrdreg s2  }
0xb0: {  	[dreg:$0x4] =	wrdreg $0x116000  }
0xb1: {  	[dreg:$0x5] =	wrdreg $0x13E000  }
0xb2: {  	[dreg:$0x6] =	wrdreg $0x166000  }
0xb3: {  	[dreg:$0x7] =	wrdreg $0x9  }
0xb4: {  	_ =	task.clear_ibuf [dreg:s7], $0x8FFFF;
	_ =	strace $0x90000049  }
0xb5: {  	s29 =	simm.s32 $0x9;
	_ =	strace $0x8000004B  }
0xb6: {  	_ =	swait.ge [sflag:s29], $0x1  }
0xb7: {  	[sflag:s29] =	ssyncadd.s32 $0xFFFFFFFF  }
0xb8: {  	_ =	strace $0x9000004B  }
0xb9: {  	_ =	sfence  }
0xba: {  	s30 =	sld [smem:$0x0];
	_ =	sdelay $0x2  }
0xbb: {  	s31 =	sshll.u32 s1, $0xD;
	s1 =	sshrl.u32 s1, $0x2  }
0xbc: {  	s3 =	sand.u32 $0x4000, s31;
	s1 =	sadd.s32 s1, s30  }
0xbd: {  	s0 =	sor.u32 s3, s0;
	s1 =	sshll.u32 s1, $0x11  }
0xbe: {  	s0 =	sor.u32 s1, s0  }
0xbf: {  	s0 =	sadd.s32 $0x8F2B, s0  }
0xc0: {  	[sflag:s0] =	ssyncadd.remote.s32 $0x1  }
0xc1: {  	_ =	sfence.sel $0xFFFF  }
0xc2: {  	[dreg:$0x0] =	wrdreg $0xFFFFFFFF;
	(pc) =	sbr.abs _section_cstart, $3  }
0xc3: {  	[dreg:$0x1] =	wrdreg $0xFFFFFFFF  }
0xc4: {  	_ =	task.clear_ibuf [dreg:s7], $0x2FFFF;
	_ =	strace $0x9FFFFFFF  }
0xc5: {  	(tm) =	ssettm $0x7FFFFFFF  }
tec
execute0_lowered:
.L_overlay_start_1:
0x0: {  	(tag) =	ssettag $0x1  }
0x1: {  	s0 =	rddreg [dreg:$0x0]  }
0x2: {  	s1 =	rddreg [dreg:$0x1]  }
0x3: {  	s3 =	rddreg [dreg:$0x2]  }
0x4: {  	s4 =	rddreg [dreg:$0x3];
	s18 =	stileid.u32  }
0x5: {  	s2 =	srdreg.scid;
	s5 =	rddreg [dreg:$0x4];
	s14 =	sshrl.u32 s18, $0x3  }
0x6: {  	s6 =	sand.u32 $0x1, s2;
	s20 =	sshll.u32 s18, $0x7;
	s19 =	smul.u32 $0x14000, s14  }
0x7: {  	s2 =	simm.s32 $0x0;
	s21 =	smul.u32 $0x1400, s18;
	s14 =	sand.u32 $0x380, s20  }
0x8: {  	[smem:$0x7FF] =	sst s2;
	s8 =	ssub.s32 $0x2, s6;
	s14 =	sor.u32 s14, s19  }
0x9: {  	_ =	strace $0x8000004A;
	s13 =	sshrl.u32 s8, $0x1;
	s23 =	sadd.s32 s14, s3  }
0xa: {  	s13 =	ssub.s32 s8, s13;
	s24 =	sadd.s32 s14, s4;
	[dreg:$0xa] =	wrdreg s23  }
0xb: {  	s8 =	sadd.s32 s21, s3;
	s25 =	sadd.s32 s14, s5;
	[dreg:$0xb] =	wrdreg s24  }
0xc: {  	s26 =	sadd.s32 $0x80, s8;
	[dreg:$0xc] =	wrdreg s25  }
0xd: {  	s14 =	sadd.s32 $0x180, s8;
	[dreg:$0xd] =	wrdreg s26  }
0xe: {  	s7 =	sshll.u32 s18, $0x1;
	s17 =	sadd.s32 $0x280, s8;
	[dreg:$0xf] =	wrdreg s14  }
0xf: {  	s7 =	sor.u32 s6, s7;
	s19 =	sadd.s32 $0x300, s8;
	[dreg:$0x11] =	wrdreg s17  }
0x10: {  	s7 =	smul.u32 $0x4E2, s7;
	s20 =	sadd.s32 $0x380, s8;
	[dreg:$0x12] =	wrdreg s19  }
0x11: {  	p0 =	seq.s32 s6, $0x1;
	s3 =	sadd.s32 $0x14180, s8;
	[dreg:$0x13] =	wrdreg s20  }
0x12: {  	s7 =	sadd.s32 s7, s0;
	s6 =	sadd.s32 $0x14300, s8;
	[dreg:$0x1b] =	wrdreg s3  }
0x13: {  	s9 =	sadd.s32 $0x29A00, s0;
	s15 =	sadd.s32 $0xC000, s7;
	[dreg:$0x1e] =	wrdreg s6  }
0x14: {  	s12 =	sadd.s32 $0x2AC00, s0;
	s16 =	sadd.s32 $0x1FC00, s7;
	[dreg:$0x6] =	wrdreg s15  }
0x15: {  	s18 =	smul.u32 $0x50, s18;
	s22 =	sadd.s32 $0x15E00, s7;
	[dreg:$0x7] =	wrdreg s16  }
0x16: {  	s9 =	smov.u32 @p0 s12;
	s7 =	sadd.s32 $0x2200, s7;
	[dreg:$0x8] =	wrdreg s22  }
0x17: {  	s23 =	sadd.s32 s9, s18;
	[dreg:$0x9] =	wrdreg s7  }
0x18: {  	s10 =	sadd.s32 $0x2A000, s0;
	s25 =	sadd.s32 $0x14080, s8;
	[dreg:$0x16] =	wrdreg s23  }
0x19: {  	s11 =	sadd.s32 $0x2A600, s0;
	s26 =	smax.u32 s13, $0x1;
	[dreg:$0x18] =	wrdreg s25  }
0x1a: {  	s17 =	sadd.s32 s21, s5;
	s5 =	sadd.s32 $0x14280, s8;
	[dreg:$0x19] =	wrdreg s26  }
0x1b: {  	s1 =	smov.u32 @p0 s11;
	s7 =	sadd.s32 $0x100, s8;
	[dreg:$0x1d] =	wrdreg s5  }
0x1c: {  	s0 =	sadd.s32 $0x2B200, s0;
	s16 =	sadd.s32 $0x200, s8;
	[dreg:$0xe] =	wrdreg s7  }
0x1d: {  	s10 =	smov.u32 @p0 s0;
	s22 =	sadd.s32 s1, s18;
	[dreg:$0x10] =	wrdreg s16  }
0x1e: {  	s24 =	sadd.s32 s10, s18;
	[dreg:$0x15] =	wrdreg s22  }
0x1f: {  	s1 =	sadd.s32 $0x14100, s8;
	[dreg:$0x17] =	wrdreg s24  }
0x20: {  	s26 =	sadd.s32 $0x80, s17;
	[dreg:$0x1a] =	wrdreg s1  }
0x21: {  	s16 =	sadd.s32 s21, s4;
	s21 =	sadd.s32 $0x14000, s8;
	[smem:$0x7FD] =	sst s26  }
0x22: {  	s4 =	sadd.s32 $0x14200, s8;
	[dreg:$0x14] =	wrdreg s21  }
0x23: {  	s7 =	sadd.s32 $0x14380, s8;
	[dreg:$0x1c] =	wrdreg s4  }
0x24: {  	[dreg:$0x1f] =	wrdreg s7;
	s9 =	sadd.s32 $0x80, s16  }
0x25: {  	s10 =	sadd.s32 $0x100, s16;
	[smem:$0x7EE] =	sst s9  }
0x26: {  	s11 =	sadd.s32 $0x180, s16;
	[smem:$0x7EF] =	sst s10  }
0x27: {  	s12 =	sadd.s32 $0x200, s16;
	[smem:$0x7F0] =	sst s11  }
0x28: {  	s13 =	sadd.s32 $0x280, s16;
	[smem:$0x7F1] =	sst s12  }
0x29: {  	s6 =	simm.s32 $0x9E00;
	s14 =	sadd.s32 $0x300, s16;
	[smem:$0x7F2] =	sst s13  }
0x2a: {  	s28 =	sadd.s32 $0x14000, s17;
	s15 =	sadd.s32 $0x380, s16;
	[smem:$0x7F3] =	sst s14  }
0x2b: {  	s29 =	sadd.s32 $0x14080, s17;
	s18 =	sadd.s32 $0x14000, s16;
	[smem:$0x7F4] =	sst s15  }
0x2c: {  	s30 =	sadd.s32 $0x14100, s17;
	s19 =	sadd.s32 $0x14080, s16;
	[smem:$0x7F5] =	sst s18  }
0x2d: {  	s31 =	sadd.s32 $0x14180, s17;
	s20 =	sadd.s32 $0x14100, s16;
	[smem:$0x7F6] =	sst s19  }
0x2e: {  	s0 =	sadd.s32 $0x14280, s17;
	s21 =	sadd.s32 $0x14180, s16;
	[smem:$0x7F7] =	sst s20  }
0x2f: {  	s3 =	sadd.s32 $0x14300, s17;
	s22 =	sadd.s32 $0x14200, s16;
	[smem:$0x7F8] =	sst s21  }
0x30: {  	s5 =	simm.s32 $0x1;
	s23 =	sadd.s32 $0x14280, s16;
	[smem:$0x7F9] =	sst s22  }
0x31: {  	s26 =	sadd.s32 $0x380, s17;
	s24 =	sadd.s32 $0x14300, s16;
	[smem:$0x7FA] =	sst s23  }
0x32: {  	s1 =	sadd.s32 $0x14200, s17;
	s25 =	sadd.s32 $0x14380, s16;
	[smem:$0x7FB] =	sst s24  }
0x33: {  	s4 =	sadd.s32 $0x14380, s17;
	s7 =	simm.s32 $0xC600;
	[smem:$0x7FC] =	sst s25  }
0x34: {  	s21 =	sadd.s32 $0x100, s17;
	s22 =	sadd.s32 $0x180, s17;
	s23 =	sadd.s32 $0x200, s17  }
0x35: {  	s24 =	sadd.s32 $0x280, s17;
	s25 =	sadd.s32 $0x300, s17;
	s9 =	simm.s32 $0xEE00  }
0x36: {  	s10 =	simm.s32 $0x80;
	s11 =	simm.s32 $0x400;
	s13 =	simm.s32 $0x19580  }
0x37: {  	v0 =	vimm.f32 $0.0e+00;
	s14 =	simm.s32 $0x19080;
	s15 =	simm.s32 $0x19300;
	s18 =	simm.s32 $0x0  }
.LBB2_1:
0x38: {  	s19 =	simm.s32 $0x40;
	s20 =	simm.s32 $0x0  }
.LBB2_2:
0x39: {  	p0 =	sne.s32 s19, $0x9FC0;
	[tilespmem:s20+$0xEE00] =	vst v0;
	s12 =	smov.u32 s19;
	s19 =	sadd.s32 $0x40, s19  }
.Ltmp0:
0x3a: {  	[tilespmem:s20+$0x9E00] =	vst v0;
	(pc) =	sbr.rel @p0 .LBB2_2-.Ltmp0, $2  }
0x3b: {  	[tilespmem:s20+$0xC600] =	vst v0;
	_ =	sdelay $0x2  }
0x3c: {  	s20 =	sshra.s32 s12, $0x2  }
0x3d: {  	[tilespmem:s20+$0xEE00] =	vst v0  }
0x3e: {  	[tilespmem:s20+$0x9E00] =	vst v0  }
0x3f: {  	[tilespmem:s20+$0xC600] =	vst v0;
	s12 =	simm.s32 $0x0;
	s19 =	rddreg [dreg:$0x6]  }
0x40: {  	[tilespmem:s12], [sflag:$0x1] =	stream.linear.gather [hbm4b:s19+s12], $0x2710, $0x38;
	[tilespmem:$0x19800] =	vst v63  }
0x41: {  	_ =	swait.ge [sflag:s5], $0x2710  }
0x42: {  	[sflag:s5] =	ssyncset.done $0x0  }
0x43: {  	s20 =	simm.s32 $0x2780;
	s19 =	rddreg [dreg:$0x7];
	[sflag:s5] =	ssyncadd.s32 $0xFFFFD8F0  }
0x44: {  	[tilespmem:s20], [sflag:$0x1] =	stream.linear.gather [hbm4b:s19+s12], $0x2710, $0x38;
	[tilespmem:$0x19800] =	vst v63  }
0x45: {  	_ =	swait.ge [sflag:s5], $0x2710  }
0x46: {  	[sflag:s5] =	ssyncset.done $0x0  }
0x47: {  	s20 =	simm.s32 $0x4F00;
	s19 =	rddreg [dreg:$0x8];
	[sflag:s5] =	ssyncadd.s32 $0xFFFFD8F0  }
0x48: {  	[tilespmem:s20], [sflag:$0x1] =	stream.linear.gather [hbm4b:s19+s12], $0x2710, $0x38;
	[tilespmem:$0x19800] =	vst v63  }
0x49: {  	_ =	swait.ge [sflag:s5], $0x2710  }
0x4a: {  	[sflag:s5] =	ssyncset.done $0x0  }
0x4b: {  	s20 =	simm.s32 $0x7680;
	s19 =	rddreg [dreg:$0x9];
	[sflag:s5] =	ssyncadd.s32 $0xFFFFD8F0  }
0x4c: {  	[tilespmem:s20], [sflag:$0x1] =	stream.linear.gather [hbm4b:s19+s12], $0x2710, $0x38;
	[tilespmem:$0x19800] =	vst v63  }
0x4d: {  	_ =	swait.ge [sflag:s5], $0x2710  }
0x4e: {  	[sflag:s5] =	ssyncset.done $0x0  }
0x4f: {  	s12 =	simm.s32 $0x0;
	[sflag:s5] =	ssyncadd.s32 $0xFFFFD8F0  }
0x50: {  	v1 =	vld [tilespmem:s12+$0x0];
	_ =	sdelay $0x2  }
0x51: {  	v2 =	vld [tilespmem:s12+$0x2780];
	_ =	sdelay $0x4  }
0x52: {  	[tilespmem:v1+s6+$0x0] =	vst.idx.add.f32.msk $0xffff, v2  }
0x53: {  	v2 =	vld [tilespmem:s12+$0x4F00];
	_ =	sdelay $0x4  }
0x54: {  	[tilespmem:v1+s7+$0x0] =	vst.idx.add.f32.msk $0xffff, v2  }
0x55: {  	s19 =	simm.s32 $0x40;
	s20 =	simm.s32 $0x80;
	v2 =	vld [tilespmem:s12+$0x7680]  }
.LBB2_4:
0x56: {  	_ =	sdelay $0x2  }
0x57: {  	p0 =	sne.s32 s20, $0x9C00  }
0x58: {  	s12 =	sshra.s32 s19, $0x2;
	s19 =	smov.u32 s20;
	s20 =	sadd.s32 $0x40, s20;
	[tilespmem:v1+s9+$0x0] =	vst.idx.add.f32.msk $0xffff, v2  }
0x59: {  	v1 =	vld [tilespmem:s12+$0x0];
	_ =	sdelay $0x2  }
0x5a: {  	v2 =	vld [tilespmem:s12+$0x2780];
	_ =	sdelay $0x4  }
0x5b: {  	[tilespmem:v1+s6+$0x0] =	vst.idx.add.f32.msk $0xffff, v2  }
0x5c: {  	v2 =	vld [tilespmem:s12+$0x4F00];
	_ =	sdelay $0x1  }
.Ltmp1:
0x5d: {  	(pc) =	sbr.rel @p0 .LBB2_4-.Ltmp1, $3  }
0x5e: {  	_ =	sdelay $0x1  }
0x5f: {  	[tilespmem:v1+s7+$0x0] =	vst.idx.add.f32.msk $0xffff, v2  }
0x60: {  	v2 =	vld [tilespmem:s12+$0x7680]  }
0x61: {  	_ =	sdelay $0x3  }
0x62: {  	s12 =	sshra.s32 s19, $0x2;
	[tilespmem:v1+s9+$0x0] =	vst.idx.add.f32.msk $0xffff, v2  }
0x63: {  	v1 =	vld [tilespmem:s12+$0x0];
	_ =	sdelay $0x2  }
0x64: {  	v2 =	vld [tilespmem:s12+$0x2780];
	_ =	sdelay $0x4  }
0x65: {  	[tilespmem:v1+s6+$0x0] =	vst.idx.add.f32.msk $0xffff, v2  }
0x66: {  	v2 =	vld [tilespmem:s12+$0x4F00];
	_ =	sdelay $0x4  }
0x67: {  	[tilespmem:v1+s7+$0x0] =	vst.idx.add.f32.msk $0xffff, v2  }
0x68: {  	v2 =	vld [tilespmem:s12+$0x7680];
	_ =	sdelay $0x4  }
0x69: {  	s20 =	rddreg [dreg:$0xa];
	[tilespmem:v1+s9+$0x0] =	vst.idx.add.f32.msk $0xffff, v2  }
0x6a: {  	[spmem:s20] =	stream.strided.scatter [tilespmem:s6], [sflag:$0x1], $0x2800, s11, s10, $0x38;
	[tilespmem:$0x19800] =	vst v63  }
0x6b: {  	_ =	swait.ge [sflag:s5], $0x2800  }
0x6c: {  	[sflag:s5] =	ssyncset.done $0x0  }
0x6d: {  	s19 =	rddreg [dreg:$0xb];
	[sflag:s5] =	ssyncadd.s32 $0xFFFFD800  }
0x6e: {  	[spmem:s19] =	stream.strided.scatter [tilespmem:s7], [sflag:$0x1], $0x2800, s11, s10, $0x38;
	[tilespmem:$0x19800] =	vst v63  }
0x6f: {  	_ =	swait.ge [sflag:s5], $0x2800  }
0x70: {  	[sflag:s5] =	ssyncset.done $0x0  }
0x71: {  	s20 =	rddreg [dreg:$0xc];
	[sflag:s5] =	ssyncadd.s32 $0xFFFFD800  }
0x72: {  	[spmem:s20] =	stream.strided.scatter [tilespmem:s9], [sflag:$0x1], $0x2800, s11, s10, $0x38;
	[tilespmem:$0x19800] =	vst v63  }
0x73: {  	_ =	swait.ge [sflag:s5], $0x2800  }
0x74: {  	[sflag:s5] =	ssyncset.done $0x0  }
0x75: {  	[sflag:s5] =	ssyncadd.s32 $0xFFFFD800  }
0x76: {  	s19 =	simm.s32 $0x18E00;
	[bflag:$0x0] =	sbarrier.arrive $0xFFFF  }
0x77: {  	[tilespmem:s19], [sflag:$0x1] =	stream.strided.gather [spmem:s8], $0x280, s11, s10, $0x38;
	[tilespmem:$0x19800] =	vst v63  }
0x78: {  	_ =	swait.ge [sflag:s5], $0x280  }
0x79: {  	[sflag:s5] =	ssyncset.done $0x0  }
0x7a: {  	s20 =	rddreg [dreg:$0xd];
	[sflag:s5] =	ssyncadd.s32 $0xFFFFFD80  }
0x7b: {  	[tilespmem:s13], [sflag:$0x1] =	stream.strided.gather [spmem:s20], $0x280, s11, s10, $0x38;
	[tilespmem:$0x19800] =	vst v63  }
0x7c: {  	_ =	swait.ge [sflag:s5], $0x280  }
0x7d: {  	[sflag:s5] =	ssyncset.done $0x0  }
0x7e: {  	s19 =	simm.s32 $0x0;
	[sflag:s5] =	ssyncadd.s32 $0xFFFFFD80  }
0x7f: {  	s20 =	simm.s32 $0x40;
	v1 =	vld [tilespmem:s19+$0x19580]  }
.LBB2_6:
0x80: {  	p0 =	sne.s32 s20, $0x9C0;
	v2 =	vld [tilespmem:s19+$0x18E00];
	_ =	sdelay $0x2  }
.Ltmp2:
0x81: {  	(pc) =	sbr.rel @p0 .LBB2_6-.Ltmp2, $4  }
0x82: {  	_ = 	snop  }
0x83: {  	v2 =	vadd.f32 v1, v2  }
0x84: {  	s12 =	sshra.s32 s20, $0x2  }
0x85: {  	s20 =	sadd.s32 $0x40, s20;
	v1 =	vld [tilespmem:s12+$0x19580];
	[tilespmem:s19+$0x18E00] =	vst v2;
	s19 =	smov.u32 s12  }
0x86: {  	v2 =	vld [tilespmem:s19+$0x18E00];
	_ =	sdelay $0x4  }
0x87: {  	v1 =	vadd.f32 v1, v2;
	_ =	sdelay $0x1  }
0x88: {  	s12 =	rddreg [dreg:$0xe];
	[tilespmem:s19+$0x18E00] =	vst v1  }
0x89: {  	[tilespmem:s13], [sflag:$0x1] =	stream.strided.gather [spmem:s12], $0x280, s11, s10, $0x38;
	[tilespmem:$0x19800] =	vst v63  }
0x8a: {  	_ =	swait.ge [sflag:s5], $0x280  }
0x8b: {  	[sflag:s5] =	ssyncset.done $0x0  }
0x8c: {  	s19 =	simm.s32 $0x0;
	[sflag:s5] =	ssyncadd.s32 $0xFFFFFD80  }
0x8d: {  	s20 =	simm.s32 $0x40;
	v1 =	vld [tilespmem:s19+$0x19580]  }
.LBB2_8:
0x8e: {  	p0 =	sne.s32 s20, $0x9C0;
	v2 =	vld [tilespmem:s19+$0x18E00];
	_ =	sdelay $0x2  }
.Ltmp3:
0x8f: {  	(pc) =	sbr.rel @p0 .LBB2_8-.Ltmp3, $4  }
0x90: {  	_ = 	snop  }
0x91: {  	v2 =	vadd.f32 v1, v2  }
0x92: {  	s12 =	sshra.s32 s20, $0x2  }
0x93: {  	s20 =	sadd.s32 $0x40, s20;
	v1 =	vld [tilespmem:s12+$0x19580];
	[tilespmem:s19+$0x18E00] =	vst v2;
	s19 =	smov.u32 s12  }
0x94: {  	v2 =	vld [tilespmem:s19+$0x18E00];
	_ =	sdelay $0x4  }
0x95: {  	v1 =	vadd.f32 v1, v2;
	_ =	sdelay $0x1  }
0x96: {  	s12 =	rddreg [dreg:$0xf];
	[tilespmem:s19+$0x18E00] =	vst v1  }
0x97: {  	[tilespmem:s13], [sflag:$0x1] =	stream.strided.gather [spmem:s12], $0x280, s11, s10, $0x38;
	[tilespmem:$0x19800] =	vst v63  }
0x98: {  	_ =	swait.ge [sflag:s5], $0x280  }
0x99: {  	[sflag:s5] =	ssyncset.done $0x0  }
0x9a: {  	s19 =	simm.s32 $0x0;
	[sflag:s5] =	ssyncadd.s32 $0xFFFFFD80  }
0x9b: {  	s20 =	simm.s32 $0x40;
	v1 =	vld [tilespmem:s19+$0x19580]  }
.LBB2_10:
0x9c: {  	p0 =	sne.s32 s20, $0x9C0;
	v2 =	vld [tilespmem:s19+$0x18E00];
	_ =	sdelay $0x2  }
.Ltmp4:
0x9d: {  	(pc) =	sbr.rel @p0 .LBB2_10-.Ltmp4, $4  }
0x9e: {  	_ = 	snop  }
0x9f: {  	v2 =	vadd.f32 v1, v2  }
0xa0: {  	s12 =	sshra.s32 s20, $0x2  }
0xa1: {  	s20 =	sadd.s32 $0x40, s20;
	v1 =	vld [tilespmem:s12+$0x19580];
	[tilespmem:s19+$0x18E00] =	vst v2;
	s19 =	smov.u32 s12  }
0xa2: {  	v2 =	vld [tilespmem:s19+$0x18E00];
	_ =	sdelay $0x4  }
0xa3: {  	v1 =	vadd.f32 v1, v2;
	_ =	sdelay $0x1  }
0xa4: {  	s12 =	rddreg [dreg:$0x10];
	[tilespmem:s19+$0x18E00] =	vst v1  }
0xa5: {  	[tilespmem:s13], [sflag:$0x1] =	stream.strided.gather [spmem:s12], $0x280, s11, s10, $0x38;
	[tilespmem:$0x19800] =	vst v63  }
0xa6: {  	_ =	swait.ge [sflag:s5], $0x280  }
0xa7: {  	[sflag:s5] =	ssyncset.done $0x0  }
0xa8: {  	s19 =	simm.s32 $0x0;
	[sflag:s5] =	ssyncadd.s32 $0xFFFFFD80  }
0xa9: {  	s20 =	simm.s32 $0x40;
	v1 =	vld [tilespmem:s19+$0x19580]  }
.LBB2_12:
0xaa: {  	p0 =	sne.s32 s20, $0x9C0;
	v2 =	vld [tilespmem:s19+$0x18E00];
	_ =	sdelay $0x2  }
.Ltmp5:
0xab: {  	(pc) =	sbr.rel @p0 .LBB2_12-.Ltmp5, $4  }
0xac: {  	_ = 	snop  }
0xad: {  	v2 =	vadd.f32 v1, v2  }
0xae: {  	s12 =	sshra.s32 s20, $0x2  }
0xaf: {  	s20 =	sadd.s32 $0x40, s20;
	v1 =	vld [tilespmem:s12+$0x19580];
	[tilespmem:s19+$0x18E00] =	vst v2;
	s19 =	smov.u32 s12  }
0xb0: {  	v2 =	vld [tilespmem:s19+$0x18E00];
	_ =	sdelay $0x4  }
0xb1: {  	v1 =	vadd.f32 v1, v2;
	_ =	sdelay $0x1  }
0xb2: {  	s12 =	rddreg [dreg:$0x11];
	[tilespmem:s19+$0x18E00] =	vst v1  }
0xb3: {  	[tilespmem:s13], [sflag:$0x1] =	stream.strided.gather [spmem:s12], $0x280, s11, s10, $0x38;
	[tilespmem:$0x19800] =	vst v63  }
0xb4: {  	_ =	swait.ge [sflag:s5], $0x280  }
0xb5: {  	[sflag:s5] =	ssyncset.done $0x0  }
0xb6: {  	s19 =	simm.s32 $0x0;
	[sflag:s5] =	ssyncadd.s32 $0xFFFFFD80  }
0xb7: {  	s20 =	simm.s32 $0x40;
	v1 =	vld [tilespmem:s19+$0x19580]  }
.LBB2_14:
0xb8: {  	p0 =	sne.s32 s20, $0x9C0;
	v2 =	vld [tilespmem:s19+$0x18E00];
	_ =	sdelay $0x2  }
.Ltmp6:
0xb9: {  	(pc) =	sbr.rel @p0 .LBB2_14-.Ltmp6, $4  }
0xba: {  	_ = 	snop  }
0xbb: {  	v2 =	vadd.f32 v1, v2  }
0xbc: {  	s12 =	sshra.s32 s20, $0x2  }
0xbd: {  	s20 =	sadd.s32 $0x40, s20;
	v1 =	vld [tilespmem:s12+$0x19580];
	[tilespmem:s19+$0x18E00] =	vst v2;
	s19 =	smov.u32 s12  }
0xbe: {  	v2 =	vld [tilespmem:s19+$0x18E00];
	_ =	sdelay $0x4  }
0xbf: {  	v1 =	vadd.f32 v1, v2;
	_ =	sdelay $0x1  }
0xc0: {  	s12 =	rddreg [dreg:$0x12];
	[tilespmem:s19+$0x18E00] =	vst v1  }
0xc1: {  	[tilespmem:s13], [sflag:$0x1] =	stream.strided.gather [spmem:s12], $0x280, s11, s10, $0x38;
	[tilespmem:$0x19800] =	vst v63  }
0xc2: {  	_ =	swait.ge [sflag:s5], $0x280  }
0xc3: {  	[sflag:s5] =	ssyncset.done $0x0  }
0xc4: {  	s19 =	simm.s32 $0x0;
	[sflag:s5] =	ssyncadd.s32 $0xFFFFFD80  }
0xc5: {  	s20 =	simm.s32 $0x40;
	v1 =	vld [tilespmem:s19+$0x19580]  }
.LBB2_16:
0xc6: {  	p0 =	sne.s32 s20, $0x9C0;
	v2 =	vld [tilespmem:s19+$0x18E00];
	_ =	sdelay $0x2  }
.Ltmp7:
0xc7: {  	(pc) =	sbr.rel @p0 .LBB2_16-.Ltmp7, $4  }
0xc8: {  	_ = 	snop  }
0xc9: {  	v2 =	vadd.f32 v1, v2  }
0xca: {  	s12 =	sshra.s32 s20, $0x2  }
0xcb: {  	s20 =	sadd.s32 $0x40, s20;
	v1 =	vld [tilespmem:s12+$0x19580];
	[tilespmem:s19+$0x18E00] =	vst v2;
	s19 =	smov.u32 s12  }
0xcc: {  	v2 =	vld [tilespmem:s19+$0x18E00];
	_ =	sdelay $0x4  }
0xcd: {  	v1 =	vadd.f32 v1, v2;
	_ =	sdelay $0x1  }
0xce: {  	s12 =	rddreg [dreg:$0x13];
	[tilespmem:s19+$0x18E00] =	vst v1  }
0xcf: {  	[tilespmem:s13], [sflag:$0x1] =	stream.strided.gather [spmem:s12], $0x280, s11, s10, $0x38;
	[tilespmem:$0x19800] =	vst v63  }
0xd0: {  	_ =	swait.ge [sflag:s5], $0x280  }
0xd1: {  	[sflag:s5] =	ssyncset.done $0x0  }
0xd2: {  	s19 =	simm.s32 $0x0;
	[sflag:s5] =	ssyncadd.s32 $0xFFFFFD80  }
0xd3: {  	s20 =	simm.s32 $0x40;
	v1 =	vld [tilespmem:s19+$0x19580]  }
.LBB2_18:
0xd4: {  	p0 =	sne.s32 s20, $0x9C0;
	v2 =	vld [tilespmem:s19+$0x18E00];
	_ =	sdelay $0x2  }
.Ltmp8:
0xd5: {  	(pc) =	sbr.rel @p0 .LBB2_18-.Ltmp8, $4  }
0xd6: {  	_ = 	snop  }
0xd7: {  	v2 =	vadd.f32 v1, v2  }
0xd8: {  	s12 =	sshra.s32 s20, $0x2  }
0xd9: {  	s20 =	sadd.s32 $0x40, s20;
	v1 =	vld [tilespmem:s12+$0x19580];
	[tilespmem:s19+$0x18E00] =	vst v2;
	s19 =	smov.u32 s12  }
0xda: {  	v2 =	vld [tilespmem:s19+$0x18E00];
	_ =	sdelay $0x4  }
0xdb: {  	v1 =	vadd.f32 v1, v2;
	_ =	sdelay $0x1  }
0xdc: {  	s12 =	rddreg [dreg:$0x14];
	[tilespmem:s19+$0x18E00] =	vst v1  }
0xdd: {  	[tilespmem:s13], [sflag:$0x1] =	stream.strided.gather [spmem:s12], $0x280, s11, s10, $0x38;
	[tilespmem:$0x19800] =	vst v63  }
0xde: {  	_ =	swait.ge [sflag:s5], $0x280  }
0xdf: {  	[sflag:s5] =	ssyncset.done $0x0  }
0xe0: {  	s19 =	simm.s32 $0x0;
	[sflag:s5] =	ssyncadd.s32 $0xFFFFFD80  }
0xe1: {  	s20 =	simm.s32 $0x40;
	v1 =	vld [tilespmem:s19+$0x19580]  }
.LBB2_20:
0xe2: {  	p0 =	sne.s32 s20, $0x9C0;
	v2 =	vld [tilespmem:s19+$0x18E00];
	_ =	sdelay $0x2  }
.Ltmp9:
0xe3: {  	(pc) =	sbr.rel @p0 .LBB2_20-.Ltmp9, $4  }
0xe4: {  	_ = 	snop  }
0xe5: {  	v2 =	vadd.f32 v1, v2  }
0xe6: {  	s12 =	sshra.s32 s20, $0x2  }
0xe7: {  	s20 =	sadd.s32 $0x40, s20;
	v1 =	vld [tilespmem:s12+$0x19580];
	[tilespmem:s19+$0x18E00] =	vst v2;
	s19 =	smov.u32 s12  }
0xe8: {  	v2 =	vld [tilespmem:s19+$0x18E00];
	_ =	sdelay $0x4  }
0xe9: {  	v1 =	vadd.f32 v1, v2;
	_ =	sdelay $0x1  }
0xea: {  	s12 =	rddreg [dreg:$0x18];
	[tilespmem:s19+$0x18E00] =	vst v1  }
0xeb: {  	[tilespmem:s13], [sflag:$0x1] =	stream.strided.gather [spmem:s12], $0x280, s11, s10, $0x38;
	[tilespmem:$0x19800] =	vst v63  }
0xec: {  	_ =	swait.ge [sflag:s5], $0x280  }
0xed: {  	[sflag:s5] =	ssyncset.done $0x0  }
0xee: {  	s19 =	simm.s32 $0x0;
	[sflag:s5] =	ssyncadd.s32 $0xFFFFFD80  }
0xef: {  	s20 =	simm.s32 $0x40;
	v1 =	vld [tilespmem:s19+$0x19580]  }
.LBB2_22:
0xf0: {  	p0 =	sne.s32 s20, $0x9C0;
	v2 =	vld [tilespmem:s19+$0x18E00];
	_ =	sdelay $0x2  }
.Ltmp10:
0xf1: {  	(pc) =	sbr.rel @p0 .LBB2_22-.Ltmp10, $4  }
0xf2: {  	_ = 	snop  }
0xf3: {  	v2 =	vadd.f32 v1, v2  }
0xf4: {  	s12 =	sshra.s32 s20, $0x2  }
0xf5: {  	s20 =	sadd.s32 $0x40, s20;
	v1 =	vld [tilespmem:s12+$0x19580];
	[tilespmem:s19+$0x18E00] =	vst v2;
	s19 =	smov.u32 s12  }
0xf6: {  	v2 =	vld [tilespmem:s19+$0x18E00];
	_ =	sdelay $0x4  }
0xf7: {  	v1 =	vadd.f32 v1, v2;
	_ =	sdelay $0x1  }
0xf8: {  	s12 =	rddreg [dreg:$0x1a];
	[tilespmem:s19+$0x18E00] =	vst v1  }
0xf9: {  	[tilespmem:s13], [sflag:$0x1] =	stream.strided.gather [spmem:s12], $0x280, s11, s10, $0x38;
	[tilespmem:$0x19800] =	vst v63  }
0xfa: {  	_ =	swait.ge [sflag:s5], $0x280  }
0xfb: {  	[sflag:s5] =	ssyncset.done $0x0  }
0xfc: {  	s19 =	simm.s32 $0x0;
	[sflag:s5] =	ssyncadd.s32 $0xFFFFFD80  }
0xfd: {  	s20 =	simm.s32 $0x40;
	v1 =	vld [tilespmem:s19+$0x19580]  }
.LBB2_24:
0xfe: {  	p0 =	sne.s32 s20, $0x9C0;
	v2 =	vld [tilespmem:s19+$0x18E00];
	_ =	sdelay $0x2  }
.Ltmp11:
0xff: {  	(pc) =	sbr.rel @p0 .LBB2_24-.Ltmp11, $4  }
0x100: {  	_ = 	snop  }
0x101: {  	v2 =	vadd.f32 v1, v2  }
0x102: {  	s12 =	sshra.s32 s20, $0x2  }
0x103: {  	s20 =	sadd.s32 $0x40, s20;
	v1 =	vld [tilespmem:s12+$0x19580];
	[tilespmem:s19+$0x18E00] =	vst v2;
	s19 =	smov.u32 s12  }
0x104: {  	v2 =	vld [tilespmem:s19+$0x18E00];
	_ =	sdelay $0x4  }
0x105: {  	v1 =	vadd.f32 v1, v2;
	_ =	sdelay $0x1  }
0x106: {  	s12 =	rddreg [dreg:$0x1b];
	[tilespmem:s19+$0x18E00] =	vst v1  }
0x107: {  	[tilespmem:s13], [sflag:$0x1] =	stream.strided.gather [spmem:s12], $0x280, s11, s10, $0x38;
	[tilespmem:$0x19800] =	vst v63  }
0x108: {  	_ =	swait.ge [sflag:s5], $0x280  }
0x109: {  	[sflag:s5] =	ssyncset.done $0x0  }
0x10a: {  	s19 =	simm.s32 $0x0;
	[sflag:s5] =	ssyncadd.s32 $0xFFFFFD80  }
0x10b: {  	s20 =	simm.s32 $0x40;
	v1 =	vld [tilespmem:s19+$0x19580]  }
.LBB2_26:
0x10c: {  	p0 =	sne.s32 s20, $0x9C0;
	v2 =	vld [tilespmem:s19+$0x18E00];
	_ =	sdelay $0x2  }
.Ltmp12:
0x10d: {  	(pc) =	sbr.rel @p0 .LBB2_26-.Ltmp12, $4  }
0x10e: {  	_ = 	snop  }
0x10f: {  	v2 =	vadd.f32 v1, v2  }
0x110: {  	s12 =	sshra.s32 s20, $0x2  }
0x111: {  	s20 =	sadd.s32 $0x40, s20;
	v1 =	vld [tilespmem:s12+$0x19580];
	[tilespmem:s19+$0x18E00] =	vst v2;
	s19 =	smov.u32 s12  }
0x112: {  	v2 =	vld [tilespmem:s19+$0x18E00];
	_ =	sdelay $0x4  }
0x113: {  	v1 =	vadd.f32 v1, v2;
	_ =	sdelay $0x1  }
0x114: {  	s12 =	rddreg [dreg:$0x1c];
	[tilespmem:s19+$0x18E00] =	vst v1  }
0x115: {  	[tilespmem:s13], [sflag:$0x1] =	stream.strided.gather [spmem:s12], $0x280, s11, s10, $0x38;
	[tilespmem:$0x19800] =	vst v63  }
0x116: {  	_ =	swait.ge [sflag:s5], $0x280  }
0x117: {  	[sflag:s5] =	ssyncset.done $0x0  }
0x118: {  	s19 =	simm.s32 $0x0;
	[sflag:s5] =	ssyncadd.s32 $0xFFFFFD80  }
0x119: {  	s20 =	simm.s32 $0x40;
	v1 =	vld [tilespmem:s19+$0x19580]  }
.LBB2_28:
0x11a: {  	p0 =	sne.s32 s20, $0x9C0;
	v2 =	vld [tilespmem:s19+$0x18E00];
	_ =	sdelay $0x2  }
.Ltmp13:
0x11b: {  	(pc) =	sbr.rel @p0 .LBB2_28-.Ltmp13, $4  }
0x11c: {  	_ = 	snop  }
0x11d: {  	v2 =	vadd.f32 v1, v2  }
0x11e: {  	s12 =	sshra.s32 s20, $0x2  }
0x11f: {  	s20 =	sadd.s32 $0x40, s20;
	v1 =	vld [tilespmem:s12+$0x19580];
	[tilespmem:s19+$0x18E00] =	vst v2;
	s19 =	smov.u32 s12  }
0x120: {  	v2 =	vld [tilespmem:s19+$0x18E00];
	_ =	sdelay $0x4  }
0x121: {  	v1 =	vadd.f32 v1, v2;
	_ =	sdelay $0x1  }
0x122: {  	s12 =	rddreg [dreg:$0x1d];
	[tilespmem:s19+$0x18E00] =	vst v1  }
0x123: {  	[tilespmem:s13], [sflag:$0x1] =	stream.strided.gather [spmem:s12], $0x280, s11, s10, $0x38;
	[tilespmem:$0x19800] =	vst v63  }
0x124: {  	_ =	swait.ge [sflag:s5], $0x280  }
0x125: {  	[sflag:s5] =	ssyncset.done $0x0  }
0x126: {  	s19 =	simm.s32 $0x0;
	[sflag:s5] =	ssyncadd.s32 $0xFFFFFD80  }
0x127: {  	s20 =	simm.s32 $0x40;
	v1 =	vld [tilespmem:s19+$0x19580]  }
.LBB2_30:
0x128: {  	p0 =	sne.s32 s20, $0x9C0;
	v2 =	vld [tilespmem:s19+$0x18E00];
	_ =	sdelay $0x2  }
.Ltmp14:
0x129: {  	(pc) =	sbr.rel @p0 .LBB2_30-.Ltmp14, $4  }
0x12a: {  	_ = 	snop  }
0x12b: {  	v2 =	vadd.f32 v1, v2  }
0x12c: {  	s12 =	sshra.s32 s20, $0x2  }
0x12d: {  	s20 =	sadd.s32 $0x40, s20;
	v1 =	vld [tilespmem:s12+$0x19580];
	[tilespmem:s19+$0x18E00] =	vst v2;
	s19 =	smov.u32 s12  }
0x12e: {  	v2 =	vld [tilespmem:s19+$0x18E00];
	_ =	sdelay $0x4  }
0x12f: {  	v1 =	vadd.f32 v1, v2;
	_ =	sdelay $0x1  }
0x130: {  	s12 =	rddreg [dreg:$0x1e];
	[tilespmem:s19+$0x18E00] =	vst v1  }
0x131: {  	[tilespmem:s13], [sflag:$0x1] =	stream.strided.gather [spmem:s12], $0x280, s11, s10, $0x38;
	[tilespmem:$0x19800] =	vst v63  }
0x132: {  	_ =	swait.ge [sflag:s5], $0x280  }
0x133: {  	[sflag:s5] =	ssyncset.done $0x0  }
0x134: {  	s19 =	simm.s32 $0x0;
	[sflag:s5] =	ssyncadd.s32 $0xFFFFFD80  }
0x135: {  	s20 =	simm.s32 $0x40;
	v1 =	vld [tilespmem:s19+$0x19580]  }
.LBB2_32:
0x136: {  	p0 =	sne.s32 s20, $0x9C0;
	v2 =	vld [tilespmem:s19+$0x18E00];
	_ =	sdelay $0x2  }
.Ltmp15:
0x137: {  	(pc) =	sbr.rel @p0 .LBB2_32-.Ltmp15, $4  }
0x138: {  	_ = 	snop  }
0x139: {  	v2 =	vadd.f32 v1, v2  }
0x13a: {  	s12 =	sshra.s32 s20, $0x2  }
0x13b: {  	s20 =	sadd.s32 $0x40, s20;
	v1 =	vld [tilespmem:s12+$0x19580];
	[tilespmem:s19+$0x18E00] =	vst v2;
	s19 =	smov.u32 s12  }
0x13c: {  	v2 =	vld [tilespmem:s19+$0x18E00];
	_ =	sdelay $0x4  }
0x13d: {  	v1 =	vadd.f32 v1, v2;
	_ =	sdelay $0x1  }
0x13e: {  	s12 =	rddreg [dreg:$0x1f];
	[tilespmem:s19+$0x18E00] =	vst v1  }
0x13f: {  	[tilespmem:s13], [sflag:$0x1] =	stream.strided.gather [spmem:s12], $0x280, s11, s10, $0x38;
	[tilespmem:$0x19800] =	vst v63  }
0x140: {  	_ =	swait.ge [sflag:s5], $0x280  }
0x141: {  	[sflag:s5] =	ssyncset.done $0x0  }
0x142: {  	s19 =	simm.s32 $0x0;
	[sflag:s5] =	ssyncadd.s32 $0xFFFFFD80  }
0x143: {  	s20 =	simm.s32 $0x40;
	v1 =	vld [tilespmem:s19+$0x19580]  }
.LBB2_34:
0x144: {  	p0 =	sne.s32 s20, $0x9C0;
	v2 =	vld [tilespmem:s19+$0x18E00];
	_ =	sdelay $0x2  }
.Ltmp16:
0x145: {  	(pc) =	sbr.rel @p0 .LBB2_34-.Ltmp16, $4  }
0x146: {  	_ = 	snop  }
0x147: {  	v2 =	vadd.f32 v1, v2  }
0x148: {  	s12 =	sshra.s32 s20, $0x2  }
0x149: {  	s20 =	sadd.s32 $0x40, s20;
	v1 =	vld [tilespmem:s12+$0x19580];
	[tilespmem:s19+$0x18E00] =	vst v2;
	s19 =	smov.u32 s12  }
0x14a: {  	v2 =	vld [tilespmem:s19+$0x18E00];
	_ =	sdelay $0x4  }
0x14b: {  	v1 =	vadd.f32 v1, v2;
	_ =	sdelay $0x1  }
0x14c: {  	[tilespmem:s19+$0x18E00] =	vst v1  }
0x14d: {  	[tilespmem:s14], [sflag:$0x1] =	stream.strided.gather [spmem:s16], $0x280, s11, s10, $0x38;
	[tilespmem:$0x19800] =	vst v63  }
0x14e: {  	_ =	swait.ge [sflag:s5], $0x280  }
0x14f: {  	s12 =	sld [smem:$0x7EE]  }
0x150: {  	[sflag:s5] =	ssyncset.done $0x0  }
0x151: {  	[sflag:s5] =	ssyncadd.s32 $0xFFFFFD80  }
0x152: {  	[tilespmem:s13], [sflag:$0x1] =	stream.strided.gather [spmem:s12], $0x280, s11, s10, $0x38;
	[tilespmem:$0x19800] =	vst v63  }
0x153: {  	_ =	swait.ge [sflag:s5], $0x280  }
0x154: {  	[sflag:s5] =	ssyncset.done $0x0  }
0x155: {  	s19 =	simm.s32 $0x0;
	[sflag:s5] =	ssyncadd.s32 $0xFFFFFD80  }
0x156: {  	s20 =	simm.s32 $0x40;
	v1 =	vld [tilespmem:s19+$0x19580]  }
.LBB2_36:
0x157: {  	p0 =	sne.s32 s20, $0x9C0;
	v2 =	vld [tilespmem:s19+$0x19080];
	_ =	sdelay $0x2  }
.Ltmp17:
0x158: {  	(pc) =	sbr.rel @p0 .LBB2_36-.Ltmp17, $4  }
0x159: {  	_ = 	snop  }
0x15a: {  	v2 =	vadd.f32 v1, v2  }
0x15b: {  	s12 =	sshra.s32 s20, $0x2  }
0x15c: {  	s20 =	sadd.s32 $0x40, s20;
	v1 =	vld [tilespmem:s12+$0x19580];
	[tilespmem:s19+$0x19080] =	vst v2;
	s19 =	smov.u32 s12  }
0x15d: {  	v2 =	vld [tilespmem:s19+$0x19080];
	_ =	sdelay $0x4  }
0x15e: {  	s12 =	sld [smem:$0x7EF];
	v1 =	vadd.f32 v1, v2;
	_ =	sdelay $0x1  }
0x15f: {  	[tilespmem:s19+$0x19080] =	vst v1  }
0x160: {  	[tilespmem:s13], [sflag:$0x1] =	stream.strided.gather [spmem:s12], $0x280, s11, s10, $0x38;
	[tilespmem:$0x19800] =	vst v63  }
0x161: {  	_ =	swait.ge [sflag:s5], $0x280  }
0x162: {  	[sflag:s5] =	ssyncset.done $0x0  }
0x163: {  	s19 =	simm.s32 $0x0;
	[sflag:s5] =	ssyncadd.s32 $0xFFFFFD80  }
0x164: {  	s20 =	simm.s32 $0x40;
	v1 =	vld [tilespmem:s19+$0x19580]  }
.LBB2_38:
0x165: {  	p0 =	sne.s32 s20, $0x9C0;
	v2 =	vld [tilespmem:s19+$0x19080];
	_ =	sdelay $0x2  }
.Ltmp18:
0x166: {  	(pc) =	sbr.rel @p0 .LBB2_38-.Ltmp18, $4  }
0x167: {  	_ = 	snop  }
0x168: {  	v2 =	vadd.f32 v1, v2  }
0x169: {  	s12 =	sshra.s32 s20, $0x2  }
0x16a: {  	s20 =	sadd.s32 $0x40, s20;
	v1 =	vld [tilespmem:s12+$0x19580];
	[tilespmem:s19+$0x19080] =	vst v2;
	s19 =	smov.u32 s12  }
0x16b: {  	v2 =	vld [tilespmem:s19+$0x19080];
	_ =	sdelay $0x4  }
0x16c: {  	s12 =	sld [smem:$0x7F0];
	v1 =	vadd.f32 v1, v2;
	_ =	sdelay $0x1  }
0x16d: {  	[tilespmem:s19+$0x19080] =	vst v1  }
0x16e: {  	[tilespmem:s13], [sflag:$0x1] =	stream.strided.gather [spmem:s12], $0x280, s11, s10, $0x38;
	[tilespmem:$0x19800] =	vst v63  }
0x16f: {  	_ =	swait.ge [sflag:s5], $0x280  }
0x170: {  	[sflag:s5] =	ssyncset.done $0x0  }
0x171: {  	s19 =	simm.s32 $0x0;
	[sflag:s5] =	ssyncadd.s32 $0xFFFFFD80  }
0x172: {  	s20 =	simm.s32 $0x40;
	v1 =	vld [tilespmem:s19+$0x19580]  }
.LBB2_40:
0x173: {  	p0 =	sne.s32 s20, $0x9C0;
	v2 =	vld [tilespmem:s19+$0x19080];
	_ =	sdelay $0x2  }
.Ltmp19:
0x174: {  	(pc) =	sbr.rel @p0 .LBB2_40-.Ltmp19, $4  }
0x175: {  	_ = 	snop  }
0x176: {  	v2 =	vadd.f32 v1, v2  }
0x177: {  	s12 =	sshra.s32 s20, $0x2  }
0x178: {  	s20 =	sadd.s32 $0x40, s20;
	v1 =	vld [tilespmem:s12+$0x19580];
	[tilespmem:s19+$0x19080] =	vst v2;
	s19 =	smov.u32 s12  }
0x179: {  	v2 =	vld [tilespmem:s19+$0x19080];
	_ =	sdelay $0x4  }
0x17a: {  	s12 =	sld [smem:$0x7F1];
	v1 =	vadd.f32 v1, v2;
	_ =	sdelay $0x1  }
0x17b: {  	[tilespmem:s19+$0x19080] =	vst v1  }
0x17c: {  	[tilespmem:s13], [sflag:$0x1] =	stream.strided.gather [spmem:s12], $0x280, s11, s10, $0x38;
	[tilespmem:$0x19800] =	vst v63  }
0x17d: {  	_ =	swait.ge [sflag:s5], $0x280  }
0x17e: {  	[sflag:s5] =	ssyncset.done $0x0  }
0x17f: {  	s19 =	simm.s32 $0x0;
	[sflag:s5] =	ssyncadd.s32 $0xFFFFFD80  }
0x180: {  	s20 =	simm.s32 $0x40;
	v1 =	vld [tilespmem:s19+$0x19580]  }
.LBB2_42:
0x181: {  	p0 =	sne.s32 s20, $0x9C0;
	v2 =	vld [tilespmem:s19+$0x19080];
	_ =	sdelay $0x2  }
.Ltmp20:
0x182: {  	(pc) =	sbr.rel @p0 .LBB2_42-.Ltmp20, $4  }
0x183: {  	_ = 	snop  }
0x184: {  	v2 =	vadd.f32 v1, v2  }
0x185: {  	s12 =	sshra.s32 s20, $0x2  }
0x186: {  	s20 =	sadd.s32 $0x40, s20;
	v1 =	vld [tilespmem:s12+$0x19580];
	[tilespmem:s19+$0x19080] =	vst v2;
	s19 =	smov.u32 s12  }
0x187: {  	v2 =	vld [tilespmem:s19+$0x19080];
	_ =	sdelay $0x4  }
0x188: {  	s12 =	sld [smem:$0x7F2];
	v1 =	vadd.f32 v1, v2;
	_ =	sdelay $0x1  }
0x189: {  	[tilespmem:s19+$0x19080] =	vst v1  }
0x18a: {  	[tilespmem:s13], [sflag:$0x1] =	stream.strided.gather [spmem:s12], $0x280, s11, s10, $0x38;
	[tilespmem:$0x19800] =	vst v63  }
0x18b: {  	_ =	swait.ge [sflag:s5], $0x280  }
0x18c: {  	[sflag:s5] =	ssyncset.done $0x0  }
0x18d: {  	s19 =	simm.s32 $0x0;
	[sflag:s5] =	ssyncadd.s32 $0xFFFFFD80  }
0x18e: {  	s20 =	simm.s32 $0x40;
	v1 =	vld [tilespmem:s19+$0x19580]  }
.LBB2_44:
0x18f: {  	p0 =	sne.s32 s20, $0x9C0;
	v2 =	vld [tilespmem:s19+$0x19080];
	_ =	sdelay $0x2  }
.Ltmp21:
0x190: {  	(pc) =	sbr.rel @p0 .LBB2_44-.Ltmp21, $4  }
0x191: {  	_ = 	snop  }
0x192: {  	v2 =	vadd.f32 v1, v2  }
0x193: {  	s12 =	sshra.s32 s20, $0x2  }
0x194: {  	s20 =	sadd.s32 $0x40, s20;
	v1 =	vld [tilespmem:s12+$0x19580];
	[tilespmem:s19+$0x19080] =	vst v2;
	s19 =	smov.u32 s12  }
0x195: {  	v2 =	vld [tilespmem:s19+$0x19080];
	_ =	sdelay $0x4  }
0x196: {  	s12 =	sld [smem:$0x7F3];
	v1 =	vadd.f32 v1, v2;
	_ =	sdelay $0x1  }
0x197: {  	[tilespmem:s19+$0x19080] =	vst v1  }
0x198: {  	[tilespmem:s13], [sflag:$0x1] =	stream.strided.gather [spmem:s12], $0x280, s11, s10, $0x38;
	[tilespmem:$0x19800] =	vst v63  }
0x199: {  	_ =	swait.ge [sflag:s5], $0x280  }
0x19a: {  	[sflag:s5] =	ssyncset.done $0x0  }
0x19b: {  	s19 =	simm.s32 $0x0;
	[sflag:s5] =	ssyncadd.s32 $0xFFFFFD80  }
0x19c: {  	s20 =	simm.s32 $0x40;
	v1 =	vld [tilespmem:s19+$0x19580]  }
.LBB2_46:
0x19d: {  	p0 =	sne.s32 s20, $0x9C0;
	v2 =	vld [tilespmem:s19+$0x19080];
	_ =	sdelay $0x2  }
.Ltmp22:
0x19e: {  	(pc) =	sbr.rel @p0 .LBB2_46-.Ltmp22, $4  }
0x19f: {  	_ = 	snop  }
0x1a0: {  	v2 =	vadd.f32 v1, v2  }
0x1a1: {  	s12 =	sshra.s32 s20, $0x2  }
0x1a2: {  	s20 =	sadd.s32 $0x40, s20;
	v1 =	vld [tilespmem:s12+$0x19580];
	[tilespmem:s19+$0x19080] =	vst v2;
	s19 =	smov.u32 s12  }
0x1a3: {  	v2 =	vld [tilespmem:s19+$0x19080];
	_ =	sdelay $0x4  }
0x1a4: {  	s12 =	sld [smem:$0x7F4];
	v1 =	vadd.f32 v1, v2;
	_ =	sdelay $0x1  }
0x1a5: {  	[tilespmem:s19+$0x19080] =	vst v1  }
0x1a6: {  	[tilespmem:s13], [sflag:$0x1] =	stream.strided.gather [spmem:s12], $0x280, s11, s10, $0x38;
	[tilespmem:$0x19800] =	vst v63  }
0x1a7: {  	_ =	swait.ge [sflag:s5], $0x280  }
0x1a8: {  	[sflag:s5] =	ssyncset.done $0x0  }
0x1a9: {  	s19 =	simm.s32 $0x0;
	[sflag:s5] =	ssyncadd.s32 $0xFFFFFD80  }
0x1aa: {  	s20 =	simm.s32 $0x40;
	v1 =	vld [tilespmem:s19+$0x19580]  }
.LBB2_48:
0x1ab: {  	p0 =	sne.s32 s20, $0x9C0;
	v2 =	vld [tilespmem:s19+$0x19080];
	_ =	sdelay $0x2  }
.Ltmp23:
0x1ac: {  	(pc) =	sbr.rel @p0 .LBB2_48-.Ltmp23, $4  }
0x1ad: {  	_ = 	snop  }
0x1ae: {  	v2 =	vadd.f32 v1, v2  }
0x1af: {  	s12 =	sshra.s32 s20, $0x2  }
0x1b0: {  	s20 =	sadd.s32 $0x40, s20;
	v1 =	vld [tilespmem:s12+$0x19580];
	[tilespmem:s19+$0x19080] =	vst v2;
	s19 =	smov.u32 s12  }
0x1b1: {  	v2 =	vld [tilespmem:s19+$0x19080];
	_ =	sdelay $0x4  }
0x1b2: {  	s12 =	sld [smem:$0x7F5];
	v1 =	vadd.f32 v1, v2;
	_ =	sdelay $0x1  }
0x1b3: {  	[tilespmem:s19+$0x19080] =	vst v1  }
0x1b4: {  	[tilespmem:s13], [sflag:$0x1] =	stream.strided.gather [spmem:s12], $0x280, s11, s10, $0x38;
	[tilespmem:$0x19800] =	vst v63  }
0x1b5: {  	_ =	swait.ge [sflag:s5], $0x280  }
0x1b6: {  	[sflag:s5] =	ssyncset.done $0x0  }
0x1b7: {  	s19 =	simm.s32 $0x0;
	[sflag:s5] =	ssyncadd.s32 $0xFFFFFD80  }
0x1b8: {  	s20 =	simm.s32 $0x40;
	v1 =	vld [tilespmem:s19+$0x19580]  }
.LBB2_50:
0x1b9: {  	p0 =	sne.s32 s20, $0x9C0;
	v2 =	vld [tilespmem:s19+$0x19080];
	_ =	sdelay $0x2  }
.Ltmp24:
0x1ba: {  	(pc) =	sbr.rel @p0 .LBB2_50-.Ltmp24, $4  }
0x1bb: {  	_ = 	snop  }
0x1bc: {  	v2 =	vadd.f32 v1, v2  }
0x1bd: {  	s12 =	sshra.s32 s20, $0x2  }
0x1be: {  	s20 =	sadd.s32 $0x40, s20;
	v1 =	vld [tilespmem:s12+$0x19580];
	[tilespmem:s19+$0x19080] =	vst v2;
	s19 =	smov.u32 s12  }
0x1bf: {  	v2 =	vld [tilespmem:s19+$0x19080];
	_ =	sdelay $0x4  }
0x1c0: {  	s12 =	sld [smem:$0x7F6];
	v1 =	vadd.f32 v1, v2;
	_ =	sdelay $0x1  }
0x1c1: {  	[tilespmem:s19+$0x19080] =	vst v1  }
0x1c2: {  	[tilespmem:s13], [sflag:$0x1] =	stream.strided.gather [spmem:s12], $0x280, s11, s10, $0x38;
	[tilespmem:$0x19800] =	vst v63  }
0x1c3: {  	_ =	swait.ge [sflag:s5], $0x280  }
0x1c4: {  	[sflag:s5] =	ssyncset.done $0x0  }
0x1c5: {  	s19 =	simm.s32 $0x0;
	[sflag:s5] =	ssyncadd.s32 $0xFFFFFD80  }
0x1c6: {  	s20 =	simm.s32 $0x40;
	v1 =	vld [tilespmem:s19+$0x19580]  }
.LBB2_52:
0x1c7: {  	p0 =	sne.s32 s20, $0x9C0;
	v2 =	vld [tilespmem:s19+$0x19080];
	_ =	sdelay $0x2  }
.Ltmp25:
0x1c8: {  	(pc) =	sbr.rel @p0 .LBB2_52-.Ltmp25, $4  }
0x1c9: {  	_ = 	snop  }
0x1ca: {  	v2 =	vadd.f32 v1, v2  }
0x1cb: {  	s12 =	sshra.s32 s20, $0x2  }
0x1cc: {  	s20 =	sadd.s32 $0x40, s20;
	v1 =	vld [tilespmem:s12+$0x19580];
	[tilespmem:s19+$0x19080] =	vst v2;
	s19 =	smov.u32 s12  }
0x1cd: {  	v2 =	vld [tilespmem:s19+$0x19080];
	_ =	sdelay $0x4  }
0x1ce: {  	s12 =	sld [smem:$0x7F7];
	v1 =	vadd.f32 v1, v2;
	_ =	sdelay $0x1  }
0x1cf: {  	[tilespmem:s19+$0x19080] =	vst v1  }
0x1d0: {  	[tilespmem:s13], [sflag:$0x1] =	stream.strided.gather [spmem:s12], $0x280, s11, s10, $0x38;
	[tilespmem:$0x19800] =	vst v63  }
0x1d1: {  	_ =	swait.ge [sflag:s5], $0x280  }
0x1d2: {  	[sflag:s5] =	ssyncset.done $0x0  }
0x1d3: {  	s19 =	simm.s32 $0x0;
	[sflag:s5] =	ssyncadd.s32 $0xFFFFFD80  }
0x1d4: {  	s20 =	simm.s32 $0x40;
	v1 =	vld [tilespmem:s19+$0x19580]  }
.LBB2_54:
0x1d5: {  	p0 =	sne.s32 s20, $0x9C0;
	v2 =	vld [tilespmem:s19+$0x19080];
	_ =	sdelay $0x2  }
.Ltmp26:
0x1d6: {  	(pc) =	sbr.rel @p0 .LBB2_54-.Ltmp26, $4  }
0x1d7: {  	_ = 	snop  }
0x1d8: {  	v2 =	vadd.f32 v1, v2  }
0x1d9: {  	s12 =	sshra.s32 s20, $0x2  }
0x1da: {  	s20 =	sadd.s32 $0x40, s20;
	v1 =	vld [tilespmem:s12+$0x19580];
	[tilespmem:s19+$0x19080] =	vst v2;
	s19 =	smov.u32 s12  }
0x1db: {  	v2 =	vld [tilespmem:s19+$0x19080];
	_ =	sdelay $0x4  }
0x1dc: {  	s12 =	sld [smem:$0x7F8];
	v1 =	vadd.f32 v1, v2;
	_ =	sdelay $0x1  }
0x1dd: {  	[tilespmem:s19+$0x19080] =	vst v1  }
0x1de: {  	[tilespmem:s13], [sflag:$0x1] =	stream.strided.gather [spmem:s12], $0x280, s11, s10, $0x38;
	[tilespmem:$0x19800] =	vst v63  }
0x1df: {  	_ =	swait.ge [sflag:s5], $0x280  }
0x1e0: {  	[sflag:s5] =	ssyncset.done $0x0  }
0x1e1: {  	s19 =	simm.s32 $0x0;
	[sflag:s5] =	ssyncadd.s32 $0xFFFFFD80  }
0x1e2: {  	s20 =	simm.s32 $0x40;
	v1 =	vld [tilespmem:s19+$0x19580]  }
.LBB2_56:
0x1e3: {  	p0 =	sne.s32 s20, $0x9C0;
	v2 =	vld [tilespmem:s19+$0x19080];
	_ =	sdelay $0x2  }
.Ltmp27:
0x1e4: {  	(pc) =	sbr.rel @p0 .LBB2_56-.Ltmp27, $4  }
0x1e5: {  	_ = 	snop  }
0x1e6: {  	v2 =	vadd.f32 v1, v2  }
0x1e7: {  	s12 =	sshra.s32 s20, $0x2  }
0x1e8: {  	s20 =	sadd.s32 $0x40, s20;
	v1 =	vld [tilespmem:s12+$0x19580];
	[tilespmem:s19+$0x19080] =	vst v2;
	s19 =	smov.u32 s12  }
0x1e9: {  	v2 =	vld [tilespmem:s19+$0x19080];
	_ =	sdelay $0x4  }
0x1ea: {  	s12 =	sld [smem:$0x7F9];
	v1 =	vadd.f32 v1, v2;
	_ =	sdelay $0x1  }
0x1eb: {  	[tilespmem:s19+$0x19080] =	vst v1  }
0x1ec: {  	[tilespmem:s13], [sflag:$0x1] =	stream.strided.gather [spmem:s12], $0x280, s11, s10, $0x38;
	[tilespmem:$0x19800] =	vst v63  }
0x1ed: {  	_ =	swait.ge [sflag:s5], $0x280  }
0x1ee: {  	[sflag:s5] =	ssyncset.done $0x0  }
0x1ef: {  	s19 =	simm.s32 $0x0;
	[sflag:s5] =	ssyncadd.s32 $0xFFFFFD80  }
0x1f0: {  	s20 =	simm.s32 $0x40;
	v1 =	vld [tilespmem:s19+$0x19580]  }
.LBB2_58:
0x1f1: {  	p0 =	sne.s32 s20, $0x9C0;
	v2 =	vld [tilespmem:s19+$0x19080];
	_ =	sdelay $0x2  }
.Ltmp28:
0x1f2: {  	(pc) =	sbr.rel @p0 .LBB2_58-.Ltmp28, $4  }
0x1f3: {  	_ = 	snop  }
0x1f4: {  	v2 =	vadd.f32 v1, v2  }
0x1f5: {  	s12 =	sshra.s32 s20, $0x2  }
0x1f6: {  	s20 =	sadd.s32 $0x40, s20;
	v1 =	vld [tilespmem:s12+$0x19580];
	[tilespmem:s19+$0x19080] =	vst v2;
	s19 =	smov.u32 s12  }
0x1f7: {  	v2 =	vld [tilespmem:s19+$0x19080];
	_ =	sdelay $0x4  }
0x1f8: {  	s12 =	sld [smem:$0x7FA];
	v1 =	vadd.f32 v1, v2;
	_ =	sdelay $0x1  }
0x1f9: {  	[tilespmem:s19+$0x19080] =	vst v1  }
0x1fa: {  	[tilespmem:s13], [sflag:$0x1] =	stream.strided.gather [spmem:s12], $0x280, s11, s10, $0x38;
	[tilespmem:$0x19800] =	vst v63  }
0x1fb: {  	_ =	swait.ge [sflag:s5], $0x280  }
0x1fc: {  	[sflag:s5] =	ssyncset.done $0x0  }
0x1fd: {  	s19 =	simm.s32 $0x0;
	[sflag:s5] =	ssyncadd.s32 $0xFFFFFD80  }
0x1fe: {  	s20 =	simm.s32 $0x40;
	v1 =	vld [tilespmem:s19+$0x19580]  }
.LBB2_60:
0x1ff: {  	p0 =	sne.s32 s20, $0x9C0;
	v2 =	vld [tilespmem:s19+$0x19080];
	_ =	sdelay $0x2  }
.Ltmp29:
0x200: {  	(pc) =	sbr.rel @p0 .LBB2_60-.Ltmp29, $4  }
0x201: {  	_ = 	snop  }
0x202: {  	v2 =	vadd.f32 v1, v2  }
0x203: {  	s12 =	sshra.s32 s20, $0x2  }
0x204: {  	s20 =	sadd.s32 $0x40, s20;
	v1 =	vld [tilespmem:s12+$0x19580];
	[tilespmem:s19+$0x19080] =	vst v2;
	s19 =	smov.u32 s12  }
0x205: {  	v2 =	vld [tilespmem:s19+$0x19080];
	_ =	sdelay $0x4  }
0x206: {  	s12 =	sld [smem:$0x7FB];
	v1 =	vadd.f32 v1, v2;
	_ =	sdelay $0x1  }
0x207: {  	[tilespmem:s19+$0x19080] =	vst v1  }
0x208: {  	[tilespmem:s13], [sflag:$0x1] =	stream.strided.gather [spmem:s12], $0x280, s11, s10, $0x38;
	[tilespmem:$0x19800] =	vst v63  }
0x209: {  	_ =	swait.ge [sflag:s5], $0x280  }
0x20a: {  	[sflag:s5] =	ssyncset.done $0x0  }
0x20b: {  	s19 =	simm.s32 $0x0;
	[sflag:s5] =	ssyncadd.s32 $0xFFFFFD80  }
0x20c: {  	s20 =	simm.s32 $0x40;
	v1 =	vld [tilespmem:s19+$0x19580]  }
.LBB2_62:
0x20d: {  	p0 =	sne.s32 s20, $0x9C0;
	v2 =	vld [tilespmem:s19+$0x19080];
	_ =	sdelay $0x2  }
.Ltmp30:
0x20e: {  	(pc) =	sbr.rel @p0 .LBB2_62-.Ltmp30, $4  }
0x20f: {  	_ = 	snop  }
0x210: {  	v2 =	vadd.f32 v1, v2  }
0x211: {  	s12 =	sshra.s32 s20, $0x2  }
0x212: {  	s20 =	sadd.s32 $0x40, s20;
	v1 =	vld [tilespmem:s12+$0x19580];
	[tilespmem:s19+$0x19080] =	vst v2;
	s19 =	smov.u32 s12  }
0x213: {  	v2 =	vld [tilespmem:s19+$0x19080];
	_ =	sdelay $0x4  }
0x214: {  	s12 =	sld [smem:$0x7FC];
	v1 =	vadd.f32 v1, v2;
	_ =	sdelay $0x1  }
0x215: {  	[tilespmem:s19+$0x19080] =	vst v1  }
0x216: {  	[tilespmem:s13], [sflag:$0x1] =	stream.strided.gather [spmem:s12], $0x280, s11, s10, $0x38;
	[tilespmem:$0x19800] =	vst v63  }
0x217: {  	_ =	swait.ge [sflag:s5], $0x280  }
0x218: {  	[sflag:s5] =	ssyncset.done $0x0  }
0x219: {  	s19 =	simm.s32 $0x0;
	[sflag:s5] =	ssyncadd.s32 $0xFFFFFD80  }
0x21a: {  	s20 =	simm.s32 $0x40;
	v1 =	vld [tilespmem:s19+$0x19580]  }
.LBB2_64:
0x21b: {  	p0 =	sne.s32 s20, $0x9C0;
	v2 =	vld [tilespmem:s19+$0x19080];
	_ =	sdelay $0x2  }
.Ltmp31:
0x21c: {  	(pc) =	sbr.rel @p0 .LBB2_64-.Ltmp31, $4  }
0x21d: {  	_ = 	snop  }
0x21e: {  	v2 =	vadd.f32 v1, v2  }
0x21f: {  	s12 =	sshra.s32 s20, $0x2  }
0x220: {  	s20 =	sadd.s32 $0x40, s20;
	v1 =	vld [tilespmem:s12+$0x19580];
	[tilespmem:s19+$0x19080] =	vst v2;
	s19 =	smov.u32 s12  }
0x221: {  	v2 =	vld [tilespmem:s19+$0x19080];
	_ =	sdelay $0x4  }
0x222: {  	v1 =	vadd.f32 v1, v2;
	_ =	sdelay $0x1  }
0x223: {  	[tilespmem:s19+$0x19080] =	vst v1  }
0x224: {  	[tilespmem:s15], [sflag:$0x1] =	stream.strided.gather [spmem:s17], $0x280, s11, s10, $0x38;
	[tilespmem:$0x19800] =	vst v63  }
0x225: {  	_ =	swait.ge [sflag:s5], $0x280  }
0x226: {  	s12 =	sld [smem:$0x7FD]  }
0x227: {  	[sflag:s5] =	ssyncset.done $0x0  }
0x228: {  	[sflag:s5] =	ssyncadd.s32 $0xFFFFFD80  }
0x229: {  	[tilespmem:s13], [sflag:$0x1] =	stream.strided.gather [spmem:s12], $0x280, s11, s10, $0x38;
	[tilespmem:$0x19800] =	vst v63  }
0x22a: {  	_ =	swait.ge [sflag:s5], $0x280  }
0x22b: {  	[sflag:s5] =	ssyncset.done $0x0  }
0x22c: {  	s19 =	simm.s32 $0x0;
	[sflag:s5] =	ssyncadd.s32 $0xFFFFFD80  }
0x22d: {  	s20 =	simm.s32 $0x40;
	v1 =	vld [tilespmem:s19+$0x19580]  }
.LBB2_66:
0x22e: {  	p0 =	sne.s32 s20, $0x9C0;
	v2 =	vld [tilespmem:s19+$0x19300];
	_ =	sdelay $0x2  }
.Ltmp32:
0x22f: {  	(pc) =	sbr.rel @p0 .LBB2_66-.Ltmp32, $4  }
0x230: {  	_ = 	snop  }
0x231: {  	v2 =	vadd.f32 v1, v2  }
0x232: {  	s12 =	sshra.s32 s20, $0x2  }
0x233: {  	s20 =	sadd.s32 $0x40, s20;
	v1 =	vld [tilespmem:s12+$0x19580];
	[tilespmem:s19+$0x19300] =	vst v2;
	s19 =	smov.u32 s12  }
0x234: {  	v2 =	vld [tilespmem:s19+$0x19300];
	_ =	sdelay $0x4  }
0x235: {  	v1 =	vadd.f32 v1, v2;
	_ =	sdelay $0x1  }
0x236: {  	[tilespmem:s19+$0x19300] =	vst v1  }
0x237: {  	[tilespmem:s13], [sflag:$0x1] =	stream.strided.gather [spmem:s21], $0x280, s11, s10, $0x38;
	[tilespmem:$0x19800] =	vst v63  }
0x238: {  	_ =	swait.ge [sflag:s5], $0x280  }
0x239: {  	[sflag:s5] =	ssyncset.done $0x0  }
0x23a: {  	s19 =	simm.s32 $0x0;
	[sflag:s5] =	ssyncadd.s32 $0xFFFFFD80  }
0x23b: {  	s20 =	simm.s32 $0x40;
	v1 =	vld [tilespmem:s19+$0x19580]  }
.LBB2_68:
0x23c: {  	p0 =	sne.s32 s20, $0x9C0;
	v2 =	vld [tilespmem:s19+$0x19300];
	_ =	sdelay $0x2  }
.Ltmp33:
0x23d: {  	(pc) =	sbr.rel @p0 .LBB2_68-.Ltmp33, $4  }
0x23e: {  	_ = 	snop  }
0x23f: {  	v2 =	vadd.f32 v1, v2  }
0x240: {  	s12 =	sshra.s32 s20, $0x2  }
0x241: {  	s20 =	sadd.s32 $0x40, s20;
	v1 =	vld [tilespmem:s12+$0x19580];
	[tilespmem:s19+$0x19300] =	vst v2;
	s19 =	smov.u32 s12  }
0x242: {  	v2 =	vld [tilespmem:s19+$0x19300];
	_ =	sdelay $0x4  }
0x243: {  	v1 =	vadd.f32 v1, v2;
	_ =	sdelay $0x1  }
0x244: {  	[tilespmem:s19+$0x19300] =	vst v1  }
0x245: {  	[tilespmem:s13], [sflag:$0x1] =	stream.strided.gather [spmem:s22], $0x280, s11, s10, $0x38;
	[tilespmem:$0x19800] =	vst v63  }
0x246: {  	_ =	swait.ge [sflag:s5], $0x280  }
0x247: {  	[sflag:s5] =	ssyncset.done $0x0  }
0x248: {  	s19 =	simm.s32 $0x0;
	[sflag:s5] =	ssyncadd.s32 $0xFFFFFD80  }
0x249: {  	s20 =	simm.s32 $0x40;
	v1 =	vld [tilespmem:s19+$0x19580]  }
.LBB2_70:
0x24a: {  	p0 =	sne.s32 s20, $0x9C0;
	v2 =	vld [tilespmem:s19+$0x19300];
	_ =	sdelay $0x2  }
.Ltmp34:
0x24b: {  	(pc) =	sbr.rel @p0 .LBB2_70-.Ltmp34, $4  }
0x24c: {  	_ = 	snop  }
0x24d: {  	v2 =	vadd.f32 v1, v2  }
0x24e: {  	s12 =	sshra.s32 s20, $0x2  }
0x24f: {  	s20 =	sadd.s32 $0x40, s20;
	v1 =	vld [tilespmem:s12+$0x19580];
	[tilespmem:s19+$0x19300] =	vst v2;
	s19 =	smov.u32 s12  }
0x250: {  	v2 =	vld [tilespmem:s19+$0x19300];
	_ =	sdelay $0x4  }
0x251: {  	v1 =	vadd.f32 v1, v2;
	_ =	sdelay $0x1  }
0x252: {  	[tilespmem:s19+$0x19300] =	vst v1  }
0x253: {  	[tilespmem:s13], [sflag:$0x1] =	stream.strided.gather [spmem:s23], $0x280, s11, s10, $0x38;
	[tilespmem:$0x19800] =	vst v63  }
0x254: {  	_ =	swait.ge [sflag:s5], $0x280  }
0x255: {  	[sflag:s5] =	ssyncset.done $0x0  }
0x256: {  	s19 =	simm.s32 $0x0;
	[sflag:s5] =	ssyncadd.s32 $0xFFFFFD80  }
0x257: {  	s20 =	simm.s32 $0x40;
	v1 =	vld [tilespmem:s19+$0x19580]  }
.LBB2_72:
0x258: {  	p0 =	sne.s32 s20, $0x9C0;
	v2 =	vld [tilespmem:s19+$0x19300];
	_ =	sdelay $0x2  }
.Ltmp35:
0x259: {  	(pc) =	sbr.rel @p0 .LBB2_72-.Ltmp35, $4  }
0x25a: {  	_ = 	snop  }
0x25b: {  	v2 =	vadd.f32 v1, v2  }
0x25c: {  	s12 =	sshra.s32 s20, $0x2  }
0x25d: {  	s20 =	sadd.s32 $0x40, s20;
	v1 =	vld [tilespmem:s12+$0x19580];
	[tilespmem:s19+$0x19300] =	vst v2;
	s19 =	smov.u32 s12  }
0x25e: {  	v2 =	vld [tilespmem:s19+$0x19300];
	_ =	sdelay $0x4  }
0x25f: {  	v1 =	vadd.f32 v1, v2;
	_ =	sdelay $0x1  }
0x260: {  	[tilespmem:s19+$0x19300] =	vst v1  }
0x261: {  	[tilespmem:s13], [sflag:$0x1] =	stream.strided.gather [spmem:s24], $0x280, s11, s10, $0x38;
	[tilespmem:$0x19800] =	vst v63  }
0x262: {  	_ =	swait.ge [sflag:s5], $0x280  }
0x263: {  	[sflag:s5] =	ssyncset.done $0x0  }
0x264: {  	s19 =	simm.s32 $0x0;
	[sflag:s5] =	ssyncadd.s32 $0xFFFFFD80  }
0x265: {  	s20 =	simm.s32 $0x40;
	v1 =	vld [tilespmem:s19+$0x19580]  }
.LBB2_74:
0x266: {  	p0 =	sne.s32 s20, $0x9C0;
	v2 =	vld [tilespmem:s19+$0x19300];
	_ =	sdelay $0x2  }
.Ltmp36:
0x267: {  	(pc) =	sbr.rel @p0 .LBB2_74-.Ltmp36, $4  }
0x268: {  	_ = 	snop  }
0x269: {  	v2 =	vadd.f32 v1, v2  }
0x26a: {  	s12 =	sshra.s32 s20, $0x2  }
0x26b: {  	s20 =	sadd.s32 $0x40, s20;
	v1 =	vld [tilespmem:s12+$0x19580];
	[tilespmem:s19+$0x19300] =	vst v2;
	s19 =	smov.u32 s12  }
0x26c: {  	v2 =	vld [tilespmem:s19+$0x19300];
	_ =	sdelay $0x4  }
0x26d: {  	v1 =	vadd.f32 v1, v2;
	_ =	sdelay $0x1  }
0x26e: {  	[tilespmem:s19+$0x19300] =	vst v1  }
0x26f: {  	[tilespmem:s13], [sflag:$0x1] =	stream.strided.gather [spmem:s25], $0x280, s11, s10, $0x38;
	[tilespmem:$0x19800] =	vst v63  }
0x270: {  	_ =	swait.ge [sflag:s5], $0x280  }
0x271: {  	[sflag:s5] =	ssyncset.done $0x0  }
0x272: {  	s19 =	simm.s32 $0x0;
	[sflag:s5] =	ssyncadd.s32 $0xFFFFFD80  }
0x273: {  	s20 =	simm.s32 $0x40;
	v1 =	vld [tilespmem:s19+$0x19580]  }
.LBB2_76:
0x274: {  	p0 =	sne.s32 s20, $0x9C0;
	v2 =	vld [tilespmem:s19+$0x19300];
	_ =	sdelay $0x2  }
.Ltmp37:
0x275: {  	(pc) =	sbr.rel @p0 .LBB2_76-.Ltmp37, $4  }
0x276: {  	_ = 	snop  }
0x277: {  	v2 =	vadd.f32 v1, v2  }
0x278: {  	s12 =	sshra.s32 s20, $0x2  }
0x279: {  	s20 =	sadd.s32 $0x40, s20;
	v1 =	vld [tilespmem:s12+$0x19580];
	[tilespmem:s19+$0x19300] =	vst v2;
	s19 =	smov.u32 s12  }
0x27a: {  	v2 =	vld [tilespmem:s19+$0x19300];
	_ =	sdelay $0x4  }
0x27b: {  	v1 =	vadd.f32 v1, v2;
	_ =	sdelay $0x1  }
0x27c: {  	[tilespmem:s19+$0x19300] =	vst v1  }
0x27d: {  	[tilespmem:s13], [sflag:$0x1] =	stream.strided.gather [spmem:s26], $0x280, s11, s10, $0x38;
	[tilespmem:$0x19800] =	vst v63  }
0x27e: {  	_ =	swait.ge [sflag:s5], $0x280  }
0x27f: {  	[sflag:s5] =	ssyncset.done $0x0  }
0x280: {  	s19 =	simm.s32 $0x0;
	[sflag:s5] =	ssyncadd.s32 $0xFFFFFD80  }
0x281: {  	s20 =	simm.s32 $0x40;
	v1 =	vld [tilespmem:s19+$0x19580]  }
.LBB2_78:
0x282: {  	p0 =	sne.s32 s20, $0x9C0;
	v2 =	vld [tilespmem:s19+$0x19300];
	_ =	sdelay $0x2  }
.Ltmp38:
0x283: {  	(pc) =	sbr.rel @p0 .LBB2_78-.Ltmp38, $4  }
0x284: {  	_ = 	snop  }
0x285: {  	v2 =	vadd.f32 v1, v2  }
0x286: {  	s12 =	sshra.s32 s20, $0x2  }
0x287: {  	s20 =	sadd.s32 $0x40, s20;
	v1 =	vld [tilespmem:s12+$0x19580];
	[tilespmem:s19+$0x19300] =	vst v2;
	s19 =	smov.u32 s12  }
0x288: {  	v2 =	vld [tilespmem:s19+$0x19300];
	_ =	sdelay $0x4  }
0x289: {  	v1 =	vadd.f32 v1, v2;
	_ =	sdelay $0x1  }
0x28a: {  	[tilespmem:s19+$0x19300] =	vst v1  }
0x28b: {  	[tilespmem:s13], [sflag:$0x1] =	stream.strided.gather [spmem:s28], $0x280, s11, s10, $0x38;
	[tilespmem:$0x19800] =	vst v63  }
0x28c: {  	_ =	swait.ge [sflag:s5], $0x280  }
0x28d: {  	[sflag:s5] =	ssyncset.done $0x0  }
0x28e: {  	s19 =	simm.s32 $0x0;
	[sflag:s5] =	ssyncadd.s32 $0xFFFFFD80  }
0x28f: {  	s20 =	simm.s32 $0x40;
	v1 =	vld [tilespmem:s19+$0x19580]  }
.LBB2_80:
0x290: {  	p0 =	sne.s32 s20, $0x9C0;
	v2 =	vld [tilespmem:s19+$0x19300];
	_ =	sdelay $0x2  }
.Ltmp39:
0x291: {  	(pc) =	sbr.rel @p0 .LBB2_80-.Ltmp39, $4  }
0x292: {  	_ = 	snop  }
0x293: {  	v2 =	vadd.f32 v1, v2  }
0x294: {  	s12 =	sshra.s32 s20, $0x2  }
0x295: {  	s20 =	sadd.s32 $0x40, s20;
	v1 =	vld [tilespmem:s12+$0x19580];
	[tilespmem:s19+$0x19300] =	vst v2;
	s19 =	smov.u32 s12  }
0x296: {  	v2 =	vld [tilespmem:s19+$0x19300];
	_ =	sdelay $0x4  }
0x297: {  	v1 =	vadd.f32 v1, v2;
	_ =	sdelay $0x1  }
0x298: {  	[tilespmem:s19+$0x19300] =	vst v1  }
0x299: {  	[tilespmem:s13], [sflag:$0x1] =	stream.strided.gather [spmem:s29], $0x280, s11, s10, $0x38;
	[tilespmem:$0x19800] =	vst v63  }
0x29a: {  	_ =	swait.ge [sflag:s5], $0x280  }
0x29b: {  	[sflag:s5] =	ssyncset.done $0x0  }
0x29c: {  	s19 =	simm.s32 $0x0;
	[sflag:s5] =	ssyncadd.s32 $0xFFFFFD80  }
0x29d: {  	s20 =	simm.s32 $0x40;
	v1 =	vld [tilespmem:s19+$0x19580]  }
.LBB2_82:
0x29e: {  	p0 =	sne.s32 s20, $0x9C0;
	v2 =	vld [tilespmem:s19+$0x19300];
	_ =	sdelay $0x2  }
.Ltmp40:
0x29f: {  	(pc) =	sbr.rel @p0 .LBB2_82-.Ltmp40, $4  }
0x2a0: {  	_ = 	snop  }
0x2a1: {  	v2 =	vadd.f32 v1, v2  }
0x2a2: {  	s12 =	sshra.s32 s20, $0x2  }
0x2a3: {  	s20 =	sadd.s32 $0x40, s20;
	v1 =	vld [tilespmem:s12+$0x19580];
	[tilespmem:s19+$0x19300] =	vst v2;
	s19 =	smov.u32 s12  }
0x2a4: {  	v2 =	vld [tilespmem:s19+$0x19300];
	_ =	sdelay $0x4  }
0x2a5: {  	v1 =	vadd.f32 v1, v2;
	_ =	sdelay $0x1  }
0x2a6: {  	[tilespmem:s19+$0x19300] =	vst v1  }
0x2a7: {  	[tilespmem:s13], [sflag:$0x1] =	stream.strided.gather [spmem:s30], $0x280, s11, s10, $0x38;
	[tilespmem:$0x19800] =	vst v63  }
0x2a8: {  	_ =	swait.ge [sflag:s5], $0x280  }
0x2a9: {  	[sflag:s5] =	ssyncset.done $0x0  }
0x2aa: {  	s19 =	simm.s32 $0x0;
	[sflag:s5] =	ssyncadd.s32 $0xFFFFFD80  }
0x2ab: {  	s20 =	simm.s32 $0x40;
	v1 =	vld [tilespmem:s19+$0x19580]  }
.LBB2_84:
0x2ac: {  	p0 =	sne.s32 s20, $0x9C0;
	v2 =	vld [tilespmem:s19+$0x19300];
	_ =	sdelay $0x2  }
.Ltmp41:
0x2ad: {  	(pc) =	sbr.rel @p0 .LBB2_84-.Ltmp41, $4  }
0x2ae: {  	_ = 	snop  }
0x2af: {  	v2 =	vadd.f32 v1, v2  }
0x2b0: {  	s12 =	sshra.s32 s20, $0x2  }
0x2b1: {  	s20 =	sadd.s32 $0x40, s20;
	v1 =	vld [tilespmem:s12+$0x19580];
	[tilespmem:s19+$0x19300] =	vst v2;
	s19 =	smov.u32 s12  }
0x2b2: {  	v2 =	vld [tilespmem:s19+$0x19300];
	_ =	sdelay $0x4  }
0x2b3: {  	v1 =	vadd.f32 v1, v2;
	_ =	sdelay $0x1  }
0x2b4: {  	[tilespmem:s19+$0x19300] =	vst v1  }
0x2b5: {  	[tilespmem:s13], [sflag:$0x1] =	stream.strided.gather [spmem:s31], $0x280, s11, s10, $0x38;
	[tilespmem:$0x19800] =	vst v63  }
0x2b6: {  	_ =	swait.ge [sflag:s5], $0x280  }
0x2b7: {  	[sflag:s5] =	ssyncset.done $0x0  }
0x2b8: {  	s19 =	simm.s32 $0x0;
	[sflag:s5] =	ssyncadd.s32 $0xFFFFFD80  }
0x2b9: {  	s20 =	simm.s32 $0x40;
	v1 =	vld [tilespmem:s19+$0x19580]  }
.LBB2_86:
0x2ba: {  	p0 =	sne.s32 s20, $0x9C0;
	v2 =	vld [tilespmem:s19+$0x19300];
	_ =	sdelay $0x2  }
.Ltmp42:
0x2bb: {  	(pc) =	sbr.rel @p0 .LBB2_86-.Ltmp42, $4  }
0x2bc: {  	_ = 	snop  }
0x2bd: {  	v2 =	vadd.f32 v1, v2  }
0x2be: {  	s12 =	sshra.s32 s20, $0x2  }
0x2bf: {  	s20 =	sadd.s32 $0x40, s20;
	v1 =	vld [tilespmem:s12+$0x19580];
	[tilespmem:s19+$0x19300] =	vst v2;
	s19 =	smov.u32 s12  }
0x2c0: {  	v2 =	vld [tilespmem:s19+$0x19300];
	_ =	sdelay $0x4  }
0x2c1: {  	v1 =	vadd.f32 v1, v2;
	_ =	sdelay $0x1  }
0x2c2: {  	[tilespmem:s19+$0x19300] =	vst v1  }
0x2c3: {  	[tilespmem:s13], [sflag:$0x1] =	stream.strided.gather [spmem:s1], $0x280, s11, s10, $0x38;
	[tilespmem:$0x19800] =	vst v63  }
0x2c4: {  	_ =	swait.ge [sflag:s5], $0x280  }
0x2c5: {  	[sflag:s5] =	ssyncset.done $0x0  }
0x2c6: {  	s19 =	simm.s32 $0x0;
	[sflag:s5] =	ssyncadd.s32 $0xFFFFFD80  }
0x2c7: {  	s20 =	simm.s32 $0x40;
	v1 =	vld [tilespmem:s19+$0x19580]  }
.LBB2_88:
0x2c8: {  	p0 =	sne.s32 s20, $0x9C0;
	v2 =	vld [tilespmem:s19+$0x19300];
	_ =	sdelay $0x2  }
.Ltmp43:
0x2c9: {  	(pc) =	sbr.rel @p0 .LBB2_88-.Ltmp43, $4  }
0x2ca: {  	_ = 	snop  }
0x2cb: {  	v2 =	vadd.f32 v1, v2  }
0x2cc: {  	s12 =	sshra.s32 s20, $0x2  }
0x2cd: {  	s20 =	sadd.s32 $0x40, s20;
	v1 =	vld [tilespmem:s12+$0x19580];
	[tilespmem:s19+$0x19300] =	vst v2;
	s19 =	smov.u32 s12  }
0x2ce: {  	v2 =	vld [tilespmem:s19+$0x19300];
	_ =	sdelay $0x4  }
0x2cf: {  	v1 =	vadd.f32 v1, v2;
	_ =	sdelay $0x1  }
0x2d0: {  	[tilespmem:s19+$0x19300] =	vst v1  }
0x2d1: {  	[tilespmem:s13], [sflag:$0x1] =	stream.strided.gather [spmem:s0], $0x280, s11, s10, $0x38;
	[tilespmem:$0x19800] =	vst v63  }
0x2d2: {  	_ =	swait.ge [sflag:s5], $0x280  }
0x2d3: {  	[sflag:s5] =	ssyncset.done $0x0  }
0x2d4: {  	s19 =	simm.s32 $0x0;
	[sflag:s5] =	ssyncadd.s32 $0xFFFFFD80  }
0x2d5: {  	s20 =	simm.s32 $0x40;
	v1 =	vld [tilespmem:s19+$0x19580]  }
.LBB2_90:
0x2d6: {  	p0 =	sne.s32 s20, $0x9C0;
	v2 =	vld [tilespmem:s19+$0x19300];
	_ =	sdelay $0x2  }
.Ltmp44:
0x2d7: {  	(pc) =	sbr.rel @p0 .LBB2_90-.Ltmp44, $4  }
0x2d8: {  	_ = 	snop  }
0x2d9: {  	v2 =	vadd.f32 v1, v2  }
0x2da: {  	s12 =	sshra.s32 s20, $0x2  }
0x2db: {  	s20 =	sadd.s32 $0x40, s20;
	v1 =	vld [tilespmem:s12+$0x19580];
	[tilespmem:s19+$0x19300] =	vst v2;
	s19 =	smov.u32 s12  }
0x2dc: {  	v2 =	vld [tilespmem:s19+$0x19300];
	_ =	sdelay $0x4  }
0x2dd: {  	v1 =	vadd.f32 v1, v2;
	_ =	sdelay $0x1  }
0x2de: {  	[tilespmem:s19+$0x19300] =	vst v1  }
0x2df: {  	[tilespmem:s13], [sflag:$0x1] =	stream.strided.gather [spmem:s3], $0x280, s11, s10, $0x38;
	[tilespmem:$0x19800] =	vst v63  }
0x2e0: {  	_ =	swait.ge [sflag:s5], $0x280  }
0x2e1: {  	[sflag:s5] =	ssyncset.done $0x0  }
0x2e2: {  	s19 =	simm.s32 $0x0;
	[sflag:s5] =	ssyncadd.s32 $0xFFFFFD80  }
0x2e3: {  	s20 =	simm.s32 $0x40;
	v1 =	vld [tilespmem:s19+$0x19580]  }
.LBB2_92:
0x2e4: {  	p0 =	sne.s32 s20, $0x9C0;
	v2 =	vld [tilespmem:s19+$0x19300];
	_ =	sdelay $0x2  }
.Ltmp45:
0x2e5: {  	(pc) =	sbr.rel @p0 .LBB2_92-.Ltmp45, $4  }
0x2e6: {  	_ = 	snop  }
0x2e7: {  	v2 =	vadd.f32 v1, v2  }
0x2e8: {  	s12 =	sshra.s32 s20, $0x2  }
0x2e9: {  	s20 =	sadd.s32 $0x40, s20;
	v1 =	vld [tilespmem:s12+$0x19580];
	[tilespmem:s19+$0x19300] =	vst v2;
	s19 =	smov.u32 s12  }
0x2ea: {  	v2 =	vld [tilespmem:s19+$0x19300];
	_ =	sdelay $0x4  }
0x2eb: {  	v1 =	vadd.f32 v1, v2;
	_ =	sdelay $0x1  }
0x2ec: {  	[tilespmem:s19+$0x19300] =	vst v1  }
0x2ed: {  	[tilespmem:s13], [sflag:$0x1] =	stream.strided.gather [spmem:s4], $0x280, s11, s10, $0x38;
	[tilespmem:$0x19800] =	vst v63  }
0x2ee: {  	_ =	swait.ge [sflag:s5], $0x280  }
0x2ef: {  	[sflag:s5] =	ssyncset.done $0x0  }
0x2f0: {  	s19 =	simm.s32 $0x0;
	[sflag:s5] =	ssyncadd.s32 $0xFFFFFD80  }
0x2f1: {  	s20 =	simm.s32 $0x40;
	v1 =	vld [tilespmem:s19+$0x19580]  }
.LBB2_94:
0x2f2: {  	p0 =	sne.s32 s20, $0x9C0;
	v2 =	vld [tilespmem:s19+$0x19300];
	_ =	sdelay $0x2  }
.Ltmp46:
0x2f3: {  	(pc) =	sbr.rel @p0 .LBB2_94-.Ltmp46, $4  }
0x2f4: {  	_ = 	snop  }
0x2f5: {  	v2 =	vadd.f32 v1, v2  }
0x2f6: {  	s12 =	sshra.s32 s20, $0x2  }
0x2f7: {  	s20 =	sadd.s32 $0x40, s20;
	v1 =	vld [tilespmem:s12+$0x19580];
	[tilespmem:s19+$0x19300] =	vst v2;
	s19 =	smov.u32 s12  }
0x2f8: {  	v2 =	vld [tilespmem:s19+$0x19300];
	_ =	sdelay $0x4  }
0x2f9: {  	v1 =	vadd.f32 v1, v2;
	_ =	sdelay $0x1  }
0x2fa: {  	s12 =	rddreg [dreg:$0x15];
	s20 =	simm.s32 $0x18E00;
	[tilespmem:s19+$0x19300] =	vst v1  }
0x2fb: {  	[hbm4b:s12+s2] =	stream.linear.scatter [tilespmem:s20], [sflag:$0x1], $0x280, $0x38;
	[tilespmem:$0x19800] =	vst v63  }
0x2fc: {  	_ =	swait.ge [sflag:s5], $0x280  }
0x2fd: {  	[sflag:s5] =	ssyncset.done $0x0  }
0x2fe: {  	s20 =	rddreg [dreg:$0x16];
	[sflag:s5] =	ssyncadd.s32 $0xFFFFFD80  }
0x2ff: {  	[hbm4b:s20+s2] =	stream.linear.scatter [tilespmem:s14], [sflag:$0x1], $0x280, $0x38;
	[tilespmem:$0x19800] =	vst v63  }
0x300: {  	_ =	swait.ge [sflag:s5], $0x280  }
0x301: {  	[sflag:s5] =	ssyncset.done $0x0  }
0x302: {  	s19 =	rddreg [dreg:$0x17];
	[sflag:s5] =	ssyncadd.s32 $0xFFFFFD80  }
0x303: {  	[hbm4b:s19+s2] =	stream.linear.scatter [tilespmem:s15], [sflag:$0x1], $0x280, $0x38;
	[tilespmem:$0x19800] =	vst v63  }
0x304: {  	_ =	swait.ge [sflag:s5], $0x280  }
0x305: {  	s18 =	sadd.s32 $0x1, s18;
	s20 =	rddreg [dreg:$0x19]  }
0x306: {  	p0 =	sne.s32 s18, s20  }
.Ltmp47:
0x307: {  	_ = 	snop;
	(pc) =	sbr.rel @p0 .LBB2_1-.Ltmp47, $3  }
0x308: {  	_ =	sdelay $0x1  }
0x309: {  	[sflag:s5] =	ssyncset.done $0x0  }
0x30a: {  	[sflag:s5] =	ssyncadd.s32 $0xFFFFFD80  }
0x30b: {  	_ =	sfence.sel $0x180000  }
0x30c: {  	[bflag:$0x0] =	sbarrier.arrive $0xFFFF  }
0x30d: {  	_ =	strace $0x9000004A  }
0x30e: {  	s0 =	stileid.u32;
	[bflag:$0x2] =	sbarrier.arrive $0xFFFF  }
0x30f: {  	p0 =	sne.s32 s0, $0x0;
	s0 =	rddreg [dreg:$0x5]  }
0x310: {  	s0 =	sadd.s32 @!p0 $0x100000, s0  }
0x311: {  	[sflag:s0] =	ssyncadd.tile.s32 @!p0 $0x1;
	_ =	shalt  }
.Lfunc_end2:
_tile_overlayer_lowered:
.L_overlay_start_2:
0x312: {  	(tag) =	ssettag $0x2  }
0x313: {  	s0 =	rddreg [dreg:$0x0];
	s2 =	stileid.u32  }
0x314: {  	s1 =	rddreg [dreg:$0x1];
	p0 =	sne.s32 s2, $0x0  }
0x315: {  	s3 =	rddreg [dreg:$0x2];
	[bflag:$0x3] =	sbarrier.arrive $0xFFFF;
	s2 =	simm.s32 @!p0 $0x1C01  }
0x316: {  	[timem:s3], [sflag:s2] =	dma.local @!p0 [hbm:s0], s1  }
0x317: {  	s0 =	simm.s32 @!p0 $0x1  }
0x318: {  	_ =	swait.ge @!p0 [sflag:s0], s1  }
0x319: {  	s1 =	ssub.s32 @!p0 $0x0, s1;
	[sflag:s0] =	ssyncset.done @!p0 $0x0  }
0x31a: {  	[sflag:s0] =	ssyncadd.s32 @!p0 s1  }
0x31b: {  	[bflag:$0x3] =	sbarrier.arrive $0xFFFF  }
0x31c: {  	_ =	shalt  }

// kernel: kernel.7.cloned.1.call-start
scs
__scs_entry_jumppad:
0x0: {  	(pc) =	sbr.rel $0x88, $3  }
0x1: {  	(tag) =	ssettag $0x0;
	lr =	simm.s32 $0x1  }
0x2: {  	[smem:$0x3F97] =	sst lr;
	_ =	strace $0xD0000000  }
0x3: {  	_ = 	snop  }
0x4: {  	_ = 	snop  }
0x5: {  	_ = 	snop  }
0x6: {  	_ = 	snop  }
0x7: {  	_ = 	snop  }
__scs_overlays_trampoline_lowered:
0x8: {  	[smem:$0x3FA6] =	sst s0  }
0x9: {  	[smem:$0x3FA7] =	sst s1  }
0xa: {  	[smem:$0x3FA8] =	sst s2  }
0xb: {  	[smem:$0x3FA9] =	sst s3  }
0xc: {  	[smem:$0x3FAA] =	sst s4  }
0xd: {  	[smem:$0x3FAB] =	sst s5  }
0xe: {  	[smem:$0x3FAC] =	sst s6  }
0xf: {  	[smem:$0x3FAD] =	sst s7  }
0x10: {  	[smem:$0x3FAE] =	sst s8  }
0x11: {  	[smem:$0x3FAF] =	sst s9;
	s0 =	simm.s32 @!p0 $0x0  }
0x12: {  	s1 =	sld [smem:$0x3F95];
	s0 =	simm.s32 @p0 $0x1  }
0x13: {  	[smem:$0x3FB0] =	sst s0;
	s0 =	simm.s32 @!p1 $0x0  }
0x14: {  	s2 =	sld [smem:$0x3F94];
	s0 =	simm.s32 @p1 $0x1  }
0x15: {  	[smem:$0x3FB1] =	sst s0;
	s0 =	simm.s32 @!p2 $0x0  }
0x16: {  	s3 =	sld [smem:$0x3FDB];
	s0 =	simm.s32 @p2 $0x1  }
0x17: {  	s4 =	simm.s32 $0x1BF5;
	[smem:$0x3FB3] =	sst s0  }
0x18: {  	s0 =	sld [smem:$0x3F96];
	_ =	swait.ge [sflag:s4], $0x0  }
0x19: {  	s7 =	sld [smem:$0x3F97]  }
0x1a: {  	s8 =	sadd.s32 $0xFFFFE003, lr  }
0x1b: {  	s9 =	sadd.s32 $0xFFFFFEF7, lr;
	s5 =	simm.s32 $0xFFFFFFFF;
	p2 =	slt.u32 s8, $0xFFFFF086  }
0x1c: {  	p1 =	slt.u32 s9, $0xF7A;
	s5 =	simm.s32 @!p2 $0x0  }
0x1d: {  	s5 =	simm.s32 @p1 $0x1;
	p0 =	seq.s32 s7, s2  }
0x1e: {  	s7 =	smul.u32 @!p0 $0xF7A, s2;
	p2 =	seq.s32 @!p0 s5, $0x0  }
0x1f: {  	s9 =	smul.u32 $0xF7A, s1;
	s8 =	simm.s32 @!p0 $0x1BF5;
	p2 =	por !p2, p0  }
0x20: {  	[sflag:s8] =	ssyncset.s32 @!p0 $0xFFFFF086;
	s6 =	sadd.s32 @!p0 s3, s7;
	s7 =	simm.s32 @!p0 $0x108  }
0x21: {  	s3 =	sadd.s32 s3, s9;
	s6 =	sadd.s32 @!p0 $0x88, s6;
	s7 =	simm.s32 @p2 $0x1082  }
0x22: {  	[simem:s7], [sflag:s8] =	dma.local @!p0 [hbm:s6], $0xF7A  }
0x23: {  	s9 =	sor.u32 $0xD0000000, s2;
	s6 =	simm.s32 $0x108;
	_ =	swait.ge @!p0 [sflag:s8], $0x0  }
0x24: {  	s3 =	sadd.s32 $0x88, s3;
	s6 =	simm.s32 @!p1 $0x1082;
	[sflag:s4] =	ssyncset.s32 $0xFFFFF086  }
0x25: {  	[simem:s6], [sflag:s4] =	dma.local [hbm:s3], $0xF7A  }
0x26: {  	[smem:$0x3F97] =	sst s1;
	(tag) =	ssettag s2;
	_ =	strace s9  }
0x27: {  	s1 =	sld [smem:$0x3FA7]  }
0x28: {  	s2 =	sld [smem:$0x3FA8]  }
0x29: {  	s4 =	sld [smem:$0x3FAA]  }
0x2a: {  	p0 =	seq.s32 s5, $0x0;
	s5 =	sld [smem:$0x3FAB]  }
0x2b: {  	s6 =	sld [smem:$0x3FAC]  }
0x2c: {  	s7 =	sld [smem:$0x3FAD]  }
0x2d: {  	s3 =	simm.s32 $0x108;
	s8 =	sld [smem:$0x3FAE]  }
0x2e: {  	s3 =	simm.s32 @!p0 $0x1082;
	s9 =	sld [smem:$0x3FAF]  }
0x2f: {  	lr =	sadd.s32 s0, s3;
	s0 =	sld [smem:$0x3FA6]  }
0x30: {  	s3 =	sld [smem:$0x3FA9]  }
0x31: {  	[smem:$0x3FB2] =	sst s10  }
0x32: {  	s10 =	sld [smem:$0x3FB0];
	_ =	sdelay $0x3  }
0x33: {  	p0 =	seq.s32 s10, $0x1;
	s10 =	sld [smem:$0x3FB2];
	_ =	sdelay $0x3  }
0x34: {  	[smem:$0x3FB2] =	sst s10  }
0x35: {  	s10 =	sld [smem:$0x3FB1];
	_ =	sdelay $0x3  }
0x36: {  	p1 =	seq.s32 s10, $0x1;
	s10 =	sld [smem:$0x3FB2];
	_ =	sdelay $0x3  }
0x37: {  	[smem:$0x3FB2] =	sst s10  }
0x38: {  	s10 =	sld [smem:$0x3FB3]  }
0x39: {  	_ = 	snop;
	(pc) =	sbr.ind lr, $3  }
0x3a: {  	_ = 	snop  }
0x3b: {  	_ = 	snop  }
0x3c: {  	p2 =	seq.s32 s10, $0x1;
	s10 =	sld [smem:$0x3FB2]  }
0x3d: {  	_ =	shalt  }
0x3e: {  	_ =	shalt  }
0x3f: {  	_ =	shalt  }
0x40: {  	_ =	shalt  }
0x41: {  	_ =	shalt  }
0x42: {  	_ =	shalt  }
0x43: {  	_ =	shalt  }
0x44: {  	_ =	shalt  }
0x45: {  	_ =	shalt  }
0x46: {  	_ =	shalt  }
0x47: {  	_ =	shalt  }
0x48: {  	_ =	shalt  }
0x49: {  	_ =	shalt  }
0x4a: {  	_ =	shalt  }
0x4b: {  	_ =	shalt  }
0x4c: {  	_ =	shalt  }
0x4d: {  	_ =	shalt  }
0x4e: {  	_ =	shalt  }
0x4f: {  	_ =	shalt  }
0x50: {  	_ =	shalt  }
0x51: {  	_ =	shalt  }
0x52: {  	_ =	shalt  }
0x53: {  	_ =	shalt  }
0x54: {  	_ =	shalt  }
0x55: {  	_ =	shalt  }
0x56: {  	_ =	shalt  }
0x57: {  	_ =	shalt  }
0x58: {  	_ =	shalt  }
0x59: {  	_ =	shalt  }
0x5a: {  	_ =	shalt  }
0x5b: {  	_ =	shalt  }
0x5c: {  	_ =	shalt  }
0x5d: {  	_ =	shalt  }
0x5e: {  	_ =	shalt  }
0x5f: {  	_ =	shalt  }
0x60: {  	_ =	shalt  }
0x61: {  	_ =	shalt  }
0x62: {  	_ =	shalt  }
0x63: {  	_ =	shalt  }
0x64: {  	_ =	shalt  }
0x65: {  	_ =	shalt  }
0x66: {  	_ =	shalt  }
0x67: {  	_ =	shalt  }
0x68: {  	_ =	shalt  }
0x69: {  	_ =	shalt  }
0x6a: {  	_ =	shalt  }
0x6b: {  	_ =	shalt  }
0x6c: {  	_ =	shalt  }
0x6d: {  	_ =	shalt  }
0x6e: {  	_ =	shalt  }
0x6f: {  	_ =	shalt  }
0x70: {  	_ =	shalt  }
0x71: {  	_ =	shalt  }
0x72: {  	_ =	shalt  }
0x73: {  	_ =	shalt  }
0x74: {  	_ =	shalt  }
0x75: {  	_ =	shalt  }
0x76: {  	_ =	shalt  }
0x77: {  	_ =	shalt  }
0x78: {  	_ =	shalt  }
0x79: {  	_ =	shalt  }
0x7a: {  	_ =	shalt  }
0x7b: {  	_ =	shalt  }
0x7c: {  	_ =	shalt  }
0x7d: {  	_ =	shalt  }
0x7e: {  	_ =	shalt  }
0x7f: {  	_ =	shalt  }
0x80: {  	_ =	shalt  }
0x81: {  	_ =	shalt  }
0x82: {  	_ =	shalt  }
0x83: {  	_ =	shalt  }
0x84: {  	_ =	shalt  }
0x85: {  	_ =	shalt  }
0x86: {  	_ =	shalt  }
0x87: {  	_ =	shalt  }
.Lfunc_end0:
.L_simem_size_0:
called_computation_lowered:
.L_overlay_start_0:
0x88: {  	s2 =	sld [smem:$0x3FD9]  }
0x89: {  	s3 =	sld [smem:$0x3FFE];
	_ =	sdelay $0x1  }
0x8a: {  	s1 =	srdreg.scid  }
0x8b: {  	s0 =	sand.u32 $0x1, s1  }
0x8c: {  	s16 =	sshll.u32 s0, $0xA;
	s2 =	sadd.s32 s3, s2  }
0x8d: {  	s2 =	sadd.s32 s2, s16  }
0x8e: {  	[smem:$0x3FBE] =	sst s2  }
0x8f: {  	_ = 	snop  }
0x90: {  	(tm) =	ssettm $0x1  }
0x91: {  	s17 =	sld [smem:$0x3FFB];
	_ =	sdelay $0x3  }
0x92: {  	_ =	strace s17  }
0x93: {  	s2 =	sld [smem:$0x3FFC];
	_ =	sdelay $0x3  }
0x94: {  	_ =	strace s2  }
0x95: {  	s2 =	sld [smem:$0x3FFD];
	_ =	sdelay $0x3  }
0x96: {  	_ =	strace s2  }
0x97: {  	_ =	strace $0x8FFFFFFF  }
0x98: {  	s18 =	sld [smem:$0x3FDB];
	_ =	sdelay $0x1  }
0x99: {  	s19 =	simm.s32 $_scs_section_size  }
0x9a: {  	s4 =	simm.s32 $_size__tile_overlayer_lowered;
	s5 =	simm.s32 $_tile_overlayer_lowered  }
0x9b: {  	s22 =	simm.s32 $0x1BFF;
	s21 =	sshll.u32 s5, $0x1;
	s2 =	sadd.s32 s19, s18  }
0x9c: {  	s6 =	simm.s32 $0x0;
	s20 =	sshll.u32 s4, $0x1;
	s4 =	sadd.s32 s21, s2  }
0x9d: {  	[timem:s6], [sflag:s22] =	dma.local [hbm:s4], s20  }
0x9e: {  	_ =	swait.ge [sflag:s22], s20  }
0x9f: {  	s3 =	ssub.s32 $0x0, s20;
	[sflag:s22] =	ssyncset.done $0x0  }
0xa0: {  	[sflag:s22] =	ssyncadd.s32 s3;
	_ =	sdelay $0x1  }
0xa1: {  	s23 =	simm.s32 $0x1B8B  }
0xa2: {  	_ =	swait.ge [sflag:s23], $0x1  }
0xa3: {  	[sflag:s23] =	ssyncset.done $0x0  }
0xa4: {  	s25 =	simm.s32 $0x1B8E;
	s24 =	sld [smem:$0x3FFE];
	[sflag:s23] =	ssyncadd.s32 $0xFFFFFFFF  }
0xa5: {  	s26 =	simm.s32 $execute0_lowered;
	[smem:$0x3FD2] =	sst s25  }
0xa6: {  	s4 =	sshll.u32 s26, $0x1;
	_ =	strace $0x80000046;
	[dreg:$0x1] =	wrdreg $0xFFFFFFFF  }
0xa7: {  	s28 =	simm.s32 $_size_execute0_lowered;
	s2 =	sadd.s32 s2, s4;
	[dreg:$0x0] =	wrdreg $0x0  }
0xa8: {  	s4 =	sshll.u32 s28, $0x1;
	[dreg:$0x2] =	wrdreg s2  }
0xa9: {  	[dreg:$0x3] =	wrdreg s4  }
0xaa: {  	[dreg:$0x4] =	wrdreg $0xC0  }
0xab: {  	_ =	task [dreg:s6], $0x5FFFF  }
0xac: {  	[dreg:$0x1] =	wrdreg $0xFFFFFFFF  }
0xad: {  	[dreg:$0x0] =	wrdreg $0x60  }
0xae: {  	[dreg:$0x2] =	wrdreg s24  }
0xaf: {  	[dreg:$0x3] =	wrdreg $0x9  }
0xb0: {  	_ =	task.clear_ibuf [dreg:s6], $0x4FFFF;
	_ =	strace $0x90000046  }
0xb1: {  	s29 =	simm.s32 $0x9;
	_ =	strace $0x80000048  }
0xb2: {  	_ =	swait.ge [sflag:s29], $0x1  }
0xb3: {  	[sflag:s29] =	ssyncadd.s32 $0xFFFFFFFF  }
0xb4: {  	_ =	strace $0x90000048  }
0xb5: {  	_ =	sfence  }
0xb6: {  	s30 =	sld [smem:$0x0];
	_ =	sdelay $0x2  }
0xb7: {  	s31 =	sshll.u32 s1, $0xD;
	s1 =	sshrl.u32 s1, $0x2  }
0xb8: {  	s3 =	sand.u32 $0x4000, s31;
	s1 =	sadd.s32 s1, s30  }
0xb9: {  	s0 =	sor.u32 s3, s0;
	s1 =	sshll.u32 s1, $0x11  }
0xba: {  	s0 =	sor.u32 s1, s0  }
0xbb: {  	s0 =	sadd.s32 $0x8F2B, s0  }
0xbc: {  	[sflag:s0] =	ssyncadd.remote.s32 $0x1  }
0xbd: {  	_ =	sfence.sel $0xFFFF  }
0xbe: {  	[dreg:$0x0] =	wrdreg $0xFFFFFFFF;
	(pc) =	sbr.abs _section_cstart, $3  }
0xbf: {  	[dreg:$0x1] =	wrdreg $0xFFFFFFFF  }
0xc0: {  	_ =	task.clear_ibuf [dreg:s6], $0x2FFFF;
	_ =	strace $0x9FFFFFFF  }
0xc1: {  	(tm) =	ssettm $0x7FFFFFFF  }
tec
execute0_lowered:
.L_overlay_start_1:
0x0: {  	(tag) =	ssettag $0x1  }
0x1: {  	s1 =	srdreg.scid;
	s5 =	rddreg [dreg:$0x0]  }
0x2: {  	s2 =	simm.s32 $0x0;
	s7 =	sand.u32 $0x1, s1;
	s1 =	rddreg [dreg:$0x1]  }
0x3: {  	s0 =	stileid.u32;
	s10 =	simm.s32 $0x6300;
	[smem:$0x7FF] =	sst s2  }
0x4: {  	s22 =	simm.s32 $0xC700;
	_ =	strace $0x80000047;
	[dreg:$0x2] =	wrdreg s10  }
0x5: {  	s23 =	simm.s32 $0x7700;
	s24 =	simm.s32 $0xDB00;
	[dreg:$0x3] =	wrdreg s22  }
0x6: {  	s25 =	simm.s32 $0x8B00;
	s26 =	simm.s32 $0xEF00;
	[dreg:$0x4] =	wrdreg s23  }
0x7: {  	s29 =	simm.s32 $0x9F00;
	s30 =	simm.s32 $0x10300;
	[dreg:$0x5] =	wrdreg s24  }
0x8: {  	s31 =	simm.s32 $0x12B00;
	s12 =	simm.s32 $0x18F00;
	[dreg:$0x6] =	wrdreg s25  }
0x9: {  	s13 =	simm.s32 $0x13F00;
	s14 =	simm.s32 $0x1A300;
	[dreg:$0x7] =	wrdreg s26  }
0xa: {  	s15 =	simm.s32 $0x15300;
	s16 =	simm.s32 $0x1B700;
	[dreg:$0x8] =	wrdreg s29  }
0xb: {  	s17 =	simm.s32 $0x16700;
	s18 =	simm.s32 $0x1CB00;
	[dreg:$0x9] =	wrdreg s30  }
0xc: {  	s19 =	simm.s32 $0x2;
	s20 =	simm.s32 $0x3;
	[dreg:$0xa] =	wrdreg s31  }
0xd: {  	s3 =	sshll.u32 s0, $0x1;
	s8 =	smul.u32 $0x4E200, s0;
	[dreg:$0xb] =	wrdreg s12  }
0xe: {  	s3 =	sor.u32 s7, s3;
	s9 =	ssub.s32 $0x2, s7;
	[dreg:$0xc] =	wrdreg s13  }
0xf: {  	s11 =	smul.u32 $0x27100, s7;
	s10 =	simm.s32 $0x5;
	[dreg:$0xd] =	wrdreg s14  }
0x10: {  	s12 =	simm.s32 $0x11700;
	s13 =	simm.s32 $0x17B00;
	[dreg:$0xe] =	wrdreg s15  }
0x11: {  	s14 =	simm.s32 $0x28;
	s15 =	simm.s32 $0x4F00;
	[dreg:$0xf] =	wrdreg s16  }
0x12: {  	s16 =	simm.s32 $0xB300;
	[dreg:$0x10] =	wrdreg s17;
	s17 =	simm.s32 $0x4  }
0x13: {  	[dreg:$0x11] =	wrdreg s18;
	s18 =	simm.s32 $0x1;
	s4 =	smul.u32 $0x2710, s3  }
0x14: {  	s3 =	sadd.s32 $0x15E00, s5;
	s8 =	sadd.s32 s8, s5;
	s21 =	sshrl.u32 s9, $0x1  }
0x15: {  	s9 =	ssub.s32 s9, s21;
	s28 =	sadd.s32 s11, s8;
	s11 =	simm.s32 $0x2780  }
0x16: {  	s21 =	simm.s32 $0x0;
	s6 =	sshrl.u32 s4, $0x3;
	s4 =	sadd.s32 $0x3D000, s5  }
0x17: {  	s7 =	smax.u32 s9, $0x1;
	s8 =	sadd.s32 $0x64200, s28;
	s6 =	sadd.s32 s6, s5  }
0x18: {  	s9 =	sadd.s32 $0x546200, s28;
	s5 =	sadd.s32 $0xC000, s6;
	s6 =	sadd.s32 $0x2200, s6  }
.LBB2_1:
0x19: {  	[tilespmem:s2], [sflag:$0x5] =	stream.linear.gather [hbm4b:s5+s2], $0x2710, $0x38;
	[tilespmem:$0x1DF00] =	vst v63  }
0x1a: {  	_ =	swait.ge [sflag:s10], $0x2710  }
0x1b: {  	[sflag:s10] =	ssyncset.done $0x0  }
0x1c: {  	[sflag:s10] =	ssyncadd.s32 $0xFFFFD8F0  }
0x1d: {  	[tilespmem:s11], [sflag:$0x5] =	stream.linear.gather [hbm4b:s6+s2], $0x2710, $0x38;
	[tilespmem:$0x1DF00] =	vst v63  }
0x1e: {  	_ =	swait.ge [sflag:s10], $0x2710  }
0x1f: {  	[sflag:s10] =	ssyncset.done $0x0  }
0x20: {  	[sflag:s10] =	ssyncadd.s32 $0xFFFFD8F0  }
0x21: {  	[tilespmem:s12], [sflag:$0x4] =	stream.linear.gather [hbm4b:s3+s2], $0x6400, $0x38;
	[tilespmem:$0x1DF00] =	vst v63  }
0x22: {  	_ = 	snop  }
0x23: {  	[tilespmem:s13], [sflag:$0x4] =	stream.linear.gather [hbm4b:s3+s2], $0x6400, $0x38;
	[tilespmem:$0x1DF00] =	vst v63  }
0x24: {  	s22 =	simm.s32 $0x0  }
0x25: {  	[tilespmem:s15], [sflag:$0x1] =	stream.indirect.gather [hbm4b:s3+s14], $0x80, s22, s14, $0xb8;
	[tilespmem:$0x1DF00] =	vst v63  }
0x26: {  	s24 =	simm.s32 $0x2780  }
0x27: {  	[tilespmem:s16], [sflag:$0x1] =	stream.indirect.gather [hbm4b:s4+s14], $0x80, s24, s14, $0xb8;
	[tilespmem:$0x1DF00] =	vst v63  }
0x28: {  	s25 =	simm.s32 $0x28;
	s23 =	rddreg [dreg:$0x2]  }
0x29: {  	[tilespmem:s23], [sflag:$0x1] =	stream.indirect.gather [hbm4b:s3+s14], $0x80, s25, s14, $0xb8;
	[tilespmem:$0x1DF00] =	vst v63  }
0x2a: {  	s26 =	simm.s32 $0x27A8;
	s24 =	rddreg [dreg:$0x3]  }
0x2b: {  	[tilespmem:s24], [sflag:$0x1] =	stream.indirect.gather [hbm4b:s4+s14], $0x80, s26, s14, $0xb8;
	[tilespmem:$0x1DF00] =	vst v63  }
0x2c: {  	s30 =	simm.s32 $0x50;
	s29 =	rddreg [dreg:$0x4]  }
0x2d: {  	[tilespmem:s29], [sflag:$0x1] =	stream.indirect.gather [hbm4b:s3+s14], $0x80, s30, s14, $0xb8;
	[tilespmem:$0x1DF00] =	vst v63  }
0x2e: {  	s31 =	rddreg [dreg:$0x5];
	s23 =	simm.s32 $0x27D0  }
0x2f: {  	[tilespmem:s31], [sflag:$0x1] =	stream.indirect.gather [hbm4b:s4+s14], $0x80, s23, s14, $0xb8;
	[tilespmem:$0x1DF00] =	vst v63  }
0x30: {  	s25 =	rddreg [dreg:$0x6];
	s26 =	simm.s32 $0x78  }
0x31: {  	[tilespmem:s25], [sflag:$0x1] =	stream.indirect.gather [hbm4b:s3+s14], $0x80, s26, s14, $0xb8;
	[tilespmem:$0x1DF00] =	vst v63  }
0x32: {  	s29 =	rddreg [dreg:$0x7];
	s30 =	simm.s32 $0x27F8  }
0x33: {  	[tilespmem:s29], [sflag:$0x1] =	stream.indirect.gather [hbm4b:s4+s14], $0x80, s30, s14, $0xb8;
	[tilespmem:$0x1DF00] =	vst v63  }
0x34: {  	s24 =	simm.s32 $0xA0;
	s31 =	rddreg [dreg:$0x8]  }
0x35: {  	[tilespmem:s31], [sflag:$0x1] =	stream.indirect.gather [hbm4b:s3+s14], $0x80, s24, s14, $0xb8;
	[tilespmem:$0x1DF00] =	vst v63  }
0x36: {  	s25 =	rddreg [dreg:$0x9];
	s26 =	simm.s32 $0x2820  }
0x37: {  	[tilespmem:s25], [sflag:$0x1] =	stream.indirect.gather [hbm4b:s4+s14], $0x80, s26, s14, $0xb8;
	[tilespmem:$0x1DF00] =	vst v63  }
0x38: {  	_ =	swait.ge [sflag:s17], $0x6400  }
0x39: {  	[sflag:s17] =	ssyncset.done $0x0  }
0x3a: {  	[sflag:s17] =	ssyncadd.s32 $0xFFFF9C00  }
0x3b: {  	_ =	swait.ge [sflag:s17], $0x6400  }
0x3c: {  	[sflag:s17] =	ssyncset.done $0x0  }
0x3d: {  	s29 =	simm.s32 $0xC8;
	[sflag:s17] =	ssyncadd.s32 $0xFFFF9C00  }
0x3e: {  	[tilespmem:s12], [sflag:$0x2] =	stream.indirect.gather [hbm4b:s3+s14], $0x80, s29, s14, $0xb8;
	[tilespmem:$0x1DF00] =	vst v63  }
0x3f: {  	s30 =	simm.s32 $0x2848  }
0x40: {  	[tilespmem:s13], [sflag:$0x2] =	stream.indirect.gather [hbm4b:s4+s14], $0x80, s30, s14, $0xb8;
	[tilespmem:$0x1DF00] =	vst v63  }
0x41: {  	s24 =	simm.s32 $0xF0;
	s31 =	rddreg [dreg:$0xa]  }
0x42: {  	[tilespmem:s31], [sflag:$0x2] =	stream.indirect.gather [hbm4b:s3+s14], $0x80, s24, s14, $0xb8;
	[tilespmem:$0x1DF00] =	vst v63  }
0x43: {  	s26 =	simm.s32 $0x2870;
	s25 =	rddreg [dreg:$0xb]  }
0x44: {  	[tilespmem:s25], [sflag:$0x2] =	stream.indirect.gather [hbm4b:s4+s14], $0x80, s26, s14, $0xb8;
	[tilespmem:$0x1DF00] =	vst v63  }
0x45: {  	s29 =	rddreg [dreg:$0xc];
	s30 =	simm.s32 $0x118  }
0x46: {  	[tilespmem:s29], [sflag:$0x2] =	stream.indirect.gather [hbm4b:s3+s14], $0x80, s30, s14, $0xb8;
	[tilespmem:$0x1DF00] =	vst v63  }
0x47: {  	s23 =	simm.s32 $0x2898;
	s31 =	rddreg [dreg:$0xd]  }
0x48: {  	[tilespmem:s31], [sflag:$0x2] =	stream.indirect.gather [hbm4b:s4+s14], $0x80, s23, s14, $0xb8;
	[tilespmem:$0x1DF00] =	vst v63  }
0x49: {  	s25 =	rddreg [dreg:$0xe];
	s26 =	simm.s32 $0x140  }
0x4a: {  	[tilespmem:s25], [sflag:$0x2] =	stream.indirect.gather [hbm4b:s3+s14], $0x80, s26, s14, $0xb8;
	[tilespmem:$0x1DF00] =	vst v63  }
0x4b: {  	s29 =	rddreg [dreg:$0xf];
	s30 =	simm.s32 $0x28C0  }
0x4c: {  	[tilespmem:s29], [sflag:$0x2] =	stream.indirect.gather [hbm4b:s4+s14], $0x80, s30, s14, $0xb8;
	[tilespmem:$0x1DF00] =	vst v63  }
0x4d: {  	s31 =	rddreg [dreg:$0x10];
	s25 =	simm.s32 $0x168  }
0x4e: {  	[tilespmem:s31], [sflag:$0x2] =	stream.indirect.gather [hbm4b:s3+s14], $0x80, s25, s14, $0xb8;
	[tilespmem:$0x1DF00] =	vst v63  }
0x4f: {  	s26 =	rddreg [dreg:$0x11];
	s29 =	simm.s32 $0x28E8  }
0x50: {  	[tilespmem:s26], [sflag:$0x2] =	stream.indirect.gather [hbm4b:s4+s14], $0x80, s29, s14, $0xb8;
	[tilespmem:$0x1DF00] =	vst v63  }
0x51: {  	_ =	swait.ge [sflag:s18], $0x1400  }
0x52: {  	[sflag:s18] =	ssyncset.done $0x0  }
0x53: {  	[sflag:s18] =	ssyncadd.s32 $0xFFFFEC00  }
0x54: {  	_ =	swait.ge [sflag:s18], $0x1400  }
0x55: {  	[sflag:s18] =	ssyncset.done $0x0  }
0x56: {  	[sflag:s18] =	ssyncadd.s32 $0xFFFFEC00  }
0x57: {  	_ =	swait.ge [sflag:s18], $0x1400  }
0x58: {  	[sflag:s18] =	ssyncset.done $0x0  }
0x59: {  	[sflag:s18] =	ssyncadd.s32 $0xFFFFEC00  }
0x5a: {  	_ =	swait.ge [sflag:s18], $0x1400  }
0x5b: {  	[sflag:s18] =	ssyncset.done $0x0  }
0x5c: {  	[sflag:s18] =	ssyncadd.s32 $0xFFFFEC00  }
0x5d: {  	_ =	swait.ge [sflag:s18], $0x1400  }
0x5e: {  	[sflag:s18] =	ssyncset.done $0x0  }
0x5f: {  	[sflag:s18] =	ssyncadd.s32 $0xFFFFEC00  }
0x60: {  	_ =	swait.ge [sflag:s18], $0x1400  }
0x61: {  	[sflag:s18] =	ssyncset.done $0x0  }
0x62: {  	[sflag:s18] =	ssyncadd.s32 $0xFFFFEC00  }
0x63: {  	_ =	swait.ge [sflag:s18], $0x1400  }
0x64: {  	[sflag:s18] =	ssyncset.done $0x0  }
0x65: {  	[sflag:s18] =	ssyncadd.s32 $0xFFFFEC00  }
0x66: {  	_ =	swait.ge [sflag:s18], $0x1400  }
0x67: {  	[sflag:s18] =	ssyncset.done $0x0  }
0x68: {  	[sflag:s18] =	ssyncadd.s32 $0xFFFFEC00  }
0x69: {  	_ =	swait.ge [sflag:s18], $0x1400  }
0x6a: {  	[sflag:s18] =	ssyncset.done $0x0  }
0x6b: {  	[sflag:s18] =	ssyncadd.s32 $0xFFFFEC00  }
0x6c: {  	_ =	swait.ge [sflag:s18], $0x1400  }
0x6d: {  	[sflag:s18] =	ssyncset.done $0x0  }
0x6e: {  	[sflag:s18] =	ssyncadd.s32 $0xFFFFEC00  }
0x6f: {  	[hbm4b:s8+s2] =	stream.linear.scatter [tilespmem:s15], [sflag:$0x3], $0x6400, $0x38;
	[tilespmem:$0x1DF00] =	vst v63  }
0x70: {  	_ = 	snop  }
0x71: {  	[hbm4b:s9+s2] =	stream.linear.scatter [tilespmem:s16], [sflag:$0x3], $0x6400, $0x38;
	[tilespmem:$0x1DF00] =	vst v63  }
0x72: {  	_ =	swait.ge [sflag:s19], $0x1400  }
0x73: {  	[sflag:s19] =	ssyncset.done $0x0  }
0x74: {  	[sflag:s19] =	ssyncadd.s32 $0xFFFFEC00  }
0x75: {  	_ =	swait.ge [sflag:s19], $0x1400  }
0x76: {  	[sflag:s19] =	ssyncset.done $0x0  }
0x77: {  	[sflag:s19] =	ssyncadd.s32 $0xFFFFEC00  }
0x78: {  	_ =	swait.ge [sflag:s19], $0x1400  }
0x79: {  	[sflag:s19] =	ssyncset.done $0x0  }
0x7a: {  	[sflag:s19] =	ssyncadd.s32 $0xFFFFEC00  }
0x7b: {  	_ =	swait.ge [sflag:s19], $0x1400  }
0x7c: {  	[sflag:s19] =	ssyncset.done $0x0  }
0x7d: {  	[sflag:s19] =	ssyncadd.s32 $0xFFFFEC00  }
0x7e: {  	_ =	swait.ge [sflag:s19], $0x1400  }
0x7f: {  	[sflag:s19] =	ssyncset.done $0x0  }
0x80: {  	[sflag:s19] =	ssyncadd.s32 $0xFFFFEC00  }
0x81: {  	_ =	swait.ge [sflag:s19], $0x1400  }
0x82: {  	[sflag:s19] =	ssyncset.done $0x0  }
0x83: {  	[sflag:s19] =	ssyncadd.s32 $0xFFFFEC00  }
0x84: {  	_ =	swait.ge [sflag:s19], $0x1400  }
0x85: {  	[sflag:s19] =	ssyncset.done $0x0  }
0x86: {  	[sflag:s19] =	ssyncadd.s32 $0xFFFFEC00  }
0x87: {  	_ =	swait.ge [sflag:s19], $0x1400  }
0x88: {  	[sflag:s19] =	ssyncset.done $0x0  }
0x89: {  	[sflag:s19] =	ssyncadd.s32 $0xFFFFEC00  }
0x8a: {  	_ =	swait.ge [sflag:s19], $0x1400  }
0x8b: {  	[sflag:s19] =	ssyncset.done $0x0  }
0x8c: {  	[sflag:s19] =	ssyncadd.s32 $0xFFFFEC00  }
0x8d: {  	_ =	swait.ge [sflag:s19], $0x1400  }
0x8e: {  	[sflag:s19] =	ssyncset.done $0x0  }
0x8f: {  	s30 =	sadd.s32 $0xC80, s8;
	[sflag:s19] =	ssyncadd.s32 $0xFFFFEC00  }
0x90: {  	[hbm4b:s30+s2] =	stream.linear.scatter [tilespmem:s12], [sflag:$0x4], $0x6400, $0x38;
	[tilespmem:$0x1DF00] =	vst v63  }
0x91: {  	s31 =	sadd.s32 $0xC80, s9  }
0x92: {  	[hbm4b:s31+s2] =	stream.linear.scatter [tilespmem:s13], [sflag:$0x4], $0x6400, $0x38;
	[tilespmem:$0x1DF00] =	vst v63  }
0x93: {  	_ =	swait.ge [sflag:s20], $0x6400  }
0x94: {  	[sflag:s20] =	ssyncset.done $0x0  }
0x95: {  	[sflag:s20] =	ssyncadd.s32 $0xFFFF9C00  }
0x96: {  	s28 =	simm.s32 $0xC80;
	s22 =	sadd.s32 $0x1900, s9;
	_ =	swait.ge [sflag:s20], $0x6400  }
0x97: {  	s24 =	simm.s32 $0x640;
	s23 =	sadd.s32 $0x1900, s8;
	[sflag:s20] =	ssyncset.done $0x0  }
.LBB2_2:
0x98: {  	s26 =	sshra.s32 s24, $0x2;
	[sflag:s20] =	ssyncadd.s32 $0xFFFF9C00;
	s24 =	smov.u32 s28  }
0x99: {  	[tilespmem:s15], [sflag:$0x1] =	stream.indirect.gather [hbm4b:s3+s14], $0x80, s26, s14, $0xb8;
	[tilespmem:$0x1DF00] =	vst v63  }
0x9a: {  	s25 =	sadd.s32 $0x640, s28;
	p0 =	sne.s32 s28, $0x9600;
	s28 =	sadd.s32 $0x2780, s26  }
0x9b: {  	[tilespmem:s16], [sflag:$0x1] =	stream.indirect.gather [hbm4b:s4+s14], $0x80, s28, s14, $0xb8;
	[tilespmem:$0x1DF00] =	vst v63  }
0x9c: {  	s29 =	rddreg [dreg:$0x2];
	s28 =	sadd.s32 $0x28, s26  }
0x9d: {  	[tilespmem:s29], [sflag:$0x1] =	stream.indirect.gather [hbm4b:s3+s14], $0x80, s28, s14, $0xb8;
	[tilespmem:$0x1DF00] =	vst v63  }
0x9e: {  	s30 =	rddreg [dreg:$0x3];
	s28 =	sadd.s32 $0x27A8, s26  }
0x9f: {  	[tilespmem:s30], [sflag:$0x1] =	stream.indirect.gather [hbm4b:s4+s14], $0x80, s28, s14, $0xb8;
	[tilespmem:$0x1DF00] =	vst v63  }
0xa0: {  	s29 =	rddreg [dreg:$0x4];
	s28 =	sadd.s32 $0x50, s26  }
0xa1: {  	[tilespmem:s29], [sflag:$0x1] =	stream.indirect.gather [hbm4b:s3+s14], $0x80, s28, s14, $0xb8;
	[tilespmem:$0x1DF00] =	vst v63  }
0xa2: {  	s31 =	rddreg [dreg:$0x5];
	s28 =	sadd.s32 $0x27D0, s26  }
0xa3: {  	[tilespmem:s31], [sflag:$0x1] =	stream.indirect.gather [hbm4b:s4+s14], $0x80, s28, s14, $0xb8;
	[tilespmem:$0x1DF00] =	vst v63  }
0xa4: {  	s29 =	rddreg [dreg:$0x6];
	s28 =	sadd.s32 $0x78, s26  }
0xa5: {  	[tilespmem:s29], [sflag:$0x1] =	stream.indirect.gather [hbm4b:s3+s14], $0x80, s28, s14, $0xb8;
	[tilespmem:$0x1DF00] =	vst v63  }
0xa6: {  	s31 =	rddreg [dreg:$0x7];
	s28 =	sadd.s32 $0x27F8, s26  }
0xa7: {  	[tilespmem:s31], [sflag:$0x1] =	stream.indirect.gather [hbm4b:s4+s14], $0x80, s28, s14, $0xb8;
	[tilespmem:$0x1DF00] =	vst v63  }
0xa8: {  	s29 =	rddreg [dreg:$0x8];
	s28 =	sadd.s32 $0xA0, s26  }
0xa9: {  	[tilespmem:s29], [sflag:$0x1] =	stream.indirect.gather [hbm4b:s3+s14], $0x80, s28, s14, $0xb8;
	[tilespmem:$0x1DF00] =	vst v63  }
0xaa: {  	s31 =	rddreg [dreg:$0x9];
	s28 =	sadd.s32 $0x2820, s26  }
0xab: {  	[tilespmem:s31], [sflag:$0x1] =	stream.indirect.gather [hbm4b:s4+s14], $0x80, s28, s14, $0xb8;
	[tilespmem:$0x1DF00] =	vst v63  }
0xac: {  	_ =	swait.ge [sflag:s17], $0x6400  }
0xad: {  	[sflag:s17] =	ssyncset.done $0x0  }
0xae: {  	[sflag:s17] =	ssyncadd.s32 $0xFFFF9C00  }
0xaf: {  	_ =	swait.ge [sflag:s17], $0x6400  }
0xb0: {  	[sflag:s17] =	ssyncset.done $0x0  }
0xb1: {  	s28 =	sadd.s32 $0xC8, s26;
	[sflag:s17] =	ssyncadd.s32 $0xFFFF9C00  }
0xb2: {  	[tilespmem:s12], [sflag:$0x2] =	stream.indirect.gather [hbm4b:s3+s14], $0x80, s28, s14, $0xb8;
	[tilespmem:$0x1DF00] =	vst v63  }
0xb3: {  	s28 =	sadd.s32 $0x2848, s26  }
0xb4: {  	[tilespmem:s13], [sflag:$0x2] =	stream.indirect.gather [hbm4b:s4+s14], $0x80, s28, s14, $0xb8;
	[tilespmem:$0x1DF00] =	vst v63  }
0xb5: {  	s29 =	rddreg [dreg:$0xa];
	s28 =	sadd.s32 $0xF0, s26  }
0xb6: {  	[tilespmem:s29], [sflag:$0x2] =	stream.indirect.gather [hbm4b:s3+s14], $0x80, s28, s14, $0xb8;
	[tilespmem:$0x1DF00] =	vst v63  }
0xb7: {  	s31 =	rddreg [dreg:$0xb];
	s28 =	sadd.s32 $0x2870, s26  }
0xb8: {  	[tilespmem:s31], [sflag:$0x2] =	stream.indirect.gather [hbm4b:s4+s14], $0x80, s28, s14, $0xb8;
	[tilespmem:$0x1DF00] =	vst v63  }
0xb9: {  	s29 =	rddreg [dreg:$0xc];
	s28 =	sadd.s32 $0x118, s26  }
0xba: {  	[tilespmem:s29], [sflag:$0x2] =	stream.indirect.gather [hbm4b:s3+s14], $0x80, s28, s14, $0xb8;
	[tilespmem:$0x1DF00] =	vst v63  }
0xbb: {  	s31 =	rddreg [dreg:$0xd];
	s28 =	sadd.s32 $0x2898, s26  }
0xbc: {  	[tilespmem:s31], [sflag:$0x2] =	stream.indirect.gather [hbm4b:s4+s14], $0x80, s28, s14, $0xb8;
	[tilespmem:$0x1DF00] =	vst v63  }
0xbd: {  	s29 =	rddreg [dreg:$0xe];
	s28 =	sadd.s32 $0x140, s26  }
0xbe: {  	[tilespmem:s29], [sflag:$0x2] =	stream.indirect.gather [hbm4b:s3+s14], $0x80, s28, s14, $0xb8;
	[tilespmem:$0x1DF00] =	vst v63  }
0xbf: {  	s31 =	rddreg [dreg:$0xf];
	s28 =	sadd.s32 $0x28C0, s26  }
0xc0: {  	[tilespmem:s31], [sflag:$0x2] =	stream.indirect.gather [hbm4b:s4+s14], $0x80, s28, s14, $0xb8;
	[tilespmem:$0x1DF00] =	vst v63  }
0xc1: {  	s29 =	rddreg [dreg:$0x10];
	s28 =	sadd.s32 $0x168, s26  }
0xc2: {  	[tilespmem:s29], [sflag:$0x2] =	stream.indirect.gather [hbm4b:s3+s14], $0x80, s28, s14, $0xb8;
	[tilespmem:$0x1DF00] =	vst v63  }
0xc3: {  	s31 =	rddreg [dreg:$0x11];
	s26 =	sadd.s32 $0x28E8, s26  }
0xc4: {  	[tilespmem:s31], [sflag:$0x2] =	stream.indirect.gather [hbm4b:s4+s14], $0x80, s26, s14, $0xb8;
	[tilespmem:$0x1DF00] =	vst v63  }
0xc5: {  	_ =	swait.ge [sflag:s18], $0x1400  }
0xc6: {  	[sflag:s18] =	ssyncset.done $0x0  }
0xc7: {  	[sflag:s18] =	ssyncadd.s32 $0xFFFFEC00  }
0xc8: {  	_ =	swait.ge [sflag:s18], $0x1400  }
0xc9: {  	[sflag:s18] =	ssyncset.done $0x0  }
0xca: {  	[sflag:s18] =	ssyncadd.s32 $0xFFFFEC00  }
0xcb: {  	_ =	swait.ge [sflag:s18], $0x1400  }
0xcc: {  	[sflag:s18] =	ssyncset.done $0x0  }
0xcd: {  	[sflag:s18] =	ssyncadd.s32 $0xFFFFEC00  }
0xce: {  	_ =	swait.ge [sflag:s18], $0x1400  }
0xcf: {  	[sflag:s18] =	ssyncset.done $0x0  }
0xd0: {  	[sflag:s18] =	ssyncadd.s32 $0xFFFFEC00  }
0xd1: {  	_ =	swait.ge [sflag:s18], $0x1400  }
0xd2: {  	[sflag:s18] =	ssyncset.done $0x0  }
0xd3: {  	[sflag:s18] =	ssyncadd.s32 $0xFFFFEC00  }
0xd4: {  	_ =	swait.ge [sflag:s18], $0x1400  }
0xd5: {  	[sflag:s18] =	ssyncset.done $0x0  }
0xd6: {  	[sflag:s18] =	ssyncadd.s32 $0xFFFFEC00  }
0xd7: {  	_ =	swait.ge [sflag:s18], $0x1400  }
0xd8: {  	[sflag:s18] =	ssyncset.done $0x0  }
0xd9: {  	[sflag:s18] =	ssyncadd.s32 $0xFFFFEC00  }
0xda: {  	_ =	swait.ge [sflag:s18], $0x1400  }
0xdb: {  	[sflag:s18] =	ssyncset.done $0x0  }
0xdc: {  	[sflag:s18] =	ssyncadd.s32 $0xFFFFEC00  }
0xdd: {  	_ =	swait.ge [sflag:s18], $0x1400  }
0xde: {  	[sflag:s18] =	ssyncset.done $0x0  }
0xdf: {  	[sflag:s18] =	ssyncadd.s32 $0xFFFFEC00  }
0xe0: {  	_ =	swait.ge [sflag:s18], $0x1400  }
0xe1: {  	[sflag:s18] =	ssyncset.done $0x0  }
0xe2: {  	[sflag:s18] =	ssyncadd.s32 $0xFFFFEC00  }
0xe3: {  	[hbm4b:s23+s2] =	stream.linear.scatter [tilespmem:s15], [sflag:$0x3], $0x6400, $0x38;
	[tilespmem:$0x1DF00] =	vst v63  }
0xe4: {  	_ = 	snop  }
0xe5: {  	[hbm4b:s22+s2] =	stream.linear.scatter [tilespmem:s16], [sflag:$0x3], $0x6400, $0x38;
	[tilespmem:$0x1DF00] =	vst v63  }
0xe6: {  	_ =	swait.ge [sflag:s19], $0x1400  }
0xe7: {  	[sflag:s19] =	ssyncset.done $0x0  }
0xe8: {  	[sflag:s19] =	ssyncadd.s32 $0xFFFFEC00  }
0xe9: {  	_ =	swait.ge [sflag:s19], $0x1400  }
0xea: {  	[sflag:s19] =	ssyncset.done $0x0  }
0xeb: {  	[sflag:s19] =	ssyncadd.s32 $0xFFFFEC00  }
0xec: {  	_ =	swait.ge [sflag:s19], $0x1400  }
0xed: {  	[sflag:s19] =	ssyncset.done $0x0  }
0xee: {  	[sflag:s19] =	ssyncadd.s32 $0xFFFFEC00  }
0xef: {  	_ =	swait.ge [sflag:s19], $0x1400  }
0xf0: {  	[sflag:s19] =	ssyncset.done $0x0  }
0xf1: {  	[sflag:s19] =	ssyncadd.s32 $0xFFFFEC00  }
0xf2: {  	_ =	swait.ge [sflag:s19], $0x1400  }
0xf3: {  	[sflag:s19] =	ssyncset.done $0x0  }
0xf4: {  	[sflag:s19] =	ssyncadd.s32 $0xFFFFEC00  }
0xf5: {  	_ =	swait.ge [sflag:s19], $0x1400  }
0xf6: {  	[sflag:s19] =	ssyncset.done $0x0  }
0xf7: {  	[sflag:s19] =	ssyncadd.s32 $0xFFFFEC00  }
0xf8: {  	_ =	swait.ge [sflag:s19], $0x1400  }
0xf9: {  	[sflag:s19] =	ssyncset.done $0x0  }
0xfa: {  	[sflag:s19] =	ssyncadd.s32 $0xFFFFEC00  }
0xfb: {  	_ =	swait.ge [sflag:s19], $0x1400  }
0xfc: {  	[sflag:s19] =	ssyncset.done $0x0  }
0xfd: {  	[sflag:s19] =	ssyncadd.s32 $0xFFFFEC00  }
0xfe: {  	_ =	swait.ge [sflag:s19], $0x1400  }
0xff: {  	[sflag:s19] =	ssyncset.done $0x0  }
0x100: {  	[sflag:s19] =	ssyncadd.s32 $0xFFFFEC00  }
0x101: {  	_ =	swait.ge [sflag:s19], $0x1400  }
0x102: {  	[sflag:s19] =	ssyncset.done $0x0  }
0x103: {  	s30 =	sadd.s32 $0xC80, s23;
	[sflag:s19] =	ssyncadd.s32 $0xFFFFEC00  }
0x104: {  	[hbm4b:s30+s2] =	stream.linear.scatter [tilespmem:s12], [sflag:$0x4], $0x6400, $0x38;
	[tilespmem:$0x1DF00] =	vst v63  }
0x105: {  	s31 =	sadd.s32 $0xC80, s22  }
0x106: {  	[hbm4b:s31+s2] =	stream.linear.scatter [tilespmem:s13], [sflag:$0x4], $0x6400, $0x38;
	[tilespmem:$0x1DF00] =	vst v63  }
.Ltmp0:
0x107: {  	_ =	swait.ge [sflag:s20], $0x6400;
	(pc) =	sbr.rel @p0 .LBB2_2-.Ltmp0, $4  }
0x108: {  	[sflag:s20] =	ssyncset.done $0x0  }
0x109: {  	[sflag:s20] =	ssyncadd.s32 $0xFFFF9C00  }
0x10a: {  	s28 =	smov.u32 s25;
	_ =	swait.ge [sflag:s20], $0x6400  }
0x10b: {  	s23 =	sadd.s32 $0x1900, s23;
	s22 =	sadd.s32 $0x1900, s22;
	[sflag:s20] =	ssyncset.done $0x0  }
0x10c: {  	s24 =	sshra.s32 s24, $0x2;
	[sflag:s20] =	ssyncadd.s32 $0xFFFF9C00  }
0x10d: {  	[tilespmem:s15], [sflag:$0x1] =	stream.indirect.gather [hbm4b:s3+s14], $0x80, s24, s14, $0xb8;
	[tilespmem:$0x1DF00] =	vst v63  }
0x10e: {  	s25 =	sadd.s32 $0x2780, s24  }
0x10f: {  	[tilespmem:s16], [sflag:$0x1] =	stream.indirect.gather [hbm4b:s4+s14], $0x80, s25, s14, $0xb8;
	[tilespmem:$0x1DF00] =	vst v63  }
0x110: {  	s26 =	rddreg [dreg:$0x2];
	s31 =	sadd.s32 $0x28, s24  }
0x111: {  	[tilespmem:s26], [sflag:$0x1] =	stream.indirect.gather [hbm4b:s3+s14], $0x80, s31, s14, $0xb8;
	[tilespmem:$0x1DF00] =	vst v63  }
0x112: {  	s28 =	rddreg [dreg:$0x3];
	s26 =	sadd.s32 $0x27A8, s24  }
0x113: {  	[tilespmem:s28], [sflag:$0x1] =	stream.indirect.gather [hbm4b:s4+s14], $0x80, s26, s14, $0xb8;
	[tilespmem:$0x1DF00] =	vst v63  }
0x114: {  	s29 =	rddreg [dreg:$0x4];
	s30 =	sadd.s32 $0x50, s24  }
0x115: {  	[tilespmem:s29], [sflag:$0x1] =	stream.indirect.gather [hbm4b:s3+s14], $0x80, s30, s14, $0xb8;
	[tilespmem:$0x1DF00] =	vst v63  }
0x116: {  	s31 =	rddreg [dreg:$0x5];
	s29 =	sadd.s32 $0x27D0, s24  }
0x117: {  	[tilespmem:s31], [sflag:$0x1] =	stream.indirect.gather [hbm4b:s4+s14], $0x80, s29, s14, $0xb8;
	[tilespmem:$0x1DF00] =	vst v63  }
0x118: {  	s30 =	rddreg [dreg:$0x6];
	s31 =	sadd.s32 $0x78, s24  }
0x119: {  	[tilespmem:s30], [sflag:$0x1] =	stream.indirect.gather [hbm4b:s3+s14], $0x80, s31, s14, $0xb8;
	[tilespmem:$0x1DF00] =	vst v63  }
0x11a: {  	s29 =	rddreg [dreg:$0x7];
	s30 =	sadd.s32 $0x27F8, s24  }
0x11b: {  	[tilespmem:s29], [sflag:$0x1] =	stream.indirect.gather [hbm4b:s4+s14], $0x80, s30, s14, $0xb8;
	[tilespmem:$0x1DF00] =	vst v63  }
0x11c: {  	s31 =	rddreg [dreg:$0x8];
	s29 =	sadd.s32 $0xA0, s24  }
0x11d: {  	[tilespmem:s31], [sflag:$0x1] =	stream.indirect.gather [hbm4b:s3+s14], $0x80, s29, s14, $0xb8;
	[tilespmem:$0x1DF00] =	vst v63  }
0x11e: {  	s30 =	rddreg [dreg:$0x9];
	s31 =	sadd.s32 $0x2820, s24  }
0x11f: {  	[tilespmem:s30], [sflag:$0x1] =	stream.indirect.gather [hbm4b:s4+s14], $0x80, s31, s14, $0xb8;
	[tilespmem:$0x1DF00] =	vst v63  }
0x120: {  	_ =	swait.ge [sflag:s17], $0x6400  }
0x121: {  	[sflag:s17] =	ssyncset.done $0x0  }
0x122: {  	[sflag:s17] =	ssyncadd.s32 $0xFFFF9C00  }
0x123: {  	_ =	swait.ge [sflag:s17], $0x6400  }
0x124: {  	[sflag:s17] =	ssyncset.done $0x0  }
0x125: {  	s26 =	sadd.s32 $0xC8, s24;
	[sflag:s17] =	ssyncadd.s32 $0xFFFF9C00  }
0x126: {  	[tilespmem:s12], [sflag:$0x2] =	stream.indirect.gather [hbm4b:s3+s14], $0x80, s26, s14, $0xb8;
	[tilespmem:$0x1DF00] =	vst v63  }
0x127: {  	s28 =	sadd.s32 $0x2848, s24  }
0x128: {  	[tilespmem:s13], [sflag:$0x2] =	stream.indirect.gather [hbm4b:s4+s14], $0x80, s28, s14, $0xb8;
	[tilespmem:$0x1DF00] =	vst v63  }
0x129: {  	s30 =	sadd.s32 $0xF0, s24;
	s29 =	rddreg [dreg:$0xa]  }
0x12a: {  	[tilespmem:s29], [sflag:$0x2] =	stream.indirect.gather [hbm4b:s3+s14], $0x80, s30, s14, $0xb8;
	[tilespmem:$0x1DF00] =	vst v63  }
0x12b: {  	s31 =	rddreg [dreg:$0xb];
	s26 =	sadd.s32 $0x2870, s24  }
0x12c: {  	[tilespmem:s31], [sflag:$0x2] =	stream.indirect.gather [hbm4b:s4+s14], $0x80, s26, s14, $0xb8;
	[tilespmem:$0x1DF00] =	vst v63  }
0x12d: {  	s29 =	rddreg [dreg:$0xc];
	s30 =	sadd.s32 $0x118, s24  }
0x12e: {  	[tilespmem:s29], [sflag:$0x2] =	stream.indirect.gather [hbm4b:s3+s14], $0x80, s30, s14, $0xb8;
	[tilespmem:$0x1DF00] =	vst v63  }
0x12f: {  	s31 =	rddreg [dreg:$0xd];
	s26 =	sadd.s32 $0x2898, s24  }
0x130: {  	[tilespmem:s31], [sflag:$0x2] =	stream.indirect.gather [hbm4b:s4+s14], $0x80, s26, s14, $0xb8;
	[tilespmem:$0x1DF00] =	vst v63  }
0x131: {  	s29 =	rddreg [dreg:$0xe];
	s30 =	sadd.s32 $0x140, s24  }
0x132: {  	[tilespmem:s29], [sflag:$0x2] =	stream.indirect.gather [hbm4b:s3+s14], $0x80, s30, s14, $0xb8;
	[tilespmem:$0x1DF00] =	vst v63  }
0x133: {  	s31 =	rddreg [dreg:$0xf];
	s29 =	sadd.s32 $0x28C0, s24  }
0x134: {  	[tilespmem:s31], [sflag:$0x2] =	stream.indirect.gather [hbm4b:s4+s14], $0x80, s29, s14, $0xb8;
	[tilespmem:$0x1DF00] =	vst v63  }
0x135: {  	s30 =	rddreg [dreg:$0x10];
	s31 =	sadd.s32 $0x168, s24  }
0x136: {  	[tilespmem:s30], [sflag:$0x2] =	stream.indirect.gather [hbm4b:s3+s14], $0x80, s31, s14, $0xb8;
	[tilespmem:$0x1DF00] =	vst v63  }
0x137: {  	s29 =	rddreg [dreg:$0x11];
	s24 =	sadd.s32 $0x28E8, s24  }
0x138: {  	[tilespmem:s29], [sflag:$0x2] =	stream.indirect.gather [hbm4b:s4+s14], $0x80, s24, s14, $0xb8;
	[tilespmem:$0x1DF00] =	vst v63  }
0x139: {  	_ =	swait.ge [sflag:s18], $0x1400  }
0x13a: {  	[sflag:s18] =	ssyncset.done $0x0  }
0x13b: {  	[sflag:s18] =	ssyncadd.s32 $0xFFFFEC00  }
0x13c: {  	_ =	swait.ge [sflag:s18], $0x1400  }
0x13d: {  	[sflag:s18] =	ssyncset.done $0x0  }
0x13e: {  	[sflag:s18] =	ssyncadd.s32 $0xFFFFEC00  }
0x13f: {  	_ =	swait.ge [sflag:s18], $0x1400  }
0x140: {  	[sflag:s18] =	ssyncset.done $0x0  }
0x141: {  	[sflag:s18] =	ssyncadd.s32 $0xFFFFEC00  }
0x142: {  	_ =	swait.ge [sflag:s18], $0x1400  }
0x143: {  	[sflag:s18] =	ssyncset.done $0x0  }
0x144: {  	[sflag:s18] =	ssyncadd.s32 $0xFFFFEC00  }
0x145: {  	_ =	swait.ge [sflag:s18], $0x1400  }
0x146: {  	[sflag:s18] =	ssyncset.done $0x0  }
0x147: {  	[sflag:s18] =	ssyncadd.s32 $0xFFFFEC00  }
0x148: {  	_ =	swait.ge [sflag:s18], $0x1400  }
0x149: {  	[sflag:s18] =	ssyncset.done $0x0  }
0x14a: {  	[sflag:s18] =	ssyncadd.s32 $0xFFFFEC00  }
0x14b: {  	_ =	swait.ge [sflag:s18], $0x1400  }
0x14c: {  	[sflag:s18] =	ssyncset.done $0x0  }
0x14d: {  	[sflag:s18] =	ssyncadd.s32 $0xFFFFEC00  }
0x14e: {  	_ =	swait.ge [sflag:s18], $0x1400  }
0x14f: {  	[sflag:s18] =	ssyncset.done $0x0  }
0x150: {  	[sflag:s18] =	ssyncadd.s32 $0xFFFFEC00  }
0x151: {  	_ =	swait.ge [sflag:s18], $0x1400  }
0x152: {  	[sflag:s18] =	ssyncset.done $0x0  }
0x153: {  	[sflag:s18] =	ssyncadd.s32 $0xFFFFEC00  }
0x154: {  	_ =	swait.ge [sflag:s18], $0x1400  }
0x155: {  	[sflag:s18] =	ssyncset.done $0x0  }
0x156: {  	[sflag:s18] =	ssyncadd.s32 $0xFFFFEC00  }
0x157: {  	[hbm4b:s23+s2] =	stream.linear.scatter [tilespmem:s15], [sflag:$0x3], $0x6400, $0x38;
	[tilespmem:$0x1DF00] =	vst v63  }
0x158: {  	_ = 	snop  }
0x159: {  	[hbm4b:s22+s2] =	stream.linear.scatter [tilespmem:s16], [sflag:$0x3], $0x6400, $0x38;
	[tilespmem:$0x1DF00] =	vst v63  }
0x15a: {  	_ =	swait.ge [sflag:s19], $0x1400  }
0x15b: {  	[sflag:s19] =	ssyncset.done $0x0  }
0x15c: {  	[sflag:s19] =	ssyncadd.s32 $0xFFFFEC00  }
0x15d: {  	_ =	swait.ge [sflag:s19], $0x1400  }
0x15e: {  	[sflag:s19] =	ssyncset.done $0x0  }
0x15f: {  	[sflag:s19] =	ssyncadd.s32 $0xFFFFEC00  }
0x160: {  	_ =	swait.ge [sflag:s19], $0x1400  }
0x161: {  	[sflag:s19] =	ssyncset.done $0x0  }
0x162: {  	[sflag:s19] =	ssyncadd.s32 $0xFFFFEC00  }
0x163: {  	_ =	swait.ge [sflag:s19], $0x1400  }
0x164: {  	[sflag:s19] =	ssyncset.done $0x0  }
0x165: {  	[sflag:s19] =	ssyncadd.s32 $0xFFFFEC00  }
0x166: {  	_ =	swait.ge [sflag:s19], $0x1400  }
0x167: {  	[sflag:s19] =	ssyncset.done $0x0  }
0x168: {  	[sflag:s19] =	ssyncadd.s32 $0xFFFFEC00  }
0x169: {  	_ =	swait.ge [sflag:s19], $0x1400  }
0x16a: {  	[sflag:s19] =	ssyncset.done $0x0  }
0x16b: {  	[sflag:s19] =	ssyncadd.s32 $0xFFFFEC00  }
0x16c: {  	_ =	swait.ge [sflag:s19], $0x1400  }
0x16d: {  	[sflag:s19] =	ssyncset.done $0x0  }
0x16e: {  	[sflag:s19] =	ssyncadd.s32 $0xFFFFEC00  }
0x16f: {  	_ =	swait.ge [sflag:s19], $0x1400  }
0x170: {  	[sflag:s19] =	ssyncset.done $0x0  }
0x171: {  	[sflag:s19] =	ssyncadd.s32 $0xFFFFEC00  }
0x172: {  	_ =	swait.ge [sflag:s19], $0x1400  }
0x173: {  	[sflag:s19] =	ssyncset.done $0x0  }
0x174: {  	[sflag:s19] =	ssyncadd.s32 $0xFFFFEC00  }
0x175: {  	_ =	swait.ge [sflag:s19], $0x1400  }
0x176: {  	[sflag:s19] =	ssyncset.done $0x0  }
0x177: {  	s30 =	sadd.s32 $0xC80, s23;
	[sflag:s19] =	ssyncadd.s32 $0xFFFFEC00  }
0x178: {  	[hbm4b:s30+s2] =	stream.linear.scatter [tilespmem:s12], [sflag:$0x4], $0x6400, $0x38;
	[tilespmem:$0x1DF00] =	vst v63  }
0x179: {  	s31 =	sadd.s32 $0xC80, s22  }
0x17a: {  	[hbm4b:s31+s2] =	stream.linear.scatter [tilespmem:s13], [sflag:$0x4], $0x6400, $0x38;
	[tilespmem:$0x1DF00] =	vst v63  }
0x17b: {  	_ =	swait.ge [sflag:s20], $0x6400  }
0x17c: {  	[sflag:s20] =	ssyncset.done $0x0  }
0x17d: {  	[sflag:s20] =	ssyncadd.s32 $0xFFFF9C00  }
0x17e: {  	_ =	swait.ge [sflag:s20], $0x6400  }
0x17f: {  	[sflag:s20] =	ssyncset.done $0x0  }
0x180: {  	s21 =	sadd.s32 $0x1, s21;
	[sflag:s20] =	ssyncadd.s32 $0xFFFF9C00  }
0x181: {  	p0 =	sne.s32 s21, s7;
	_ =	swait.ge [sflag:s17], $0x6400  }
.Ltmp1:
0x182: {  	[sflag:s17] =	ssyncset.done $0x0;
	(pc) =	sbr.rel @p0 .LBB2_1-.Ltmp1, $4  }
0x183: {  	[sflag:s17] =	ssyncadd.s32 $0xFFFF9C00  }
0x184: {  	_ =	swait.ge [sflag:s17], $0x6400  }
0x185: {  	[sflag:s17] =	ssyncset.done $0x0  }
0x186: {  	[sflag:s17] =	ssyncadd.s32 $0xFFFF9C00  }
0x187: {  	_ =	sfence.sel $0x180000  }
0x188: {  	[bflag:$0x0] =	sbarrier.arrive $0xFFFF  }
0x189: {  	p0 =	sne.s32 s0, $0x0;
	_ =	strace $0x90000047  }
0x18a: {  	s0 =	sadd.s32 @!p0 $0x100000, s1;
	[bflag:$0x2] =	sbarrier.arrive $0xFFFF  }
0x18b: {  	[sflag:s0] =	ssyncadd.tile.s32 @!p0 $0x1;
	_ =	shalt  }
.Lfunc_end2:
_tile_overlayer_lowered:
.L_overlay_start_2:
0x18c: {  	(tag) =	ssettag $0x2  }
0x18d: {  	s0 =	rddreg [dreg:$0x0];
	s2 =	stileid.u32  }
0x18e: {  	s1 =	rddreg [dreg:$0x1];
	p0 =	sne.s32 s2, $0x0  }
0x18f: {  	s3 =	rddreg [dreg:$0x2];
	[bflag:$0x3] =	sbarrier.arrive $0xFFFF;
	s2 =	simm.s32 @!p0 $0x1C05  }
0x190: {  	[timem:s3], [sflag:s2] =	dma.local @!p0 [hbm:s0], s1  }
0x191: {  	s0 =	simm.s32 @!p0 $0x5  }
0x192: {  	_ =	swait.ge @!p0 [sflag:s0], s1  }
0x193: {  	s1 =	ssub.s32 @!p0 $0x0, s1;
	[sflag:s0] =	ssyncset.done @!p0 $0x0  }
0x194: {  	[sflag:s0] =	ssyncadd.s32 @!p0 s1  }
0x195: {  	[bflag:$0x3] =	sbarrier.arrive $0xFFFF  }
0x196: {  	_ =	shalt  }

</sc_bundles>
